<compile_context>
chip_gen: v7x
topology: tpu7x:2x2x1
jax: 0.10.2.dev20260603
libtpu: 0.0.44.dev20260713+nightly
codegen_flags: <defaults>
</compile_context>

<pallas_src>
import functools

import jax
import jax.numpy as jnp
from jax import lax
from jax.experimental import pallas as pl
from jax.experimental.pallas import tpu as pltpu
from jax.experimental.pallas import tpu_sc as plsc


@jax.jit
def _lookup(items_t, table):
    S, B = items_t.shape
    V, D = table.shape
    info = plsc.get_sparse_core_info()
    NC, NS, L = info.num_cores, info.num_subcores, info.num_lanes
    NW = NC * NS
    bw = B // NW
    n_pairs = S // 2
    DH = D // 8
    mesh = plsc.VectorSubcoreMesh(core_axis_name="c", subcore_axis_name="s")

    @functools.partial(
        pl.kernel,
        out_type=jax.ShapeDtypeStruct((S, DH, NW, 8, bw), jnp.float32),
        mesh=mesh,
        scratch_types=[
            pltpu.VMEM((S, bw), jnp.int32),
            pltpu.VMEM((4, bw, D), jnp.float32),
            pltpu.VMEM((2, D, bw + 1), jnp.float32),
            pltpu.SemaphoreType.DMA,
            pltpu.SemaphoreType.DMA,
            pltpu.SemaphoreType.DMA,
            pltpu.SemaphoreType.DMA,
            pltpu.SemaphoreType.DMA,
            pltpu.SemaphoreType.DMA,
        ],
        compiler_params=pltpu.CompilerParams(
            use_tc_tiling_on_sc=False, needs_layout_passes=False),
    )
    def gather_kernel(table_hbm, items_hbm, out_hbm, idx_v, gbuf, tbuf,
                      gsem_a, gsem_b, gsem_c, gsem_d, ssem_a, ssem_b):
        wid = lax.axis_index("s") * NC + lax.axis_index("c")
        pltpu.sync_copy(items_hbm.at[:, pl.ds(wid * bw, bw)], idx_v)

        gsems = (gsem_a, gsem_b, gsem_c, gsem_d)
        ssems = (ssem_a, ssem_b)

        def gather_desc(s, p):
            return pltpu.make_async_copy(
                table_hbm.at[idx_v.at[s]], gbuf.at[p], gsems[p])

        def store_descs(s, p):
            return [
                pltpu.make_async_copy(
                    tbuf.at[p, pl.ds(8 * g, 8), pl.ds(0, bw)],
                    out_hbm.at[s, g, wid],
                    ssems[p],
                )
                for g in range(DH)
            ]

        def transpose_patch(gp, tp):
            f_base = [lax.iota(jnp.int32, L) + 16 * k for k in range(D // L)]

            @plsc.parallel_loop(0, bw, unroll=8)
            def row_body(l):
                col = jnp.full((L,), l, dtype=jnp.int32)
                for k in range(D // L):
                    vals = gbuf[gp, l, pl.ds(16 * k, L)]
                    plsc.store_scatter(tbuf.at[tp], [f_base[k], col], vals)

        def phase(s, j):
            @pl.when(s + 2 < S)
            def _():
                gather_desc(s + 2, (j + 2) % 4).start()
            @pl.when(s >= 2)
            def _():
                for d in store_descs(s - 2, j % 2):
                    d.wait()
            gather_desc(s, j).wait()
            transpose_patch(j, j % 2)
            for d in store_descs(s, j % 2):
                d.start()

        gather_desc(0, 0).start()
        gather_desc(1, 1).start()

        def body(i, carry):
            for j in range(4):
                phase(4 * i + j, j)
            return carry

        lax.fori_loop(0, S // 4, body, 0)
        for d in store_descs(S - 2, 0):
            d.wait()
        for d in store_descs(S - 1, 1):
            d.wait()

    return gather_kernel(table, items_t)


def kernel(items, table):
    out5 = _lookup(items.T.astype(jnp.int32), table)
    B, S = items.shape
    D = table.shape[1]
    t = jnp.transpose(out5, (2, 4, 0, 1, 3))
    return t.reshape(B, S, D)

# --- scband reference (transcript-rebuilt; emitter-appended) ---
"""Pipeline reference for scband-id-embeddings-item-net-22333829939452 (READ-ONLY COPY).

The authoritative reference and input builder live on the scoring server;
editing this copy changes nothing except your own understanding.
"""

import jax, jax.numpy as jnp
import numpy as np

N_ITEMS = 1000000
FACTORS = 64

def setup_inputs(seed: int = 0) -> dict:
    key = jax.random.key(seed)
    k_idx, k_tab = jax.random.split(key)
    items = jax.random.randint(k_idx, (4096, 200), 0, N_ITEMS, dtype=jnp.int64 if jax.config.jax_enable_x64 else jnp.int32)
    table = jax.random.normal(k_tab, (N_ITEMS, FACTORS), dtype=jnp.float32)
    # padding_idx=0: nn.Embedding initializes row 0 to zeros
    table = table.at[0].set(0.0)
    return {"items": items, "table": table}

def reference(items, table):
    # IdEmbeddingsItemNet.forward: embedding lookup then dropout (identity in eval / rate=0)
    item_embs = jnp.take(table, items, axis=0)
    return item_embs

if __name__ == "__main__":
    import jax
    _d = setup_inputs()
    print(jax.jit(kernel)(*tuple(_d.values())))

</pallas_src>

<mosaic_0001>
#map = affine_map<(d0, d1) -> (0, 0)>
#map1 = affine_map<(d0, d1) -> (0, 0, 0, 0, 0)>
module attributes {stable_mosaic.version = 14 : i64} {
  func.func @gather_kernel(%arg0: i32, %arg1: i32, %arg2: memref<1000000x64xf32, #tpu.memory_space<hbm>>, %arg3: memref<200x4096xi32, #tpu.memory_space<hbm>>, %arg4: memref<200x8x32x8x128xf32, #tpu.memory_space<hbm>>, %arg5: memref<200x128xi32, #tpu.memory_space<vmem>>, %arg6: memref<4x128x64xf32, #tpu.memory_space<vmem>>, %arg7: memref<2x64x129xf32, #tpu.memory_space<vmem>>, %arg8: memref<!tpu.dma_semaphore, #tpu.memory_space<semaphore_mem>>, %arg9: memref<!tpu.dma_semaphore, #tpu.memory_space<semaphore_mem>>, %arg10: memref<!tpu.dma_semaphore, #tpu.memory_space<semaphore_mem>>, %arg11: memref<!tpu.dma_semaphore, #tpu.memory_space<semaphore_mem>>, %arg12: memref<!tpu.dma_semaphore, #tpu.memory_space<semaphore_mem>>, %arg13: memref<!tpu.dma_semaphore, #tpu.memory_space<semaphore_mem>>) attributes {dimension_semantics = [#tpu.dimension_semantics<core_parallel>, #tpu.dimension_semantics<subcore_parallel>], iteration_bounds = array<i64: 2, 16>, scalar_prefetch = 0 : i64, scratch_operands = 9 : i64, tpu.core_type = #tpu.core_type<sc_vector_subcore>, window_params = [{transform_indices = #map}, {transform_indices = #map}, {transform_indices = #map1}]} {
    %mul3A = arith.constant 2 : i32
    %mul3A_0 = arith.muli %arg1, %mul3A : i32
    %add3A = arith.addi %mul3A_0, %arg0 : i32
    %mul3A_1 = arith.constant 128 : i32
    %mul3A_2 = arith.muli %add3A, %mul3A_1 : i32
    "tpu.region"() ({
      %run_scoped3A = tpu.sem_alloc : memref<!tpu.dma_semaphore, #tpu.memory_space<semaphore_mem>>
      %dma_start3A_334 = arith.constant 0 : i32
      %dma_start3A_335 = tpu.memref_slice %arg3[%dma_start3A_334, %mul3A_2] : memref<200x4096xi32, #tpu.memory_space<hbm>> -> memref<200x128xi32, #tpu.memory_space<hbm>>
      %dma_start3A_336 = arith.constant 0 : i32
      %dma_start3A_337 = tpu.memref_slice %arg3[%dma_start3A_336, %mul3A_2] : memref<200x4096xi32, #tpu.memory_space<hbm>> -> memref<200x128xi32, #tpu.memory_space<hbm>>
      tpu.enqueue_dma source(%dma_start3A_337 : memref<200x128xi32, #tpu.memory_space<hbm>>) target(%arg5 : memref<200x128xi32, #tpu.memory_space<vmem>>) target_semaphore(%run_scoped3A : memref<!tpu.dma_semaphore, #tpu.memory_space<semaphore_mem>>)
      %dma_wait3A_338 = arith.constant 0 : i32
      %dma_wait3A_339 = tpu.memref_slice %arg3[%dma_wait3A_338, %mul3A_2] : memref<200x4096xi32, #tpu.memory_space<hbm>> -> memref<200x128xi32, #tpu.memory_space<hbm>>
      %dma_wait3A_340 = arith.constant 0 : i32
      %dma_wait3A_341 = tpu.memref_slice %arg3[%dma_wait3A_340, %mul3A_2] : memref<200x4096xi32, #tpu.memory_space<hbm>> -> memref<200x128xi32, #tpu.memory_space<hbm>>
      tpu.wait_dma2 semaphore(%run_scoped3A : memref<!tpu.dma_semaphore, #tpu.memory_space<semaphore_mem>>) src(%dma_wait3A_341 : memref<200x128xi32, #tpu.memory_space<hbm>>) dst(%arg5 : memref<200x128xi32, #tpu.memory_space<vmem>>)
      tpu.yield
    }) : () -> ()
    %dma_start3A = arith.constant 0 : i32
    %dma_start3A_3 = arith.constant 0 : i32
    %dma_start3A_4 = arith.constant 0 : i32
    %dma_start3A_5 = arith.constant 0 : i32
    %dma_start3A_6 = tpu.memref_slice %arg6[%dma_start3A_3, %dma_start3A_4, %dma_start3A_5] : memref<4x128x64xf32, #tpu.memory_space<vmem>> -> memref<1x128x64xf32, #tpu.memory_space<vmem>>
    %dma_start3A_7 = tpu.memref_squeeze %dma_start3A_6 : memref<1x128x64xf32, #tpu.memory_space<vmem>> -> memref<128x64xf32, #tpu.memory_space<vmem>>
    %dma_start3A_8 = arith.constant 0 : i32
    %dma_start3A_9 = tpu.memref_slice %arg5[%dma_start3A, %dma_start3A_8] : memref<200x128xi32, #tpu.memory_space<vmem>> -> memref<1x128xi32, #tpu.memory_space<vmem>>
    %dma_start3A_10 = tpu.memref_squeeze %dma_start3A_9 : memref<1x128xi32, #tpu.memory_space<vmem>> -> memref<128xi32, #tpu.memory_space<vmem>>
    %dma_start3A_11 = arith.constant 0 : i32
    %dma_start3A_12 = arith.constant 0 : i32
    %dma_start3A_13 = tpu.memref_slice %arg2[%dma_start3A_11, %dma_start3A_12] : memref<1000000x64xf32, #tpu.memory_space<hbm>> -> memref<1000000x64xf32, #tpu.memory_space<hbm>>
    tpu.enqueue_indirect_dma source(%dma_start3A_13 : memref<1000000x64xf32, #tpu.memory_space<hbm>>) target(%dma_start3A_7 : memref<128x64xf32, #tpu.memory_space<vmem>>) offsets(%dma_start3A_10 : memref<128xi32, #tpu.memory_space<vmem>>) semaphore(%arg8 : memref<!tpu.dma_semaphore, #tpu.memory_space<semaphore_mem>>)
    %dma_start3A_14 = arith.constant 1 : i32
    %dma_start3A_15 = arith.constant 1 : i32
    %dma_start3A_16 = arith.constant 0 : i32
    %dma_start3A_17 = arith.constant 0 : i32
    %dma_start3A_18 = tpu.memref_slice %arg6[%dma_start3A_15, %dma_start3A_16, %dma_start3A_17] : memref<4x128x64xf32, #tpu.memory_space<vmem>> -> memref<1x128x64xf32, #tpu.memory_space<vmem>>
    %dma_start3A_19 = tpu.memref_squeeze %dma_start3A_18 : memref<1x128x64xf32, #tpu.memory_space<vmem>> -> memref<128x64xf32, #tpu.memory_space<vmem>>
    %dma_start3A_20 = arith.constant 0 : i32
    %dma_start3A_21 = tpu.memref_slice %arg5[%dma_start3A_14, %dma_start3A_20] : memref<200x128xi32, #tpu.memory_space<vmem>> -> memref<1x128xi32, #tpu.memory_space<vmem>>
    %dma_start3A_22 = tpu.memref_squeeze %dma_start3A_21 : memref<1x128xi32, #tpu.memory_space<vmem>> -> memref<128xi32, #tpu.memory_space<vmem>>
    %dma_start3A_23 = arith.constant 0 : i32
    %dma_start3A_24 = arith.constant 0 : i32
    %dma_start3A_25 = tpu.memref_slice %arg2[%dma_start3A_23, %dma_start3A_24] : memref<1000000x64xf32, #tpu.memory_space<hbm>> -> memref<1000000x64xf32, #tpu.memory_space<hbm>>
    tpu.enqueue_indirect_dma source(%dma_start3A_25 : memref<1000000x64xf32, #tpu.memory_space<hbm>>) target(%dma_start3A_19 : memref<128x64xf32, #tpu.memory_space<vmem>>) offsets(%dma_start3A_22 : memref<128xi32, #tpu.memory_space<vmem>>) semaphore(%arg9 : memref<!tpu.dma_semaphore, #tpu.memory_space<semaphore_mem>>)
    %scan3A = arith.constant 0 : i32
    %scan3A_26 = arith.constant 0 : i32
    %scan3A_27 = arith.constant 50 : i32
    %scan3A_28 = arith.addi %scan3A_26, %scan3A_27 : i32
    %scan3A_29 = arith.constant 1 : i32
    scf.for %scan3A_334 = %scan3A_26 to %scan3A_28 step %scan3A_29  : i32 {
      %mul3A_335 = arith.constant 4 : i32
      %mul3A_336 = arith.muli %mul3A_335, %scan3A_334 : i32
      %add3A_337 = arith.constant 0 : i32
      %add3A_338 = arith.addi %mul3A_336, %add3A_337 : i32
      %add3A_339 = arith.constant 2 : i32
      %add3A_340 = arith.addi %add3A_338, %add3A_339 : i32
      %lt3A = arith.constant 200 : i32
      %lt3A_341 = arith.cmpi slt, %add3A_340, %lt3A : i32
      %convert_element_type3A = arith.extui %lt3A_341 : i1 to i32
      %cond3A = arith.constant 0 : i32
      %cond3A_342 = arith.cmpi ne, %convert_element_type3A, %cond3A : i32
      scf.if %cond3A_342 {
        %add3A_1089 = arith.constant 2 : i32
        %add3A_1090 = arith.addi %add3A_338, %add3A_1089 : i32
        %dma_start3A_1091 = arith.constant 2 : i32
        %dma_start3A_1092 = arith.constant 0 : i32
        %dma_start3A_1093 = arith.constant 0 : i32
        %dma_start3A_1094 = tpu.memref_slice %arg6[%dma_start3A_1091, %dma_start3A_1092, %dma_start3A_1093] : memref<4x128x64xf32, #tpu.memory_space<vmem>> -> memref<1x128x64xf32, #tpu.memory_space<vmem>>
        %dma_start3A_1095 = tpu.memref_squeeze %dma_start3A_1094 : memref<1x128x64xf32, #tpu.memory_space<vmem>> -> memref<128x64xf32, #tpu.memory_space<vmem>>
        %dma_start3A_1096 = arith.constant 0 : i32
        %dma_start3A_1097 = tpu.memref_slice %arg5[%add3A_1090, %dma_start3A_1096] : memref<200x128xi32, #tpu.memory_space<vmem>> -> memref<1x128xi32, #tpu.memory_space<vmem>>
        %dma_start3A_1098 = tpu.memref_squeeze %dma_start3A_1097 : memref<1x128xi32, #tpu.memory_space<vmem>> -> memref<128xi32, #tpu.memory_space<vmem>>
        %dma_start3A_1099 = arith.constant 0 : i32
        %dma_start3A_1100 = arith.constant 0 : i32
        %dma_start3A_1101 = tpu.memref_slice %arg2[%dma_start3A_1099, %dma_start3A_1100] : memref<1000000x64xf32, #tpu.memory_space<hbm>> -> memref<1000000x64xf32, #tpu.memory_space<hbm>>
        tpu.enqueue_indirect_dma source(%dma_start3A_1101 : memref<1000000x64xf32, #tpu.memory_space<hbm>>) target(%dma_start3A_1095 : memref<128x64xf32, #tpu.memory_space<vmem>>) offsets(%dma_start3A_1098 : memref<128xi32, #tpu.memory_space<vmem>>) semaphore(%arg10 : memref<!tpu.dma_semaphore, #tpu.memory_space<semaphore_mem>>)
      } else {
      }
      %ge3A = arith.constant 2 : i32
      %ge3A_343 = arith.cmpi sge, %add3A_338, %ge3A : i32
      %convert_element_type3A_344 = arith.extui %ge3A_343 : i1 to i32
      %cond3A_345 = arith.constant 0 : i32
      %cond3A_346 = arith.cmpi ne, %convert_element_type3A_344, %cond3A_345 : i32
      scf.if %cond3A_346 {
        %sub3A = arith.constant 2 : i32
        %sub3A_1089 = arith.subi %add3A_338, %sub3A : i32
        %dma_wait3A_1090 = arith.constant 0 : i32
        %dma_wait3A_1091 = arith.constant 0 : i32
        %dma_wait3A_1092 = arith.constant 0 : i32
        %dma_wait3A_1093 = arith.constant 0 : i32
        %dma_wait3A_1094 = tpu.memref_slice %arg7[%dma_wait3A_1090, %dma_wait3A_1092, %dma_wait3A_1093] : memref<2x64x129xf32, #tpu.memory_space<vmem>> -> memref<1x8x128xf32, #tpu.memory_space<vmem>>
        %dma_wait3A_1095 = tpu.memref_squeeze %dma_wait3A_1094 : memref<1x8x128xf32, #tpu.memory_space<vmem>> -> memref<8x128xf32, #tpu.memory_space<vmem>>
        %dma_wait3A_1096 = arith.constant 0 : i32
        %dma_wait3A_1097 = arith.constant 0 : i32
        %dma_wait3A_1098 = tpu.memref_slice %arg4[%sub3A_1089, %dma_wait3A_1091, %add3A, %dma_wait3A_1096, %dma_wait3A_1097] : memref<200x8x32x8x128xf32, #tpu.memory_space<hbm>> -> memref<1x1x1x8x128xf32, #tpu.memory_space<hbm>>
        %dma_wait3A_1099 = tpu.memref_squeeze %dma_wait3A_1098 : memref<1x1x1x8x128xf32, #tpu.memory_space<hbm>> -> memref<8x128xf32, #tpu.memory_space<hbm>>
        %dma_wait3A_1100 = arith.constant 0 : i32
        %dma_wait3A_1101 = arith.constant 0 : i32
        %dma_wait3A_1102 = tpu.memref_slice %arg4[%sub3A_1089, %dma_wait3A_1091, %add3A, %dma_wait3A_1100, %dma_wait3A_1101] : memref<200x8x32x8x128xf32, #tpu.memory_space<hbm>> -> memref<1x1x1x8x128xf32, #tpu.memory_space<hbm>>
        %dma_wait3A_1103 = tpu.memref_squeeze %dma_wait3A_1102 : memref<1x1x1x8x128xf32, #tpu.memory_space<hbm>> -> memref<8x128xf32, #tpu.memory_space<hbm>>
        %dma_wait3A_1104 = arith.constant 0 : i32
        %dma_wait3A_1105 = arith.constant 0 : i32
        %dma_wait3A_1106 = tpu.memref_slice %arg7[%dma_wait3A_1090, %dma_wait3A_1104, %dma_wait3A_1105] : memref<2x64x129xf32, #tpu.memory_space<vmem>> -> memref<1x8x128xf32, #tpu.memory_space<vmem>>
        %dma_wait3A_1107 = tpu.memref_squeeze %dma_wait3A_1106 : memref<1x8x128xf32, #tpu.memory_space<vmem>> -> memref<8x128xf32, #tpu.memory_space<vmem>>
        tpu.wait_dma2 semaphore(%arg12 : memref<!tpu.dma_semaphore, #tpu.memory_space<semaphore_mem>>) src(%dma_wait3A_1107 : memref<8x128xf32, #tpu.memory_space<vmem>>) dst(%dma_wait3A_1103 : memref<8x128xf32, #tpu.memory_space<hbm>>)
        %dma_wait3A_1108 = arith.constant 0 : i32
        %dma_wait3A_1109 = arith.constant 1 : i32
        %dma_wait3A_1110 = arith.constant 8 : i32
        %dma_wait3A_1111 = arith.constant 0 : i32
        %dma_wait3A_1112 = tpu.memref_slice %arg7[%dma_wait3A_1108, %dma_wait3A_1110, %dma_wait3A_1111] : memref<2x64x129xf32, #tpu.memory_space<vmem>> -> memref<1x8x128xf32, #tpu.memory_space<vmem>>
        %dma_wait3A_1113 = tpu.memref_squeeze %dma_wait3A_1112 : memref<1x8x128xf32, #tpu.memory_space<vmem>> -> memref<8x128xf32, #tpu.memory_space<vmem>>
        %dma_wait3A_1114 = arith.constant 0 : i32
        %dma_wait3A_1115 = arith.constant 0 : i32
        %dma_wait3A_1116 = tpu.memref_slice %arg4[%sub3A_1089, %dma_wait3A_1109, %add3A, %dma_wait3A_1114, %dma_wait3A_1115] : memref<200x8x32x8x128xf32, #tpu.memory_space<hbm>> -> memref<1x1x1x8x128xf32, #tpu.memory_space<hbm>>
        %dma_wait3A_1117 = tpu.memref_squeeze %dma_wait3A_1116 : memref<1x1x1x8x128xf32, #tpu.memory_space<hbm>> -> memref<8x128xf32, #tpu.memory_space<hbm>>
        %dma_wait3A_1118 = arith.constant 0 : i32
        %dma_wait3A_1119 = arith.constant 0 : i32
        %dma_wait3A_1120 = tpu.memref_slice %arg4[%sub3A_1089, %dma_wait3A_1109, %add3A, %dma_wait3A_1118, %dma_wait3A_1119] : memref<200x8x32x8x128xf32, #tpu.memory_space<hbm>> -> memref<1x1x1x8x128xf32, #tpu.memory_space<hbm>>
        %dma_wait3A_1121 = tpu.memref_squeeze %dma_wait3A_1120 : memref<1x1x1x8x128xf32, #tpu.memory_space<hbm>> -> memref<8x128xf32, #tpu.memory_space<hbm>>
        %dma_wait3A_1122 = arith.constant 8 : i32
        %dma_wait3A_1123 = arith.constant 0 : i32
        %dma_wait3A_1124 = tpu.memref_slice %arg7[%dma_wait3A_1108, %dma_wait3A_1122, %dma_wait3A_1123] : memref<2x64x129xf32, #tpu.memory_space<vmem>> -> memref<1x8x128xf32, #tpu.memory_space<vmem>>
        %dma_wait3A_1125 = tpu.memref_squeeze %dma_wait3A_1124 : memref<1x8x128xf32, #tpu.memory_space<vmem>> -> memref<8x128xf32, #tpu.memory_space<vmem>>
        tpu.wait_dma2 semaphore(%arg12 : memref<!tpu.dma_semaphore, #tpu.memory_space<semaphore_mem>>) src(%dma_wait3A_1125 : memref<8x128xf32, #tpu.memory_space<vmem>>) dst(%dma_wait3A_1121 : memref<8x128xf32, #tpu.memory_space<hbm>>)
        %dma_wait3A_1126 = arith.constant 0 : i32
        %dma_wait3A_1127 = arith.constant 2 : i32
        %dma_wait3A_1128 = arith.constant 16 : i32
        %dma_wait3A_1129 = arith.constant 0 : i32
        %dma_wait3A_1130 = tpu.memref_slice %arg7[%dma_wait3A_1126, %dma_wait3A_1128, %dma_wait3A_1129] : memref<2x64x129xf32, #tpu.memory_space<vmem>> -> memref<1x8x128xf32, #tpu.memory_space<vmem>>
        %dma_wait3A_1131 = tpu.memref_squeeze %dma_wait3A_1130 : memref<1x8x128xf32, #tpu.memory_space<vmem>> -> memref<8x128xf32, #tpu.memory_space<vmem>>
        %dma_wait3A_1132 = arith.constant 0 : i32
        %dma_wait3A_1133 = arith.constant 0 : i32
        %dma_wait3A_1134 = tpu.memref_slice %arg4[%sub3A_1089, %dma_wait3A_1127, %add3A, %dma_wait3A_1132, %dma_wait3A_1133] : memref<200x8x32x8x128xf32, #tpu.memory_space<hbm>> -> memref<1x1x1x8x128xf32, #tpu.memory_space<hbm>>
        %dma_wait3A_1135 = tpu.memref_squeeze %dma_wait3A_1134 : memref<1x1x1x8x128xf32, #tpu.memory_space<hbm>> -> memref<8x128xf32, #tpu.memory_space<hbm>>
        %dma_wait3A_1136 = arith.constant 0 : i32
        %dma_wait3A_1137 = arith.constant 0 : i32
        %dma_wait3A_1138 = tpu.memref_slice %arg4[%sub3A_1089, %dma_wait3A_1127, %add3A, %dma_wait3A_1136, %dma_wait3A_1137] : memref<200x8x32x8x128xf32, #tpu.memory_space<hbm>> -> memref<1x1x1x8x128xf32, #tpu.memory_space<hbm>>
        %dma_wait3A_1139 = tpu.memref_squeeze %dma_wait3A_1138 : memref<1x1x1x8x128xf32, #tpu.memory_space<hbm>> -> memref<8x128xf32, #tpu.memory_space<hbm>>
        %dma_wait3A_1140 = arith.constant 16 : i32
        %dma_wait3A_1141 = arith.constant 0 : i32
        %dma_wait3A_1142 = tpu.memref_slice %arg7[%dma_wait3A_1126, %dma_wait3A_1140, %dma_wait3A_1141] : memref<2x64x129xf32, #tpu.memory_space<vmem>> -> memref<1x8x128xf32, #tpu.memory_space<vmem>>
        %dma_wait3A_1143 = tpu.memref_squeeze %dma_wait3A_1142 : memref<1x8x128xf32, #tpu.memory_space<vmem>> -> memref<8x128xf32, #tpu.memory_space<vmem>>
        tpu.wait_dma2 semaphore(%arg12 : memref<!tpu.dma_semaphore, #tpu.memory_space<semaphore_mem>>) src(%dma_wait3A_1143 : memref<8x128xf32, #tpu.memory_space<vmem>>) dst(%dma_wait3A_1139 : memref<8x128xf32, #tpu.memory_space<hbm>>)
        %dma_wait3A_1144 = arith.constant 0 : i32
        %dma_wait3A_1145 = arith.constant 3 : i32
        %dma_wait3A_1146 = arith.constant 24 : i32
        %dma_wait3A_1147 = arith.constant 0 : i32
        %dma_wait3A_1148 = tpu.memref_slice %arg7[%dma_wait3A_1144, %dma_wait3A_1146, %dma_wait3A_1147] : memref<2x64x129xf32, #tpu.memory_space<vmem>> -> memref<1x8x128xf32, #tpu.memory_space<vmem>>
        %dma_wait3A_1149 = tpu.memref_squeeze %dma_wait3A_1148 : memref<1x8x128xf32, #tpu.memory_space<vmem>> -> memref<8x128xf32, #tpu.memory_space<vmem>>
        %dma_wait3A_1150 = arith.constant 0 : i32
        %dma_wait3A_1151 = arith.constant 0 : i32
        %dma_wait3A_1152 = tpu.memref_slice %arg4[%sub3A_1089, %dma_wait3A_1145, %add3A, %dma_wait3A_1150, %dma_wait3A_1151] : memref<200x8x32x8x128xf32, #tpu.memory_space<hbm>> -> memref<1x1x1x8x128xf32, #tpu.memory_space<hbm>>
        %dma_wait3A_1153 = tpu.memref_squeeze %dma_wait3A_1152 : memref<1x1x1x8x128xf32, #tpu.memory_space<hbm>> -> memref<8x128xf32, #tpu.memory_space<hbm>>
        %dma_wait3A_1154 = arith.constant 0 : i32
        %dma_wait3A_1155 = arith.constant 0 : i32
        %dma_wait3A_1156 = tpu.memref_slice %arg4[%sub3A_1089, %dma_wait3A_1145, %add3A, %dma_wait3A_1154, %dma_wait3A_1155] : memref<200x8x32x8x128xf32, #tpu.memory_space<hbm>> -> memref<1x1x1x8x128xf32, #tpu.memory_space<hbm>>
        %dma_wait3A_1157 = tpu.memref_squeeze %dma_wait3A_1156 : memref<1x1x1x8x128xf32, #tpu.memory_space<hbm>> -> memref<8x128xf32, #tpu.memory_space<hbm>>
        %dma_wait3A_1158 = arith.constant 24 : i32
        %dma_wait3A_1159 = arith.constant 0 : i32
        %dma_wait3A_1160 = tpu.memref_slice %arg7[%dma_wait3A_1144, %dma_wait3A_1158, %dma_wait3A_1159] : memref<2x64x129xf32, #tpu.memory_space<vmem>> -> memref<1x8x128xf32, #tpu.memory_space<vmem>>
        %dma_wait3A_1161 = tpu.memref_squeeze %dma_wait3A_1160 : memref<1x8x128xf32, #tpu.memory_space<vmem>> -> memref<8x128xf32, #tpu.memory_space<vmem>>
        tpu.wait_dma2 semaphore(%arg12 : memref<!tpu.dma_semaphore, #tpu.memory_space<semaphore_mem>>) src(%dma_wait3A_1161 : memref<8x128xf32, #tpu.memory_space<vmem>>) dst(%dma_wait3A_1157 : memref<8x128xf32, #tpu.memory_space<hbm>>)
        %dma_wait3A_1162 = arith.constant 0 : i32
        %dma_wait3A_1163 = arith.constant 4 : i32
        %dma_wait3A_1164 = arith.constant 32 : i32
        %dma_wait3A_1165 = arith.constant 0 : i32
        %dma_wait3A_1166 = tpu.memref_slice %arg7[%dma_wait3A_1162, %dma_wait3A_1164, %dma_wait3A_1165] : memref<2x64x129xf32, #tpu.memory_space<vmem>> -> memref<1x8x128xf32, #tpu.memory_space<vmem>>
        %dma_wait3A_1167 = tpu.memref_squeeze %dma_wait3A_1166 : memref<1x8x128xf32, #tpu.memory_space<vmem>> -> memref<8x128xf32, #tpu.memory_space<vmem>>
        %dma_wait3A_1168 = arith.constant 0 : i32
        %dma_wait3A_1169 = arith.constant 0 : i32
        %dma_wait3A_1170 = tpu.memref_slice %arg4[%sub3A_1089, %dma_wait3A_1163, %add3A, %dma_wait3A_1168, %dma_wait3A_1169] : memref<200x8x32x8x128xf32, #tpu.memory_space<hbm>> -> memref<1x1x1x8x128xf32, #tpu.memory_space<hbm>>
        %dma_wait3A_1171 = tpu.memref_squeeze %dma_wait3A_1170 : memref<1x1x1x8x128xf32, #tpu.memory_space<hbm>> -> memref<8x128xf32, #tpu.memory_space<hbm>>
        %dma_wait3A_1172 = arith.constant 0 : i32
        %dma_wait3A_1173 = arith.constant 0 : i32
        %dma_wait3A_1174 = tpu.memref_slice %arg4[%sub3A_1089, %dma_wait3A_1163, %add3A, %dma_wait3A_1172, %dma_wait3A_1173] : memref<200x8x32x8x128xf32, #tpu.memory_space<hbm>> -> memref<1x1x1x8x128xf32, #tpu.memory_space<hbm>>
        %dma_wait3A_1175 = tpu.memref_squeeze %dma_wait3A_1174 : memref<1x1x1x8x128xf32, #tpu.memory_space<hbm>> -> memref<8x128xf32, #tpu.memory_space<hbm>>
        %dma_wait3A_1176 = arith.constant 32 : i32
        %dma_wait3A_1177 = arith.constant 0 : i32
        %dma_wait3A_1178 = tpu.memref_slice %arg7[%dma_wait3A_1162, %dma_wait3A_1176, %dma_wait3A_1177] : memref<2x64x129xf32, #tpu.memory_space<vmem>> -> memref<1x8x128xf32, #tpu.memory_space<vmem>>
        %dma_wait3A_1179 = tpu.memref_squeeze %dma_wait3A_1178 : memref<1x8x128xf32, #tpu.memory_space<vmem>> -> memref<8x128xf32, #tpu.memory_space<vmem>>
        tpu.wait_dma2 semaphore(%arg12 : memref<!tpu.dma_semaphore, #tpu.memory_space<semaphore_mem>>) src(%dma_wait3A_1179 : memref<8x128xf32, #tpu.memory_space<vmem>>) dst(%dma_wait3A_1175 : memref<8x128xf32, #tpu.memory_space<hbm>>)
        %dma_wait3A_1180 = arith.constant 0 : i32
        %dma_wait3A_1181 = arith.constant 5 : i32
        %dma_wait3A_1182 = arith.constant 40 : i32
        %dma_wait3A_1183 = arith.constant 0 : i32
        %dma_wait3A_1184 = tpu.memref_slice %arg7[%dma_wait3A_1180, %dma_wait3A_1182, %dma_wait3A_1183] : memref<2x64x129xf32, #tpu.memory_space<vmem>> -> memref<1x8x128xf32, #tpu.memory_space<vmem>>
        %dma_wait3A_1185 = tpu.memref_squeeze %dma_wait3A_1184 : memref<1x8x128xf32, #tpu.memory_space<vmem>> -> memref<8x128xf32, #tpu.memory_space<vmem>>
        %dma_wait3A_1186 = arith.constant 0 : i32
        %dma_wait3A_1187 = arith.constant 0 : i32
        %dma_wait3A_1188 = tpu.memref_slice %arg4[%sub3A_1089, %dma_wait3A_1181, %add3A, %dma_wait3A_1186, %dma_wait3A_1187] : memref<200x8x32x8x128xf32, #tpu.memory_space<hbm>> -> memref<1x1x1x8x128xf32, #tpu.memory_space<hbm>>
        %dma_wait3A_1189 = tpu.memref_squeeze %dma_wait3A_1188 : memref<1x1x1x8x128xf32, #tpu.memory_space<hbm>> -> memref<8x128xf32, #tpu.memory_space<hbm>>
        %dma_wait3A_1190 = arith.constant 0 : i32
        %dma_wait3A_1191 = arith.constant 0 : i32
        %dma_wait3A_1192 = tpu.memref_slice %arg4[%sub3A_1089, %dma_wait3A_1181, %add3A, %dma_wait3A_1190, %dma_wait3A_1191] : memref<200x8x32x8x128xf32, #tpu.memory_space<hbm>> -> memref<1x1x1x8x128xf32, #tpu.memory_space<hbm>>
        %dma_wait3A_1193 = tpu.memref_squeeze %dma_wait3A_1192 : memref<1x1x1x8x128xf32, #tpu.memory_space<hbm>> -> memref<8x128xf32, #tpu.memory_space<hbm>>
        %dma_wait3A_1194 = arith.constant 40 : i32
        %dma_wait3A_1195 = arith.constant 0 : i32
        %dma_wait3A_1196 = tpu.memref_slice %arg7[%dma_wait3A_1180, %dma_wait3A_1194, %dma_wait3A_1195] : memref<2x64x129xf32, #tpu.memory_space<vmem>> -> memref<1x8x128xf32, #tpu.memory_space<vmem>>
        %dma_wait3A_1197 = tpu.memref_squeeze %dma_wait3A_1196 : memref<1x8x128xf32, #tpu.memory_space<vmem>> -> memref<8x128xf32, #tpu.memory_space<vmem>>
        tpu.wait_dma2 semaphore(%arg12 : memref<!tpu.dma_semaphore, #tpu.memory_space<semaphore_mem>>) src(%dma_wait3A_1197 : memref<8x128xf32, #tpu.memory_space<vmem>>) dst(%dma_wait3A_1193 : memref<8x128xf32, #tpu.memory_space<hbm>>)
        %dma_wait3A_1198 = arith.constant 0 : i32
        %dma_wait3A_1199 = arith.constant 6 : i32
        %dma_wait3A_1200 = arith.constant 48 : i32
        %dma_wait3A_1201 = arith.constant 0 : i32
        %dma_wait3A_1202 = tpu.memref_slice %arg7[%dma_wait3A_1198, %dma_wait3A_1200, %dma_wait3A_1201] : memref<2x64x129xf32, #tpu.memory_space<vmem>> -> memref<1x8x128xf32, #tpu.memory_space<vmem>>
        %dma_wait3A_1203 = tpu.memref_squeeze %dma_wait3A_1202 : memref<1x8x128xf32, #tpu.memory_space<vmem>> -> memref<8x128xf32, #tpu.memory_space<vmem>>
        %dma_wait3A_1204 = arith.constant 0 : i32
        %dma_wait3A_1205 = arith.constant 0 : i32
        %dma_wait3A_1206 = tpu.memref_slice %arg4[%sub3A_1089, %dma_wait3A_1199, %add3A, %dma_wait3A_1204, %dma_wait3A_1205] : memref<200x8x32x8x128xf32, #tpu.memory_space<hbm>> -> memref<1x1x1x8x128xf32, #tpu.memory_space<hbm>>
        %dma_wait3A_1207 = tpu.memref_squeeze %dma_wait3A_1206 : memref<1x1x1x8x128xf32, #tpu.memory_space<hbm>> -> memref<8x128xf32, #tpu.memory_space<hbm>>
        %dma_wait3A_1208 = arith.constant 0 : i32
        %dma_wait3A_1209 = arith.constant 0 : i32
        %dma_wait3A_1210 = tpu.memref_slice %arg4[%sub3A_1089, %dma_wait3A_1199, %add3A, %dma_wait3A_1208, %dma_wait3A_1209] : memref<200x8x32x8x128xf32, #tpu.memory_space<hbm>> -> memref<1x1x1x8x128xf32, #tpu.memory_space<hbm>>
        %dma_wait3A_1211 = tpu.memref_squeeze %dma_wait3A_1210 : memref<1x1x1x8x128xf32, #tpu.memory_space<hbm>> -> memref<8x128xf32, #tpu.memory_space<hbm>>
        %dma_wait3A_1212 = arith.constant 48 : i32
        %dma_wait3A_1213 = arith.constant 0 : i32
        %dma_wait3A_1214 = tpu.memref_slice %arg7[%dma_wait3A_1198, %dma_wait3A_1212, %dma_wait3A_1213] : memref<2x64x129xf32, #tpu.memory_space<vmem>> -> memref<1x8x128xf32, #tpu.memory_space<vmem>>
        %dma_wait3A_1215 = tpu.memref_squeeze %dma_wait3A_1214 : memref<1x8x128xf32, #tpu.memory_space<vmem>> -> memref<8x128xf32, #tpu.memory_space<vmem>>
        tpu.wait_dma2 semaphore(%arg12 : memref<!tpu.dma_semaphore, #tpu.memory_space<semaphore_mem>>) src(%dma_wait3A_1215 : memref<8x128xf32, #tpu.memory_space<vmem>>) dst(%dma_wait3A_1211 : memref<8x128xf32, #tpu.memory_space<hbm>>)
        %dma_wait3A_1216 = arith.constant 0 : i32
        %dma_wait3A_1217 = arith.constant 7 : i32
        %dma_wait3A_1218 = arith.constant 56 : i32
        %dma_wait3A_1219 = arith.constant 0 : i32
        %dma_wait3A_1220 = tpu.memref_slice %arg7[%dma_wait3A_1216, %dma_wait3A_1218, %dma_wait3A_1219] : memref<2x64x129xf32, #tpu.memory_space<vmem>> -> memref<1x8x128xf32, #tpu.memory_space<vmem>>
        %dma_wait3A_1221 = tpu.memref_squeeze %dma_wait3A_1220 : memref<1x8x128xf32, #tpu.memory_space<vmem>> -> memref<8x128xf32, #tpu.memory_space<vmem>>
        %dma_wait3A_1222 = arith.constant 0 : i32
        %dma_wait3A_1223 = arith.constant 0 : i32
        %dma_wait3A_1224 = tpu.memref_slice %arg4[%sub3A_1089, %dma_wait3A_1217, %add3A, %dma_wait3A_1222, %dma_wait3A_1223] : memref<200x8x32x8x128xf32, #tpu.memory_space<hbm>> -> memref<1x1x1x8x128xf32, #tpu.memory_space<hbm>>
        %dma_wait3A_1225 = tpu.memref_squeeze %dma_wait3A_1224 : memref<1x1x1x8x128xf32, #tpu.memory_space<hbm>> -> memref<8x128xf32, #tpu.memory_space<hbm>>
        %dma_wait3A_1226 = arith.constant 0 : i32
        %dma_wait3A_1227 = arith.constant 0 : i32
        %dma_wait3A_1228 = tpu.memref_slice %arg4[%sub3A_1089, %dma_wait3A_1217, %add3A, %dma_wait3A_1226, %dma_wait3A_1227] : memref<200x8x32x8x128xf32, #tpu.memory_space<hbm>> -> memref<1x1x1x8x128xf32, #tpu.memory_space<hbm>>
        %dma_wait3A_1229 = tpu.memref_squeeze %dma_wait3A_1228 : memref<1x1x1x8x128xf32, #tpu.memory_space<hbm>> -> memref<8x128xf32, #tpu.memory_space<hbm>>
        %dma_wait3A_1230 = arith.constant 56 : i32
        %dma_wait3A_1231 = arith.constant 0 : i32
        %dma_wait3A_1232 = tpu.memref_slice %arg7[%dma_wait3A_1216, %dma_wait3A_1230, %dma_wait3A_1231] : memref<2x64x129xf32, #tpu.memory_space<vmem>> -> memref<1x8x128xf32, #tpu.memory_space<vmem>>
        %dma_wait3A_1233 = tpu.memref_squeeze %dma_wait3A_1232 : memref<1x8x128xf32, #tpu.memory_space<vmem>> -> memref<8x128xf32, #tpu.memory_space<vmem>>
        tpu.wait_dma2 semaphore(%arg12 : memref<!tpu.dma_semaphore, #tpu.memory_space<semaphore_mem>>) src(%dma_wait3A_1233 : memref<8x128xf32, #tpu.memory_space<vmem>>) dst(%dma_wait3A_1229 : memref<8x128xf32, #tpu.memory_space<hbm>>)
      } else {
      }
      %dma_wait3A_347 = arith.constant 0 : i32
      %dma_wait3A_348 = arith.constant 0 : i32
      %dma_wait3A_349 = arith.constant 0 : i32
      %dma_wait3A_350 = tpu.memref_slice %arg6[%dma_wait3A_347, %dma_wait3A_348, %dma_wait3A_349] : memref<4x128x64xf32, #tpu.memory_space<vmem>> -> memref<1x128x64xf32, #tpu.memory_space<vmem>>
      %dma_wait3A_351 = tpu.memref_squeeze %dma_wait3A_350 : memref<1x128x64xf32, #tpu.memory_space<vmem>> -> memref<128x64xf32, #tpu.memory_space<vmem>>
      %dma_wait3A_352 = arith.constant 0 : i32
      %dma_wait3A_353 = tpu.memref_slice %arg5[%add3A_338, %dma_wait3A_352] : memref<200x128xi32, #tpu.memory_space<vmem>> -> memref<1x128xi32, #tpu.memory_space<vmem>>
      %dma_wait3A_354 = tpu.memref_squeeze %dma_wait3A_353 : memref<1x128xi32, #tpu.memory_space<vmem>> -> memref<128xi32, #tpu.memory_space<vmem>>
      %dma_wait3A_355 = arith.constant 0 : i32
      %dma_wait3A_356 = arith.constant 0 : i32
      %dma_wait3A_357 = tpu.memref_slice %arg2[%dma_wait3A_355, %dma_wait3A_356] : memref<1000000x64xf32, #tpu.memory_space<hbm>> -> memref<1000000x64xf32, #tpu.memory_space<hbm>>
      tpu.wait_indirect_dma semaphore(%arg8 : memref<!tpu.dma_semaphore, #tpu.memory_space<semaphore_mem>>) src(%dma_wait3A_357 : memref<1000000x64xf32, #tpu.memory_space<hbm>>) dst(%dma_wait3A_351 : memref<128x64xf32, #tpu.memory_space<vmem>>)
      %iota3A = tpu.iota {dimensions = array<i32: 0>} : vector<16xi32>
      %add3A_358 = arith.constant 0 : i32
      %add3A_359 = vector.broadcast %add3A_358 : i32 to vector<16xi32>
      %add3A_360 = arith.addi %iota3A, %add3A_359 : vector<16xi32>
      %iota3A_361 = tpu.iota {dimensions = array<i32: 0>} : vector<16xi32>
      %add3A_362 = arith.constant 16 : i32
      %add3A_363 = vector.broadcast %add3A_362 : i32 to vector<16xi32>
      %add3A_364 = arith.addi %iota3A_361, %add3A_363 : vector<16xi32>
      %iota3A_365 = tpu.iota {dimensions = array<i32: 0>} : vector<16xi32>
      %add3A_366 = arith.constant 32 : i32
      %add3A_367 = vector.broadcast %add3A_366 : i32 to vector<16xi32>
      %add3A_368 = arith.addi %iota3A_365, %add3A_367 : vector<16xi32>
      %iota3A_369 = tpu.iota {dimensions = array<i32: 0>} : vector<16xi32>
      %add3A_370 = arith.constant 48 : i32
      %add3A_371 = vector.broadcast %add3A_370 : i32 to vector<16xi32>
      %add3A_372 = arith.addi %iota3A_369, %add3A_371 : vector<16xi32>
      %parallel_loop3A = arith.constant 0 : i32
      %parallel_loop3A_373 = arith.constant 128 : i32
      %parallel_loop3A_374 = arith.constant 1 : i32
      scf.for %parallel_loop3A_1089 = %parallel_loop3A to %parallel_loop3A_373 step %parallel_loop3A_374  : i32 {
        %parallel_loop3A_1090 = vector.broadcast %parallel_loop3A_1089 : i32 to vector<16xi32>
        %parallel_loop3A_1091 = arith.constant 0 : i32
        %parallel_loop3A_1092 = arith.index_cast %parallel_loop3A_1091 : i32 to index
        %parallel_loop3A_1093 = arith.index_cast %parallel_loop3A_1089 : i32 to index
        %parallel_loop3A_1094 = arith.constant 0 : index
        %parallel_loop3A_1095 = tpu.vector_load %arg6[%parallel_loop3A_1092, %parallel_loop3A_1093, %parallel_loop3A_1094] {strides = array<i32>} : memref<4x128x64xf32, #tpu.memory_space<vmem>>, vector<16xf32>,
        %parallel_loop3A_1096 = arith.constant 0 : i32
        %parallel_loop3A_1097 = arith.constant 0 : i32
        %parallel_loop3A_1098 = arith.constant 0 : i32
        %parallel_loop3A_1099 = tpu.memref_slice %arg7[%parallel_loop3A_1096, %parallel_loop3A_1097, %parallel_loop3A_1098] : memref<2x64x129xf32, #tpu.memory_space<vmem>> -> memref<1x64x129xf32, #tpu.memory_space<vmem>>
        %parallel_loop3A_1100 = tpu.memref_squeeze %parallel_loop3A_1099 : memref<1x64x129xf32, #tpu.memory_space<vmem>> -> memref<64x129xf32, #tpu.memory_space<vmem>>
        tpu.vector_store_idx %parallel_loop3A_1100[%add3A_360, %parallel_loop3A_1090], %parallel_loop3A_1095 : memref<64x129xf32, #tpu.memory_space<vmem>>[vector<16xi32>, vector<16xi32>], vector<16xf32>,
        %parallel_loop3A_1101 = arith.constant 0 : i32
        %parallel_loop3A_1102 = arith.index_cast %parallel_loop3A_1101 : i32 to index
        %parallel_loop3A_1103 = arith.index_cast %parallel_loop3A_1089 : i32 to index
        %parallel_loop3A_1104 = arith.constant 16 : index
        %parallel_loop3A_1105 = tpu.vector_load %arg6[%parallel_loop3A_1102, %parallel_loop3A_1103, %parallel_loop3A_1104] {strides = array<i32>} : memref<4x128x64xf32, #tpu.memory_space<vmem>>, vector<16xf32>,
        %parallel_loop3A_1106 = arith.constant 0 : i32
        %parallel_loop3A_1107 = arith.constant 0 : i32
        %parallel_loop3A_1108 = arith.constant 0 : i32
        %parallel_loop3A_1109 = tpu.memref_slice %arg7[%parallel_loop3A_1106, %parallel_loop3A_1107, %parallel_loop3A_1108] : memref<2x64x129xf32, #tpu.memory_space<vmem>> -> memref<1x64x129xf32, #tpu.memory_space<vmem>>
        %parallel_loop3A_1110 = tpu.memref_squeeze %parallel_loop3A_1109 : memref<1x64x129xf32, #tpu.memory_space<vmem>> -> memref<64x129xf32, #tpu.memory_space<vmem>>
        tpu.vector_store_idx %parallel_loop3A_1110[%add3A_364, %parallel_loop3A_1090], %parallel_loop3A_1105 : memref<64x129xf32, #tpu.memory_space<vmem>>[vector<16xi32>, vector<16xi32>], vector<16xf32>,
        %parallel_loop3A_1111 = arith.constant 0 : i32
        %parallel_loop3A_1112 = arith.index_cast %parallel_loop3A_1111 : i32 to index
        %parallel_loop3A_1113 = arith.index_cast %parallel_loop3A_1089 : i32 to index
        %parallel_loop3A_1114 = arith.constant 32 : index
        %parallel_loop3A_1115 = tpu.vector_load %arg6[%parallel_loop3A_1112, %parallel_loop3A_1113, %parallel_loop3A_1114] {strides = array<i32>} : memref<4x128x64xf32, #tpu.memory_space<vmem>>, vector<16xf32>,
        %parallel_loop3A_1116 = arith.constant 0 : i32
        %parallel_loop3A_1117 = arith.constant 0 : i32
        %parallel_loop3A_1118 = arith.constant 0 : i32
        %parallel_loop3A_1119 = tpu.memref_slice %arg7[%parallel_loop3A_1116, %parallel_loop3A_1117, %parallel_loop3A_1118] : memref<2x64x129xf32, #tpu.memory_space<vmem>> -> memref<1x64x129xf32, #tpu.memory_space<vmem>>
        %parallel_loop3A_1120 = tpu.memref_squeeze %parallel_loop3A_1119 : memref<1x64x129xf32, #tpu.memory_space<vmem>> -> memref<64x129xf32, #tpu.memory_space<vmem>>
        tpu.vector_store_idx %parallel_loop3A_1120[%add3A_368, %parallel_loop3A_1090], %parallel_loop3A_1115 : memref<64x129xf32, #tpu.memory_space<vmem>>[vector<16xi32>, vector<16xi32>], vector<16xf32>,
        %parallel_loop3A_1121 = arith.constant 0 : i32
        %parallel_loop3A_1122 = arith.index_cast %parallel_loop3A_1121 : i32 to index
        %parallel_loop3A_1123 = arith.index_cast %parallel_loop3A_1089 : i32 to index
        %parallel_loop3A_1124 = arith.constant 48 : index
        %parallel_loop3A_1125 = tpu.vector_load %arg6[%parallel_loop3A_1122, %parallel_loop3A_1123, %parallel_loop3A_1124] {strides = array<i32>} : memref<4x128x64xf32, #tpu.memory_space<vmem>>, vector<16xf32>,
        %parallel_loop3A_1126 = arith.constant 0 : i32
        %parallel_loop3A_1127 = arith.constant 0 : i32
        %parallel_loop3A_1128 = arith.constant 0 : i32
        %parallel_loop3A_1129 = tpu.memref_slice %arg7[%parallel_loop3A_1126, %parallel_loop3A_1127, %parallel_loop3A_1128] : memref<2x64x129xf32, #tpu.memory_space<vmem>> -> memref<1x64x129xf32, #tpu.memory_space<vmem>>
        %parallel_loop3A_1130 = tpu.memref_squeeze %parallel_loop3A_1129 : memref<1x64x129xf32, #tpu.memory_space<vmem>> -> memref<64x129xf32, #tpu.memory_space<vmem>>
        tpu.vector_store_idx %parallel_loop3A_1130[%add3A_372, %parallel_loop3A_1090], %parallel_loop3A_1125 : memref<64x129xf32, #tpu.memory_space<vmem>>[vector<16xi32>, vector<16xi32>], vector<16xf32>,
      } {sc.loop_unroll_factor = 8 : i64, sc.parallel_access}
      %dma_start3A_375 = arith.constant 0 : i32
      %dma_start3A_376 = arith.constant 0 : i32
      %dma_start3A_377 = arith.constant 0 : i32
      %dma_start3A_378 = arith.constant 0 : i32
      %dma_start3A_379 = tpu.memref_slice %arg7[%dma_start3A_375, %dma_start3A_377, %dma_start3A_378] : memref<2x64x129xf32, #tpu.memory_space<vmem>> -> memref<1x8x128xf32, #tpu.memory_space<vmem>>
      %dma_start3A_380 = tpu.memref_squeeze %dma_start3A_379 : memref<1x8x128xf32, #tpu.memory_space<vmem>> -> memref<8x128xf32, #tpu.memory_space<vmem>>
      %dma_start3A_381 = arith.constant 0 : i32
      %dma_start3A_382 = arith.constant 0 : i32
      %dma_start3A_383 = tpu.memref_slice %arg4[%add3A_338, %dma_start3A_376, %add3A, %dma_start3A_381, %dma_start3A_382] : memref<200x8x32x8x128xf32, #tpu.memory_space<hbm>> -> memref<1x1x1x8x128xf32, #tpu.memory_space<hbm>>
      %dma_start3A_384 = tpu.memref_squeeze %dma_start3A_383 : memref<1x1x1x8x128xf32, #tpu.memory_space<hbm>> -> memref<8x128xf32, #tpu.memory_space<hbm>>
      %dma_start3A_385 = arith.constant 0 : i32
      %dma_start3A_386 = arith.constant 0 : i32
      %dma_start3A_387 = tpu.memref_slice %arg4[%add3A_338, %dma_start3A_376, %add3A, %dma_start3A_385, %dma_start3A_386] : memref<200x8x32x8x128xf32, #tpu.memory_space<hbm>> -> memref<1x1x1x8x128xf32, #tpu.memory_space<hbm>>
      %dma_start3A_388 = tpu.memref_squeeze %dma_start3A_387 : memref<1x1x1x8x128xf32, #tpu.memory_space<hbm>> -> memref<8x128xf32, #tpu.memory_space<hbm>>
      %dma_start3A_389 = arith.constant 0 : i32
      %dma_start3A_390 = arith.constant 0 : i32
      %dma_start3A_391 = tpu.memref_slice %arg7[%dma_start3A_375, %dma_start3A_389, %dma_start3A_390] : memref<2x64x129xf32, #tpu.memory_space<vmem>> -> memref<1x8x128xf32, #tpu.memory_space<vmem>>
      %dma_start3A_392 = tpu.memref_squeeze %dma_start3A_391 : memref<1x8x128xf32, #tpu.memory_space<vmem>> -> memref<8x128xf32, #tpu.memory_space<vmem>>
      tpu.enqueue_dma source(%dma_start3A_392 : memref<8x128xf32, #tpu.memory_space<vmem>>) target(%dma_start3A_388 : memref<8x128xf32, #tpu.memory_space<hbm>>) target_semaphore(%arg12 : memref<!tpu.dma_semaphore, #tpu.memory_space<semaphore_mem>>)
      %dma_start3A_393 = arith.constant 0 : i32
      %dma_start3A_394 = arith.constant 1 : i32
      %dma_start3A_395 = arith.constant 8 : i32
      %dma_start3A_396 = arith.constant 0 : i32
      %dma_start3A_397 = tpu.memref_slice %arg7[%dma_start3A_393, %dma_start3A_395, %dma_start3A_396] : memref<2x64x129xf32, #tpu.memory_space<vmem>> -> memref<1x8x128xf32, #tpu.memory_space<vmem>>
      %dma_start3A_398 = tpu.memref_squeeze %dma_start3A_397 : memref<1x8x128xf32, #tpu.memory_space<vmem>> -> memref<8x128xf32, #tpu.memory_space<vmem>>
      %dma_start3A_399 = arith.constant 0 : i32
      %dma_start3A_400 = arith.constant 0 : i32
      %dma_start3A_401 = tpu.memref_slice %arg4[%add3A_338, %dma_start3A_394, %add3A, %dma_start3A_399, %dma_start3A_400] : memref<200x8x32x8x128xf32, #tpu.memory_space<hbm>> -> memref<1x1x1x8x128xf32, #tpu.memory_space<hbm>>
      %dma_start3A_402 = tpu.memref_squeeze %dma_start3A_401 : memref<1x1x1x8x128xf32, #tpu.memory_space<hbm>> -> memref<8x128xf32, #tpu.memory_space<hbm>>
      %dma_start3A_403 = arith.constant 0 : i32
      %dma_start3A_404 = arith.constant 0 : i32
      %dma_start3A_405 = tpu.memref_slice %arg4[%add3A_338, %dma_start3A_394, %add3A, %dma_start3A_403, %dma_start3A_404] : memref<200x8x32x8x128xf32, #tpu.memory_space<hbm>> -> memref<1x1x1x8x128xf32, #tpu.memory_space<hbm>>
      %dma_start3A_406 = tpu.memref_squeeze %dma_start3A_405 : memref<1x1x1x8x128xf32, #tpu.memory_space<hbm>> -> memref<8x128xf32, #tpu.memory_space<hbm>>
      %dma_start3A_407 = arith.constant 8 : i32
      %dma_start3A_408 = arith.constant 0 : i32
      %dma_start3A_409 = tpu.memref_slice %arg7[%dma_start3A_393, %dma_start3A_407, %dma_start3A_408] : memref<2x64x129xf32, #tpu.memory_space<vmem>> -> memref<1x8x128xf32, #tpu.memory_space<vmem>>
      %dma_start3A_410 = tpu.memref_squeeze %dma_start3A_409 : memref<1x8x128xf32, #tpu.memory_space<vmem>> -> memref<8x128xf32, #tpu.memory_space<vmem>>
      tpu.enqueue_dma source(%dma_start3A_410 : memref<8x128xf32, #tpu.memory_space<vmem>>) target(%dma_start3A_406 : memref<8x128xf32, #tpu.memory_space<hbm>>) target_semaphore(%arg12 : memref<!tpu.dma_semaphore, #tpu.memory_space<semaphore_mem>>)
      %dma_start3A_411 = arith.constant 0 : i32
      %dma_start3A_412 = arith.constant 2 : i32
      %dma_start3A_413 = arith.constant 16 : i32
      %dma_start3A_414 = arith.constant 0 : i32
      %dma_start3A_415 = tpu.memref_slice %arg7[%dma_start3A_411, %dma_start3A_413, %dma_start3A_414] : memref<2x64x129xf32, #tpu.memory_space<vmem>> -> memref<1x8x128xf32, #tpu.memory_space<vmem>>
      %dma_start3A_416 = tpu.memref_squeeze %dma_start3A_415 : memref<1x8x128xf32, #tpu.memory_space<vmem>> -> memref<8x128xf32, #tpu.memory_space<vmem>>
      %dma_start3A_417 = arith.constant 0 : i32
      %dma_start3A_418 = arith.constant 0 : i32
      %dma_start3A_419 = tpu.memref_slice %arg4[%add3A_338, %dma_start3A_412, %add3A, %dma_start3A_417, %dma_start3A_418] : memref<200x8x32x8x128xf32, #tpu.memory_space<hbm>> -> memref<1x1x1x8x128xf32, #tpu.memory_space<hbm>>
      %dma_start3A_420 = tpu.memref_squeeze %dma_start3A_419 : memref<1x1x1x8x128xf32, #tpu.memory_space<hbm>> -> memref<8x128xf32, #tpu.memory_space<hbm>>
      %dma_start3A_421 = arith.constant 0 : i32
      %dma_start3A_422 = arith.constant 0 : i32
      %dma_start3A_423 = tpu.memref_slice %arg4[%add3A_338, %dma_start3A_412, %add3A, %dma_start3A_421, %dma_start3A_422] : memref<200x8x32x8x128xf32, #tpu.memory_space<hbm>> -> memref<1x1x1x8x128xf32, #tpu.memory_space<hbm>>
      %dma_start3A_424 = tpu.memref_squeeze %dma_start3A_423 : memref<1x1x1x8x128xf32, #tpu.memory_space<hbm>> -> memref<8x128xf32, #tpu.memory_space<hbm>>
      %dma_start3A_425 = arith.constant 16 : i32
      %dma_start3A_426 = arith.constant 0 : i32
      %dma_start3A_427 = tpu.memref_slice %arg7[%dma_start3A_411, %dma_start3A_425, %dma_start3A_426] : memref<2x64x129xf32, #tpu.memory_space<vmem>> -> memref<1x8x128xf32, #tpu.memory_space<vmem>>
      %dma_start3A_428 = tpu.memref_squeeze %dma_start3A_427 : memref<1x8x128xf32, #tpu.memory_space<vmem>> -> memref<8x128xf32, #tpu.memory_space<vmem>>
      tpu.enqueue_dma source(%dma_start3A_428 : memref<8x128xf32, #tpu.memory_space<vmem>>) target(%dma_start3A_424 : memref<8x128xf32, #tpu.memory_space<hbm>>) target_semaphore(%arg12 : memref<!tpu.dma_semaphore, #tpu.memory_space<semaphore_mem>>)
      %dma_start3A_429 = arith.constant 0 : i32
      %dma_start3A_430 = arith.constant 3 : i32
      %dma_start3A_431 = arith.constant 24 : i32
      %dma_start3A_432 = arith.constant 0 : i32
      %dma_start3A_433 = tpu.memref_slice %arg7[%dma_start3A_429, %dma_start3A_431, %dma_start3A_432] : memref<2x64x129xf32, #tpu.memory_space<vmem>> -> memref<1x8x128xf32, #tpu.memory_space<vmem>>
      %dma_start3A_434 = tpu.memref_squeeze %dma_start3A_433 : memref<1x8x128xf32, #tpu.memory_space<vmem>> -> memref<8x128xf32, #tpu.memory_space<vmem>>
      %dma_start3A_435 = arith.constant 0 : i32
      %dma_start3A_436 = arith.constant 0 : i32
      %dma_start3A_437 = tpu.memref_slice %arg4[%add3A_338, %dma_start3A_430, %add3A, %dma_start3A_435, %dma_start3A_436] : memref<200x8x32x8x128xf32, #tpu.memory_space<hbm>> -> memref<1x1x1x8x128xf32, #tpu.memory_space<hbm>>
      %dma_start3A_438 = tpu.memref_squeeze %dma_start3A_437 : memref<1x1x1x8x128xf32, #tpu.memory_space<hbm>> -> memref<8x128xf32, #tpu.memory_space<hbm>>
      %dma_start3A_439 = arith.constant 0 : i32
      %dma_start3A_440 = arith.constant 0 : i32
      %dma_start3A_441 = tpu.memref_slice %arg4[%add3A_338, %dma_start3A_430, %add3A, %dma_start3A_439, %dma_start3A_440] : memref<200x8x32x8x128xf32, #tpu.memory_space<hbm>> -> memref<1x1x1x8x128xf32, #tpu.memory_space<hbm>>
      %dma_start3A_442 = tpu.memref_squeeze %dma_start3A_441 : memref<1x1x1x8x128xf32, #tpu.memory_space<hbm>> -> memref<8x128xf32, #tpu.memory_space<hbm>>
      %dma_start3A_443 = arith.constant 24 : i32
      %dma_start3A_444 = arith.constant 0 : i32
      %dma_start3A_445 = tpu.memref_slice %arg7[%dma_start3A_429, %dma_start3A_443, %dma_start3A_444] : memref<2x64x129xf32, #tpu.memory_space<vmem>> -> memref<1x8x128xf32, #tpu.memory_space<vmem>>
      %dma_start3A_446 = tpu.memref_squeeze %dma_start3A_445 : memref<1x8x128xf32, #tpu.memory_space<vmem>> -> memref<8x128xf32, #tpu.memory_space<vmem>>
      tpu.enqueue_dma source(%dma_start3A_446 : memref<8x128xf32, #tpu.memory_space<vmem>>) target(%dma_start3A_442 : memref<8x128xf32, #tpu.memory_space<hbm>>) target_semaphore(%arg12 : memref<!tpu.dma_semaphore, #tpu.memory_space<semaphore_mem>>)
      %dma_start3A_447 = arith.constant 0 : i32
      %dma_start3A_448 = arith.constant 4 : i32
      %dma_start3A_449 = arith.constant 32 : i32
      %dma_start3A_450 = arith.constant 0 : i32
      %dma_start3A_451 = tpu.memref_slice %arg7[%dma_start3A_447, %dma_start3A_449, %dma_start3A_450] : memref<2x64x129xf32, #tpu.memory_space<vmem>> -> memref<1x8x128xf32, #tpu.memory_space<vmem>>
      %dma_start3A_452 = tpu.memref_squeeze %dma_start3A_451 : memref<1x8x128xf32, #tpu.memory_space<vmem>> -> memref<8x128xf32, #tpu.memory_space<vmem>>
      %dma_start3A_453 = arith.constant 0 : i32
      %dma_start3A_454 = arith.constant 0 : i32
      %dma_start3A_455 = tpu.memref_slice %arg4[%add3A_338, %dma_start3A_448, %add3A, %dma_start3A_453, %dma_start3A_454] : memref<200x8x32x8x128xf32, #tpu.memory_space<hbm>> -> memref<1x1x1x8x128xf32, #tpu.memory_space<hbm>>
      %dma_start3A_456 = tpu.memref_squeeze %dma_start3A_455 : memref<1x1x1x8x128xf32, #tpu.memory_space<hbm>> -> memref<8x128xf32, #tpu.memory_space<hbm>>
      %dma_start3A_457 = arith.constant 0 : i32
      %dma_start3A_458 = arith.constant 0 : i32
      %dma_start3A_459 = tpu.memref_slice %arg4[%add3A_338, %dma_start3A_448, %add3A, %dma_start3A_457, %dma_start3A_458] : memref<200x8x32x8x128xf32, #tpu.memory_space<hbm>> -> memref<1x1x1x8x128xf32, #tpu.memory_space<hbm>>
      %dma_start3A_460 = tpu.memref_squeeze %dma_start3A_459 : memref<1x1x1x8x128xf32, #tpu.memory_space<hbm>> -> memref<8x128xf32, #tpu.memory_space<hbm>>
      %dma_start3A_461 = arith.constant 32 : i32
      %dma_start3A_462 = arith.constant 0 : i32
      %dma_start3A_463 = tpu.memref_slice %arg7[%dma_start3A_447, %dma_start3A_461, %dma_start3A_462] : memref<2x64x129xf32, #tpu.memory_space<vmem>> -> memref<1x8x128xf32, #tpu.memory_space<vmem>>
      %dma_start3A_464 = tpu.memref_squeeze %dma_start3A_463 : memref<1x8x128xf32, #tpu.memory_space<vmem>> -> memref<8x128xf32, #tpu.memory_space<vmem>>
      tpu.enqueue_dma source(%dma_start3A_464 : memref<8x128xf32, #tpu.memory_space<vmem>>) target(%dma_start3A_460 : memref<8x128xf32, #tpu.memory_space<hbm>>) target_semaphore(%arg12 : memref<!tpu.dma_semaphore, #tpu.memory_space<semaphore_mem>>)
      %dma_start3A_465 = arith.constant 0 : i32
      %dma_start3A_466 = arith.constant 5 : i32
      %dma_start3A_467 = arith.constant 40 : i32
      %dma_start3A_468 = arith.constant 0 : i32
      %dma_start3A_469 = tpu.memref_slice %arg7[%dma_start3A_465, %dma_start3A_467, %dma_start3A_468] : memref<2x64x129xf32, #tpu.memory_space<vmem>> -> memref<1x8x128xf32, #tpu.memory_space<vmem>>
      %dma_start3A_470 = tpu.memref_squeeze %dma_start3A_469 : memref<1x8x128xf32, #tpu.memory_space<vmem>> -> memref<8x128xf32, #tpu.memory_space<vmem>>
      %dma_start3A_471 = arith.constant 0 : i32
      %dma_start3A_472 = arith.constant 0 : i32
      %dma_start3A_473 = tpu.memref_slice %arg4[%add3A_338, %dma_start3A_466, %add3A, %dma_start3A_471, %dma_start3A_472] : memref<200x8x32x8x128xf32, #tpu.memory_space<hbm>> -> memref<1x1x1x8x128xf32, #tpu.memory_space<hbm>>
      %dma_start3A_474 = tpu.memref_squeeze %dma_start3A_473 : memref<1x1x1x8x128xf32, #tpu.memory_space<hbm>> -> memref<8x128xf32, #tpu.memory_space<hbm>>
      %dma_start3A_475 = arith.constant 0 : i32
      %dma_start3A_476 = arith.constant 0 : i32
      %dma_start3A_477 = tpu.memref_slice %arg4[%add3A_338, %dma_start3A_466, %add3A, %dma_start3A_475, %dma_start3A_476] : memref<200x8x32x8x128xf32, #tpu.memory_space<hbm>> -> memref<1x1x1x8x128xf32, #tpu.memory_space<hbm>>
      %dma_start3A_478 = tpu.memref_squeeze %dma_start3A_477 : memref<1x1x1x8x128xf32, #tpu.memory_space<hbm>> -> memref<8x128xf32, #tpu.memory_space<hbm>>
      %dma_start3A_479 = arith.constant 40 : i32
      %dma_start3A_480 = arith.constant 0 : i32
      %dma_start3A_481 = tpu.memref_slice %arg7[%dma_start3A_465, %dma_start3A_479, %dma_start3A_480] : memref<2x64x129xf32, #tpu.memory_space<vmem>> -> memref<1x8x128xf32, #tpu.memory_space<vmem>>
      %dma_start3A_482 = tpu.memref_squeeze %dma_start3A_481 : memref<1x8x128xf32, #tpu.memory_space<vmem>> -> memref<8x128xf32, #tpu.memory_space<vmem>>
      tpu.enqueue_dma source(%dma_start3A_482 : memref<8x128xf32, #tpu.memory_space<vmem>>) target(%dma_start3A_478 : memref<8x128xf32, #tpu.memory_space<hbm>>) target_semaphore(%arg12 : memref<!tpu.dma_semaphore, #tpu.memory_space<semaphore_mem>>)
      %dma_start3A_483 = arith.constant 0 : i32
      %dma_start3A_484 = arith.constant 6 : i32
      %dma_start3A_485 = arith.constant 48 : i32
      %dma_start3A_486 = arith.constant 0 : i32
      %dma_start3A_487 = tpu.memref_slice %arg7[%dma_start3A_483, %dma_start3A_485, %dma_start3A_486] : memref<2x64x129xf32, #tpu.memory_space<vmem>> -> memref<1x8x128xf32, #tpu.memory_space<vmem>>
      %dma_start3A_488 = tpu.memref_squeeze %dma_start3A_487 : memref<1x8x128xf32, #tpu.memory_space<vmem>> -> memref<8x128xf32, #tpu.memory_space<vmem>>
      %dma_start3A_489 = arith.constant 0 : i32
      %dma_start3A_490 = arith.constant 0 : i32
      %dma_start3A_491 = tpu.memref_slice %arg4[%add3A_338, %dma_start3A_484, %add3A, %dma_start3A_489, %dma_start3A_490] : memref<200x8x32x8x128xf32, #tpu.memory_space<hbm>> -> memref<1x1x1x8x128xf32, #tpu.memory_space<hbm>>
      %dma_start3A_492 = tpu.memref_squeeze %dma_start3A_491 : memref<1x1x1x8x128xf32, #tpu.memory_space<hbm>> -> memref<8x128xf32, #tpu.memory_space<hbm>>
      %dma_start3A_493 = arith.constant 0 : i32
      %dma_start3A_494 = arith.constant 0 : i32
      %dma_start3A_495 = tpu.memref_slice %arg4[%add3A_338, %dma_start3A_484, %add3A, %dma_start3A_493, %dma_start3A_494] : memref<200x8x32x8x128xf32, #tpu.memory_space<hbm>> -> memref<1x1x1x8x128xf32, #tpu.memory_space<hbm>>
      %dma_start3A_496 = tpu.memref_squeeze %dma_start3A_495 : memref<1x1x1x8x128xf32, #tpu.memory_space<hbm>> -> memref<8x128xf32, #tpu.memory_space<hbm>>
      %dma_start3A_497 = arith.constant 48 : i32
      %dma_start3A_498 = arith.constant 0 : i32
      %dma_start3A_499 = tpu.memref_slice %arg7[%dma_start3A_483, %dma_start3A_497, %dma_start3A_498] : memref<2x64x129xf32, #tpu.memory_space<vmem>> -> memref<1x8x128xf32, #tpu.memory_space<vmem>>
      %dma_start3A_500 = tpu.memref_squeeze %dma_start3A_499 : memref<1x8x128xf32, #tpu.memory_space<vmem>> -> memref<8x128xf32, #tpu.memory_space<vmem>>
      tpu.enqueue_dma source(%dma_start3A_500 : memref<8x128xf32, #tpu.memory_space<vmem>>) target(%dma_start3A_496 : memref<8x128xf32, #tpu.memory_space<hbm>>) target_semaphore(%arg12 : memref<!tpu.dma_semaphore, #tpu.memory_space<semaphore_mem>>)
      %dma_start3A_501 = arith.constant 0 : i32
      %dma_start3A_502 = arith.constant 7 : i32
      %dma_start3A_503 = arith.constant 56 : i32
      %dma_start3A_504 = arith.constant 0 : i32
      %dma_start3A_505 = tpu.memref_slice %arg7[%dma_start3A_501, %dma_start3A_503, %dma_start3A_504] : memref<2x64x129xf32, #tpu.memory_space<vmem>> -> memref<1x8x128xf32, #tpu.memory_space<vmem>>
      %dma_start3A_506 = tpu.memref_squeeze %dma_start3A_505 : memref<1x8x128xf32, #tpu.memory_space<vmem>> -> memref<8x128xf32, #tpu.memory_space<vmem>>
      %dma_start3A_507 = arith.constant 0 : i32
      %dma_start3A_508 = arith.constant 0 : i32
      %dma_start3A_509 = tpu.memref_slice %arg4[%add3A_338, %dma_start3A_502, %add3A, %dma_start3A_507, %dma_start3A_508] : memref<200x8x32x8x128xf32, #tpu.memory_space<hbm>> -> memref<1x1x1x8x128xf32, #tpu.memory_space<hbm>>
      %dma_start3A_510 = tpu.memref_squeeze %dma_start3A_509 : memref<1x1x1x8x128xf32, #tpu.memory_space<hbm>> -> memref<8x128xf32, #tpu.memory_space<hbm>>
      %dma_start3A_511 = arith.constant 0 : i32
      %dma_start3A_512 = arith.constant 0 : i32
      %dma_start3A_513 = tpu.memref_slice %arg4[%add3A_338, %dma_start3A_502, %add3A, %dma_start3A_511, %dma_start3A_512] : memref<200x8x32x8x128xf32, #tpu.memory_space<hbm>> -> memref<1x1x1x8x128xf32, #tpu.memory_space<hbm>>
      %dma_start3A_514 = tpu.memref_squeeze %dma_start3A_513 : memref<1x1x1x8x128xf32, #tpu.memory_space<hbm>> -> memref<8x128xf32, #tpu.memory_space<hbm>>
      %dma_start3A_515 = arith.constant 56 : i32
      %dma_start3A_516 = arith.constant 0 : i32
      %dma_start3A_517 = tpu.memref_slice %arg7[%dma_start3A_501, %dma_start3A_515, %dma_start3A_516] : memref<2x64x129xf32, #tpu.memory_space<vmem>> -> memref<1x8x128xf32, #tpu.memory_space<vmem>>
      %dma_start3A_518 = tpu.memref_squeeze %dma_start3A_517 : memref<1x8x128xf32, #tpu.memory_space<vmem>> -> memref<8x128xf32, #tpu.memory_space<vmem>>
      tpu.enqueue_dma source(%dma_start3A_518 : memref<8x128xf32, #tpu.memory_space<vmem>>) target(%dma_start3A_514 : memref<8x128xf32, #tpu.memory_space<hbm>>) target_semaphore(%arg12 : memref<!tpu.dma_semaphore, #tpu.memory_space<semaphore_mem>>)
      %mul3A_519 = arith.constant 4 : i32
      %mul3A_520 = arith.muli %mul3A_519, %scan3A_334 : i32
      %add3A_521 = arith.constant 1 : i32
      %add3A_522 = arith.addi %mul3A_520, %add3A_521 : i32
      %add3A_523 = arith.constant 2 : i32
      %add3A_524 = arith.addi %add3A_522, %add3A_523 : i32
      %lt3A_525 = arith.constant 200 : i32
      %lt3A_526 = arith.cmpi slt, %add3A_524, %lt3A_525 : i32
      %convert_element_type3A_527 = arith.extui %lt3A_526 : i1 to i32
      %cond3A_528 = arith.constant 0 : i32
      %cond3A_529 = arith.cmpi ne, %convert_element_type3A_527, %cond3A_528 : i32
      scf.if %cond3A_529 {
        %add3A_1089 = arith.constant 2 : i32
        %add3A_1090 = arith.addi %add3A_522, %add3A_1089 : i32
        %dma_start3A_1091 = arith.constant 3 : i32
        %dma_start3A_1092 = arith.constant 0 : i32
        %dma_start3A_1093 = arith.constant 0 : i32
        %dma_start3A_1094 = tpu.memref_slice %arg6[%dma_start3A_1091, %dma_start3A_1092, %dma_start3A_1093] : memref<4x128x64xf32, #tpu.memory_space<vmem>> -> memref<1x128x64xf32, #tpu.memory_space<vmem>>
        %dma_start3A_1095 = tpu.memref_squeeze %dma_start3A_1094 : memref<1x128x64xf32, #tpu.memory_space<vmem>> -> memref<128x64xf32, #tpu.memory_space<vmem>>
        %dma_start3A_1096 = arith.constant 0 : i32
        %dma_start3A_1097 = tpu.memref_slice %arg5[%add3A_1090, %dma_start3A_1096] : memref<200x128xi32, #tpu.memory_space<vmem>> -> memref<1x128xi32, #tpu.memory_space<vmem>>
        %dma_start3A_1098 = tpu.memref_squeeze %dma_start3A_1097 : memref<1x128xi32, #tpu.memory_space<vmem>> -> memref<128xi32, #tpu.memory_space<vmem>>
        %dma_start3A_1099 = arith.constant 0 : i32
        %dma_start3A_1100 = arith.constant 0 : i32
        %dma_start3A_1101 = tpu.memref_slice %arg2[%dma_start3A_1099, %dma_start3A_1100] : memref<1000000x64xf32, #tpu.memory_space<hbm>> -> memref<1000000x64xf32, #tpu.memory_space<hbm>>
        tpu.enqueue_indirect_dma source(%dma_start3A_1101 : memref<1000000x64xf32, #tpu.memory_space<hbm>>) target(%dma_start3A_1095 : memref<128x64xf32, #tpu.memory_space<vmem>>) offsets(%dma_start3A_1098 : memref<128xi32, #tpu.memory_space<vmem>>) semaphore(%arg11 : memref<!tpu.dma_semaphore, #tpu.memory_space<semaphore_mem>>)
      } else {
      }
      %ge3A_530 = arith.constant 2 : i32
      %ge3A_531 = arith.cmpi sge, %add3A_522, %ge3A_530 : i32
      %convert_element_type3A_532 = arith.extui %ge3A_531 : i1 to i32
      %cond3A_533 = arith.constant 0 : i32
      %cond3A_534 = arith.cmpi ne, %convert_element_type3A_532, %cond3A_533 : i32
      scf.if %cond3A_534 {
        %sub3A = arith.constant 2 : i32
        %sub3A_1089 = arith.subi %add3A_522, %sub3A : i32
        %dma_wait3A_1090 = arith.constant 1 : i32
        %dma_wait3A_1091 = arith.constant 0 : i32
        %dma_wait3A_1092 = arith.constant 0 : i32
        %dma_wait3A_1093 = arith.constant 0 : i32
        %dma_wait3A_1094 = tpu.memref_slice %arg7[%dma_wait3A_1090, %dma_wait3A_1092, %dma_wait3A_1093] : memref<2x64x129xf32, #tpu.memory_space<vmem>> -> memref<1x8x128xf32, #tpu.memory_space<vmem>>
        %dma_wait3A_1095 = tpu.memref_squeeze %dma_wait3A_1094 : memref<1x8x128xf32, #tpu.memory_space<vmem>> -> memref<8x128xf32, #tpu.memory_space<vmem>>
        %dma_wait3A_1096 = arith.constant 0 : i32
        %dma_wait3A_1097 = arith.constant 0 : i32
        %dma_wait3A_1098 = tpu.memref_slice %arg4[%sub3A_1089, %dma_wait3A_1091, %add3A, %dma_wait3A_1096, %dma_wait3A_1097] : memref<200x8x32x8x128xf32, #tpu.memory_space<hbm>> -> memref<1x1x1x8x128xf32, #tpu.memory_space<hbm>>
        %dma_wait3A_1099 = tpu.memref_squeeze %dma_wait3A_1098 : memref<1x1x1x8x128xf32, #tpu.memory_space<hbm>> -> memref<8x128xf32, #tpu.memory_space<hbm>>
        %dma_wait3A_1100 = arith.constant 0 : i32
        %dma_wait3A_1101 = arith.constant 0 : i32
        %dma_wait3A_1102 = tpu.memref_slice %arg4[%sub3A_1089, %dma_wait3A_1091, %add3A, %dma_wait3A_1100, %dma_wait3A_1101] : memref<200x8x32x8x128xf32, #tpu.memory_space<hbm>> -> memref<1x1x1x8x128xf32, #tpu.memory_space<hbm>>
        %dma_wait3A_1103 = tpu.memref_squeeze %dma_wait3A_1102 : memref<1x1x1x8x128xf32, #tpu.memory_space<hbm>> -> memref<8x128xf32, #tpu.memory_space<hbm>>
        %dma_wait3A_1104 = arith.constant 0 : i32
        %dma_wait3A_1105 = arith.constant 0 : i32
        %dma_wait3A_1106 = tpu.memref_slice %arg7[%dma_wait3A_1090, %dma_wait3A_1104, %dma_wait3A_1105] : memref<2x64x129xf32, #tpu.memory_space<vmem>> -> memref<1x8x128xf32, #tpu.memory_space<vmem>>
        %dma_wait3A_1107 = tpu.memref_squeeze %dma_wait3A_1106 : memref<1x8x128xf32, #tpu.memory_space<vmem>> -> memref<8x128xf32, #tpu.memory_space<vmem>>
        tpu.wait_dma2 semaphore(%arg13 : memref<!tpu.dma_semaphore, #tpu.memory_space<semaphore_mem>>) src(%dma_wait3A_1107 : memref<8x128xf32, #tpu.memory_space<vmem>>) dst(%dma_wait3A_1103 : memref<8x128xf32, #tpu.memory_space<hbm>>)
        %dma_wait3A_1108 = arith.constant 1 : i32
        %dma_wait3A_1109 = arith.constant 1 : i32
        %dma_wait3A_1110 = arith.constant 8 : i32
        %dma_wait3A_1111 = arith.constant 0 : i32
        %dma_wait3A_1112 = tpu.memref_slice %arg7[%dma_wait3A_1108, %dma_wait3A_1110, %dma_wait3A_1111] : memref<2x64x129xf32, #tpu.memory_space<vmem>> -> memref<1x8x128xf32, #tpu.memory_space<vmem>>
        %dma_wait3A_1113 = tpu.memref_squeeze %dma_wait3A_1112 : memref<1x8x128xf32, #tpu.memory_space<vmem>> -> memref<8x128xf32, #tpu.memory_space<vmem>>
        %dma_wait3A_1114 = arith.constant 0 : i32
        %dma_wait3A_1115 = arith.constant 0 : i32
        %dma_wait3A_1116 = tpu.memref_slice %arg4[%sub3A_1089, %dma_wait3A_1109, %add3A, %dma_wait3A_1114, %dma_wait3A_1115] : memref<200x8x32x8x128xf32, #tpu.memory_space<hbm>> -> memref<1x1x1x8x128xf32, #tpu.memory_space<hbm>>
        %dma_wait3A_1117 = tpu.memref_squeeze %dma_wait3A_1116 : memref<1x1x1x8x128xf32, #tpu.memory_space<hbm>> -> memref<8x128xf32, #tpu.memory_space<hbm>>
        %dma_wait3A_1118 = arith.constant 0 : i32
        %dma_wait3A_1119 = arith.constant 0 : i32
        %dma_wait3A_1120 = tpu.memref_slice %arg4[%sub3A_1089, %dma_wait3A_1109, %add3A, %dma_wait3A_1118, %dma_wait3A_1119] : memref<200x8x32x8x128xf32, #tpu.memory_space<hbm>> -> memref<1x1x1x8x128xf32, #tpu.memory_space<hbm>>
        %dma_wait3A_1121 = tpu.memref_squeeze %dma_wait3A_1120 : memref<1x1x1x8x128xf32, #tpu.memory_space<hbm>> -> memref<8x128xf32, #tpu.memory_space<hbm>>
        %dma_wait3A_1122 = arith.constant 8 : i32
        %dma_wait3A_1123 = arith.constant 0 : i32
        %dma_wait3A_1124 = tpu.memref_slice %arg7[%dma_wait3A_1108, %dma_wait3A_1122, %dma_wait3A_1123] : memref<2x64x129xf32, #tpu.memory_space<vmem>> -> memref<1x8x128xf32, #tpu.memory_space<vmem>>
        %dma_wait3A_1125 = tpu.memref_squeeze %dma_wait3A_1124 : memref<1x8x128xf32, #tpu.memory_space<vmem>> -> memref<8x128xf32, #tpu.memory_space<vmem>>
        tpu.wait_dma2 semaphore(%arg13 : memref<!tpu.dma_semaphore, #tpu.memory_space<semaphore_mem>>) src(%dma_wait3A_1125 : memref<8x128xf32, #tpu.memory_space<vmem>>) dst(%dma_wait3A_1121 : memref<8x128xf32, #tpu.memory_space<hbm>>)
        %dma_wait3A_1126 = arith.constant 1 : i32
        %dma_wait3A_1127 = arith.constant 2 : i32
        %dma_wait3A_1128 = arith.constant 16 : i32
        %dma_wait3A_1129 = arith.constant 0 : i32
        %dma_wait3A_1130 = tpu.memref_slice %arg7[%dma_wait3A_1126, %dma_wait3A_1128, %dma_wait3A_1129] : memref<2x64x129xf32, #tpu.memory_space<vmem>> -> memref<1x8x128xf32, #tpu.memory_space<vmem>>
        %dma_wait3A_1131 = tpu.memref_squeeze %dma_wait3A_1130 : memref<1x8x128xf32, #tpu.memory_space<vmem>> -> memref<8x128xf32, #tpu.memory_space<vmem>>
        %dma_wait3A_1132 = arith.constant 0 : i32
        %dma_wait3A_1133 = arith.constant 0 : i32
        %dma_wait3A_1134 = tpu.memref_slice %arg4[%sub3A_1089, %dma_wait3A_1127, %add3A, %dma_wait3A_1132, %dma_wait3A_1133] : memref<200x8x32x8x128xf32, #tpu.memory_space<hbm>> -> memref<1x1x1x8x128xf32, #tpu.memory_space<hbm>>
        %dma_wait3A_1135 = tpu.memref_squeeze %dma_wait3A_1134 : memref<1x1x1x8x128xf32, #tpu.memory_space<hbm>> -> memref<8x128xf32, #tpu.memory_space<hbm>>
        %dma_wait3A_1136 = arith.constant 0 : i32
        %dma_wait3A_1137 = arith.constant 0 : i32
        %dma_wait3A_1138 = tpu.memref_slice %arg4[%sub3A_1089, %dma_wait3A_1127, %add3A, %dma_wait3A_1136, %dma_wait3A_1137] : memref<200x8x32x8x128xf32, #tpu.memory_space<hbm>> -> memref<1x1x1x8x128xf32, #tpu.memory_space<hbm>>
        %dma_wait3A_1139 = tpu.memref_squeeze %dma_wait3A_1138 : memref<1x1x1x8x128xf32, #tpu.memory_space<hbm>> -> memref<8x128xf32, #tpu.memory_space<hbm>>
        %dma_wait3A_1140 = arith.constant 16 : i32
        %dma_wait3A_1141 = arith.constant 0 : i32
        %dma_wait3A_1142 = tpu.memref_slice %arg7[%dma_wait3A_1126, %dma_wait3A_1140, %dma_wait3A_1141] : memref<2x64x129xf32, #tpu.memory_space<vmem>> -> memref<1x8x128xf32, #tpu.memory_space<vmem>>
        %dma_wait3A_1143 = tpu.memref_squeeze %dma_wait3A_1142 : memref<1x8x128xf32, #tpu.memory_space<vmem>> -> memref<8x128xf32, #tpu.memory_space<vmem>>
        tpu.wait_dma2 semaphore(%arg13 : memref<!tpu.dma_semaphore, #tpu.memory_space<semaphore_mem>>) src(%dma_wait3A_1143 : memref<8x128xf32, #tpu.memory_space<vmem>>) dst(%dma_wait3A_1139 : memref<8x128xf32, #tpu.memory_space<hbm>>)
        %dma_wait3A_1144 = arith.constant 1 : i32
        %dma_wait3A_1145 = arith.constant 3 : i32
        %dma_wait3A_1146 = arith.constant 24 : i32
        %dma_wait3A_1147 = arith.constant 0 : i32
        %dma_wait3A_1148 = tpu.memref_slice %arg7[%dma_wait3A_1144, %dma_wait3A_1146, %dma_wait3A_1147] : memref<2x64x129xf32, #tpu.memory_space<vmem>> -> memref<1x8x128xf32, #tpu.memory_space<vmem>>
        %dma_wait3A_1149 = tpu.memref_squeeze %dma_wait3A_1148 : memref<1x8x128xf32, #tpu.memory_space<vmem>> -> memref<8x128xf32, #tpu.memory_space<vmem>>
        %dma_wait3A_1150 = arith.constant 0 : i32
        %dma_wait3A_1151 = arith.constant 0 : i32
        %dma_wait3A_1152 = tpu.memref_slice %arg4[%sub3A_1089, %dma_wait3A_1145, %add3A, %dma_wait3A_1150, %dma_wait3A_1151] : memref<200x8x32x8x128xf32, #tpu.memory_space<hbm>> -> memref<1x1x1x8x128xf32, #tpu.memory_space<hbm>>
        %dma_wait3A_1153 = tpu.memref_squeeze %dma_wait3A_1152 : memref<1x1x1x8x128xf32, #tpu.memory_space<hbm>> -> memref<8x128xf32, #tpu.memory_space<hbm>>
        %dma_wait3A_1154 = arith.constant 0 : i32
        %dma_wait3A_1155 = arith.constant 0 : i32
        %dma_wait3A_1156 = tpu.memref_slice %arg4[%sub3A_1089, %dma_wait3A_1145, %add3A, %dma_wait3A_1154, %dma_wait3A_1155] : memref<200x8x32x8x128xf32, #tpu.memory_space<hbm>> -> memref<1x1x1x8x128xf32, #tpu.memory_space<hbm>>
        %dma_wait3A_1157 = tpu.memref_squeeze %dma_wait3A_1156 : memref<1x1x1x8x128xf32, #tpu.memory_space<hbm>> -> memref<8x128xf32, #tpu.memory_space<hbm>>
        %dma_wait3A_1158 = arith.constant 24 : i32
        %dma_wait3A_1159 = arith.constant 0 : i32
        %dma_wait3A_1160 = tpu.memref_slice %arg7[%dma_wait3A_1144, %dma_wait3A_1158, %dma_wait3A_1159] : memref<2x64x129xf32, #tpu.memory_space<vmem>> -> memref<1x8x128xf32, #tpu.memory_space<vmem>>
        %dma_wait3A_1161 = tpu.memref_squeeze %dma_wait3A_1160 : memref<1x8x128xf32, #tpu.memory_space<vmem>> -> memref<8x128xf32, #tpu.memory_space<vmem>>
        tpu.wait_dma2 semaphore(%arg13 : memref<!tpu.dma_semaphore, #tpu.memory_space<semaphore_mem>>) src(%dma_wait3A_1161 : memref<8x128xf32, #tpu.memory_space<vmem>>) dst(%dma_wait3A_1157 : memref<8x128xf32, #tpu.memory_space<hbm>>)
        %dma_wait3A_1162 = arith.constant 1 : i32
        %dma_wait3A_1163 = arith.constant 4 : i32
        %dma_wait3A_1164 = arith.constant 32 : i32
        %dma_wait3A_1165 = arith.constant 0 : i32
        %dma_wait3A_1166 = tpu.memref_slice %arg7[%dma_wait3A_1162, %dma_wait3A_1164, %dma_wait3A_1165] : memref<2x64x129xf32, #tpu.memory_space<vmem>> -> memref<1x8x128xf32, #tpu.memory_space<vmem>>
        %dma_wait3A_1167 = tpu.memref_squeeze %dma_wait3A_1166 : memref<1x8x128xf32, #tpu.memory_space<vmem>> -> memref<8x128xf32, #tpu.memory_space<vmem>>
        %dma_wait3A_1168 = arith.constant 0 : i32
        %dma_wait3A_1169 = arith.constant 0 : i32
        %dma_wait3A_1170 = tpu.memref_slice %arg4[%sub3A_1089, %dma_wait3A_1163, %add3A, %dma_wait3A_1168, %dma_wait3A_1169] : memref<200x8x32x8x128xf32, #tpu.memory_space<hbm>> -> memref<1x1x1x8x128xf32, #tpu.memory_space<hbm>>
        %dma_wait3A_1171 = tpu.memref_squeeze %dma_wait3A_1170 : memref<1x1x1x8x128xf32, #tpu.memory_space<hbm>> -> memref<8x128xf32, #tpu.memory_space<hbm>>
        %dma_wait3A_1172 = arith.constant 0 : i32
        %dma_wait3A_1173 = arith.constant 0 : i32
        %dma_wait3A_1174 = tpu.memref_slice %arg4[%sub3A_1089, %dma_wait3A_1163, %add3A, %dma_wait3A_1172, %dma_wait3A_1173] : memref<200x8x32x8x128xf32, #tpu.memory_space<hbm>> -> memref<1x1x1x8x128xf32, #tpu.memory_space<hbm>>
        %dma_wait3A_1175 = tpu.memref_squeeze %dma_wait3A_1174 : memref<1x1x1x8x128xf32, #tpu.memory_space<hbm>> -> memref<8x128xf32, #tpu.memory_space<hbm>>
        %dma_wait3A_1176 = arith.constant 32 : i32
        %dma_wait3A_1177 = arith.constant 0 : i32
        %dma_wait3A_1178 = tpu.memref_slice %arg7[%dma_wait3A_1162, %dma_wait3A_1176, %dma_wait3A_1177] : memref<2x64x129xf32, #tpu.memory_space<vmem>> -> memref<1x8x128xf32, #tpu.memory_space<vmem>>
        %dma_wait3A_1179 = tpu.memref_squeeze %dma_wait3A_1178 : memref<1x8x128xf32, #tpu.memory_space<vmem>> -> memref<8x128xf32, #tpu.memory_space<vmem>>
        tpu.wait_dma2 semaphore(%arg13 : memref<!tpu.dma_semaphore, #tpu.memory_space<semaphore_mem>>) src(%dma_wait3A_1179 : memref<8x128xf32, #tpu.memory_space<vmem>>) dst(%dma_wait3A_1175 : memref<8x128xf32, #tpu.memory_space<hbm>>)
        %dma_wait3A_1180 = arith.constant 1 : i32
        %dma_wait3A_1181 = arith.constant 5 : i32
        %dma_wait3A_1182 = arith.constant 40 : i32
        %dma_wait3A_1183 = arith.constant 0 : i32
        %dma_wait3A_1184 = tpu.memref_slice %arg7[%dma_wait3A_1180, %dma_wait3A_1182, %dma_wait3A_1183] : memref<2x64x129xf32, #tpu.memory_space<vmem>> -> memref<1x8x128xf32, #tpu.memory_space<vmem>>
        %dma_wait3A_1185 = tpu.memref_squeeze %dma_wait3A_1184 : memref<1x8x128xf32, #tpu.memory_space<vmem>> -> memref<8x128xf32, #tpu.memory_space<vmem>>
        %dma_wait3A_1186 = arith.constant 0 : i32
        %dma_wait3A_1187 = arith.constant 0 : i32
        %dma_wait3A_1188 = tpu.memref_slice %arg4[%sub3A_1089, %dma_wait3A_1181, %add3A, %dma_wait3A_1186, %dma_wait3A_1187] : memref<200x8x32x8x128xf32, #tpu.memory_space<hbm>> -> memref<1x1x1x8x128xf32, #tpu.memory_space<hbm>>
        %dma_wait3A_1189 = tpu.memref_squeeze %dma_wait3A_1188 : memref<1x1x1x8x128xf32, #tpu.memory_space<hbm>> -> memref<8x128xf32, #tpu.memory_space<hbm>>
        %dma_wait3A_1190 = arith.constant 0 : i32
        %dma_wait3A_1191 = arith.constant 0 : i32
        %dma_wait3A_1192 = tpu.memref_slice %arg4[%sub3A_1089, %dma_wait3A_1181, %add3A, %dma_wait3A_1190, %dma_wait3A_1191] : memref<200x8x32x8x128xf32, #tpu.memory_space<hbm>> -> memref<1x1x1x8x128xf32, #tpu.memory_space<hbm>>
        %dma_wait3A_1193 = tpu.memref_squeeze %dma_wait3A_1192 : memref<1x1x1x8x128xf32, #tpu.memory_space<hbm>> -> memref<8x128xf32, #tpu.memory_space<hbm>>
        %dma_wait3A_1194 = arith.constant 40 : i32
        %dma_wait3A_1195 = arith.constant 0 : i32
        %dma_wait3A_1196 = tpu.memref_slice %arg7[%dma_wait3A_1180, %dma_wait3A_1194, %dma_wait3A_1195] : memref<2x64x129xf32, #tpu.memory_space<vmem>> -> memref<1x8x128xf32, #tpu.memory_space<vmem>>
        %dma_wait3A_1197 = tpu.memref_squeeze %dma_wait3A_1196 : memref<1x8x128xf32, #tpu.memory_space<vmem>> -> memref<8x128xf32, #tpu.memory_space<vmem>>
        tpu.wait_dma2 semaphore(%arg13 : memref<!tpu.dma_semaphore, #tpu.memory_space<semaphore_mem>>) src(%dma_wait3A_1197 : memref<8x128xf32, #tpu.memory_space<vmem>>) dst(%dma_wait3A_1193 : memref<8x128xf32, #tpu.memory_space<hbm>>)
        %dma_wait3A_1198 = arith.constant 1 : i32
        %dma_wait3A_1199 = arith.constant 6 : i32
        %dma_wait3A_1200 = arith.constant 48 : i32
        %dma_wait3A_1201 = arith.constant 0 : i32
        %dma_wait3A_1202 = tpu.memref_slice %arg7[%dma_wait3A_1198, %dma_wait3A_1200, %dma_wait3A_1201] : memref<2x64x129xf32, #tpu.memory_space<vmem>> -> memref<1x8x128xf32, #tpu.memory_space<vmem>>
        %dma_wait3A_1203 = tpu.memref_squeeze %dma_wait3A_1202 : memref<1x8x128xf32, #tpu.memory_space<vmem>> -> memref<8x128xf32, #tpu.memory_space<vmem>>
        %dma_wait3A_1204 = arith.constant 0 : i32
        %dma_wait3A_1205 = arith.constant 0 : i32
        %dma_wait3A_1206 = tpu.memref_slice %arg4[%sub3A_1089, %dma_wait3A_1199, %add3A, %dma_wait3A_1204, %dma_wait3A_1205] : memref<200x8x32x8x128xf32, #tpu.memory_space<hbm>> -> memref<1x1x1x8x128xf32, #tpu.memory_space<hbm>>
        %dma_wait3A_1207 = tpu.memref_squeeze %dma_wait3A_1206 : memref<1x1x1x8x128xf32, #tpu.memory_space<hbm>> -> memref<8x128xf32, #tpu.memory_space<hbm>>
        %dma_wait3A_1208 = arith.constant 0 : i32
        %dma_wait3A_1209 = arith.constant 0 : i32
        %dma_wait3A_1210 = tpu.memref_slice %arg4[%sub3A_1089, %dma_wait3A_1199, %add3A, %dma_wait3A_1208, %dma_wait3A_1209] : memref<200x8x32x8x128xf32, #tpu.memory_space<hbm>> -> memref<1x1x1x8x128xf32, #tpu.memory_space<hbm>>
        %dma_wait3A_1211 = tpu.memref_squeeze %dma_wait3A_1210 : memref<1x1x1x8x128xf32, #tpu.memory_space<hbm>> -> memref<8x128xf32, #tpu.memory_space<hbm>>
        %dma_wait3A_1212 = arith.constant 48 : i32
        %dma_wait3A_1213 = arith.constant 0 : i32
        %dma_wait3A_1214 = tpu.memref_slice %arg7[%dma_wait3A_1198, %dma_wait3A_1212, %dma_wait3A_1213] : memref<2x64x129xf32, #tpu.memory_space<vmem>> -> memref<1x8x128xf32, #tpu.memory_space<vmem>>
        %dma_wait3A_1215 = tpu.memref_squeeze %dma_wait3A_1214 : memref<1x8x128xf32, #tpu.memory_space<vmem>> -> memref<8x128xf32, #tpu.memory_space<vmem>>
        tpu.wait_dma2 semaphore(%arg13 : memref<!tpu.dma_semaphore, #tpu.memory_space<semaphore_mem>>) src(%dma_wait3A_1215 : memref<8x128xf32, #tpu.memory_space<vmem>>) dst(%dma_wait3A_1211 : memref<8x128xf32, #tpu.memory_space<hbm>>)
        %dma_wait3A_1216 = arith.constant 1 : i32
        %dma_wait3A_1217 = arith.constant 7 : i32
        %dma_wait3A_1218 = arith.constant 56 : i32
        %dma_wait3A_1219 = arith.constant 0 : i32
        %dma_wait3A_1220 = tpu.memref_slice %arg7[%dma_wait3A_1216, %dma_wait3A_1218, %dma_wait3A_1219] : memref<2x64x129xf32, #tpu.memory_space<vmem>> -> memref<1x8x128xf32, #tpu.memory_space<vmem>>
        %dma_wait3A_1221 = tpu.memref_squeeze %dma_wait3A_1220 : memref<1x8x128xf32, #tpu.memory_space<vmem>> -> memref<8x128xf32, #tpu.memory_space<vmem>>
        %dma_wait3A_1222 = arith.constant 0 : i32
        %dma_wait3A_1223 = arith.constant 0 : i32
        %dma_wait3A_1224 = tpu.memref_slice %arg4[%sub3A_1089, %dma_wait3A_1217, %add3A, %dma_wait3A_1222, %dma_wait3A_1223] : memref<200x8x32x8x128xf32, #tpu.memory_space<hbm>> -> memref<1x1x1x8x128xf32, #tpu.memory_space<hbm>>
        %dma_wait3A_1225 = tpu.memref_squeeze %dma_wait3A_1224 : memref<1x1x1x8x128xf32, #tpu.memory_space<hbm>> -> memref<8x128xf32, #tpu.memory_space<hbm>>
        %dma_wait3A_1226 = arith.constant 0 : i32
        %dma_wait3A_1227 = arith.constant 0 : i32
        %dma_wait3A_1228 = tpu.memref_slice %arg4[%sub3A_1089, %dma_wait3A_1217, %add3A, %dma_wait3A_1226, %dma_wait3A_1227] : memref<200x8x32x8x128xf32, #tpu.memory_space<hbm>> -> memref<1x1x1x8x128xf32, #tpu.memory_space<hbm>>
        %dma_wait3A_1229 = tpu.memref_squeeze %dma_wait3A_1228 : memref<1x1x1x8x128xf32, #tpu.memory_space<hbm>> -> memref<8x128xf32, #tpu.memory_space<hbm>>
        %dma_wait3A_1230 = arith.constant 56 : i32
        %dma_wait3A_1231 = arith.constant 0 : i32
        %dma_wait3A_1232 = tpu.memref_slice %arg7[%dma_wait3A_1216, %dma_wait3A_1230, %dma_wait3A_1231] : memref<2x64x129xf32, #tpu.memory_space<vmem>> -> memref<1x8x128xf32, #tpu.memory_space<vmem>>
        %dma_wait3A_1233 = tpu.memref_squeeze %dma_wait3A_1232 : memref<1x8x128xf32, #tpu.memory_space<vmem>> -> memref<8x128xf32, #tpu.memory_space<vmem>>
        tpu.wait_dma2 semaphore(%arg13 : memref<!tpu.dma_semaphore, #tpu.memory_space<semaphore_mem>>) src(%dma_wait3A_1233 : memref<8x128xf32, #tpu.memory_space<vmem>>) dst(%dma_wait3A_1229 : memref<8x128xf32, #tpu.memory_space<hbm>>)
      } else {
      }
      %dma_wait3A_535 = arith.constant 1 : i32
      %dma_wait3A_536 = arith.constant 0 : i32
      %dma_wait3A_537 = arith.constant 0 : i32
      %dma_wait3A_538 = tpu.memref_slice %arg6[%dma_wait3A_535, %dma_wait3A_536, %dma_wait3A_537] : memref<4x128x64xf32, #tpu.memory_space<vmem>> -> memref<1x128x64xf32, #tpu.memory_space<vmem>>
      %dma_wait3A_539 = tpu.memref_squeeze %dma_wait3A_538 : memref<1x128x64xf32, #tpu.memory_space<vmem>> -> memref<128x64xf32, #tpu.memory_space<vmem>>
      %dma_wait3A_540 = arith.constant 0 : i32
      %dma_wait3A_541 = tpu.memref_slice %arg5[%add3A_522, %dma_wait3A_540] : memref<200x128xi32, #tpu.memory_space<vmem>> -> memref<1x128xi32, #tpu.memory_space<vmem>>
      %dma_wait3A_542 = tpu.memref_squeeze %dma_wait3A_541 : memref<1x128xi32, #tpu.memory_space<vmem>> -> memref<128xi32, #tpu.memory_space<vmem>>
      %dma_wait3A_543 = arith.constant 0 : i32
      %dma_wait3A_544 = arith.constant 0 : i32
      %dma_wait3A_545 = tpu.memref_slice %arg2[%dma_wait3A_543, %dma_wait3A_544] : memref<1000000x64xf32, #tpu.memory_space<hbm>> -> memref<1000000x64xf32, #tpu.memory_space<hbm>>
      tpu.wait_indirect_dma semaphore(%arg9 : memref<!tpu.dma_semaphore, #tpu.memory_space<semaphore_mem>>) src(%dma_wait3A_545 : memref<1000000x64xf32, #tpu.memory_space<hbm>>) dst(%dma_wait3A_539 : memref<128x64xf32, #tpu.memory_space<vmem>>)
      %iota3A_546 = tpu.iota {dimensions = array<i32: 0>} : vector<16xi32>
      %add3A_547 = arith.constant 0 : i32
      %add3A_548 = vector.broadcast %add3A_547 : i32 to vector<16xi32>
      %add3A_549 = arith.addi %iota3A_546, %add3A_548 : vector<16xi32>
      %iota3A_550 = tpu.iota {dimensions = array<i32: 0>} : vector<16xi32>
      %add3A_551 = arith.constant 16 : i32
      %add3A_552 = vector.broadcast %add3A_551 : i32 to vector<16xi32>
      %add3A_553 = arith.addi %iota3A_550, %add3A_552 : vector<16xi32>
      %iota3A_554 = tpu.iota {dimensions = array<i32: 0>} : vector<16xi32>
      %add3A_555 = arith.constant 32 : i32
      %add3A_556 = vector.broadcast %add3A_555 : i32 to vector<16xi32>
      %add3A_557 = arith.addi %iota3A_554, %add3A_556 : vector<16xi32>
      %iota3A_558 = tpu.iota {dimensions = array<i32: 0>} : vector<16xi32>
      %add3A_559 = arith.constant 48 : i32
      %add3A_560 = vector.broadcast %add3A_559 : i32 to vector<16xi32>
      %add3A_561 = arith.addi %iota3A_558, %add3A_560 : vector<16xi32>
      %parallel_loop3A_562 = arith.constant 0 : i32
      %parallel_loop3A_563 = arith.constant 128 : i32
      %parallel_loop3A_564 = arith.constant 1 : i32
      scf.for %parallel_loop3A_1089 = %parallel_loop3A_562 to %parallel_loop3A_563 step %parallel_loop3A_564  : i32 {
        %parallel_loop3A_1090 = vector.broadcast %parallel_loop3A_1089 : i32 to vector<16xi32>
        %parallel_loop3A_1091 = arith.constant 1 : i32
        %parallel_loop3A_1092 = arith.index_cast %parallel_loop3A_1091 : i32 to index
        %parallel_loop3A_1093 = arith.index_cast %parallel_loop3A_1089 : i32 to index
        %parallel_loop3A_1094 = arith.constant 0 : index
        %parallel_loop3A_1095 = tpu.vector_load %arg6[%parallel_loop3A_1092, %parallel_loop3A_1093, %parallel_loop3A_1094] {strides = array<i32>} : memref<4x128x64xf32, #tpu.memory_space<vmem>>, vector<16xf32>,
        %parallel_loop3A_1096 = arith.constant 1 : i32
        %parallel_loop3A_1097 = arith.constant 0 : i32
        %parallel_loop3A_1098 = arith.constant 0 : i32
        %parallel_loop3A_1099 = tpu.memref_slice %arg7[%parallel_loop3A_1096, %parallel_loop3A_1097, %parallel_loop3A_1098] : memref<2x64x129xf32, #tpu.memory_space<vmem>> -> memref<1x64x129xf32, #tpu.memory_space<vmem>>
        %parallel_loop3A_1100 = tpu.memref_squeeze %parallel_loop3A_1099 : memref<1x64x129xf32, #tpu.memory_space<vmem>> -> memref<64x129xf32, #tpu.memory_space<vmem>>
        tpu.vector_store_idx %parallel_loop3A_1100[%add3A_549, %parallel_loop3A_1090], %parallel_loop3A_1095 : memref<64x129xf32, #tpu.memory_space<vmem>>[vector<16xi32>, vector<16xi32>], vector<16xf32>,
        %parallel_loop3A_1101 = arith.constant 1 : i32
        %parallel_loop3A_1102 = arith.index_cast %parallel_loop3A_1101 : i32 to index
        %parallel_loop3A_1103 = arith.index_cast %parallel_loop3A_1089 : i32 to index
        %parallel_loop3A_1104 = arith.constant 16 : index
        %parallel_loop3A_1105 = tpu.vector_load %arg6[%parallel_loop3A_1102, %parallel_loop3A_1103, %parallel_loop3A_1104] {strides = array<i32>} : memref<4x128x64xf32, #tpu.memory_space<vmem>>, vector<16xf32>,
        %parallel_loop3A_1106 = arith.constant 1 : i32
        %parallel_loop3A_1107 = arith.constant 0 : i32
        %parallel_loop3A_1108 = arith.constant 0 : i32
        %parallel_loop3A_1109 = tpu.memref_slice %arg7[%parallel_loop3A_1106, %parallel_loop3A_1107, %parallel_loop3A_1108] : memref<2x64x129xf32, #tpu.memory_space<vmem>> -> memref<1x64x129xf32, #tpu.memory_space<vmem>>
        %parallel_loop3A_1110 = tpu.memref_squeeze %parallel_loop3A_1109 : memref<1x64x129xf32, #tpu.memory_space<vmem>> -> memref<64x129xf32, #tpu.memory_space<vmem>>
        tpu.vector_store_idx %parallel_loop3A_1110[%add3A_553, %parallel_loop3A_1090], %parallel_loop3A_1105 : memref<64x129xf32, #tpu.memory_space<vmem>>[vector<16xi32>, vector<16xi32>], vector<16xf32>,
        %parallel_loop3A_1111 = arith.constant 1 : i32
        %parallel_loop3A_1112 = arith.index_cast %parallel_loop3A_1111 : i32 to index
        %parallel_loop3A_1113 = arith.index_cast %parallel_loop3A_1089 : i32 to index
        %parallel_loop3A_1114 = arith.constant 32 : index
        %parallel_loop3A_1115 = tpu.vector_load %arg6[%parallel_loop3A_1112, %parallel_loop3A_1113, %parallel_loop3A_1114] {strides = array<i32>} : memref<4x128x64xf32, #tpu.memory_space<vmem>>, vector<16xf32>,
        %parallel_loop3A_1116 = arith.constant 1 : i32
        %parallel_loop3A_1117 = arith.constant 0 : i32
        %parallel_loop3A_1118 = arith.constant 0 : i32
        %parallel_loop3A_1119 = tpu.memref_slice %arg7[%parallel_loop3A_1116, %parallel_loop3A_1117, %parallel_loop3A_1118] : memref<2x64x129xf32, #tpu.memory_space<vmem>> -> memref<1x64x129xf32, #tpu.memory_space<vmem>>
        %parallel_loop3A_1120 = tpu.memref_squeeze %parallel_loop3A_1119 : memref<1x64x129xf32, #tpu.memory_space<vmem>> -> memref<64x129xf32, #tpu.memory_space<vmem>>
        tpu.vector_store_idx %parallel_loop3A_1120[%add3A_557, %parallel_loop3A_1090], %parallel_loop3A_1115 : memref<64x129xf32, #tpu.memory_space<vmem>>[vector<16xi32>, vector<16xi32>], vector<16xf32>,
        %parallel_loop3A_1121 = arith.constant 1 : i32
        %parallel_loop3A_1122 = arith.index_cast %parallel_loop3A_1121 : i32 to index
        %parallel_loop3A_1123 = arith.index_cast %parallel_loop3A_1089 : i32 to index
        %parallel_loop3A_1124 = arith.constant 48 : index
        %parallel_loop3A_1125 = tpu.vector_load %arg6[%parallel_loop3A_1122, %parallel_loop3A_1123, %parallel_loop3A_1124] {strides = array<i32>} : memref<4x128x64xf32, #tpu.memory_space<vmem>>, vector<16xf32>,
        %parallel_loop3A_1126 = arith.constant 1 : i32
        %parallel_loop3A_1127 = arith.constant 0 : i32
        %parallel_loop3A_1128 = arith.constant 0 : i32
        %parallel_loop3A_1129 = tpu.memref_slice %arg7[%parallel_loop3A_1126, %parallel_loop3A_1127, %parallel_loop3A_1128] : memref<2x64x129xf32, #tpu.memory_space<vmem>> -> memref<1x64x129xf32, #tpu.memory_space<vmem>>
        %parallel_loop3A_1130 = tpu.memref_squeeze %parallel_loop3A_1129 : memref<1x64x129xf32, #tpu.memory_space<vmem>> -> memref<64x129xf32, #tpu.memory_space<vmem>>
        tpu.vector_store_idx %parallel_loop3A_1130[%add3A_561, %parallel_loop3A_1090], %parallel_loop3A_1125 : memref<64x129xf32, #tpu.memory_space<vmem>>[vector<16xi32>, vector<16xi32>], vector<16xf32>,
      } {sc.loop_unroll_factor = 8 : i64, sc.parallel_access}
      %dma_start3A_565 = arith.constant 1 : i32
      %dma_start3A_566 = arith.constant 0 : i32
      %dma_start3A_567 = arith.constant 0 : i32
      %dma_start3A_568 = arith.constant 0 : i32
      %dma_start3A_569 = tpu.memref_slice %arg7[%dma_start3A_565, %dma_start3A_567, %dma_start3A_568] : memref<2x64x129xf32, #tpu.memory_space<vmem>> -> memref<1x8x128xf32, #tpu.memory_space<vmem>>
      %dma_start3A_570 = tpu.memref_squeeze %dma_start3A_569 : memref<1x8x128xf32, #tpu.memory_space<vmem>> -> memref<8x128xf32, #tpu.memory_space<vmem>>
      %dma_start3A_571 = arith.constant 0 : i32
      %dma_start3A_572 = arith.constant 0 : i32
      %dma_start3A_573 = tpu.memref_slice %arg4[%add3A_522, %dma_start3A_566, %add3A, %dma_start3A_571, %dma_start3A_572] : memref<200x8x32x8x128xf32, #tpu.memory_space<hbm>> -> memref<1x1x1x8x128xf32, #tpu.memory_space<hbm>>
      %dma_start3A_574 = tpu.memref_squeeze %dma_start3A_573 : memref<1x1x1x8x128xf32, #tpu.memory_space<hbm>> -> memref<8x128xf32, #tpu.memory_space<hbm>>
      %dma_start3A_575 = arith.constant 0 : i32
      %dma_start3A_576 = arith.constant 0 : i32
      %dma_start3A_577 = tpu.memref_slice %arg4[%add3A_522, %dma_start3A_566, %add3A, %dma_start3A_575, %dma_start3A_576] : memref<200x8x32x8x128xf32, #tpu.memory_space<hbm>> -> memref<1x1x1x8x128xf32, #tpu.memory_space<hbm>>
      %dma_start3A_578 = tpu.memref_squeeze %dma_start3A_577 : memref<1x1x1x8x128xf32, #tpu.memory_space<hbm>> -> memref<8x128xf32, #tpu.memory_space<hbm>>
      %dma_start3A_579 = arith.constant 0 : i32
      %dma_start3A_580 = arith.constant 0 : i32
      %dma_start3A_581 = tpu.memref_slice %arg7[%dma_start3A_565, %dma_start3A_579, %dma_start3A_580] : memref<2x64x129xf32, #tpu.memory_space<vmem>> -> memref<1x8x128xf32, #tpu.memory_space<vmem>>
      %dma_start3A_582 = tpu.memref_squeeze %dma_start3A_581 : memref<1x8x128xf32, #tpu.memory_space<vmem>> -> memref<8x128xf32, #tpu.memory_space<vmem>>
      tpu.enqueue_dma source(%dma_start3A_582 : memref<8x128xf32, #tpu.memory_space<vmem>>) target(%dma_start3A_578 : memref<8x128xf32, #tpu.memory_space<hbm>>) target_semaphore(%arg13 : memref<!tpu.dma_semaphore, #tpu.memory_space<semaphore_mem>>)
      %dma_start3A_583 = arith.constant 1 : i32
      %dma_start3A_584 = arith.constant 1 : i32
      %dma_start3A_585 = arith.constant 8 : i32
      %dma_start3A_586 = arith.constant 0 : i32
      %dma_start3A_587 = tpu.memref_slice %arg7[%dma_start3A_583, %dma_start3A_585, %dma_start3A_586] : memref<2x64x129xf32, #tpu.memory_space<vmem>> -> memref<1x8x128xf32, #tpu.memory_space<vmem>>
      %dma_start3A_588 = tpu.memref_squeeze %dma_start3A_587 : memref<1x8x128xf32, #tpu.memory_space<vmem>> -> memref<8x128xf32, #tpu.memory_space<vmem>>
      %dma_start3A_589 = arith.constant 0 : i32
      %dma_start3A_590 = arith.constant 0 : i32
      %dma_start3A_591 = tpu.memref_slice %arg4[%add3A_522, %dma_start3A_584, %add3A, %dma_start3A_589, %dma_start3A_590] : memref<200x8x32x8x128xf32, #tpu.memory_space<hbm>> -> memref<1x1x1x8x128xf32, #tpu.memory_space<hbm>>
      %dma_start3A_592 = tpu.memref_squeeze %dma_start3A_591 : memref<1x1x1x8x128xf32, #tpu.memory_space<hbm>> -> memref<8x128xf32, #tpu.memory_space<hbm>>
      %dma_start3A_593 = arith.constant 0 : i32
      %dma_start3A_594 = arith.constant 0 : i32
      %dma_start3A_595 = tpu.memref_slice %arg4[%add3A_522, %dma_start3A_584, %add3A, %dma_start3A_593, %dma_start3A_594] : memref<200x8x32x8x128xf32, #tpu.memory_space<hbm>> -> memref<1x1x1x8x128xf32, #tpu.memory_space<hbm>>
      %dma_start3A_596 = tpu.memref_squeeze %dma_start3A_595 : memref<1x1x1x8x128xf32, #tpu.memory_space<hbm>> -> memref<8x128xf32, #tpu.memory_space<hbm>>
      %dma_start3A_597 = arith.constant 8 : i32
      %dma_start3A_598 = arith.constant 0 : i32
      %dma_start3A_599 = tpu.memref_slice %arg7[%dma_start3A_583, %dma_start3A_597, %dma_start3A_598] : memref<2x64x129xf32, #tpu.memory_space<vmem>> -> memref<1x8x128xf32, #tpu.memory_space<vmem>>
      %dma_start3A_600 = tpu.memref_squeeze %dma_start3A_599 : memref<1x8x128xf32, #tpu.memory_space<vmem>> -> memref<8x128xf32, #tpu.memory_space<vmem>>
      tpu.enqueue_dma source(%dma_start3A_600 : memref<8x128xf32, #tpu.memory_space<vmem>>) target(%dma_start3A_596 : memref<8x128xf32, #tpu.memory_space<hbm>>) target_semaphore(%arg13 : memref<!tpu.dma_semaphore, #tpu.memory_space<semaphore_mem>>)
      %dma_start3A_601 = arith.constant 1 : i32
      %dma_start3A_602 = arith.constant 2 : i32
      %dma_start3A_603 = arith.constant 16 : i32
      %dma_start3A_604 = arith.constant 0 : i32
      %dma_start3A_605 = tpu.memref_slice %arg7[%dma_start3A_601, %dma_start3A_603, %dma_start3A_604] : memref<2x64x129xf32, #tpu.memory_space<vmem>> -> memref<1x8x128xf32, #tpu.memory_space<vmem>>
      %dma_start3A_606 = tpu.memref_squeeze %dma_start3A_605 : memref<1x8x128xf32, #tpu.memory_space<vmem>> -> memref<8x128xf32, #tpu.memory_space<vmem>>
      %dma_start3A_607 = arith.constant 0 : i32
      %dma_start3A_608 = arith.constant 0 : i32
      %dma_start3A_609 = tpu.memref_slice %arg4[%add3A_522, %dma_start3A_602, %add3A, %dma_start3A_607, %dma_start3A_608] : memref<200x8x32x8x128xf32, #tpu.memory_space<hbm>> -> memref<1x1x1x8x128xf32, #tpu.memory_space<hbm>>
      %dma_start3A_610 = tpu.memref_squeeze %dma_start3A_609 : memref<1x1x1x8x128xf32, #tpu.memory_space<hbm>> -> memref<8x128xf32, #tpu.memory_space<hbm>>
      %dma_start3A_611 = arith.constant 0 : i32
      %dma_start3A_612 = arith.constant 0 : i32
      %dma_start3A_613 = tpu.memref_slice %arg4[%add3A_522, %dma_start3A_602, %add3A, %dma_start3A_611, %dma_start3A_612] : memref<200x8x32x8x128xf32, #tpu.memory_space<hbm>> -> memref<1x1x1x8x128xf32, #tpu.memory_space<hbm>>
      %dma_start3A_614 = tpu.memref_squeeze %dma_start3A_613 : memref<1x1x1x8x128xf32, #tpu.memory_space<hbm>> -> memref<8x128xf32, #tpu.memory_space<hbm>>
      %dma_start3A_615 = arith.constant 16 : i32
      %dma_start3A_616 = arith.constant 0 : i32
      %dma_start3A_617 = tpu.memref_slice %arg7[%dma_start3A_601, %dma_start3A_615, %dma_start3A_616] : memref<2x64x129xf32, #tpu.memory_space<vmem>> -> memref<1x8x128xf32, #tpu.memory_space<vmem>>
      %dma_start3A_618 = tpu.memref_squeeze %dma_start3A_617 : memref<1x8x128xf32, #tpu.memory_space<vmem>> -> memref<8x128xf32, #tpu.memory_space<vmem>>
      tpu.enqueue_dma source(%dma_start3A_618 : memref<8x128xf32, #tpu.memory_space<vmem>>) target(%dma_start3A_614 : memref<8x128xf32, #tpu.memory_space<hbm>>) target_semaphore(%arg13 : memref<!tpu.dma_semaphore, #tpu.memory_space<semaphore_mem>>)
      %dma_start3A_619 = arith.constant 1 : i32
      %dma_start3A_620 = arith.constant 3 : i32
      %dma_start3A_621 = arith.constant 24 : i32
      %dma_start3A_622 = arith.constant 0 : i32
      %dma_start3A_623 = tpu.memref_slice %arg7[%dma_start3A_619, %dma_start3A_621, %dma_start3A_622] : memref<2x64x129xf32, #tpu.memory_space<vmem>> -> memref<1x8x128xf32, #tpu.memory_space<vmem>>
      %dma_start3A_624 = tpu.memref_squeeze %dma_start3A_623 : memref<1x8x128xf32, #tpu.memory_space<vmem>> -> memref<8x128xf32, #tpu.memory_space<vmem>>
      %dma_start3A_625 = arith.constant 0 : i32
      %dma_start3A_626 = arith.constant 0 : i32
      %dma_start3A_627 = tpu.memref_slice %arg4[%add3A_522, %dma_start3A_620, %add3A, %dma_start3A_625, %dma_start3A_626] : memref<200x8x32x8x128xf32, #tpu.memory_space<hbm>> -> memref<1x1x1x8x128xf32, #tpu.memory_space<hbm>>
      %dma_start3A_628 = tpu.memref_squeeze %dma_start3A_627 : memref<1x1x1x8x128xf32, #tpu.memory_space<hbm>> -> memref<8x128xf32, #tpu.memory_space<hbm>>
      %dma_start3A_629 = arith.constant 0 : i32
      %dma_start3A_630 = arith.constant 0 : i32
      %dma_start3A_631 = tpu.memref_slice %arg4[%add3A_522, %dma_start3A_620, %add3A, %dma_start3A_629, %dma_start3A_630] : memref<200x8x32x8x128xf32, #tpu.memory_space<hbm>> -> memref<1x1x1x8x128xf32, #tpu.memory_space<hbm>>
      %dma_start3A_632 = tpu.memref_squeeze %dma_start3A_631 : memref<1x1x1x8x128xf32, #tpu.memory_space<hbm>> -> memref<8x128xf32, #tpu.memory_space<hbm>>
      %dma_start3A_633 = arith.constant 24 : i32
      %dma_start3A_634 = arith.constant 0 : i32
      %dma_start3A_635 = tpu.memref_slice %arg7[%dma_start3A_619, %dma_start3A_633, %dma_start3A_634] : memref<2x64x129xf32, #tpu.memory_space<vmem>> -> memref<1x8x128xf32, #tpu.memory_space<vmem>>
      %dma_start3A_636 = tpu.memref_squeeze %dma_start3A_635 : memref<1x8x128xf32, #tpu.memory_space<vmem>> -> memref<8x128xf32, #tpu.memory_space<vmem>>
      tpu.enqueue_dma source(%dma_start3A_636 : memref<8x128xf32, #tpu.memory_space<vmem>>) target(%dma_start3A_632 : memref<8x128xf32, #tpu.memory_space<hbm>>) target_semaphore(%arg13 : memref<!tpu.dma_semaphore, #tpu.memory_space<semaphore_mem>>)
      %dma_start3A_637 = arith.constant 1 : i32
      %dma_start3A_638 = arith.constant 4 : i32
      %dma_start3A_639 = arith.constant 32 : i32
      %dma_start3A_640 = arith.constant 0 : i32
      %dma_start3A_641 = tpu.memref_slice %arg7[%dma_start3A_637, %dma_start3A_639, %dma_start3A_640] : memref<2x64x129xf32, #tpu.memory_space<vmem>> -> memref<1x8x128xf32, #tpu.memory_space<vmem>>
      %dma_start3A_642 = tpu.memref_squeeze %dma_start3A_641 : memref<1x8x128xf32, #tpu.memory_space<vmem>> -> memref<8x128xf32, #tpu.memory_space<vmem>>
      %dma_start3A_643 = arith.constant 0 : i32
      %dma_start3A_644 = arith.constant 0 : i32
      %dma_start3A_645 = tpu.memref_slice %arg4[%add3A_522, %dma_start3A_638, %add3A, %dma_start3A_643, %dma_start3A_644] : memref<200x8x32x8x128xf32, #tpu.memory_space<hbm>> -> memref<1x1x1x8x128xf32, #tpu.memory_space<hbm>>
      %dma_start3A_646 = tpu.memref_squeeze %dma_start3A_645 : memref<1x1x1x8x128xf32, #tpu.memory_space<hbm>> -> memref<8x128xf32, #tpu.memory_space<hbm>>
      %dma_start3A_647 = arith.constant 0 : i32
      %dma_start3A_648 = arith.constant 0 : i32
      %dma_start3A_649 = tpu.memref_slice %arg4[%add3A_522, %dma_start3A_638, %add3A, %dma_start3A_647, %dma_start3A_648] : memref<200x8x32x8x128xf32, #tpu.memory_space<hbm>> -> memref<1x1x1x8x128xf32, #tpu.memory_space<hbm>>
      %dma_start3A_650 = tpu.memref_squeeze %dma_start3A_649 : memref<1x1x1x8x128xf32, #tpu.memory_space<hbm>> -> memref<8x128xf32, #tpu.memory_space<hbm>>
      %dma_start3A_651 = arith.constant 32 : i32
      %dma_start3A_652 = arith.constant 0 : i32
      %dma_start3A_653 = tpu.memref_slice %arg7[%dma_start3A_637, %dma_start3A_651, %dma_start3A_652] : memref<2x64x129xf32, #tpu.memory_space<vmem>> -> memref<1x8x128xf32, #tpu.memory_space<vmem>>
      %dma_start3A_654 = tpu.memref_squeeze %dma_start3A_653 : memref<1x8x128xf32, #tpu.memory_space<vmem>> -> memref<8x128xf32, #tpu.memory_space<vmem>>
      tpu.enqueue_dma source(%dma_start3A_654 : memref<8x128xf32, #tpu.memory_space<vmem>>) target(%dma_start3A_650 : memref<8x128xf32, #tpu.memory_space<hbm>>) target_semaphore(%arg13 : memref<!tpu.dma_semaphore, #tpu.memory_space<semaphore_mem>>)
      %dma_start3A_655 = arith.constant 1 : i32
      %dma_start3A_656 = arith.constant 5 : i32
      %dma_start3A_657 = arith.constant 40 : i32
      %dma_start3A_658 = arith.constant 0 : i32
      %dma_start3A_659 = tpu.memref_slice %arg7[%dma_start3A_655, %dma_start3A_657, %dma_start3A_658] : memref<2x64x129xf32, #tpu.memory_space<vmem>> -> memref<1x8x128xf32, #tpu.memory_space<vmem>>
      %dma_start3A_660 = tpu.memref_squeeze %dma_start3A_659 : memref<1x8x128xf32, #tpu.memory_space<vmem>> -> memref<8x128xf32, #tpu.memory_space<vmem>>
      %dma_start3A_661 = arith.constant 0 : i32
      %dma_start3A_662 = arith.constant 0 : i32
      %dma_start3A_663 = tpu.memref_slice %arg4[%add3A_522, %dma_start3A_656, %add3A, %dma_start3A_661, %dma_start3A_662] : memref<200x8x32x8x128xf32, #tpu.memory_space<hbm>> -> memref<1x1x1x8x128xf32, #tpu.memory_space<hbm>>
      %dma_start3A_664 = tpu.memref_squeeze %dma_start3A_663 : memref<1x1x1x8x128xf32, #tpu.memory_space<hbm>> -> memref<8x128xf32, #tpu.memory_space<hbm>>
      %dma_start3A_665 = arith.constant 0 : i32
      %dma_start3A_666 = arith.constant 0 : i32
      %dma_start3A_667 = tpu.memref_slice %arg4[%add3A_522, %dma_start3A_656, %add3A, %dma_start3A_665, %dma_start3A_666] : memref<200x8x32x8x128xf32, #tpu.memory_space<hbm>> -> memref<1x1x1x8x128xf32, #tpu.memory_space<hbm>>
      %dma_start3A_668 = tpu.memref_squeeze %dma_start3A_667 : memref<1x1x1x8x128xf32, #tpu.memory_space<hbm>> -> memref<8x128xf32, #tpu.memory_space<hbm>>
      %dma_start3A_669 = arith.constant 40 : i32
      %dma_start3A_670 = arith.constant 0 : i32
      %dma_start3A_671 = tpu.memref_slice %arg7[%dma_start3A_655, %dma_start3A_669, %dma_start3A_670] : memref<2x64x129xf32, #tpu.memory_space<vmem>> -> memref<1x8x128xf32, #tpu.memory_space<vmem>>
      %dma_start3A_672 = tpu.memref_squeeze %dma_start3A_671 : memref<1x8x128xf32, #tpu.memory_space<vmem>> -> memref<8x128xf32, #tpu.memory_space<vmem>>
      tpu.enqueue_dma source(%dma_start3A_672 : memref<8x128xf32, #tpu.memory_space<vmem>>) target(%dma_start3A_668 : memref<8x128xf32, #tpu.memory_space<hbm>>) target_semaphore(%arg13 : memref<!tpu.dma_semaphore, #tpu.memory_space<semaphore_mem>>)
      %dma_start3A_673 = arith.constant 1 : i32
      %dma_start3A_674 = arith.constant 6 : i32
      %dma_start3A_675 = arith.constant 48 : i32
      %dma_start3A_676 = arith.constant 0 : i32
      %dma_start3A_677 = tpu.memref_slice %arg7[%dma_start3A_673, %dma_start3A_675, %dma_start3A_676] : memref<2x64x129xf32, #tpu.memory_space<vmem>> -> memref<1x8x128xf32, #tpu.memory_space<vmem>>
      %dma_start3A_678 = tpu.memref_squeeze %dma_start3A_677 : memref<1x8x128xf32, #tpu.memory_space<vmem>> -> memref<8x128xf32, #tpu.memory_space<vmem>>
      %dma_start3A_679 = arith.constant 0 : i32
      %dma_start3A_680 = arith.constant 0 : i32
      %dma_start3A_681 = tpu.memref_slice %arg4[%add3A_522, %dma_start3A_674, %add3A, %dma_start3A_679, %dma_start3A_680] : memref<200x8x32x8x128xf32, #tpu.memory_space<hbm>> -> memref<1x1x1x8x128xf32, #tpu.memory_space<hbm>>
      %dma_start3A_682 = tpu.memref_squeeze %dma_start3A_681 : memref<1x1x1x8x128xf32, #tpu.memory_space<hbm>> -> memref<8x128xf32, #tpu.memory_space<hbm>>
      %dma_start3A_683 = arith.constant 0 : i32
      %dma_start3A_684 = arith.constant 0 : i32
      %dma_start3A_685 = tpu.memref_slice %arg4[%add3A_522, %dma_start3A_674, %add3A, %dma_start3A_683, %dma_start3A_684] : memref<200x8x32x8x128xf32, #tpu.memory_space<hbm>> -> memref<1x1x1x8x128xf32, #tpu.memory_space<hbm>>
      %dma_start3A_686 = tpu.memref_squeeze %dma_start3A_685 : memref<1x1x1x8x128xf32, #tpu.memory_space<hbm>> -> memref<8x128xf32, #tpu.memory_space<hbm>>
      %dma_start3A_687 = arith.constant 48 : i32
      %dma_start3A_688 = arith.constant 0 : i32
      %dma_start3A_689 = tpu.memref_slice %arg7[%dma_start3A_673, %dma_start3A_687, %dma_start3A_688] : memref<2x64x129xf32, #tpu.memory_space<vmem>> -> memref<1x8x128xf32, #tpu.memory_space<vmem>>
      %dma_start3A_690 = tpu.memref_squeeze %dma_start3A_689 : memref<1x8x128xf32, #tpu.memory_space<vmem>> -> memref<8x128xf32, #tpu.memory_space<vmem>>
      tpu.enqueue_dma source(%dma_start3A_690 : memref<8x128xf32, #tpu.memory_space<vmem>>) target(%dma_start3A_686 : memref<8x128xf32, #tpu.memory_space<hbm>>) target_semaphore(%arg13 : memref<!tpu.dma_semaphore, #tpu.memory_space<semaphore_mem>>)
      %dma_start3A_691 = arith.constant 1 : i32
      %dma_start3A_692 = arith.constant 7 : i32
      %dma_start3A_693 = arith.constant 56 : i32
      %dma_start3A_694 = arith.constant 0 : i32
      %dma_start3A_695 = tpu.memref_slice %arg7[%dma_start3A_691, %dma_start3A_693, %dma_start3A_694] : memref<2x64x129xf32, #tpu.memory_space<vmem>> -> memref<1x8x128xf32, #tpu.memory_space<vmem>>
      %dma_start3A_696 = tpu.memref_squeeze %dma_start3A_695 : memref<1x8x128xf32, #tpu.memory_space<vmem>> -> memref<8x128xf32, #tpu.memory_space<vmem>>
      %dma_start3A_697 = arith.constant 0 : i32
      %dma_start3A_698 = arith.constant 0 : i32
      %dma_start3A_699 = tpu.memref_slice %arg4[%add3A_522, %dma_start3A_692, %add3A, %dma_start3A_697, %dma_start3A_698] : memref<200x8x32x8x128xf32, #tpu.memory_space<hbm>> -> memref<1x1x1x8x128xf32, #tpu.memory_space<hbm>>
      %dma_start3A_700 = tpu.memref_squeeze %dma_start3A_699 : memref<1x1x1x8x128xf32, #tpu.memory_space<hbm>> -> memref<8x128xf32, #tpu.memory_space<hbm>>
      %dma_start3A_701 = arith.constant 0 : i32
      %dma_start3A_702 = arith.constant 0 : i32
      %dma_start3A_703 = tpu.memref_slice %arg4[%add3A_522, %dma_start3A_692, %add3A, %dma_start3A_701, %dma_start3A_702] : memref<200x8x32x8x128xf32, #tpu.memory_space<hbm>> -> memref<1x1x1x8x128xf32, #tpu.memory_space<hbm>>
      %dma_start3A_704 = tpu.memref_squeeze %dma_start3A_703 : memref<1x1x1x8x128xf32, #tpu.memory_space<hbm>> -> memref<8x128xf32, #tpu.memory_space<hbm>>
      %dma_start3A_705 = arith.constant 56 : i32
      %dma_start3A_706 = arith.constant 0 : i32
      %dma_start3A_707 = tpu.memref_slice %arg7[%dma_start3A_691, %dma_start3A_705, %dma_start3A_706] : memref<2x64x129xf32, #tpu.memory_space<vmem>> -> memref<1x8x128xf32, #tpu.memory_space<vmem>>
      %dma_start3A_708 = tpu.memref_squeeze %dma_start3A_707 : memref<1x8x128xf32, #tpu.memory_space<vmem>> -> memref<8x128xf32, #tpu.memory_space<vmem>>
      tpu.enqueue_dma source(%dma_start3A_708 : memref<8x128xf32, #tpu.memory_space<vmem>>) target(%dma_start3A_704 : memref<8x128xf32, #tpu.memory_space<hbm>>) target_semaphore(%arg13 : memref<!tpu.dma_semaphore, #tpu.memory_space<semaphore_mem>>)
      %mul3A_709 = arith.constant 4 : i32
      %mul3A_710 = arith.muli %mul3A_709, %scan3A_334 : i32
      %add3A_711 = arith.constant 2 : i32
      %add3A_712 = arith.addi %mul3A_710, %add3A_711 : i32
      %add3A_713 = arith.constant 2 : i32
      %add3A_714 = arith.addi %add3A_712, %add3A_713 : i32
      %lt3A_715 = arith.constant 200 : i32
      %lt3A_716 = arith.cmpi slt, %add3A_714, %lt3A_715 : i32
      %convert_element_type3A_717 = arith.extui %lt3A_716 : i1 to i32
      %cond3A_718 = arith.constant 0 : i32
      %cond3A_719 = arith.cmpi ne, %convert_element_type3A_717, %cond3A_718 : i32
      scf.if %cond3A_719 {
        %add3A_1089 = arith.constant 2 : i32
        %add3A_1090 = arith.addi %add3A_712, %add3A_1089 : i32
        %dma_start3A_1091 = arith.constant 0 : i32
        %dma_start3A_1092 = arith.constant 0 : i32
        %dma_start3A_1093 = arith.constant 0 : i32
        %dma_start3A_1094 = tpu.memref_slice %arg6[%dma_start3A_1091, %dma_start3A_1092, %dma_start3A_1093] : memref<4x128x64xf32, #tpu.memory_space<vmem>> -> memref<1x128x64xf32, #tpu.memory_space<vmem>>
        %dma_start3A_1095 = tpu.memref_squeeze %dma_start3A_1094 : memref<1x128x64xf32, #tpu.memory_space<vmem>> -> memref<128x64xf32, #tpu.memory_space<vmem>>
        %dma_start3A_1096 = arith.constant 0 : i32
        %dma_start3A_1097 = tpu.memref_slice %arg5[%add3A_1090, %dma_start3A_1096] : memref<200x128xi32, #tpu.memory_space<vmem>> -> memref<1x128xi32, #tpu.memory_space<vmem>>
        %dma_start3A_1098 = tpu.memref_squeeze %dma_start3A_1097 : memref<1x128xi32, #tpu.memory_space<vmem>> -> memref<128xi32, #tpu.memory_space<vmem>>
        %dma_start3A_1099 = arith.constant 0 : i32
        %dma_start3A_1100 = arith.constant 0 : i32
        %dma_start3A_1101 = tpu.memref_slice %arg2[%dma_start3A_1099, %dma_start3A_1100] : memref<1000000x64xf32, #tpu.memory_space<hbm>> -> memref<1000000x64xf32, #tpu.memory_space<hbm>>
        tpu.enqueue_indirect_dma source(%dma_start3A_1101 : memref<1000000x64xf32, #tpu.memory_space<hbm>>) target(%dma_start3A_1095 : memref<128x64xf32, #tpu.memory_space<vmem>>) offsets(%dma_start3A_1098 : memref<128xi32, #tpu.memory_space<vmem>>) semaphore(%arg8 : memref<!tpu.dma_semaphore, #tpu.memory_space<semaphore_mem>>)
      } else {
      }
      %ge3A_720 = arith.constant 2 : i32
      %ge3A_721 = arith.cmpi sge, %add3A_712, %ge3A_720 : i32
      %convert_element_type3A_722 = arith.extui %ge3A_721 : i1 to i32
      %cond3A_723 = arith.constant 0 : i32
      %cond3A_724 = arith.cmpi ne, %convert_element_type3A_722, %cond3A_723 : i32
      scf.if %cond3A_724 {
        %sub3A = arith.constant 2 : i32
        %sub3A_1089 = arith.subi %add3A_712, %sub3A : i32
        %dma_wait3A_1090 = arith.constant 0 : i32
        %dma_wait3A_1091 = arith.constant 0 : i32
        %dma_wait3A_1092 = arith.constant 0 : i32
        %dma_wait3A_1093 = arith.constant 0 : i32
        %dma_wait3A_1094 = tpu.memref_slice %arg7[%dma_wait3A_1090, %dma_wait3A_1092, %dma_wait3A_1093] : memref<2x64x129xf32, #tpu.memory_space<vmem>> -> memref<1x8x128xf32, #tpu.memory_space<vmem>>
        %dma_wait3A_1095 = tpu.memref_squeeze %dma_wait3A_1094 : memref<1x8x128xf32, #tpu.memory_space<vmem>> -> memref<8x128xf32, #tpu.memory_space<vmem>>
        %dma_wait3A_1096 = arith.constant 0 : i32
        %dma_wait3A_1097 = arith.constant 0 : i32
        %dma_wait3A_1098 = tpu.memref_slice %arg4[%sub3A_1089, %dma_wait3A_1091, %add3A, %dma_wait3A_1096, %dma_wait3A_1097] : memref<200x8x32x8x128xf32, #tpu.memory_space<hbm>> -> memref<1x1x1x8x128xf32, #tpu.memory_space<hbm>>
        %dma_wait3A_1099 = tpu.memref_squeeze %dma_wait3A_1098 : memref<1x1x1x8x128xf32, #tpu.memory_space<hbm>> -> memref<8x128xf32, #tpu.memory_space<hbm>>
        %dma_wait3A_1100 = arith.constant 0 : i32
        %dma_wait3A_1101 = arith.constant 0 : i32
        %dma_wait3A_1102 = tpu.memref_slice %arg4[%sub3A_1089, %dma_wait3A_1091, %add3A, %dma_wait3A_1100, %dma_wait3A_1101] : memref<200x8x32x8x128xf32, #tpu.memory_space<hbm>> -> memref<1x1x1x8x128xf32, #tpu.memory_space<hbm>>
        %dma_wait3A_1103 = tpu.memref_squeeze %dma_wait3A_1102 : memref<1x1x1x8x128xf32, #tpu.memory_space<hbm>> -> memref<8x128xf32, #tpu.memory_space<hbm>>
        %dma_wait3A_1104 = arith.constant 0 : i32
        %dma_wait3A_1105 = arith.constant 0 : i32
        %dma_wait3A_1106 = tpu.memref_slice %arg7[%dma_wait3A_1090, %dma_wait3A_1104, %dma_wait3A_1105] : memref<2x64x129xf32, #tpu.memory_space<vmem>> -> memref<1x8x128xf32, #tpu.memory_space<vmem>>
        %dma_wait3A_1107 = tpu.memref_squeeze %dma_wait3A_1106 : memref<1x8x128xf32, #tpu.memory_space<vmem>> -> memref<8x128xf32, #tpu.memory_space<vmem>>
        tpu.wait_dma2 semaphore(%arg12 : memref<!tpu.dma_semaphore, #tpu.memory_space<semaphore_mem>>) src(%dma_wait3A_1107 : memref<8x128xf32, #tpu.memory_space<vmem>>) dst(%dma_wait3A_1103 : memref<8x128xf32, #tpu.memory_space<hbm>>)
        %dma_wait3A_1108 = arith.constant 0 : i32
        %dma_wait3A_1109 = arith.constant 1 : i32
        %dma_wait3A_1110 = arith.constant 8 : i32
        %dma_wait3A_1111 = arith.constant 0 : i32
        %dma_wait3A_1112 = tpu.memref_slice %arg7[%dma_wait3A_1108, %dma_wait3A_1110, %dma_wait3A_1111] : memref<2x64x129xf32, #tpu.memory_space<vmem>> -> memref<1x8x128xf32, #tpu.memory_space<vmem>>
        %dma_wait3A_1113 = tpu.memref_squeeze %dma_wait3A_1112 : memref<1x8x128xf32, #tpu.memory_space<vmem>> -> memref<8x128xf32, #tpu.memory_space<vmem>>
        %dma_wait3A_1114 = arith.constant 0 : i32
        %dma_wait3A_1115 = arith.constant 0 : i32
        %dma_wait3A_1116 = tpu.memref_slice %arg4[%sub3A_1089, %dma_wait3A_1109, %add3A, %dma_wait3A_1114, %dma_wait3A_1115] : memref<200x8x32x8x128xf32, #tpu.memory_space<hbm>> -> memref<1x1x1x8x128xf32, #tpu.memory_space<hbm>>
        %dma_wait3A_1117 = tpu.memref_squeeze %dma_wait3A_1116 : memref<1x1x1x8x128xf32, #tpu.memory_space<hbm>> -> memref<8x128xf32, #tpu.memory_space<hbm>>
        %dma_wait3A_1118 = arith.constant 0 : i32
        %dma_wait3A_1119 = arith.constant 0 : i32
        %dma_wait3A_1120 = tpu.memref_slice %arg4[%sub3A_1089, %dma_wait3A_1109, %add3A, %dma_wait3A_1118, %dma_wait3A_1119] : memref<200x8x32x8x128xf32, #tpu.memory_space<hbm>> -> memref<1x1x1x8x128xf32, #tpu.memory_space<hbm>>
        %dma_wait3A_1121 = tpu.memref_squeeze %dma_wait3A_1120 : memref<1x1x1x8x128xf32, #tpu.memory_space<hbm>> -> memref<8x128xf32, #tpu.memory_space<hbm>>
        %dma_wait3A_1122 = arith.constant 8 : i32
        %dma_wait3A_1123 = arith.constant 0 : i32
        %dma_wait3A_1124 = tpu.memref_slice %arg7[%dma_wait3A_1108, %dma_wait3A_1122, %dma_wait3A_1123] : memref<2x64x129xf32, #tpu.memory_space<vmem>> -> memref<1x8x128xf32, #tpu.memory_space<vmem>>
        %dma_wait3A_1125 = tpu.memref_squeeze %dma_wait3A_1124 : memref<1x8x128xf32, #tpu.memory_space<vmem>> -> memref<8x128xf32, #tpu.memory_space<vmem>>
        tpu.wait_dma2 semaphore(%arg12 : memref<!tpu.dma_semaphore, #tpu.memory_space<semaphore_mem>>) src(%dma_wait3A_1125 : memref<8x128xf32, #tpu.memory_space<vmem>>) dst(%dma_wait3A_1121 : memref<8x128xf32, #tpu.memory_space<hbm>>)
        %dma_wait3A_1126 = arith.constant 0 : i32
        %dma_wait3A_1127 = arith.constant 2 : i32
        %dma_wait3A_1128 = arith.constant 16 : i32
        %dma_wait3A_1129 = arith.constant 0 : i32
        %dma_wait3A_1130 = tpu.memref_slice %arg7[%dma_wait3A_1126, %dma_wait3A_1128, %dma_wait3A_1129] : memref<2x64x129xf32, #tpu.memory_space<vmem>> -> memref<1x8x128xf32, #tpu.memory_space<vmem>>
        %dma_wait3A_1131 = tpu.memref_squeeze %dma_wait3A_1130 : memref<1x8x128xf32, #tpu.memory_space<vmem>> -> memref<8x128xf32, #tpu.memory_space<vmem>>
        %dma_wait3A_1132 = arith.constant 0 : i32
        %dma_wait3A_1133 = arith.constant 0 : i32
        %dma_wait3A_1134 = tpu.memref_slice %arg4[%sub3A_1089, %dma_wait3A_1127, %add3A, %dma_wait3A_1132, %dma_wait3A_1133] : memref<200x8x32x8x128xf32, #tpu.memory_space<hbm>> -> memref<1x1x1x8x128xf32, #tpu.memory_space<hbm>>
        %dma_wait3A_1135 = tpu.memref_squeeze %dma_wait3A_1134 : memref<1x1x1x8x128xf32, #tpu.memory_space<hbm>> -> memref<8x128xf32, #tpu.memory_space<hbm>>
        %dma_wait3A_1136 = arith.constant 0 : i32
        %dma_wait3A_1137 = arith.constant 0 : i32
        %dma_wait3A_1138 = tpu.memref_slice %arg4[%sub3A_1089, %dma_wait3A_1127, %add3A, %dma_wait3A_1136, %dma_wait3A_1137] : memref<200x8x32x8x128xf32, #tpu.memory_space<hbm>> -> memref<1x1x1x8x128xf32, #tpu.memory_space<hbm>>
        %dma_wait3A_1139 = tpu.memref_squeeze %dma_wait3A_1138 : memref<1x1x1x8x128xf32, #tpu.memory_space<hbm>> -> memref<8x128xf32, #tpu.memory_space<hbm>>
        %dma_wait3A_1140 = arith.constant 16 : i32
        %dma_wait3A_1141 = arith.constant 0 : i32
        %dma_wait3A_1142 = tpu.memref_slice %arg7[%dma_wait3A_1126, %dma_wait3A_1140, %dma_wait3A_1141] : memref<2x64x129xf32, #tpu.memory_space<vmem>> -> memref<1x8x128xf32, #tpu.memory_space<vmem>>
        %dma_wait3A_1143 = tpu.memref_squeeze %dma_wait3A_1142 : memref<1x8x128xf32, #tpu.memory_space<vmem>> -> memref<8x128xf32, #tpu.memory_space<vmem>>
        tpu.wait_dma2 semaphore(%arg12 : memref<!tpu.dma_semaphore, #tpu.memory_space<semaphore_mem>>) src(%dma_wait3A_1143 : memref<8x128xf32, #tpu.memory_space<vmem>>) dst(%dma_wait3A_1139 : memref<8x128xf32, #tpu.memory_space<hbm>>)
        %dma_wait3A_1144 = arith.constant 0 : i32
        %dma_wait3A_1145 = arith.constant 3 : i32
        %dma_wait3A_1146 = arith.constant 24 : i32
        %dma_wait3A_1147 = arith.constant 0 : i32
        %dma_wait3A_1148 = tpu.memref_slice %arg7[%dma_wait3A_1144, %dma_wait3A_1146, %dma_wait3A_1147] : memref<2x64x129xf32, #tpu.memory_space<vmem>> -> memref<1x8x128xf32, #tpu.memory_space<vmem>>
        %dma_wait3A_1149 = tpu.memref_squeeze %dma_wait3A_1148 : memref<1x8x128xf32, #tpu.memory_space<vmem>> -> memref<8x128xf32, #tpu.memory_space<vmem>>
        %dma_wait3A_1150 = arith.constant 0 : i32
        %dma_wait3A_1151 = arith.constant 0 : i32
        %dma_wait3A_1152 = tpu.memref_slice %arg4[%sub3A_1089, %dma_wait3A_1145, %add3A, %dma_wait3A_1150, %dma_wait3A_1151] : memref<200x8x32x8x128xf32, #tpu.memory_space<hbm>> -> memref<1x1x1x8x128xf32, #tpu.memory_space<hbm>>
        %dma_wait3A_1153 = tpu.memref_squeeze %dma_wait3A_1152 : memref<1x1x1x8x128xf32, #tpu.memory_space<hbm>> -> memref<8x128xf32, #tpu.memory_space<hbm>>
        %dma_wait3A_1154 = arith.constant 0 : i32
        %dma_wait3A_1155 = arith.constant 0 : i32
        %dma_wait3A_1156 = tpu.memref_slice %arg4[%sub3A_1089, %dma_wait3A_1145, %add3A, %dma_wait3A_1154, %dma_wait3A_1155] : memref<200x8x32x8x128xf32, #tpu.memory_space<hbm>> -> memref<1x1x1x8x128xf32, #tpu.memory_space<hbm>>
        %dma_wait3A_1157 = tpu.memref_squeeze %dma_wait3A_1156 : memref<1x1x1x8x128xf32, #tpu.memory_space<hbm>> -> memref<8x128xf32, #tpu.memory_space<hbm>>
        %dma_wait3A_1158 = arith.constant 24 : i32
        %dma_wait3A_1159 = arith.constant 0 : i32
        %dma_wait3A_1160 = tpu.memref_slice %arg7[%dma_wait3A_1144, %dma_wait3A_1158, %dma_wait3A_1159] : memref<2x64x129xf32, #tpu.memory_space<vmem>> -> memref<1x8x128xf32, #tpu.memory_space<vmem>>
        %dma_wait3A_1161 = tpu.memref_squeeze %dma_wait3A_1160 : memref<1x8x128xf32, #tpu.memory_space<vmem>> -> memref<8x128xf32, #tpu.memory_space<vmem>>
        tpu.wait_dma2 semaphore(%arg12 : memref<!tpu.dma_semaphore, #tpu.memory_space<semaphore_mem>>) src(%dma_wait3A_1161 : memref<8x128xf32, #tpu.memory_space<vmem>>) dst(%dma_wait3A_1157 : memref<8x128xf32, #tpu.memory_space<hbm>>)
        %dma_wait3A_1162 = arith.constant 0 : i32
        %dma_wait3A_1163 = arith.constant 4 : i32
        %dma_wait3A_1164 = arith.constant 32 : i32
        %dma_wait3A_1165 = arith.constant 0 : i32
        %dma_wait3A_1166 = tpu.memref_slice %arg7[%dma_wait3A_1162, %dma_wait3A_1164, %dma_wait3A_1165] : memref<2x64x129xf32, #tpu.memory_space<vmem>> -> memref<1x8x128xf32, #tpu.memory_space<vmem>>
        %dma_wait3A_1167 = tpu.memref_squeeze %dma_wait3A_1166 : memref<1x8x128xf32, #tpu.memory_space<vmem>> -> memref<8x128xf32, #tpu.memory_space<vmem>>
        %dma_wait3A_1168 = arith.constant 0 : i32
        %dma_wait3A_1169 = arith.constant 0 : i32
        %dma_wait3A_1170 = tpu.memref_slice %arg4[%sub3A_1089, %dma_wait3A_1163, %add3A, %dma_wait3A_1168, %dma_wait3A_1169] : memref<200x8x32x8x128xf32, #tpu.memory_space<hbm>> -> memref<1x1x1x8x128xf32, #tpu.memory_space<hbm>>
        %dma_wait3A_1171 = tpu.memref_squeeze %dma_wait3A_1170 : memref<1x1x1x8x128xf32, #tpu.memory_space<hbm>> -> memref<8x128xf32, #tpu.memory_space<hbm>>
        %dma_wait3A_1172 = arith.constant 0 : i32
        %dma_wait3A_1173 = arith.constant 0 : i32
        %dma_wait3A_1174 = tpu.memref_slice %arg4[%sub3A_1089, %dma_wait3A_1163, %add3A, %dma_wait3A_1172, %dma_wait3A_1173] : memref<200x8x32x8x128xf32, #tpu.memory_space<hbm>> -> memref<1x1x1x8x128xf32, #tpu.memory_space<hbm>>
        %dma_wait3A_1175 = tpu.memref_squeeze %dma_wait3A_1174 : memref<1x1x1x8x128xf32, #tpu.memory_space<hbm>> -> memref<8x128xf32, #tpu.memory_space<hbm>>
        %dma_wait3A_1176 = arith.constant 32 : i32
        %dma_wait3A_1177 = arith.constant 0 : i32
        %dma_wait3A_1178 = tpu.memref_slice %arg7[%dma_wait3A_1162, %dma_wait3A_1176, %dma_wait3A_1177] : memref<2x64x129xf32, #tpu.memory_space<vmem>> -> memref<1x8x128xf32, #tpu.memory_space<vmem>>
        %dma_wait3A_1179 = tpu.memref_squeeze %dma_wait3A_1178 : memref<1x8x128xf32, #tpu.memory_space<vmem>> -> memref<8x128xf32, #tpu.memory_space<vmem>>
        tpu.wait_dma2 semaphore(%arg12 : memref<!tpu.dma_semaphore, #tpu.memory_space<semaphore_mem>>) src(%dma_wait3A_1179 : memref<8x128xf32, #tpu.memory_space<vmem>>) dst(%dma_wait3A_1175 : memref<8x128xf32, #tpu.memory_space<hbm>>)
        %dma_wait3A_1180 = arith.constant 0 : i32
        %dma_wait3A_1181 = arith.constant 5 : i32
        %dma_wait3A_1182 = arith.constant 40 : i32
        %dma_wait3A_1183 = arith.constant 0 : i32
        %dma_wait3A_1184 = tpu.memref_slice %arg7[%dma_wait3A_1180, %dma_wait3A_1182, %dma_wait3A_1183] : memref<2x64x129xf32, #tpu.memory_space<vmem>> -> memref<1x8x128xf32, #tpu.memory_space<vmem>>
        %dma_wait3A_1185 = tpu.memref_squeeze %dma_wait3A_1184 : memref<1x8x128xf32, #tpu.memory_space<vmem>> -> memref<8x128xf32, #tpu.memory_space<vmem>>
        %dma_wait3A_1186 = arith.constant 0 : i32
        %dma_wait3A_1187 = arith.constant 0 : i32
        %dma_wait3A_1188 = tpu.memref_slice %arg4[%sub3A_1089, %dma_wait3A_1181, %add3A, %dma_wait3A_1186, %dma_wait3A_1187] : memref<200x8x32x8x128xf32, #tpu.memory_space<hbm>> -> memref<1x1x1x8x128xf32, #tpu.memory_space<hbm>>
        %dma_wait3A_1189 = tpu.memref_squeeze %dma_wait3A_1188 : memref<1x1x1x8x128xf32, #tpu.memory_space<hbm>> -> memref<8x128xf32, #tpu.memory_space<hbm>>
        %dma_wait3A_1190 = arith.constant 0 : i32
        %dma_wait3A_1191 = arith.constant 0 : i32
        %dma_wait3A_1192 = tpu.memref_slice %arg4[%sub3A_1089, %dma_wait3A_1181, %add3A, %dma_wait3A_1190, %dma_wait3A_1191] : memref<200x8x32x8x128xf32, #tpu.memory_space<hbm>> -> memref<1x1x1x8x128xf32, #tpu.memory_space<hbm>>
        %dma_wait3A_1193 = tpu.memref_squeeze %dma_wait3A_1192 : memref<1x1x1x8x128xf32, #tpu.memory_space<hbm>> -> memref<8x128xf32, #tpu.memory_space<hbm>>
        %dma_wait3A_1194 = arith.constant 40 : i32
        %dma_wait3A_1195 = arith.constant 0 : i32
        %dma_wait3A_1196 = tpu.memref_slice %arg7[%dma_wait3A_1180, %dma_wait3A_1194, %dma_wait3A_1195] : memref<2x64x129xf32, #tpu.memory_space<vmem>> -> memref<1x8x128xf32, #tpu.memory_space<vmem>>
        %dma_wait3A_1197 = tpu.memref_squeeze %dma_wait3A_1196 : memref<1x8x128xf32, #tpu.memory_space<vmem>> -> memref<8x128xf32, #tpu.memory_space<vmem>>
        tpu.wait_dma2 semaphore(%arg12 : memref<!tpu.dma_semaphore, #tpu.memory_space<semaphore_mem>>) src(%dma_wait3A_1197 : memref<8x128xf32, #tpu.memory_space<vmem>>) dst(%dma_wait3A_1193 : memref<8x128xf32, #tpu.memory_space<hbm>>)
        %dma_wait3A_1198 = arith.constant 0 : i32
        %dma_wait3A_1199 = arith.constant 6 : i32
        %dma_wait3A_1200 = arith.constant 48 : i32
        %dma_wait3A_1201 = arith.constant 0 : i32
        %dma_wait3A_1202 = tpu.memref_slice %arg7[%dma_wait3A_1198, %dma_wait3A_1200, %dma_wait3A_1201] : memref<2x64x129xf32, #tpu.memory_space<vmem>> -> memref<1x8x128xf32, #tpu.memory_space<vmem>>
        %dma_wait3A_1203 = tpu.memref_squeeze %dma_wait3A_1202 : memref<1x8x128xf32, #tpu.memory_space<vmem>> -> memref<8x128xf32, #tpu.memory_space<vmem>>
        %dma_wait3A_1204 = arith.constant 0 : i32
        %dma_wait3A_1205 = arith.constant 0 : i32
        %dma_wait3A_1206 = tpu.memref_slice %arg4[%sub3A_1089, %dma_wait3A_1199, %add3A, %dma_wait3A_1204, %dma_wait3A_1205] : memref<200x8x32x8x128xf32, #tpu.memory_space<hbm>> -> memref<1x1x1x8x128xf32, #tpu.memory_space<hbm>>
        %dma_wait3A_1207 = tpu.memref_squeeze %dma_wait3A_1206 : memref<1x1x1x8x128xf32, #tpu.memory_space<hbm>> -> memref<8x128xf32, #tpu.memory_space<hbm>>
        %dma_wait3A_1208 = arith.constant 0 : i32
        %dma_wait3A_1209 = arith.constant 0 : i32
        %dma_wait3A_1210 = tpu.memref_slice %arg4[%sub3A_1089, %dma_wait3A_1199, %add3A, %dma_wait3A_1208, %dma_wait3A_1209] : memref<200x8x32x8x128xf32, #tpu.memory_space<hbm>> -> memref<1x1x1x8x128xf32, #tpu.memory_space<hbm>>
        %dma_wait3A_1211 = tpu.memref_squeeze %dma_wait3A_1210 : memref<1x1x1x8x128xf32, #tpu.memory_space<hbm>> -> memref<8x128xf32, #tpu.memory_space<hbm>>
        %dma_wait3A_1212 = arith.constant 48 : i32
        %dma_wait3A_1213 = arith.constant 0 : i32
        %dma_wait3A_1214 = tpu.memref_slice %arg7[%dma_wait3A_1198, %dma_wait3A_1212, %dma_wait3A_1213] : memref<2x64x129xf32, #tpu.memory_space<vmem>> -> memref<1x8x128xf32, #tpu.memory_space<vmem>>
        %dma_wait3A_1215 = tpu.memref_squeeze %dma_wait3A_1214 : memref<1x8x128xf32, #tpu.memory_space<vmem>> -> memref<8x128xf32, #tpu.memory_space<vmem>>
        tpu.wait_dma2 semaphore(%arg12 : memref<!tpu.dma_semaphore, #tpu.memory_space<semaphore_mem>>) src(%dma_wait3A_1215 : memref<8x128xf32, #tpu.memory_space<vmem>>) dst(%dma_wait3A_1211 : memref<8x128xf32, #tpu.memory_space<hbm>>)
        %dma_wait3A_1216 = arith.constant 0 : i32
        %dma_wait3A_1217 = arith.constant 7 : i32
        %dma_wait3A_1218 = arith.constant 56 : i32
        %dma_wait3A_1219 = arith.constant 0 : i32
        %dma_wait3A_1220 = tpu.memref_slice %arg7[%dma_wait3A_1216, %dma_wait3A_1218, %dma_wait3A_1219] : memref<2x64x129xf32, #tpu.memory_space<vmem>> -> memref<1x8x128xf32, #tpu.memory_space<vmem>>
        %dma_wait3A_1221 = tpu.memref_squeeze %dma_wait3A_1220 : memref<1x8x128xf32, #tpu.memory_space<vmem>> -> memref<8x128xf32, #tpu.memory_space<vmem>>
        %dma_wait3A_1222 = arith.constant 0 : i32
        %dma_wait3A_1223 = arith.constant 0 : i32
        %dma_wait3A_1224 = tpu.memref_slice %arg4[%sub3A_1089, %dma_wait3A_1217, %add3A, %dma_wait3A_1222, %dma_wait3A_1223] : memref<200x8x32x8x128xf32, #tpu.memory_space<hbm>> -> memref<1x1x1x8x128xf32, #tpu.memory_space<hbm>>
        %dma_wait3A_1225 = tpu.memref_squeeze %dma_wait3A_1224 : memref<1x1x1x8x128xf32, #tpu.memory_space<hbm>> -> memref<8x128xf32, #tpu.memory_space<hbm>>
        %dma_wait3A_1226 = arith.constant 0 : i32
        %dma_wait3A_1227 = arith.constant 0 : i32
        %dma_wait3A_1228 = tpu.memref_slice %arg4[%sub3A_1089, %dma_wait3A_1217, %add3A, %dma_wait3A_1226, %dma_wait3A_1227] : memref<200x8x32x8x128xf32, #tpu.memory_space<hbm>> -> memref<1x1x1x8x128xf32, #tpu.memory_space<hbm>>
        %dma_wait3A_1229 = tpu.memref_squeeze %dma_wait3A_1228 : memref<1x1x1x8x128xf32, #tpu.memory_space<hbm>> -> memref<8x128xf32, #tpu.memory_space<hbm>>
        %dma_wait3A_1230 = arith.constant 56 : i32
        %dma_wait3A_1231 = arith.constant 0 : i32
        %dma_wait3A_1232 = tpu.memref_slice %arg7[%dma_wait3A_1216, %dma_wait3A_1230, %dma_wait3A_1231] : memref<2x64x129xf32, #tpu.memory_space<vmem>> -> memref<1x8x128xf32, #tpu.memory_space<vmem>>
        %dma_wait3A_1233 = tpu.memref_squeeze %dma_wait3A_1232 : memref<1x8x128xf32, #tpu.memory_space<vmem>> -> memref<8x128xf32, #tpu.memory_space<vmem>>
        tpu.wait_dma2 semaphore(%arg12 : memref<!tpu.dma_semaphore, #tpu.memory_space<semaphore_mem>>) src(%dma_wait3A_1233 : memref<8x128xf32, #tpu.memory_space<vmem>>) dst(%dma_wait3A_1229 : memref<8x128xf32, #tpu.memory_space<hbm>>)
      } else {
      }
      %dma_wait3A_725 = arith.constant 2 : i32
      %dma_wait3A_726 = arith.constant 0 : i32
      %dma_wait3A_727 = arith.constant 0 : i32
      %dma_wait3A_728 = tpu.memref_slice %arg6[%dma_wait3A_725, %dma_wait3A_726, %dma_wait3A_727] : memref<4x128x64xf32, #tpu.memory_space<vmem>> -> memref<1x128x64xf32, #tpu.memory_space<vmem>>
      %dma_wait3A_729 = tpu.memref_squeeze %dma_wait3A_728 : memref<1x128x64xf32, #tpu.memory_space<vmem>> -> memref<128x64xf32, #tpu.memory_space<vmem>>
      %dma_wait3A_730 = arith.constant 0 : i32
      %dma_wait3A_731 = tpu.memref_slice %arg5[%add3A_712, %dma_wait3A_730] : memref<200x128xi32, #tpu.memory_space<vmem>> -> memref<1x128xi32, #tpu.memory_space<vmem>>
      %dma_wait3A_732 = tpu.memref_squeeze %dma_wait3A_731 : memref<1x128xi32, #tpu.memory_space<vmem>> -> memref<128xi32, #tpu.memory_space<vmem>>
      %dma_wait3A_733 = arith.constant 0 : i32
      %dma_wait3A_734 = arith.constant 0 : i32
      %dma_wait3A_735 = tpu.memref_slice %arg2[%dma_wait3A_733, %dma_wait3A_734] : memref<1000000x64xf32, #tpu.memory_space<hbm>> -> memref<1000000x64xf32, #tpu.memory_space<hbm>>
      tpu.wait_indirect_dma semaphore(%arg10 : memref<!tpu.dma_semaphore, #tpu.memory_space<semaphore_mem>>) src(%dma_wait3A_735 : memref<1000000x64xf32, #tpu.memory_space<hbm>>) dst(%dma_wait3A_729 : memref<128x64xf32, #tpu.memory_space<vmem>>)
      %iota3A_736 = tpu.iota {dimensions = array<i32: 0>} : vector<16xi32>
      %add3A_737 = arith.constant 0 : i32
      %add3A_738 = vector.broadcast %add3A_737 : i32 to vector<16xi32>
      %add3A_739 = arith.addi %iota3A_736, %add3A_738 : vector<16xi32>
      %iota3A_740 = tpu.iota {dimensions = array<i32: 0>} : vector<16xi32>
      %add3A_741 = arith.constant 16 : i32
      %add3A_742 = vector.broadcast %add3A_741 : i32 to vector<16xi32>
      %add3A_743 = arith.addi %iota3A_740, %add3A_742 : vector<16xi32>
      %iota3A_744 = tpu.iota {dimensions = array<i32: 0>} : vector<16xi32>
      %add3A_745 = arith.constant 32 : i32
      %add3A_746 = vector.broadcast %add3A_745 : i32 to vector<16xi32>
      %add3A_747 = arith.addi %iota3A_744, %add3A_746 : vector<16xi32>
      %iota3A_748 = tpu.iota {dimensions = array<i32: 0>} : vector<16xi32>
      %add3A_749 = arith.constant 48 : i32
      %add3A_750 = vector.broadcast %add3A_749 : i32 to vector<16xi32>
      %add3A_751 = arith.addi %iota3A_748, %add3A_750 : vector<16xi32>
      %parallel_loop3A_752 = arith.constant 0 : i32
      %parallel_loop3A_753 = arith.constant 128 : i32
      %parallel_loop3A_754 = arith.constant 1 : i32
      scf.for %parallel_loop3A_1089 = %parallel_loop3A_752 to %parallel_loop3A_753 step %parallel_loop3A_754  : i32 {
        %parallel_loop3A_1090 = vector.broadcast %parallel_loop3A_1089 : i32 to vector<16xi32>
        %parallel_loop3A_1091 = arith.constant 2 : i32
        %parallel_loop3A_1092 = arith.index_cast %parallel_loop3A_1091 : i32 to index
        %parallel_loop3A_1093 = arith.index_cast %parallel_loop3A_1089 : i32 to index
        %parallel_loop3A_1094 = arith.constant 0 : index
        %parallel_loop3A_1095 = tpu.vector_load %arg6[%parallel_loop3A_1092, %parallel_loop3A_1093, %parallel_loop3A_1094] {strides = array<i32>} : memref<4x128x64xf32, #tpu.memory_space<vmem>>, vector<16xf32>,
        %parallel_loop3A_1096 = arith.constant 0 : i32
        %parallel_loop3A_1097 = arith.constant 0 : i32
        %parallel_loop3A_1098 = arith.constant 0 : i32
        %parallel_loop3A_1099 = tpu.memref_slice %arg7[%parallel_loop3A_1096, %parallel_loop3A_1097, %parallel_loop3A_1098] : memref<2x64x129xf32, #tpu.memory_space<vmem>> -> memref<1x64x129xf32, #tpu.memory_space<vmem>>
        %parallel_loop3A_1100 = tpu.memref_squeeze %parallel_loop3A_1099 : memref<1x64x129xf32, #tpu.memory_space<vmem>> -> memref<64x129xf32, #tpu.memory_space<vmem>>
        tpu.vector_store_idx %parallel_loop3A_1100[%add3A_739, %parallel_loop3A_1090], %parallel_loop3A_1095 : memref<64x129xf32, #tpu.memory_space<vmem>>[vector<16xi32>, vector<16xi32>], vector<16xf32>,
        %parallel_loop3A_1101 = arith.constant 2 : i32
        %parallel_loop3A_1102 = arith.index_cast %parallel_loop3A_1101 : i32 to index
        %parallel_loop3A_1103 = arith.index_cast %parallel_loop3A_1089 : i32 to index
        %parallel_loop3A_1104 = arith.constant 16 : index
        %parallel_loop3A_1105 = tpu.vector_load %arg6[%parallel_loop3A_1102, %parallel_loop3A_1103, %parallel_loop3A_1104] {strides = array<i32>} : memref<4x128x64xf32, #tpu.memory_space<vmem>>, vector<16xf32>,
        %parallel_loop3A_1106 = arith.constant 0 : i32
        %parallel_loop3A_1107 = arith.constant 0 : i32
        %parallel_loop3A_1108 = arith.constant 0 : i32
        %parallel_loop3A_1109 = tpu.memref_slice %arg7[%parallel_loop3A_1106, %parallel_loop3A_1107, %parallel_loop3A_1108] : memref<2x64x129xf32, #tpu.memory_space<vmem>> -> memref<1x64x129xf32, #tpu.memory_space<vmem>>
        %parallel_loop3A_1110 = tpu.memref_squeeze %parallel_loop3A_1109 : memref<1x64x129xf32, #tpu.memory_space<vmem>> -> memref<64x129xf32, #tpu.memory_space<vmem>>
        tpu.vector_store_idx %parallel_loop3A_1110[%add3A_743, %parallel_loop3A_1090], %parallel_loop3A_1105 : memref<64x129xf32, #tpu.memory_space<vmem>>[vector<16xi32>, vector<16xi32>], vector<16xf32>,
        %parallel_loop3A_1111 = arith.constant 2 : i32
        %parallel_loop3A_1112 = arith.index_cast %parallel_loop3A_1111 : i32 to index
        %parallel_loop3A_1113 = arith.index_cast %parallel_loop3A_1089 : i32 to index
        %parallel_loop3A_1114 = arith.constant 32 : index
        %parallel_loop3A_1115 = tpu.vector_load %arg6[%parallel_loop3A_1112, %parallel_loop3A_1113, %parallel_loop3A_1114] {strides = array<i32>} : memref<4x128x64xf32, #tpu.memory_space<vmem>>, vector<16xf32>,
        %parallel_loop3A_1116 = arith.constant 0 : i32
        %parallel_loop3A_1117 = arith.constant 0 : i32
        %parallel_loop3A_1118 = arith.constant 0 : i32
        %parallel_loop3A_1119 = tpu.memref_slice %arg7[%parallel_loop3A_1116, %parallel_loop3A_1117, %parallel_loop3A_1118] : memref<2x64x129xf32, #tpu.memory_space<vmem>> -> memref<1x64x129xf32, #tpu.memory_space<vmem>>
        %parallel_loop3A_1120 = tpu.memref_squeeze %parallel_loop3A_1119 : memref<1x64x129xf32, #tpu.memory_space<vmem>> -> memref<64x129xf32, #tpu.memory_space<vmem>>
        tpu.vector_store_idx %parallel_loop3A_1120[%add3A_747, %parallel_loop3A_1090], %parallel_loop3A_1115 : memref<64x129xf32, #tpu.memory_space<vmem>>[vector<16xi32>, vector<16xi32>], vector<16xf32>,
        %parallel_loop3A_1121 = arith.constant 2 : i32
        %parallel_loop3A_1122 = arith.index_cast %parallel_loop3A_1121 : i32 to index
        %parallel_loop3A_1123 = arith.index_cast %parallel_loop3A_1089 : i32 to index
        %parallel_loop3A_1124 = arith.constant 48 : index
        %parallel_loop3A_1125 = tpu.vector_load %arg6[%parallel_loop3A_1122, %parallel_loop3A_1123, %parallel_loop3A_1124] {strides = array<i32>} : memref<4x128x64xf32, #tpu.memory_space<vmem>>, vector<16xf32>,
        %parallel_loop3A_1126 = arith.constant 0 : i32
        %parallel_loop3A_1127 = arith.constant 0 : i32
        %parallel_loop3A_1128 = arith.constant 0 : i32
        %parallel_loop3A_1129 = tpu.memref_slice %arg7[%parallel_loop3A_1126, %parallel_loop3A_1127, %parallel_loop3A_1128] : memref<2x64x129xf32, #tpu.memory_space<vmem>> -> memref<1x64x129xf32, #tpu.memory_space<vmem>>
        %parallel_loop3A_1130 = tpu.memref_squeeze %parallel_loop3A_1129 : memref<1x64x129xf32, #tpu.memory_space<vmem>> -> memref<64x129xf32, #tpu.memory_space<vmem>>
        tpu.vector_store_idx %parallel_loop3A_1130[%add3A_751, %parallel_loop3A_1090], %parallel_loop3A_1125 : memref<64x129xf32, #tpu.memory_space<vmem>>[vector<16xi32>, vector<16xi32>], vector<16xf32>,
      } {sc.loop_unroll_factor = 8 : i64, sc.parallel_access}
      %dma_start3A_755 = arith.constant 0 : i32
      %dma_start3A_756 = arith.constant 0 : i32
      %dma_start3A_757 = arith.constant 0 : i32
      %dma_start3A_758 = arith.constant 0 : i32
      %dma_start3A_759 = tpu.memref_slice %arg7[%dma_start3A_755, %dma_start3A_757, %dma_start3A_758] : memref<2x64x129xf32, #tpu.memory_space<vmem>> -> memref<1x8x128xf32, #tpu.memory_space<vmem>>
      %dma_start3A_760 = tpu.memref_squeeze %dma_start3A_759 : memref<1x8x128xf32, #tpu.memory_space<vmem>> -> memref<8x128xf32, #tpu.memory_space<vmem>>
      %dma_start3A_761 = arith.constant 0 : i32
      %dma_start3A_762 = arith.constant 0 : i32
      %dma_start3A_763 = tpu.memref_slice %arg4[%add3A_712, %dma_start3A_756, %add3A, %dma_start3A_761, %dma_start3A_762] : memref<200x8x32x8x128xf32, #tpu.memory_space<hbm>> -> memref<1x1x1x8x128xf32, #tpu.memory_space<hbm>>
      %dma_start3A_764 = tpu.memref_squeeze %dma_start3A_763 : memref<1x1x1x8x128xf32, #tpu.memory_space<hbm>> -> memref<8x128xf32, #tpu.memory_space<hbm>>
      %dma_start3A_765 = arith.constant 0 : i32
      %dma_start3A_766 = arith.constant 0 : i32
      %dma_start3A_767 = tpu.memref_slice %arg4[%add3A_712, %dma_start3A_756, %add3A, %dma_start3A_765, %dma_start3A_766] : memref<200x8x32x8x128xf32, #tpu.memory_space<hbm>> -> memref<1x1x1x8x128xf32, #tpu.memory_space<hbm>>
      %dma_start3A_768 = tpu.memref_squeeze %dma_start3A_767 : memref<1x1x1x8x128xf32, #tpu.memory_space<hbm>> -> memref<8x128xf32, #tpu.memory_space<hbm>>
      %dma_start3A_769 = arith.constant 0 : i32
      %dma_start3A_770 = arith.constant 0 : i32
      %dma_start3A_771 = tpu.memref_slice %arg7[%dma_start3A_755, %dma_start3A_769, %dma_start3A_770] : memref<2x64x129xf32, #tpu.memory_space<vmem>> -> memref<1x8x128xf32, #tpu.memory_space<vmem>>
      %dma_start3A_772 = tpu.memref_squeeze %dma_start3A_771 : memref<1x8x128xf32, #tpu.memory_space<vmem>> -> memref<8x128xf32, #tpu.memory_space<vmem>>
      tpu.enqueue_dma source(%dma_start3A_772 : memref<8x128xf32, #tpu.memory_space<vmem>>) target(%dma_start3A_768 : memref<8x128xf32, #tpu.memory_space<hbm>>) target_semaphore(%arg12 : memref<!tpu.dma_semaphore, #tpu.memory_space<semaphore_mem>>)
      %dma_start3A_773 = arith.constant 0 : i32
      %dma_start3A_774 = arith.constant 1 : i32
      %dma_start3A_775 = arith.constant 8 : i32
      %dma_start3A_776 = arith.constant 0 : i32
      %dma_start3A_777 = tpu.memref_slice %arg7[%dma_start3A_773, %dma_start3A_775, %dma_start3A_776] : memref<2x64x129xf32, #tpu.memory_space<vmem>> -> memref<1x8x128xf32, #tpu.memory_space<vmem>>
      %dma_start3A_778 = tpu.memref_squeeze %dma_start3A_777 : memref<1x8x128xf32, #tpu.memory_space<vmem>> -> memref<8x128xf32, #tpu.memory_space<vmem>>
      %dma_start3A_779 = arith.constant 0 : i32
      %dma_start3A_780 = arith.constant 0 : i32
      %dma_start3A_781 = tpu.memref_slice %arg4[%add3A_712, %dma_start3A_774, %add3A, %dma_start3A_779, %dma_start3A_780] : memref<200x8x32x8x128xf32, #tpu.memory_space<hbm>> -> memref<1x1x1x8x128xf32, #tpu.memory_space<hbm>>
      %dma_start3A_782 = tpu.memref_squeeze %dma_start3A_781 : memref<1x1x1x8x128xf32, #tpu.memory_space<hbm>> -> memref<8x128xf32, #tpu.memory_space<hbm>>
      %dma_start3A_783 = arith.constant 0 : i32
      %dma_start3A_784 = arith.constant 0 : i32
      %dma_start3A_785 = tpu.memref_slice %arg4[%add3A_712, %dma_start3A_774, %add3A, %dma_start3A_783, %dma_start3A_784] : memref<200x8x32x8x128xf32, #tpu.memory_space<hbm>> -> memref<1x1x1x8x128xf32, #tpu.memory_space<hbm>>
      %dma_start3A_786 = tpu.memref_squeeze %dma_start3A_785 : memref<1x1x1x8x128xf32, #tpu.memory_space<hbm>> -> memref<8x128xf32, #tpu.memory_space<hbm>>
      %dma_start3A_787 = arith.constant 8 : i32
      %dma_start3A_788 = arith.constant 0 : i32
      %dma_start3A_789 = tpu.memref_slice %arg7[%dma_start3A_773, %dma_start3A_787, %dma_start3A_788] : memref<2x64x129xf32, #tpu.memory_space<vmem>> -> memref<1x8x128xf32, #tpu.memory_space<vmem>>
      %dma_start3A_790 = tpu.memref_squeeze %dma_start3A_789 : memref<1x8x128xf32, #tpu.memory_space<vmem>> -> memref<8x128xf32, #tpu.memory_space<vmem>>
      tpu.enqueue_dma source(%dma_start3A_790 : memref<8x128xf32, #tpu.memory_space<vmem>>) target(%dma_start3A_786 : memref<8x128xf32, #tpu.memory_space<hbm>>) target_semaphore(%arg12 : memref<!tpu.dma_semaphore, #tpu.memory_space<semaphore_mem>>)
      %dma_start3A_791 = arith.constant 0 : i32
      %dma_start3A_792 = arith.constant 2 : i32
      %dma_start3A_793 = arith.constant 16 : i32
      %dma_start3A_794 = arith.constant 0 : i32
      %dma_start3A_795 = tpu.memref_slice %arg7[%dma_start3A_791, %dma_start3A_793, %dma_start3A_794] : memref<2x64x129xf32, #tpu.memory_space<vmem>> -> memref<1x8x128xf32, #tpu.memory_space<vmem>>
      %dma_start3A_796 = tpu.memref_squeeze %dma_start3A_795 : memref<1x8x128xf32, #tpu.memory_space<vmem>> -> memref<8x128xf32, #tpu.memory_space<vmem>>
      %dma_start3A_797 = arith.constant 0 : i32
      %dma_start3A_798 = arith.constant 0 : i32
      %dma_start3A_799 = tpu.memref_slice %arg4[%add3A_712, %dma_start3A_792, %add3A, %dma_start3A_797, %dma_start3A_798] : memref<200x8x32x8x128xf32, #tpu.memory_space<hbm>> -> memref<1x1x1x8x128xf32, #tpu.memory_space<hbm>>
      %dma_start3A_800 = tpu.memref_squeeze %dma_start3A_799 : memref<1x1x1x8x128xf32, #tpu.memory_space<hbm>> -> memref<8x128xf32, #tpu.memory_space<hbm>>
      %dma_start3A_801 = arith.constant 0 : i32
      %dma_start3A_802 = arith.constant 0 : i32
      %dma_start3A_803 = tpu.memref_slice %arg4[%add3A_712, %dma_start3A_792, %add3A, %dma_start3A_801, %dma_start3A_802] : memref<200x8x32x8x128xf32, #tpu.memory_space<hbm>> -> memref<1x1x1x8x128xf32, #tpu.memory_space<hbm>>
      %dma_start3A_804 = tpu.memref_squeeze %dma_start3A_803 : memref<1x1x1x8x128xf32, #tpu.memory_space<hbm>> -> memref<8x128xf32, #tpu.memory_space<hbm>>
      %dma_start3A_805 = arith.constant 16 : i32
      %dma_start3A_806 = arith.constant 0 : i32
      %dma_start3A_807 = tpu.memref_slice %arg7[%dma_start3A_791, %dma_start3A_805, %dma_start3A_806] : memref<2x64x129xf32, #tpu.memory_space<vmem>> -> memref<1x8x128xf32, #tpu.memory_space<vmem>>
      %dma_start3A_808 = tpu.memref_squeeze %dma_start3A_807 : memref<1x8x128xf32, #tpu.memory_space<vmem>> -> memref<8x128xf32, #tpu.memory_space<vmem>>
      tpu.enqueue_dma source(%dma_start3A_808 : memref<8x128xf32, #tpu.memory_space<vmem>>) target(%dma_start3A_804 : memref<8x128xf32, #tpu.memory_space<hbm>>) target_semaphore(%arg12 : memref<!tpu.dma_semaphore, #tpu.memory_space<semaphore_mem>>)
      %dma_start3A_809 = arith.constant 0 : i32
      %dma_start3A_810 = arith.constant 3 : i32
      %dma_start3A_811 = arith.constant 24 : i32
      %dma_start3A_812 = arith.constant 0 : i32
      %dma_start3A_813 = tpu.memref_slice %arg7[%dma_start3A_809, %dma_start3A_811, %dma_start3A_812] : memref<2x64x129xf32, #tpu.memory_space<vmem>> -> memref<1x8x128xf32, #tpu.memory_space<vmem>>
      %dma_start3A_814 = tpu.memref_squeeze %dma_start3A_813 : memref<1x8x128xf32, #tpu.memory_space<vmem>> -> memref<8x128xf32, #tpu.memory_space<vmem>>
      %dma_start3A_815 = arith.constant 0 : i32
      %dma_start3A_816 = arith.constant 0 : i32
      %dma_start3A_817 = tpu.memref_slice %arg4[%add3A_712, %dma_start3A_810, %add3A, %dma_start3A_815, %dma_start3A_816] : memref<200x8x32x8x128xf32, #tpu.memory_space<hbm>> -> memref<1x1x1x8x128xf32, #tpu.memory_space<hbm>>
      %dma_start3A_818 = tpu.memref_squeeze %dma_start3A_817 : memref<1x1x1x8x128xf32, #tpu.memory_space<hbm>> -> memref<8x128xf32, #tpu.memory_space<hbm>>
      %dma_start3A_819 = arith.constant 0 : i32
      %dma_start3A_820 = arith.constant 0 : i32
      %dma_start3A_821 = tpu.memref_slice %arg4[%add3A_712, %dma_start3A_810, %add3A, %dma_start3A_819, %dma_start3A_820] : memref<200x8x32x8x128xf32, #tpu.memory_space<hbm>> -> memref<1x1x1x8x128xf32, #tpu.memory_space<hbm>>
      %dma_start3A_822 = tpu.memref_squeeze %dma_start3A_821 : memref<1x1x1x8x128xf32, #tpu.memory_space<hbm>> -> memref<8x128xf32, #tpu.memory_space<hbm>>
      %dma_start3A_823 = arith.constant 24 : i32
      %dma_start3A_824 = arith.constant 0 : i32
      %dma_start3A_825 = tpu.memref_slice %arg7[%dma_start3A_809, %dma_start3A_823, %dma_start3A_824] : memref<2x64x129xf32, #tpu.memory_space<vmem>> -> memref<1x8x128xf32, #tpu.memory_space<vmem>>
      %dma_start3A_826 = tpu.memref_squeeze %dma_start3A_825 : memref<1x8x128xf32, #tpu.memory_space<vmem>> -> memref<8x128xf32, #tpu.memory_space<vmem>>
      tpu.enqueue_dma source(%dma_start3A_826 : memref<8x128xf32, #tpu.memory_space<vmem>>) target(%dma_start3A_822 : memref<8x128xf32, #tpu.memory_space<hbm>>) target_semaphore(%arg12 : memref<!tpu.dma_semaphore, #tpu.memory_space<semaphore_mem>>)
      %dma_start3A_827 = arith.constant 0 : i32
      %dma_start3A_828 = arith.constant 4 : i32
      %dma_start3A_829 = arith.constant 32 : i32
      %dma_start3A_830 = arith.constant 0 : i32
      %dma_start3A_831 = tpu.memref_slice %arg7[%dma_start3A_827, %dma_start3A_829, %dma_start3A_830] : memref<2x64x129xf32, #tpu.memory_space<vmem>> -> memref<1x8x128xf32, #tpu.memory_space<vmem>>
      %dma_start3A_832 = tpu.memref_squeeze %dma_start3A_831 : memref<1x8x128xf32, #tpu.memory_space<vmem>> -> memref<8x128xf32, #tpu.memory_space<vmem>>
      %dma_start3A_833 = arith.constant 0 : i32
      %dma_start3A_834 = arith.constant 0 : i32
      %dma_start3A_835 = tpu.memref_slice %arg4[%add3A_712, %dma_start3A_828, %add3A, %dma_start3A_833, %dma_start3A_834] : memref<200x8x32x8x128xf32, #tpu.memory_space<hbm>> -> memref<1x1x1x8x128xf32, #tpu.memory_space<hbm>>
      %dma_start3A_836 = tpu.memref_squeeze %dma_start3A_835 : memref<1x1x1x8x128xf32, #tpu.memory_space<hbm>> -> memref<8x128xf32, #tpu.memory_space<hbm>>
      %dma_start3A_837 = arith.constant 0 : i32
      %dma_start3A_838 = arith.constant 0 : i32
      %dma_start3A_839 = tpu.memref_slice %arg4[%add3A_712, %dma_start3A_828, %add3A, %dma_start3A_837, %dma_start3A_838] : memref<200x8x32x8x128xf32, #tpu.memory_space<hbm>> -> memref<1x1x1x8x128xf32, #tpu.memory_space<hbm>>
      %dma_start3A_840 = tpu.memref_squeeze %dma_start3A_839 : memref<1x1x1x8x128xf32, #tpu.memory_space<hbm>> -> memref<8x128xf32, #tpu.memory_space<hbm>>
      %dma_start3A_841 = arith.constant 32 : i32
      %dma_start3A_842 = arith.constant 0 : i32
      %dma_start3A_843 = tpu.memref_slice %arg7[%dma_start3A_827, %dma_start3A_841, %dma_start3A_842] : memref<2x64x129xf32, #tpu.memory_space<vmem>> -> memref<1x8x128xf32, #tpu.memory_space<vmem>>
      %dma_start3A_844 = tpu.memref_squeeze %dma_start3A_843 : memref<1x8x128xf32, #tpu.memory_space<vmem>> -> memref<8x128xf32, #tpu.memory_space<vmem>>
      tpu.enqueue_dma source(%dma_start3A_844 : memref<8x128xf32, #tpu.memory_space<vmem>>) target(%dma_start3A_840 : memref<8x128xf32, #tpu.memory_space<hbm>>) target_semaphore(%arg12 : memref<!tpu.dma_semaphore, #tpu.memory_space<semaphore_mem>>)
      %dma_start3A_845 = arith.constant 0 : i32
      %dma_start3A_846 = arith.constant 5 : i32
      %dma_start3A_847 = arith.constant 40 : i32
      %dma_start3A_848 = arith.constant 0 : i32
      %dma_start3A_849 = tpu.memref_slice %arg7[%dma_start3A_845, %dma_start3A_847, %dma_start3A_848] : memref<2x64x129xf32, #tpu.memory_space<vmem>> -> memref<1x8x128xf32, #tpu.memory_space<vmem>>
      %dma_start3A_850 = tpu.memref_squeeze %dma_start3A_849 : memref<1x8x128xf32, #tpu.memory_space<vmem>> -> memref<8x128xf32, #tpu.memory_space<vmem>>
      %dma_start3A_851 = arith.constant 0 : i32
      %dma_start3A_852 = arith.constant 0 : i32
      %dma_start3A_853 = tpu.memref_slice %arg4[%add3A_712, %dma_start3A_846, %add3A, %dma_start3A_851, %dma_start3A_852] : memref<200x8x32x8x128xf32, #tpu.memory_space<hbm>> -> memref<1x1x1x8x128xf32, #tpu.memory_space<hbm>>
      %dma_start3A_854 = tpu.memref_squeeze %dma_start3A_853 : memref<1x1x1x8x128xf32, #tpu.memory_space<hbm>> -> memref<8x128xf32, #tpu.memory_space<hbm>>
      %dma_start3A_855 = arith.constant 0 : i32
      %dma_start3A_856 = arith.constant 0 : i32
      %dma_start3A_857 = tpu.memref_slice %arg4[%add3A_712, %dma_start3A_846, %add3A, %dma_start3A_855, %dma_start3A_856] : memref<200x8x32x8x128xf32, #tpu.memory_space<hbm>> -> memref<1x1x1x8x128xf32, #tpu.memory_space<hbm>>
      %dma_start3A_858 = tpu.memref_squeeze %dma_start3A_857 : memref<1x1x1x8x128xf32, #tpu.memory_space<hbm>> -> memref<8x128xf32, #tpu.memory_space<hbm>>
      %dma_start3A_859 = arith.constant 40 : i32
      %dma_start3A_860 = arith.constant 0 : i32
      %dma_start3A_861 = tpu.memref_slice %arg7[%dma_start3A_845, %dma_start3A_859, %dma_start3A_860] : memref<2x64x129xf32, #tpu.memory_space<vmem>> -> memref<1x8x128xf32, #tpu.memory_space<vmem>>
      %dma_start3A_862 = tpu.memref_squeeze %dma_start3A_861 : memref<1x8x128xf32, #tpu.memory_space<vmem>> -> memref<8x128xf32, #tpu.memory_space<vmem>>
      tpu.enqueue_dma source(%dma_start3A_862 : memref<8x128xf32, #tpu.memory_space<vmem>>) target(%dma_start3A_858 : memref<8x128xf32, #tpu.memory_space<hbm>>) target_semaphore(%arg12 : memref<!tpu.dma_semaphore, #tpu.memory_space<semaphore_mem>>)
      %dma_start3A_863 = arith.constant 0 : i32
      %dma_start3A_864 = arith.constant 6 : i32
      %dma_start3A_865 = arith.constant 48 : i32
      %dma_start3A_866 = arith.constant 0 : i32
      %dma_start3A_867 = tpu.memref_slice %arg7[%dma_start3A_863, %dma_start3A_865, %dma_start3A_866] : memref<2x64x129xf32, #tpu.memory_space<vmem>> -> memref<1x8x128xf32, #tpu.memory_space<vmem>>
      %dma_start3A_868 = tpu.memref_squeeze %dma_start3A_867 : memref<1x8x128xf32, #tpu.memory_space<vmem>> -> memref<8x128xf32, #tpu.memory_space<vmem>>
      %dma_start3A_869 = arith.constant 0 : i32
      %dma_start3A_870 = arith.constant 0 : i32
      %dma_start3A_871 = tpu.memref_slice %arg4[%add3A_712, %dma_start3A_864, %add3A, %dma_start3A_869, %dma_start3A_870] : memref<200x8x32x8x128xf32, #tpu.memory_space<hbm>> -> memref<1x1x1x8x128xf32, #tpu.memory_space<hbm>>
      %dma_start3A_872 = tpu.memref_squeeze %dma_start3A_871 : memref<1x1x1x8x128xf32, #tpu.memory_space<hbm>> -> memref<8x128xf32, #tpu.memory_space<hbm>>
      %dma_start3A_873 = arith.constant 0 : i32
      %dma_start3A_874 = arith.constant 0 : i32
      %dma_start3A_875 = tpu.memref_slice %arg4[%add3A_712, %dma_start3A_864, %add3A, %dma_start3A_873, %dma_start3A_874] : memref<200x8x32x8x128xf32, #tpu.memory_space<hbm>> -> memref<1x1x1x8x128xf32, #tpu.memory_space<hbm>>
      %dma_start3A_876 = tpu.memref_squeeze %dma_start3A_875 : memref<1x1x1x8x128xf32, #tpu.memory_space<hbm>> -> memref<8x128xf32, #tpu.memory_space<hbm>>
      %dma_start3A_877 = arith.constant 48 : i32
      %dma_start3A_878 = arith.constant 0 : i32
      %dma_start3A_879 = tpu.memref_slice %arg7[%dma_start3A_863, %dma_start3A_877, %dma_start3A_878] : memref<2x64x129xf32, #tpu.memory_space<vmem>> -> memref<1x8x128xf32, #tpu.memory_space<vmem>>
      %dma_start3A_880 = tpu.memref_squeeze %dma_start3A_879 : memref<1x8x128xf32, #tpu.memory_space<vmem>> -> memref<8x128xf32, #tpu.memory_space<vmem>>
      tpu.enqueue_dma source(%dma_start3A_880 : memref<8x128xf32, #tpu.memory_space<vmem>>) target(%dma_start3A_876 : memref<8x128xf32, #tpu.memory_space<hbm>>) target_semaphore(%arg12 : memref<!tpu.dma_semaphore, #tpu.memory_space<semaphore_mem>>)
      %dma_start3A_881 = arith.constant 0 : i32
      %dma_start3A_882 = arith.constant 7 : i32
      %dma_start3A_883 = arith.constant 56 : i32
      %dma_start3A_884 = arith.constant 0 : i32
      %dma_start3A_885 = tpu.memref_slice %arg7[%dma_start3A_881, %dma_start3A_883, %dma_start3A_884] : memref<2x64x129xf32, #tpu.memory_space<vmem>> -> memref<1x8x128xf32, #tpu.memory_space<vmem>>
      %dma_start3A_886 = tpu.memref_squeeze %dma_start3A_885 : memref<1x8x128xf32, #tpu.memory_space<vmem>> -> memref<8x128xf32, #tpu.memory_space<vmem>>
      %dma_start3A_887 = arith.constant 0 : i32
      %dma_start3A_888 = arith.constant 0 : i32
      %dma_start3A_889 = tpu.memref_slice %arg4[%add3A_712, %dma_start3A_882, %add3A, %dma_start3A_887, %dma_start3A_888] : memref<200x8x32x8x128xf32, #tpu.memory_space<hbm>> -> memref<1x1x1x8x128xf32, #tpu.memory_space<hbm>>
      %dma_start3A_890 = tpu.memref_squeeze %dma_start3A_889 : memref<1x1x1x8x128xf32, #tpu.memory_space<hbm>> -> memref<8x128xf32, #tpu.memory_space<hbm>>
      %dma_start3A_891 = arith.constant 0 : i32
      %dma_start3A_892 = arith.constant 0 : i32
      %dma_start3A_893 = tpu.memref_slice %arg4[%add3A_712, %dma_start3A_882, %add3A, %dma_start3A_891, %dma_start3A_892] : memref<200x8x32x8x128xf32, #tpu.memory_space<hbm>> -> memref<1x1x1x8x128xf32, #tpu.memory_space<hbm>>
      %dma_start3A_894 = tpu.memref_squeeze %dma_start3A_893 : memref<1x1x1x8x128xf32, #tpu.memory_space<hbm>> -> memref<8x128xf32, #tpu.memory_space<hbm>>
      %dma_start3A_895 = arith.constant 56 : i32
      %dma_start3A_896 = arith.constant 0 : i32
      %dma_start3A_897 = tpu.memref_slice %arg7[%dma_start3A_881, %dma_start3A_895, %dma_start3A_896] : memref<2x64x129xf32, #tpu.memory_space<vmem>> -> memref<1x8x128xf32, #tpu.memory_space<vmem>>
      %dma_start3A_898 = tpu.memref_squeeze %dma_start3A_897 : memref<1x8x128xf32, #tpu.memory_space<vmem>> -> memref<8x128xf32, #tpu.memory_space<vmem>>
      tpu.enqueue_dma source(%dma_start3A_898 : memref<8x128xf32, #tpu.memory_space<vmem>>) target(%dma_start3A_894 : memref<8x128xf32, #tpu.memory_space<hbm>>) target_semaphore(%arg12 : memref<!tpu.dma_semaphore, #tpu.memory_space<semaphore_mem>>)
      %mul3A_899 = arith.constant 4 : i32
      %mul3A_900 = arith.muli %mul3A_899, %scan3A_334 : i32
      %add3A_901 = arith.constant 3 : i32
      %add3A_902 = arith.addi %mul3A_900, %add3A_901 : i32
      %add3A_903 = arith.constant 2 : i32
      %add3A_904 = arith.addi %add3A_902, %add3A_903 : i32
      %lt3A_905 = arith.constant 200 : i32
      %lt3A_906 = arith.cmpi slt, %add3A_904, %lt3A_905 : i32
      %convert_element_type3A_907 = arith.extui %lt3A_906 : i1 to i32
      %cond3A_908 = arith.constant 0 : i32
      %cond3A_909 = arith.cmpi ne, %convert_element_type3A_907, %cond3A_908 : i32
      scf.if %cond3A_909 {
        %add3A_1089 = arith.constant 2 : i32
        %add3A_1090 = arith.addi %add3A_902, %add3A_1089 : i32
        %dma_start3A_1091 = arith.constant 1 : i32
        %dma_start3A_1092 = arith.constant 0 : i32
        %dma_start3A_1093 = arith.constant 0 : i32
        %dma_start3A_1094 = tpu.memref_slice %arg6[%dma_start3A_1091, %dma_start3A_1092, %dma_start3A_1093] : memref<4x128x64xf32, #tpu.memory_space<vmem>> -> memref<1x128x64xf32, #tpu.memory_space<vmem>>
        %dma_start3A_1095 = tpu.memref_squeeze %dma_start3A_1094 : memref<1x128x64xf32, #tpu.memory_space<vmem>> -> memref<128x64xf32, #tpu.memory_space<vmem>>
        %dma_start3A_1096 = arith.constant 0 : i32
        %dma_start3A_1097 = tpu.memref_slice %arg5[%add3A_1090, %dma_start3A_1096] : memref<200x128xi32, #tpu.memory_space<vmem>> -> memref<1x128xi32, #tpu.memory_space<vmem>>
        %dma_start3A_1098 = tpu.memref_squeeze %dma_start3A_1097 : memref<1x128xi32, #tpu.memory_space<vmem>> -> memref<128xi32, #tpu.memory_space<vmem>>
        %dma_start3A_1099 = arith.constant 0 : i32
        %dma_start3A_1100 = arith.constant 0 : i32
        %dma_start3A_1101 = tpu.memref_slice %arg2[%dma_start3A_1099, %dma_start3A_1100] : memref<1000000x64xf32, #tpu.memory_space<hbm>> -> memref<1000000x64xf32, #tpu.memory_space<hbm>>
        tpu.enqueue_indirect_dma source(%dma_start3A_1101 : memref<1000000x64xf32, #tpu.memory_space<hbm>>) target(%dma_start3A_1095 : memref<128x64xf32, #tpu.memory_space<vmem>>) offsets(%dma_start3A_1098 : memref<128xi32, #tpu.memory_space<vmem>>) semaphore(%arg9 : memref<!tpu.dma_semaphore, #tpu.memory_space<semaphore_mem>>)
      } else {
      }
      %ge3A_910 = arith.constant 2 : i32
      %ge3A_911 = arith.cmpi sge, %add3A_902, %ge3A_910 : i32
      %convert_element_type3A_912 = arith.extui %ge3A_911 : i1 to i32
      %cond3A_913 = arith.constant 0 : i32
      %cond3A_914 = arith.cmpi ne, %convert_element_type3A_912, %cond3A_913 : i32
      scf.if %cond3A_914 {
        %sub3A = arith.constant 2 : i32
        %sub3A_1089 = arith.subi %add3A_902, %sub3A : i32
        %dma_wait3A_1090 = arith.constant 1 : i32
        %dma_wait3A_1091 = arith.constant 0 : i32
        %dma_wait3A_1092 = arith.constant 0 : i32
        %dma_wait3A_1093 = arith.constant 0 : i32
        %dma_wait3A_1094 = tpu.memref_slice %arg7[%dma_wait3A_1090, %dma_wait3A_1092, %dma_wait3A_1093] : memref<2x64x129xf32, #tpu.memory_space<vmem>> -> memref<1x8x128xf32, #tpu.memory_space<vmem>>
        %dma_wait3A_1095 = tpu.memref_squeeze %dma_wait3A_1094 : memref<1x8x128xf32, #tpu.memory_space<vmem>> -> memref<8x128xf32, #tpu.memory_space<vmem>>
        %dma_wait3A_1096 = arith.constant 0 : i32
        %dma_wait3A_1097 = arith.constant 0 : i32
        %dma_wait3A_1098 = tpu.memref_slice %arg4[%sub3A_1089, %dma_wait3A_1091, %add3A, %dma_wait3A_1096, %dma_wait3A_1097] : memref<200x8x32x8x128xf32, #tpu.memory_space<hbm>> -> memref<1x1x1x8x128xf32, #tpu.memory_space<hbm>>
        %dma_wait3A_1099 = tpu.memref_squeeze %dma_wait3A_1098 : memref<1x1x1x8x128xf32, #tpu.memory_space<hbm>> -> memref<8x128xf32, #tpu.memory_space<hbm>>
        %dma_wait3A_1100 = arith.constant 0 : i32
        %dma_wait3A_1101 = arith.constant 0 : i32
        %dma_wait3A_1102 = tpu.memref_slice %arg4[%sub3A_1089, %dma_wait3A_1091, %add3A, %dma_wait3A_1100, %dma_wait3A_1101] : memref<200x8x32x8x128xf32, #tpu.memory_space<hbm>> -> memref<1x1x1x8x128xf32, #tpu.memory_space<hbm>>
        %dma_wait3A_1103 = tpu.memref_squeeze %dma_wait3A_1102 : memref<1x1x1x8x128xf32, #tpu.memory_space<hbm>> -> memref<8x128xf32, #tpu.memory_space<hbm>>
        %dma_wait3A_1104 = arith.constant 0 : i32
        %dma_wait3A_1105 = arith.constant 0 : i32
        %dma_wait3A_1106 = tpu.memref_slice %arg7[%dma_wait3A_1090, %dma_wait3A_1104, %dma_wait3A_1105] : memref<2x64x129xf32, #tpu.memory_space<vmem>> -> memref<1x8x128xf32, #tpu.memory_space<vmem>>
        %dma_wait3A_1107 = tpu.memref_squeeze %dma_wait3A_1106 : memref<1x8x128xf32, #tpu.memory_space<vmem>> -> memref<8x128xf32, #tpu.memory_space<vmem>>
        tpu.wait_dma2 semaphore(%arg13 : memref<!tpu.dma_semaphore, #tpu.memory_space<semaphore_mem>>) src(%dma_wait3A_1107 : memref<8x128xf32, #tpu.memory_space<vmem>>) dst(%dma_wait3A_1103 : memref<8x128xf32, #tpu.memory_space<hbm>>)
        %dma_wait3A_1108 = arith.constant 1 : i32
        %dma_wait3A_1109 = arith.constant 1 : i32
        %dma_wait3A_1110 = arith.constant 8 : i32
        %dma_wait3A_1111 = arith.constant 0 : i32
        %dma_wait3A_1112 = tpu.memref_slice %arg7[%dma_wait3A_1108, %dma_wait3A_1110, %dma_wait3A_1111] : memref<2x64x129xf32, #tpu.memory_space<vmem>> -> memref<1x8x128xf32, #tpu.memory_space<vmem>>
        %dma_wait3A_1113 = tpu.memref_squeeze %dma_wait3A_1112 : memref<1x8x128xf32, #tpu.memory_space<vmem>> -> memref<8x128xf32, #tpu.memory_space<vmem>>
        %dma_wait3A_1114 = arith.constant 0 : i32
        %dma_wait3A_1115 = arith.constant 0 : i32
        %dma_wait3A_1116 = tpu.memref_slice %arg4[%sub3A_1089, %dma_wait3A_1109, %add3A, %dma_wait3A_1114, %dma_wait3A_1115] : memref<200x8x32x8x128xf32, #tpu.memory_space<hbm>> -> memref<1x1x1x8x128xf32, #tpu.memory_space<hbm>>
        %dma_wait3A_1117 = tpu.memref_squeeze %dma_wait3A_1116 : memref<1x1x1x8x128xf32, #tpu.memory_space<hbm>> -> memref<8x128xf32, #tpu.memory_space<hbm>>
        %dma_wait3A_1118 = arith.constant 0 : i32
        %dma_wait3A_1119 = arith.constant 0 : i32
        %dma_wait3A_1120 = tpu.memref_slice %arg4[%sub3A_1089, %dma_wait3A_1109, %add3A, %dma_wait3A_1118, %dma_wait3A_1119] : memref<200x8x32x8x128xf32, #tpu.memory_space<hbm>> -> memref<1x1x1x8x128xf32, #tpu.memory_space<hbm>>
        %dma_wait3A_1121 = tpu.memref_squeeze %dma_wait3A_1120 : memref<1x1x1x8x128xf32, #tpu.memory_space<hbm>> -> memref<8x128xf32, #tpu.memory_space<hbm>>
        %dma_wait3A_1122 = arith.constant 8 : i32
        %dma_wait3A_1123 = arith.constant 0 : i32
        %dma_wait3A_1124 = tpu.memref_slice %arg7[%dma_wait3A_1108, %dma_wait3A_1122, %dma_wait3A_1123] : memref<2x64x129xf32, #tpu.memory_space<vmem>> -> memref<1x8x128xf32, #tpu.memory_space<vmem>>
        %dma_wait3A_1125 = tpu.memref_squeeze %dma_wait3A_1124 : memref<1x8x128xf32, #tpu.memory_space<vmem>> -> memref<8x128xf32, #tpu.memory_space<vmem>>
        tpu.wait_dma2 semaphore(%arg13 : memref<!tpu.dma_semaphore, #tpu.memory_space<semaphore_mem>>) src(%dma_wait3A_1125 : memref<8x128xf32, #tpu.memory_space<vmem>>) dst(%dma_wait3A_1121 : memref<8x128xf32, #tpu.memory_space<hbm>>)
        %dma_wait3A_1126 = arith.constant 1 : i32
        %dma_wait3A_1127 = arith.constant 2 : i32
        %dma_wait3A_1128 = arith.constant 16 : i32
        %dma_wait3A_1129 = arith.constant 0 : i32
        %dma_wait3A_1130 = tpu.memref_slice %arg7[%dma_wait3A_1126, %dma_wait3A_1128, %dma_wait3A_1129] : memref<2x64x129xf32, #tpu.memory_space<vmem>> -> memref<1x8x128xf32, #tpu.memory_space<vmem>>
        %dma_wait3A_1131 = tpu.memref_squeeze %dma_wait3A_1130 : memref<1x8x128xf32, #tpu.memory_space<vmem>> -> memref<8x128xf32, #tpu.memory_space<vmem>>
        %dma_wait3A_1132 = arith.constant 0 : i32
        %dma_wait3A_1133 = arith.constant 0 : i32
        %dma_wait3A_1134 = tpu.memref_slice %arg4[%sub3A_1089, %dma_wait3A_1127, %add3A, %dma_wait3A_1132, %dma_wait3A_1133] : memref<200x8x32x8x128xf32, #tpu.memory_space<hbm>> -> memref<1x1x1x8x128xf32, #tpu.memory_space<hbm>>
        %dma_wait3A_1135 = tpu.memref_squeeze %dma_wait3A_1134 : memref<1x1x1x8x128xf32, #tpu.memory_space<hbm>> -> memref<8x128xf32, #tpu.memory_space<hbm>>
        %dma_wait3A_1136 = arith.constant 0 : i32
        %dma_wait3A_1137 = arith.constant 0 : i32
        %dma_wait3A_1138 = tpu.memref_slice %arg4[%sub3A_1089, %dma_wait3A_1127, %add3A, %dma_wait3A_1136, %dma_wait3A_1137] : memref<200x8x32x8x128xf32, #tpu.memory_space<hbm>> -> memref<1x1x1x8x128xf32, #tpu.memory_space<hbm>>
        %dma_wait3A_1139 = tpu.memref_squeeze %dma_wait3A_1138 : memref<1x1x1x8x128xf32, #tpu.memory_space<hbm>> -> memref<8x128xf32, #tpu.memory_space<hbm>>
        %dma_wait3A_1140 = arith.constant 16 : i32
        %dma_wait3A_1141 = arith.constant 0 : i32
        %dma_wait3A_1142 = tpu.memref_slice %arg7[%dma_wait3A_1126, %dma_wait3A_1140, %dma_wait3A_1141] : memref<2x64x129xf32, #tpu.memory_space<vmem>> -> memref<1x8x128xf32, #tpu.memory_space<vmem>>
        %dma_wait3A_1143 = tpu.memref_squeeze %dma_wait3A_1142 : memref<1x8x128xf32, #tpu.memory_space<vmem>> -> memref<8x128xf32, #tpu.memory_space<vmem>>
        tpu.wait_dma2 semaphore(%arg13 : memref<!tpu.dma_semaphore, #tpu.memory_space<semaphore_mem>>) src(%dma_wait3A_1143 : memref<8x128xf32, #tpu.memory_space<vmem>>) dst(%dma_wait3A_1139 : memref<8x128xf32, #tpu.memory_space<hbm>>)
        %dma_wait3A_1144 = arith.constant 1 : i32
        %dma_wait3A_1145 = arith.constant 3 : i32
        %dma_wait3A_1146 = arith.constant 24 : i32
        %dma_wait3A_1147 = arith.constant 0 : i32
        %dma_wait3A_1148 = tpu.memref_slice %arg7[%dma_wait3A_1144, %dma_wait3A_1146, %dma_wait3A_1147] : memref<2x64x129xf32, #tpu.memory_space<vmem>> -> memref<1x8x128xf32, #tpu.memory_space<vmem>>
        %dma_wait3A_1149 = tpu.memref_squeeze %dma_wait3A_1148 : memref<1x8x128xf32, #tpu.memory_space<vmem>> -> memref<8x128xf32, #tpu.memory_space<vmem>>
        %dma_wait3A_1150 = arith.constant 0 : i32
        %dma_wait3A_1151 = arith.constant 0 : i32
        %dma_wait3A_1152 = tpu.memref_slice %arg4[%sub3A_1089, %dma_wait3A_1145, %add3A, %dma_wait3A_1150, %dma_wait3A_1151] : memref<200x8x32x8x128xf32, #tpu.memory_space<hbm>> -> memref<1x1x1x8x128xf32, #tpu.memory_space<hbm>>
        %dma_wait3A_1153 = tpu.memref_squeeze %dma_wait3A_1152 : memref<1x1x1x8x128xf32, #tpu.memory_space<hbm>> -> memref<8x128xf32, #tpu.memory_space<hbm>>
        %dma_wait3A_1154 = arith.constant 0 : i32
        %dma_wait3A_1155 = arith.constant 0 : i32
        %dma_wait3A_1156 = tpu.memref_slice %arg4[%sub3A_1089, %dma_wait3A_1145, %add3A, %dma_wait3A_1154, %dma_wait3A_1155] : memref<200x8x32x8x128xf32, #tpu.memory_space<hbm>> -> memref<1x1x1x8x128xf32, #tpu.memory_space<hbm>>
        %dma_wait3A_1157 = tpu.memref_squeeze %dma_wait3A_1156 : memref<1x1x1x8x128xf32, #tpu.memory_space<hbm>> -> memref<8x128xf32, #tpu.memory_space<hbm>>
        %dma_wait3A_1158 = arith.constant 24 : i32
        %dma_wait3A_1159 = arith.constant 0 : i32
        %dma_wait3A_1160 = tpu.memref_slice %arg7[%dma_wait3A_1144, %dma_wait3A_1158, %dma_wait3A_1159] : memref<2x64x129xf32, #tpu.memory_space<vmem>> -> memref<1x8x128xf32, #tpu.memory_space<vmem>>
        %dma_wait3A_1161 = tpu.memref_squeeze %dma_wait3A_1160 : memref<1x8x128xf32, #tpu.memory_space<vmem>> -> memref<8x128xf32, #tpu.memory_space<vmem>>
        tpu.wait_dma2 semaphore(%arg13 : memref<!tpu.dma_semaphore, #tpu.memory_space<semaphore_mem>>) src(%dma_wait3A_1161 : memref<8x128xf32, #tpu.memory_space<vmem>>) dst(%dma_wait3A_1157 : memref<8x128xf32, #tpu.memory_space<hbm>>)
        %dma_wait3A_1162 = arith.constant 1 : i32
        %dma_wait3A_1163 = arith.constant 4 : i32
        %dma_wait3A_1164 = arith.constant 32 : i32
        %dma_wait3A_1165 = arith.constant 0 : i32
        %dma_wait3A_1166 = tpu.memref_slice %arg7[%dma_wait3A_1162, %dma_wait3A_1164, %dma_wait3A_1165] : memref<2x64x129xf32, #tpu.memory_space<vmem>> -> memref<1x8x128xf32, #tpu.memory_space<vmem>>
        %dma_wait3A_1167 = tpu.memref_squeeze %dma_wait3A_1166 : memref<1x8x128xf32, #tpu.memory_space<vmem>> -> memref<8x128xf32, #tpu.memory_space<vmem>>
        %dma_wait3A_1168 = arith.constant 0 : i32
        %dma_wait3A_1169 = arith.constant 0 : i32
        %dma_wait3A_1170 = tpu.memref_slice %arg4[%sub3A_1089, %dma_wait3A_1163, %add3A, %dma_wait3A_1168, %dma_wait3A_1169] : memref<200x8x32x8x128xf32, #tpu.memory_space<hbm>> -> memref<1x1x1x8x128xf32, #tpu.memory_space<hbm>>
        %dma_wait3A_1171 = tpu.memref_squeeze %dma_wait3A_1170 : memref<1x1x1x8x128xf32, #tpu.memory_space<hbm>> -> memref<8x128xf32, #tpu.memory_space<hbm>>
        %dma_wait3A_1172 = arith.constant 0 : i32
        %dma_wait3A_1173 = arith.constant 0 : i32
        %dma_wait3A_1174 = tpu.memref_slice %arg4[%sub3A_1089, %dma_wait3A_1163, %add3A, %dma_wait3A_1172, %dma_wait3A_1173] : memref<200x8x32x8x128xf32, #tpu.memory_space<hbm>> -> memref<1x1x1x8x128xf32, #tpu.memory_space<hbm>>
        %dma_wait3A_1175 = tpu.memref_squeeze %dma_wait3A_1174 : memref<1x1x1x8x128xf32, #tpu.memory_space<hbm>> -> memref<8x128xf32, #tpu.memory_space<hbm>>
        %dma_wait3A_1176 = arith.constant 32 : i32
        %dma_wait3A_1177 = arith.constant 0 : i32
        %dma_wait3A_1178 = tpu.memref_slice %arg7[%dma_wait3A_1162, %dma_wait3A_1176, %dma_wait3A_1177] : memref<2x64x129xf32, #tpu.memory_space<vmem>> -> memref<1x8x128xf32, #tpu.memory_space<vmem>>
        %dma_wait3A_1179 = tpu.memref_squeeze %dma_wait3A_1178 : memref<1x8x128xf32, #tpu.memory_space<vmem>> -> memref<8x128xf32, #tpu.memory_space<vmem>>
        tpu.wait_dma2 semaphore(%arg13 : memref<!tpu.dma_semaphore, #tpu.memory_space<semaphore_mem>>) src(%dma_wait3A_1179 : memref<8x128xf32, #tpu.memory_space<vmem>>) dst(%dma_wait3A_1175 : memref<8x128xf32, #tpu.memory_space<hbm>>)
        %dma_wait3A_1180 = arith.constant 1 : i32
        %dma_wait3A_1181 = arith.constant 5 : i32
        %dma_wait3A_1182 = arith.constant 40 : i32
        %dma_wait3A_1183 = arith.constant 0 : i32
        %dma_wait3A_1184 = tpu.memref_slice %arg7[%dma_wait3A_1180, %dma_wait3A_1182, %dma_wait3A_1183] : memref<2x64x129xf32, #tpu.memory_space<vmem>> -> memref<1x8x128xf32, #tpu.memory_space<vmem>>
        %dma_wait3A_1185 = tpu.memref_squeeze %dma_wait3A_1184 : memref<1x8x128xf32, #tpu.memory_space<vmem>> -> memref<8x128xf32, #tpu.memory_space<vmem>>
        %dma_wait3A_1186 = arith.constant 0 : i32
        %dma_wait3A_1187 = arith.constant 0 : i32
        %dma_wait3A_1188 = tpu.memref_slice %arg4[%sub3A_1089, %dma_wait3A_1181, %add3A, %dma_wait3A_1186, %dma_wait3A_1187] : memref<200x8x32x8x128xf32, #tpu.memory_space<hbm>> -> memref<1x1x1x8x128xf32, #tpu.memory_space<hbm>>
        %dma_wait3A_1189 = tpu.memref_squeeze %dma_wait3A_1188 : memref<1x1x1x8x128xf32, #tpu.memory_space<hbm>> -> memref<8x128xf32, #tpu.memory_space<hbm>>
        %dma_wait3A_1190 = arith.constant 0 : i32
        %dma_wait3A_1191 = arith.constant 0 : i32
        %dma_wait3A_1192 = tpu.memref_slice %arg4[%sub3A_1089, %dma_wait3A_1181, %add3A, %dma_wait3A_1190, %dma_wait3A_1191] : memref<200x8x32x8x128xf32, #tpu.memory_space<hbm>> -> memref<1x1x1x8x128xf32, #tpu.memory_space<hbm>>
        %dma_wait3A_1193 = tpu.memref_squeeze %dma_wait3A_1192 : memref<1x1x1x8x128xf32, #tpu.memory_space<hbm>> -> memref<8x128xf32, #tpu.memory_space<hbm>>
        %dma_wait3A_1194 = arith.constant 40 : i32
        %dma_wait3A_1195 = arith.constant 0 : i32
        %dma_wait3A_1196 = tpu.memref_slice %arg7[%dma_wait3A_1180, %dma_wait3A_1194, %dma_wait3A_1195] : memref<2x64x129xf32, #tpu.memory_space<vmem>> -> memref<1x8x128xf32, #tpu.memory_space<vmem>>
        %dma_wait3A_1197 = tpu.memref_squeeze %dma_wait3A_1196 : memref<1x8x128xf32, #tpu.memory_space<vmem>> -> memref<8x128xf32, #tpu.memory_space<vmem>>
        tpu.wait_dma2 semaphore(%arg13 : memref<!tpu.dma_semaphore, #tpu.memory_space<semaphore_mem>>) src(%dma_wait3A_1197 : memref<8x128xf32, #tpu.memory_space<vmem>>) dst(%dma_wait3A_1193 : memref<8x128xf32, #tpu.memory_space<hbm>>)
        %dma_wait3A_1198 = arith.constant 1 : i32
        %dma_wait3A_1199 = arith.constant 6 : i32
        %dma_wait3A_1200 = arith.constant 48 : i32
        %dma_wait3A_1201 = arith.constant 0 : i32
        %dma_wait3A_1202 = tpu.memref_slice %arg7[%dma_wait3A_1198, %dma_wait3A_1200, %dma_wait3A_1201] : memref<2x64x129xf32, #tpu.memory_space<vmem>> -> memref<1x8x128xf32, #tpu.memory_space<vmem>>
        %dma_wait3A_1203 = tpu.memref_squeeze %dma_wait3A_1202 : memref<1x8x128xf32, #tpu.memory_space<vmem>> -> memref<8x128xf32, #tpu.memory_space<vmem>>
        %dma_wait3A_1204 = arith.constant 0 : i32
        %dma_wait3A_1205 = arith.constant 0 : i32
        %dma_wait3A_1206 = tpu.memref_slice %arg4[%sub3A_1089, %dma_wait3A_1199, %add3A, %dma_wait3A_1204, %dma_wait3A_1205] : memref<200x8x32x8x128xf32, #tpu.memory_space<hbm>> -> memref<1x1x1x8x128xf32, #tpu.memory_space<hbm>>
        %dma_wait3A_1207 = tpu.memref_squeeze %dma_wait3A_1206 : memref<1x1x1x8x128xf32, #tpu.memory_space<hbm>> -> memref<8x128xf32, #tpu.memory_space<hbm>>
        %dma_wait3A_1208 = arith.constant 0 : i32
        %dma_wait3A_1209 = arith.constant 0 : i32
        %dma_wait3A_1210 = tpu.memref_slice %arg4[%sub3A_1089, %dma_wait3A_1199, %add3A, %dma_wait3A_1208, %dma_wait3A_1209] : memref<200x8x32x8x128xf32, #tpu.memory_space<hbm>> -> memref<1x1x1x8x128xf32, #tpu.memory_space<hbm>>
        %dma_wait3A_1211 = tpu.memref_squeeze %dma_wait3A_1210 : memref<1x1x1x8x128xf32, #tpu.memory_space<hbm>> -> memref<8x128xf32, #tpu.memory_space<hbm>>
        %dma_wait3A_1212 = arith.constant 48 : i32
        %dma_wait3A_1213 = arith.constant 0 : i32
        %dma_wait3A_1214 = tpu.memref_slice %arg7[%dma_wait3A_1198, %dma_wait3A_1212, %dma_wait3A_1213] : memref<2x64x129xf32, #tpu.memory_space<vmem>> -> memref<1x8x128xf32, #tpu.memory_space<vmem>>
        %dma_wait3A_1215 = tpu.memref_squeeze %dma_wait3A_1214 : memref<1x8x128xf32, #tpu.memory_space<vmem>> -> memref<8x128xf32, #tpu.memory_space<vmem>>
        tpu.wait_dma2 semaphore(%arg13 : memref<!tpu.dma_semaphore, #tpu.memory_space<semaphore_mem>>) src(%dma_wait3A_1215 : memref<8x128xf32, #tpu.memory_space<vmem>>) dst(%dma_wait3A_1211 : memref<8x128xf32, #tpu.memory_space<hbm>>)
        %dma_wait3A_1216 = arith.constant 1 : i32
        %dma_wait3A_1217 = arith.constant 7 : i32
        %dma_wait3A_1218 = arith.constant 56 : i32
        %dma_wait3A_1219 = arith.constant 0 : i32
        %dma_wait3A_1220 = tpu.memref_slice %arg7[%dma_wait3A_1216, %dma_wait3A_1218, %dma_wait3A_1219] : memref<2x64x129xf32, #tpu.memory_space<vmem>> -> memref<1x8x128xf32, #tpu.memory_space<vmem>>
        %dma_wait3A_1221 = tpu.memref_squeeze %dma_wait3A_1220 : memref<1x8x128xf32, #tpu.memory_space<vmem>> -> memref<8x128xf32, #tpu.memory_space<vmem>>
        %dma_wait3A_1222 = arith.constant 0 : i32
        %dma_wait3A_1223 = arith.constant 0 : i32
        %dma_wait3A_1224 = tpu.memref_slice %arg4[%sub3A_1089, %dma_wait3A_1217, %add3A, %dma_wait3A_1222, %dma_wait3A_1223] : memref<200x8x32x8x128xf32, #tpu.memory_space<hbm>> -> memref<1x1x1x8x128xf32, #tpu.memory_space<hbm>>
        %dma_wait3A_1225 = tpu.memref_squeeze %dma_wait3A_1224 : memref<1x1x1x8x128xf32, #tpu.memory_space<hbm>> -> memref<8x128xf32, #tpu.memory_space<hbm>>
        %dma_wait3A_1226 = arith.constant 0 : i32
        %dma_wait3A_1227 = arith.constant 0 : i32
        %dma_wait3A_1228 = tpu.memref_slice %arg4[%sub3A_1089, %dma_wait3A_1217, %add3A, %dma_wait3A_1226, %dma_wait3A_1227] : memref<200x8x32x8x128xf32, #tpu.memory_space<hbm>> -> memref<1x1x1x8x128xf32, #tpu.memory_space<hbm>>
        %dma_wait3A_1229 = tpu.memref_squeeze %dma_wait3A_1228 : memref<1x1x1x8x128xf32, #tpu.memory_space<hbm>> -> memref<8x128xf32, #tpu.memory_space<hbm>>
        %dma_wait3A_1230 = arith.constant 56 : i32
        %dma_wait3A_1231 = arith.constant 0 : i32
        %dma_wait3A_1232 = tpu.memref_slice %arg7[%dma_wait3A_1216, %dma_wait3A_1230, %dma_wait3A_1231] : memref<2x64x129xf32, #tpu.memory_space<vmem>> -> memref<1x8x128xf32, #tpu.memory_space<vmem>>
        %dma_wait3A_1233 = tpu.memref_squeeze %dma_wait3A_1232 : memref<1x8x128xf32, #tpu.memory_space<vmem>> -> memref<8x128xf32, #tpu.memory_space<vmem>>
        tpu.wait_dma2 semaphore(%arg13 : memref<!tpu.dma_semaphore, #tpu.memory_space<semaphore_mem>>) src(%dma_wait3A_1233 : memref<8x128xf32, #tpu.memory_space<vmem>>) dst(%dma_wait3A_1229 : memref<8x128xf32, #tpu.memory_space<hbm>>)
      } else {
      }
      %dma_wait3A_915 = arith.constant 3 : i32
      %dma_wait3A_916 = arith.constant 0 : i32
      %dma_wait3A_917 = arith.constant 0 : i32
      %dma_wait3A_918 = tpu.memref_slice %arg6[%dma_wait3A_915, %dma_wait3A_916, %dma_wait3A_917] : memref<4x128x64xf32, #tpu.memory_space<vmem>> -> memref<1x128x64xf32, #tpu.memory_space<vmem>>
      %dma_wait3A_919 = tpu.memref_squeeze %dma_wait3A_918 : memref<1x128x64xf32, #tpu.memory_space<vmem>> -> memref<128x64xf32, #tpu.memory_space<vmem>>
      %dma_wait3A_920 = arith.constant 0 : i32
      %dma_wait3A_921 = tpu.memref_slice %arg5[%add3A_902, %dma_wait3A_920] : memref<200x128xi32, #tpu.memory_space<vmem>> -> memref<1x128xi32, #tpu.memory_space<vmem>>
      %dma_wait3A_922 = tpu.memref_squeeze %dma_wait3A_921 : memref<1x128xi32, #tpu.memory_space<vmem>> -> memref<128xi32, #tpu.memory_space<vmem>>
      %dma_wait3A_923 = arith.constant 0 : i32
      %dma_wait3A_924 = arith.constant 0 : i32
      %dma_wait3A_925 = tpu.memref_slice %arg2[%dma_wait3A_923, %dma_wait3A_924] : memref<1000000x64xf32, #tpu.memory_space<hbm>> -> memref<1000000x64xf32, #tpu.memory_space<hbm>>
      tpu.wait_indirect_dma semaphore(%arg11 : memref<!tpu.dma_semaphore, #tpu.memory_space<semaphore_mem>>) src(%dma_wait3A_925 : memref<1000000x64xf32, #tpu.memory_space<hbm>>) dst(%dma_wait3A_919 : memref<128x64xf32, #tpu.memory_space<vmem>>)
      %iota3A_926 = tpu.iota {dimensions = array<i32: 0>} : vector<16xi32>
      %add3A_927 = arith.constant 0 : i32
      %add3A_928 = vector.broadcast %add3A_927 : i32 to vector<16xi32>
      %add3A_929 = arith.addi %iota3A_926, %add3A_928 : vector<16xi32>
      %iota3A_930 = tpu.iota {dimensions = array<i32: 0>} : vector<16xi32>
      %add3A_931 = arith.constant 16 : i32
      %add3A_932 = vector.broadcast %add3A_931 : i32 to vector<16xi32>
      %add3A_933 = arith.addi %iota3A_930, %add3A_932 : vector<16xi32>
      %iota3A_934 = tpu.iota {dimensions = array<i32: 0>} : vector<16xi32>
      %add3A_935 = arith.constant 32 : i32
      %add3A_936 = vector.broadcast %add3A_935 : i32 to vector<16xi32>
      %add3A_937 = arith.addi %iota3A_934, %add3A_936 : vector<16xi32>
      %iota3A_938 = tpu.iota {dimensions = array<i32: 0>} : vector<16xi32>
      %add3A_939 = arith.constant 48 : i32
      %add3A_940 = vector.broadcast %add3A_939 : i32 to vector<16xi32>
      %add3A_941 = arith.addi %iota3A_938, %add3A_940 : vector<16xi32>
      %parallel_loop3A_942 = arith.constant 0 : i32
      %parallel_loop3A_943 = arith.constant 128 : i32
      %parallel_loop3A_944 = arith.constant 1 : i32
      scf.for %parallel_loop3A_1089 = %parallel_loop3A_942 to %parallel_loop3A_943 step %parallel_loop3A_944  : i32 {
        %parallel_loop3A_1090 = vector.broadcast %parallel_loop3A_1089 : i32 to vector<16xi32>
        %parallel_loop3A_1091 = arith.constant 3 : i32
        %parallel_loop3A_1092 = arith.index_cast %parallel_loop3A_1091 : i32 to index
        %parallel_loop3A_1093 = arith.index_cast %parallel_loop3A_1089 : i32 to index
        %parallel_loop3A_1094 = arith.constant 0 : index
        %parallel_loop3A_1095 = tpu.vector_load %arg6[%parallel_loop3A_1092, %parallel_loop3A_1093, %parallel_loop3A_1094] {strides = array<i32>} : memref<4x128x64xf32, #tpu.memory_space<vmem>>, vector<16xf32>,
        %parallel_loop3A_1096 = arith.constant 1 : i32
        %parallel_loop3A_1097 = arith.constant 0 : i32
        %parallel_loop3A_1098 = arith.constant 0 : i32
        %parallel_loop3A_1099 = tpu.memref_slice %arg7[%parallel_loop3A_1096, %parallel_loop3A_1097, %parallel_loop3A_1098] : memref<2x64x129xf32, #tpu.memory_space<vmem>> -> memref<1x64x129xf32, #tpu.memory_space<vmem>>
        %parallel_loop3A_1100 = tpu.memref_squeeze %parallel_loop3A_1099 : memref<1x64x129xf32, #tpu.memory_space<vmem>> -> memref<64x129xf32, #tpu.memory_space<vmem>>
        tpu.vector_store_idx %parallel_loop3A_1100[%add3A_929, %parallel_loop3A_1090], %parallel_loop3A_1095 : memref<64x129xf32, #tpu.memory_space<vmem>>[vector<16xi32>, vector<16xi32>], vector<16xf32>,
        %parallel_loop3A_1101 = arith.constant 3 : i32
        %parallel_loop3A_1102 = arith.index_cast %parallel_loop3A_1101 : i32 to index
        %parallel_loop3A_1103 = arith.index_cast %parallel_loop3A_1089 : i32 to index
        %parallel_loop3A_1104 = arith.constant 16 : index
        %parallel_loop3A_1105 = tpu.vector_load %arg6[%parallel_loop3A_1102, %parallel_loop3A_1103, %parallel_loop3A_1104] {strides = array<i32>} : memref<4x128x64xf32, #tpu.memory_space<vmem>>, vector<16xf32>,
        %parallel_loop3A_1106 = arith.constant 1 : i32
        %parallel_loop3A_1107 = arith.constant 0 : i32
        %parallel_loop3A_1108 = arith.constant 0 : i32
        %parallel_loop3A_1109 = tpu.memref_slice %arg7[%parallel_loop3A_1106, %parallel_loop3A_1107, %parallel_loop3A_1108] : memref<2x64x129xf32, #tpu.memory_space<vmem>> -> memref<1x64x129xf32, #tpu.memory_space<vmem>>
        %parallel_loop3A_1110 = tpu.memref_squeeze %parallel_loop3A_1109 : memref<1x64x129xf32, #tpu.memory_space<vmem>> -> memref<64x129xf32, #tpu.memory_space<vmem>>
        tpu.vector_store_idx %parallel_loop3A_1110[%add3A_933, %parallel_loop3A_1090], %parallel_loop3A_1105 : memref<64x129xf32, #tpu.memory_space<vmem>>[vector<16xi32>, vector<16xi32>], vector<16xf32>,
        %parallel_loop3A_1111 = arith.constant 3 : i32
        %parallel_loop3A_1112 = arith.index_cast %parallel_loop3A_1111 : i32 to index
        %parallel_loop3A_1113 = arith.index_cast %parallel_loop3A_1089 : i32 to index
        %parallel_loop3A_1114 = arith.constant 32 : index
        %parallel_loop3A_1115 = tpu.vector_load %arg6[%parallel_loop3A_1112, %parallel_loop3A_1113, %parallel_loop3A_1114] {strides = array<i32>} : memref<4x128x64xf32, #tpu.memory_space<vmem>>, vector<16xf32>,
        %parallel_loop3A_1116 = arith.constant 1 : i32
        %parallel_loop3A_1117 = arith.constant 0 : i32
        %parallel_loop3A_1118 = arith.constant 0 : i32
        %parallel_loop3A_1119 = tpu.memref_slice %arg7[%parallel_loop3A_1116, %parallel_loop3A_1117, %parallel_loop3A_1118] : memref<2x64x129xf32, #tpu.memory_space<vmem>> -> memref<1x64x129xf32, #tpu.memory_space<vmem>>
        %parallel_loop3A_1120 = tpu.memref_squeeze %parallel_loop3A_1119 : memref<1x64x129xf32, #tpu.memory_space<vmem>> -> memref<64x129xf32, #tpu.memory_space<vmem>>
        tpu.vector_store_idx %parallel_loop3A_1120[%add3A_937, %parallel_loop3A_1090], %parallel_loop3A_1115 : memref<64x129xf32, #tpu.memory_space<vmem>>[vector<16xi32>, vector<16xi32>], vector<16xf32>,
        %parallel_loop3A_1121 = arith.constant 3 : i32
        %parallel_loop3A_1122 = arith.index_cast %parallel_loop3A_1121 : i32 to index
        %parallel_loop3A_1123 = arith.index_cast %parallel_loop3A_1089 : i32 to index
        %parallel_loop3A_1124 = arith.constant 48 : index
        %parallel_loop3A_1125 = tpu.vector_load %arg6[%parallel_loop3A_1122, %parallel_loop3A_1123, %parallel_loop3A_1124] {strides = array<i32>} : memref<4x128x64xf32, #tpu.memory_space<vmem>>, vector<16xf32>,
        %parallel_loop3A_1126 = arith.constant 1 : i32
        %parallel_loop3A_1127 = arith.constant 0 : i32
        %parallel_loop3A_1128 = arith.constant 0 : i32
        %parallel_loop3A_1129 = tpu.memref_slice %arg7[%parallel_loop3A_1126, %parallel_loop3A_1127, %parallel_loop3A_1128] : memref<2x64x129xf32, #tpu.memory_space<vmem>> -> memref<1x64x129xf32, #tpu.memory_space<vmem>>
        %parallel_loop3A_1130 = tpu.memref_squeeze %parallel_loop3A_1129 : memref<1x64x129xf32, #tpu.memory_space<vmem>> -> memref<64x129xf32, #tpu.memory_space<vmem>>
        tpu.vector_store_idx %parallel_loop3A_1130[%add3A_941, %parallel_loop3A_1090], %parallel_loop3A_1125 : memref<64x129xf32, #tpu.memory_space<vmem>>[vector<16xi32>, vector<16xi32>], vector<16xf32>,
      } {sc.loop_unroll_factor = 8 : i64, sc.parallel_access}
      %dma_start3A_945 = arith.constant 1 : i32
      %dma_start3A_946 = arith.constant 0 : i32
      %dma_start3A_947 = arith.constant 0 : i32
      %dma_start3A_948 = arith.constant 0 : i32
      %dma_start3A_949 = tpu.memref_slice %arg7[%dma_start3A_945, %dma_start3A_947, %dma_start3A_948] : memref<2x64x129xf32, #tpu.memory_space<vmem>> -> memref<1x8x128xf32, #tpu.memory_space<vmem>>
      %dma_start3A_950 = tpu.memref_squeeze %dma_start3A_949 : memref<1x8x128xf32, #tpu.memory_space<vmem>> -> memref<8x128xf32, #tpu.memory_space<vmem>>
      %dma_start3A_951 = arith.constant 0 : i32
      %dma_start3A_952 = arith.constant 0 : i32
      %dma_start3A_953 = tpu.memref_slice %arg4[%add3A_902, %dma_start3A_946, %add3A, %dma_start3A_951, %dma_start3A_952] : memref<200x8x32x8x128xf32, #tpu.memory_space<hbm>> -> memref<1x1x1x8x128xf32, #tpu.memory_space<hbm>>
      %dma_start3A_954 = tpu.memref_squeeze %dma_start3A_953 : memref<1x1x1x8x128xf32, #tpu.memory_space<hbm>> -> memref<8x128xf32, #tpu.memory_space<hbm>>
      %dma_start3A_955 = arith.constant 0 : i32
      %dma_start3A_956 = arith.constant 0 : i32
      %dma_start3A_957 = tpu.memref_slice %arg4[%add3A_902, %dma_start3A_946, %add3A, %dma_start3A_955, %dma_start3A_956] : memref<200x8x32x8x128xf32, #tpu.memory_space<hbm>> -> memref<1x1x1x8x128xf32, #tpu.memory_space<hbm>>
      %dma_start3A_958 = tpu.memref_squeeze %dma_start3A_957 : memref<1x1x1x8x128xf32, #tpu.memory_space<hbm>> -> memref<8x128xf32, #tpu.memory_space<hbm>>
      %dma_start3A_959 = arith.constant 0 : i32
      %dma_start3A_960 = arith.constant 0 : i32
      %dma_start3A_961 = tpu.memref_slice %arg7[%dma_start3A_945, %dma_start3A_959, %dma_start3A_960] : memref<2x64x129xf32, #tpu.memory_space<vmem>> -> memref<1x8x128xf32, #tpu.memory_space<vmem>>
      %dma_start3A_962 = tpu.memref_squeeze %dma_start3A_961 : memref<1x8x128xf32, #tpu.memory_space<vmem>> -> memref<8x128xf32, #tpu.memory_space<vmem>>
      tpu.enqueue_dma source(%dma_start3A_962 : memref<8x128xf32, #tpu.memory_space<vmem>>) target(%dma_start3A_958 : memref<8x128xf32, #tpu.memory_space<hbm>>) target_semaphore(%arg13 : memref<!tpu.dma_semaphore, #tpu.memory_space<semaphore_mem>>)
      %dma_start3A_963 = arith.constant 1 : i32
      %dma_start3A_964 = arith.constant 1 : i32
      %dma_start3A_965 = arith.constant 8 : i32
      %dma_start3A_966 = arith.constant 0 : i32
      %dma_start3A_967 = tpu.memref_slice %arg7[%dma_start3A_963, %dma_start3A_965, %dma_start3A_966] : memref<2x64x129xf32, #tpu.memory_space<vmem>> -> memref<1x8x128xf32, #tpu.memory_space<vmem>>
      %dma_start3A_968 = tpu.memref_squeeze %dma_start3A_967 : memref<1x8x128xf32, #tpu.memory_space<vmem>> -> memref<8x128xf32, #tpu.memory_space<vmem>>
      %dma_start3A_969 = arith.constant 0 : i32
      %dma_start3A_970 = arith.constant 0 : i32
      %dma_start3A_971 = tpu.memref_slice %arg4[%add3A_902, %dma_start3A_964, %add3A, %dma_start3A_969, %dma_start3A_970] : memref<200x8x32x8x128xf32, #tpu.memory_space<hbm>> -> memref<1x1x1x8x128xf32, #tpu.memory_space<hbm>>
      %dma_start3A_972 = tpu.memref_squeeze %dma_start3A_971 : memref<1x1x1x8x128xf32, #tpu.memory_space<hbm>> -> memref<8x128xf32, #tpu.memory_space<hbm>>
      %dma_start3A_973 = arith.constant 0 : i32
      %dma_start3A_974 = arith.constant 0 : i32
      %dma_start3A_975 = tpu.memref_slice %arg4[%add3A_902, %dma_start3A_964, %add3A, %dma_start3A_973, %dma_start3A_974] : memref<200x8x32x8x128xf32, #tpu.memory_space<hbm>> -> memref<1x1x1x8x128xf32, #tpu.memory_space<hbm>>
      %dma_start3A_976 = tpu.memref_squeeze %dma_start3A_975 : memref<1x1x1x8x128xf32, #tpu.memory_space<hbm>> -> memref<8x128xf32, #tpu.memory_space<hbm>>
      %dma_start3A_977 = arith.constant 8 : i32
      %dma_start3A_978 = arith.constant 0 : i32
      %dma_start3A_979 = tpu.memref_slice %arg7[%dma_start3A_963, %dma_start3A_977, %dma_start3A_978] : memref<2x64x129xf32, #tpu.memory_space<vmem>> -> memref<1x8x128xf32, #tpu.memory_space<vmem>>
      %dma_start3A_980 = tpu.memref_squeeze %dma_start3A_979 : memref<1x8x128xf32, #tpu.memory_space<vmem>> -> memref<8x128xf32, #tpu.memory_space<vmem>>
      tpu.enqueue_dma source(%dma_start3A_980 : memref<8x128xf32, #tpu.memory_space<vmem>>) target(%dma_start3A_976 : memref<8x128xf32, #tpu.memory_space<hbm>>) target_semaphore(%arg13 : memref<!tpu.dma_semaphore, #tpu.memory_space<semaphore_mem>>)
      %dma_start3A_981 = arith.constant 1 : i32
      %dma_start3A_982 = arith.constant 2 : i32
      %dma_start3A_983 = arith.constant 16 : i32
      %dma_start3A_984 = arith.constant 0 : i32
      %dma_start3A_985 = tpu.memref_slice %arg7[%dma_start3A_981, %dma_start3A_983, %dma_start3A_984] : memref<2x64x129xf32, #tpu.memory_space<vmem>> -> memref<1x8x128xf32, #tpu.memory_space<vmem>>
      %dma_start3A_986 = tpu.memref_squeeze %dma_start3A_985 : memref<1x8x128xf32, #tpu.memory_space<vmem>> -> memref<8x128xf32, #tpu.memory_space<vmem>>
      %dma_start3A_987 = arith.constant 0 : i32
      %dma_start3A_988 = arith.constant 0 : i32
      %dma_start3A_989 = tpu.memref_slice %arg4[%add3A_902, %dma_start3A_982, %add3A, %dma_start3A_987, %dma_start3A_988] : memref<200x8x32x8x128xf32, #tpu.memory_space<hbm>> -> memref<1x1x1x8x128xf32, #tpu.memory_space<hbm>>
      %dma_start3A_990 = tpu.memref_squeeze %dma_start3A_989 : memref<1x1x1x8x128xf32, #tpu.memory_space<hbm>> -> memref<8x128xf32, #tpu.memory_space<hbm>>
      %dma_start3A_991 = arith.constant 0 : i32
      %dma_start3A_992 = arith.constant 0 : i32
      %dma_start3A_993 = tpu.memref_slice %arg4[%add3A_902, %dma_start3A_982, %add3A, %dma_start3A_991, %dma_start3A_992] : memref<200x8x32x8x128xf32, #tpu.memory_space<hbm>> -> memref<1x1x1x8x128xf32, #tpu.memory_space<hbm>>
      %dma_start3A_994 = tpu.memref_squeeze %dma_start3A_993 : memref<1x1x1x8x128xf32, #tpu.memory_space<hbm>> -> memref<8x128xf32, #tpu.memory_space<hbm>>
      %dma_start3A_995 = arith.constant 16 : i32
      %dma_start3A_996 = arith.constant 0 : i32
      %dma_start3A_997 = tpu.memref_slice %arg7[%dma_start3A_981, %dma_start3A_995, %dma_start3A_996] : memref<2x64x129xf32, #tpu.memory_space<vmem>> -> memref<1x8x128xf32, #tpu.memory_space<vmem>>
      %dma_start3A_998 = tpu.memref_squeeze %dma_start3A_997 : memref<1x8x128xf32, #tpu.memory_space<vmem>> -> memref<8x128xf32, #tpu.memory_space<vmem>>
      tpu.enqueue_dma source(%dma_start3A_998 : memref<8x128xf32, #tpu.memory_space<vmem>>) target(%dma_start3A_994 : memref<8x128xf32, #tpu.memory_space<hbm>>) target_semaphore(%arg13 : memref<!tpu.dma_semaphore, #tpu.memory_space<semaphore_mem>>)
      %dma_start3A_999 = arith.constant 1 : i32
      %dma_start3A_1000 = arith.constant 3 : i32
      %dma_start3A_1001 = arith.constant 24 : i32
      %dma_start3A_1002 = arith.constant 0 : i32
      %dma_start3A_1003 = tpu.memref_slice %arg7[%dma_start3A_999, %dma_start3A_1001, %dma_start3A_1002] : memref<2x64x129xf32, #tpu.memory_space<vmem>> -> memref<1x8x128xf32, #tpu.memory_space<vmem>>
      %dma_start3A_1004 = tpu.memref_squeeze %dma_start3A_1003 : memref<1x8x128xf32, #tpu.memory_space<vmem>> -> memref<8x128xf32, #tpu.memory_space<vmem>>
      %dma_start3A_1005 = arith.constant 0 : i32
      %dma_start3A_1006 = arith.constant 0 : i32
      %dma_start3A_1007 = tpu.memref_slice %arg4[%add3A_902, %dma_start3A_1000, %add3A, %dma_start3A_1005, %dma_start3A_1006] : memref<200x8x32x8x128xf32, #tpu.memory_space<hbm>> -> memref<1x1x1x8x128xf32, #tpu.memory_space<hbm>>
      %dma_start3A_1008 = tpu.memref_squeeze %dma_start3A_1007 : memref<1x1x1x8x128xf32, #tpu.memory_space<hbm>> -> memref<8x128xf32, #tpu.memory_space<hbm>>
      %dma_start3A_1009 = arith.constant 0 : i32
      %dma_start3A_1010 = arith.constant 0 : i32
      %dma_start3A_1011 = tpu.memref_slice %arg4[%add3A_902, %dma_start3A_1000, %add3A, %dma_start3A_1009, %dma_start3A_1010] : memref<200x8x32x8x128xf32, #tpu.memory_space<hbm>> -> memref<1x1x1x8x128xf32, #tpu.memory_space<hbm>>
      %dma_start3A_1012 = tpu.memref_squeeze %dma_start3A_1011 : memref<1x1x1x8x128xf32, #tpu.memory_space<hbm>> -> memref<8x128xf32, #tpu.memory_space<hbm>>
      %dma_start3A_1013 = arith.constant 24 : i32
      %dma_start3A_1014 = arith.constant 0 : i32
      %dma_start3A_1015 = tpu.memref_slice %arg7[%dma_start3A_999, %dma_start3A_1013, %dma_start3A_1014] : memref<2x64x129xf32, #tpu.memory_space<vmem>> -> memref<1x8x128xf32, #tpu.memory_space<vmem>>
      %dma_start3A_1016 = tpu.memref_squeeze %dma_start3A_1015 : memref<1x8x128xf32, #tpu.memory_space<vmem>> -> memref<8x128xf32, #tpu.memory_space<vmem>>
      tpu.enqueue_dma source(%dma_start3A_1016 : memref<8x128xf32, #tpu.memory_space<vmem>>) target(%dma_start3A_1012 : memref<8x128xf32, #tpu.memory_space<hbm>>) target_semaphore(%arg13 : memref<!tpu.dma_semaphore, #tpu.memory_space<semaphore_mem>>)
      %dma_start3A_1017 = arith.constant 1 : i32
      %dma_start3A_1018 = arith.constant 4 : i32
      %dma_start3A_1019 = arith.constant 32 : i32
      %dma_start3A_1020 = arith.constant 0 : i32
      %dma_start3A_1021 = tpu.memref_slice %arg7[%dma_start3A_1017, %dma_start3A_1019, %dma_start3A_1020] : memref<2x64x129xf32, #tpu.memory_space<vmem>> -> memref<1x8x128xf32, #tpu.memory_space<vmem>>
      %dma_start3A_1022 = tpu.memref_squeeze %dma_start3A_1021 : memref<1x8x128xf32, #tpu.memory_space<vmem>> -> memref<8x128xf32, #tpu.memory_space<vmem>>
      %dma_start3A_1023 = arith.constant 0 : i32
      %dma_start3A_1024 = arith.constant 0 : i32
      %dma_start3A_1025 = tpu.memref_slice %arg4[%add3A_902, %dma_start3A_1018, %add3A, %dma_start3A_1023, %dma_start3A_1024] : memref<200x8x32x8x128xf32, #tpu.memory_space<hbm>> -> memref<1x1x1x8x128xf32, #tpu.memory_space<hbm>>
      %dma_start3A_1026 = tpu.memref_squeeze %dma_start3A_1025 : memref<1x1x1x8x128xf32, #tpu.memory_space<hbm>> -> memref<8x128xf32, #tpu.memory_space<hbm>>
      %dma_start3A_1027 = arith.constant 0 : i32
      %dma_start3A_1028 = arith.constant 0 : i32
      %dma_start3A_1029 = tpu.memref_slice %arg4[%add3A_902, %dma_start3A_1018, %add3A, %dma_start3A_1027, %dma_start3A_1028] : memref<200x8x32x8x128xf32, #tpu.memory_space<hbm>> -> memref<1x1x1x8x128xf32, #tpu.memory_space<hbm>>
      %dma_start3A_1030 = tpu.memref_squeeze %dma_start3A_1029 : memref<1x1x1x8x128xf32, #tpu.memory_space<hbm>> -> memref<8x128xf32, #tpu.memory_space<hbm>>
      %dma_start3A_1031 = arith.constant 32 : i32
      %dma_start3A_1032 = arith.constant 0 : i32
      %dma_start3A_1033 = tpu.memref_slice %arg7[%dma_start3A_1017, %dma_start3A_1031, %dma_start3A_1032] : memref<2x64x129xf32, #tpu.memory_space<vmem>> -> memref<1x8x128xf32, #tpu.memory_space<vmem>>
      %dma_start3A_1034 = tpu.memref_squeeze %dma_start3A_1033 : memref<1x8x128xf32, #tpu.memory_space<vmem>> -> memref<8x128xf32, #tpu.memory_space<vmem>>
      tpu.enqueue_dma source(%dma_start3A_1034 : memref<8x128xf32, #tpu.memory_space<vmem>>) target(%dma_start3A_1030 : memref<8x128xf32, #tpu.memory_space<hbm>>) target_semaphore(%arg13 : memref<!tpu.dma_semaphore, #tpu.memory_space<semaphore_mem>>)
      %dma_start3A_1035 = arith.constant 1 : i32
      %dma_start3A_1036 = arith.constant 5 : i32
      %dma_start3A_1037 = arith.constant 40 : i32
      %dma_start3A_1038 = arith.constant 0 : i32
      %dma_start3A_1039 = tpu.memref_slice %arg7[%dma_start3A_1035, %dma_start3A_1037, %dma_start3A_1038] : memref<2x64x129xf32, #tpu.memory_space<vmem>> -> memref<1x8x128xf32, #tpu.memory_space<vmem>>
      %dma_start3A_1040 = tpu.memref_squeeze %dma_start3A_1039 : memref<1x8x128xf32, #tpu.memory_space<vmem>> -> memref<8x128xf32, #tpu.memory_space<vmem>>
      %dma_start3A_1041 = arith.constant 0 : i32
      %dma_start3A_1042 = arith.constant 0 : i32
      %dma_start3A_1043 = tpu.memref_slice %arg4[%add3A_902, %dma_start3A_1036, %add3A, %dma_start3A_1041, %dma_start3A_1042] : memref<200x8x32x8x128xf32, #tpu.memory_space<hbm>> -> memref<1x1x1x8x128xf32, #tpu.memory_space<hbm>>
      %dma_start3A_1044 = tpu.memref_squeeze %dma_start3A_1043 : memref<1x1x1x8x128xf32, #tpu.memory_space<hbm>> -> memref<8x128xf32, #tpu.memory_space<hbm>>
      %dma_start3A_1045 = arith.constant 0 : i32
      %dma_start3A_1046 = arith.constant 0 : i32
      %dma_start3A_1047 = tpu.memref_slice %arg4[%add3A_902, %dma_start3A_1036, %add3A, %dma_start3A_1045, %dma_start3A_1046] : memref<200x8x32x8x128xf32, #tpu.memory_space<hbm>> -> memref<1x1x1x8x128xf32, #tpu.memory_space<hbm>>
      %dma_start3A_1048 = tpu.memref_squeeze %dma_start3A_1047 : memref<1x1x1x8x128xf32, #tpu.memory_space<hbm>> -> memref<8x128xf32, #tpu.memory_space<hbm>>
      %dma_start3A_1049 = arith.constant 40 : i32
      %dma_start3A_1050 = arith.constant 0 : i32
      %dma_start3A_1051 = tpu.memref_slice %arg7[%dma_start3A_1035, %dma_start3A_1049, %dma_start3A_1050] : memref<2x64x129xf32, #tpu.memory_space<vmem>> -> memref<1x8x128xf32, #tpu.memory_space<vmem>>
      %dma_start3A_1052 = tpu.memref_squeeze %dma_start3A_1051 : memref<1x8x128xf32, #tpu.memory_space<vmem>> -> memref<8x128xf32, #tpu.memory_space<vmem>>
      tpu.enqueue_dma source(%dma_start3A_1052 : memref<8x128xf32, #tpu.memory_space<vmem>>) target(%dma_start3A_1048 : memref<8x128xf32, #tpu.memory_space<hbm>>) target_semaphore(%arg13 : memref<!tpu.dma_semaphore, #tpu.memory_space<semaphore_mem>>)
      %dma_start3A_1053 = arith.constant 1 : i32
      %dma_start3A_1054 = arith.constant 6 : i32
      %dma_start3A_1055 = arith.constant 48 : i32
      %dma_start3A_1056 = arith.constant 0 : i32
      %dma_start3A_1057 = tpu.memref_slice %arg7[%dma_start3A_1053, %dma_start3A_1055, %dma_start3A_1056] : memref<2x64x129xf32, #tpu.memory_space<vmem>> -> memref<1x8x128xf32, #tpu.memory_space<vmem>>
      %dma_start3A_1058 = tpu.memref_squeeze %dma_start3A_1057 : memref<1x8x128xf32, #tpu.memory_space<vmem>> -> memref<8x128xf32, #tpu.memory_space<vmem>>
      %dma_start3A_1059 = arith.constant 0 : i32
      %dma_start3A_1060 = arith.constant 0 : i32
      %dma_start3A_1061 = tpu.memref_slice %arg4[%add3A_902, %dma_start3A_1054, %add3A, %dma_start3A_1059, %dma_start3A_1060] : memref<200x8x32x8x128xf32, #tpu.memory_space<hbm>> -> memref<1x1x1x8x128xf32, #tpu.memory_space<hbm>>
      %dma_start3A_1062 = tpu.memref_squeeze %dma_start3A_1061 : memref<1x1x1x8x128xf32, #tpu.memory_space<hbm>> -> memref<8x128xf32, #tpu.memory_space<hbm>>
      %dma_start3A_1063 = arith.constant 0 : i32
      %dma_start3A_1064 = arith.constant 0 : i32
      %dma_start3A_1065 = tpu.memref_slice %arg4[%add3A_902, %dma_start3A_1054, %add3A, %dma_start3A_1063, %dma_start3A_1064] : memref<200x8x32x8x128xf32, #tpu.memory_space<hbm>> -> memref<1x1x1x8x128xf32, #tpu.memory_space<hbm>>
      %dma_start3A_1066 = tpu.memref_squeeze %dma_start3A_1065 : memref<1x1x1x8x128xf32, #tpu.memory_space<hbm>> -> memref<8x128xf32, #tpu.memory_space<hbm>>
      %dma_start3A_1067 = arith.constant 48 : i32
      %dma_start3A_1068 = arith.constant 0 : i32
      %dma_start3A_1069 = tpu.memref_slice %arg7[%dma_start3A_1053, %dma_start3A_1067, %dma_start3A_1068] : memref<2x64x129xf32, #tpu.memory_space<vmem>> -> memref<1x8x128xf32, #tpu.memory_space<vmem>>
      %dma_start3A_1070 = tpu.memref_squeeze %dma_start3A_1069 : memref<1x8x128xf32, #tpu.memory_space<vmem>> -> memref<8x128xf32, #tpu.memory_space<vmem>>
      tpu.enqueue_dma source(%dma_start3A_1070 : memref<8x128xf32, #tpu.memory_space<vmem>>) target(%dma_start3A_1066 : memref<8x128xf32, #tpu.memory_space<hbm>>) target_semaphore(%arg13 : memref<!tpu.dma_semaphore, #tpu.memory_space<semaphore_mem>>)
      %dma_start3A_1071 = arith.constant 1 : i32
      %dma_start3A_1072 = arith.constant 7 : i32
      %dma_start3A_1073 = arith.constant 56 : i32
      %dma_start3A_1074 = arith.constant 0 : i32
      %dma_start3A_1075 = tpu.memref_slice %arg7[%dma_start3A_1071, %dma_start3A_1073, %dma_start3A_1074] : memref<2x64x129xf32, #tpu.memory_space<vmem>> -> memref<1x8x128xf32, #tpu.memory_space<vmem>>
      %dma_start3A_1076 = tpu.memref_squeeze %dma_start3A_1075 : memref<1x8x128xf32, #tpu.memory_space<vmem>> -> memref<8x128xf32, #tpu.memory_space<vmem>>
      %dma_start3A_1077 = arith.constant 0 : i32
      %dma_start3A_1078 = arith.constant 0 : i32
      %dma_start3A_1079 = tpu.memref_slice %arg4[%add3A_902, %dma_start3A_1072, %add3A, %dma_start3A_1077, %dma_start3A_1078] : memref<200x8x32x8x128xf32, #tpu.memory_space<hbm>> -> memref<1x1x1x8x128xf32, #tpu.memory_space<hbm>>
      %dma_start3A_1080 = tpu.memref_squeeze %dma_start3A_1079 : memref<1x1x1x8x128xf32, #tpu.memory_space<hbm>> -> memref<8x128xf32, #tpu.memory_space<hbm>>
      %dma_start3A_1081 = arith.constant 0 : i32
      %dma_start3A_1082 = arith.constant 0 : i32
      %dma_start3A_1083 = tpu.memref_slice %arg4[%add3A_902, %dma_start3A_1072, %add3A, %dma_start3A_1081, %dma_start3A_1082] : memref<200x8x32x8x128xf32, #tpu.memory_space<hbm>> -> memref<1x1x1x8x128xf32, #tpu.memory_space<hbm>>
      %dma_start3A_1084 = tpu.memref_squeeze %dma_start3A_1083 : memref<1x1x1x8x128xf32, #tpu.memory_space<hbm>> -> memref<8x128xf32, #tpu.memory_space<hbm>>
      %dma_start3A_1085 = arith.constant 56 : i32
      %dma_start3A_1086 = arith.constant 0 : i32
      %dma_start3A_1087 = tpu.memref_slice %arg7[%dma_start3A_1071, %dma_start3A_1085, %dma_start3A_1086] : memref<2x64x129xf32, #tpu.memory_space<vmem>> -> memref<1x8x128xf32, #tpu.memory_space<vmem>>
      %dma_start3A_1088 = tpu.memref_squeeze %dma_start3A_1087 : memref<1x8x128xf32, #tpu.memory_space<vmem>> -> memref<8x128xf32, #tpu.memory_space<vmem>>
      tpu.enqueue_dma source(%dma_start3A_1088 : memref<8x128xf32, #tpu.memory_space<vmem>>) target(%dma_start3A_1084 : memref<8x128xf32, #tpu.memory_space<hbm>>) target_semaphore(%arg13 : memref<!tpu.dma_semaphore, #tpu.memory_space<semaphore_mem>>)
    }
    %scan3A_30 = arith.constant 50 : i32
    %dma_wait3A = arith.constant 0 : i32
    %dma_wait3A_31 = arith.constant 198 : i32
    %dma_wait3A_32 = arith.constant 0 : i32
    %dma_wait3A_33 = arith.constant 0 : i32
    %dma_wait3A_34 = arith.constant 0 : i32
    %dma_wait3A_35 = tpu.memref_slice %arg7[%dma_wait3A, %dma_wait3A_33, %dma_wait3A_34] : memref<2x64x129xf32, #tpu.memory_space<vmem>> -> memref<1x8x128xf32, #tpu.memory_space<vmem>>
    %dma_wait3A_36 = tpu.memref_squeeze %dma_wait3A_35 : memref<1x8x128xf32, #tpu.memory_space<vmem>> -> memref<8x128xf32, #tpu.memory_space<vmem>>
    %dma_wait3A_37 = arith.constant 0 : i32
    %dma_wait3A_38 = arith.constant 0 : i32
    %dma_wait3A_39 = tpu.memref_slice %arg4[%dma_wait3A_31, %dma_wait3A_32, %add3A, %dma_wait3A_37, %dma_wait3A_38] : memref<200x8x32x8x128xf32, #tpu.memory_space<hbm>> -> memref<1x1x1x8x128xf32, #tpu.memory_space<hbm>>
    %dma_wait3A_40 = tpu.memref_squeeze %dma_wait3A_39 : memref<1x1x1x8x128xf32, #tpu.memory_space<hbm>> -> memref<8x128xf32, #tpu.memory_space<hbm>>
    %dma_wait3A_41 = arith.constant 0 : i32
    %dma_wait3A_42 = arith.constant 0 : i32
    %dma_wait3A_43 = tpu.memref_slice %arg4[%dma_wait3A_31, %dma_wait3A_32, %add3A, %dma_wait3A_41, %dma_wait3A_42] : memref<200x8x32x8x128xf32, #tpu.memory_space<hbm>> -> memref<1x1x1x8x128xf32, #tpu.memory_space<hbm>>
    %dma_wait3A_44 = tpu.memref_squeeze %dma_wait3A_43 : memref<1x1x1x8x128xf32, #tpu.memory_space<hbm>> -> memref<8x128xf32, #tpu.memory_space<hbm>>
    %dma_wait3A_45 = arith.constant 0 : i32
    %dma_wait3A_46 = arith.constant 0 : i32
    %dma_wait3A_47 = tpu.memref_slice %arg7[%dma_wait3A, %dma_wait3A_45, %dma_wait3A_46] : memref<2x64x129xf32, #tpu.memory_space<vmem>> -> memref<1x8x128xf32, #tpu.memory_space<vmem>>
    %dma_wait3A_48 = tpu.memref_squeeze %dma_wait3A_47 : memref<1x8x128xf32, #tpu.memory_space<vmem>> -> memref<8x128xf32, #tpu.memory_space<vmem>>
    tpu.wait_dma2 semaphore(%arg12 : memref<!tpu.dma_semaphore, #tpu.memory_space<semaphore_mem>>) src(%dma_wait3A_48 : memref<8x128xf32, #tpu.memory_space<vmem>>) dst(%dma_wait3A_44 : memref<8x128xf32, #tpu.memory_space<hbm>>)
    %dma_wait3A_49 = arith.constant 0 : i32
    %dma_wait3A_50 = arith.constant 198 : i32
    %dma_wait3A_51 = arith.constant 1 : i32
    %dma_wait3A_52 = arith.constant 8 : i32
    %dma_wait3A_53 = arith.constant 0 : i32
    %dma_wait3A_54 = tpu.memref_slice %arg7[%dma_wait3A_49, %dma_wait3A_52, %dma_wait3A_53] : memref<2x64x129xf32, #tpu.memory_space<vmem>> -> memref<1x8x128xf32, #tpu.memory_space<vmem>>
    %dma_wait3A_55 = tpu.memref_squeeze %dma_wait3A_54 : memref<1x8x128xf32, #tpu.memory_space<vmem>> -> memref<8x128xf32, #tpu.memory_space<vmem>>
    %dma_wait3A_56 = arith.constant 0 : i32
    %dma_wait3A_57 = arith.constant 0 : i32
    %dma_wait3A_58 = tpu.memref_slice %arg4[%dma_wait3A_50, %dma_wait3A_51, %add3A, %dma_wait3A_56, %dma_wait3A_57] : memref<200x8x32x8x128xf32, #tpu.memory_space<hbm>> -> memref<1x1x1x8x128xf32, #tpu.memory_space<hbm>>
    %dma_wait3A_59 = tpu.memref_squeeze %dma_wait3A_58 : memref<1x1x1x8x128xf32, #tpu.memory_space<hbm>> -> memref<8x128xf32, #tpu.memory_space<hbm>>
    %dma_wait3A_60 = arith.constant 0 : i32
    %dma_wait3A_61 = arith.constant 0 : i32
    %dma_wait3A_62 = tpu.memref_slice %arg4[%dma_wait3A_50, %dma_wait3A_51, %add3A, %dma_wait3A_60, %dma_wait3A_61] : memref<200x8x32x8x128xf32, #tpu.memory_space<hbm>> -> memref<1x1x1x8x128xf32, #tpu.memory_space<hbm>>
    %dma_wait3A_63 = tpu.memref_squeeze %dma_wait3A_62 : memref<1x1x1x8x128xf32, #tpu.memory_space<hbm>> -> memref<8x128xf32, #tpu.memory_space<hbm>>
    %dma_wait3A_64 = arith.constant 8 : i32
    %dma_wait3A_65 = arith.constant 0 : i32
    %dma_wait3A_66 = tpu.memref_slice %arg7[%dma_wait3A_49, %dma_wait3A_64, %dma_wait3A_65] : memref<2x64x129xf32, #tpu.memory_space<vmem>> -> memref<1x8x128xf32, #tpu.memory_space<vmem>>
    %dma_wait3A_67 = tpu.memref_squeeze %dma_wait3A_66 : memref<1x8x128xf32, #tpu.memory_space<vmem>> -> memref<8x128xf32, #tpu.memory_space<vmem>>
    tpu.wait_dma2 semaphore(%arg12 : memref<!tpu.dma_semaphore, #tpu.memory_space<semaphore_mem>>) src(%dma_wait3A_67 : memref<8x128xf32, #tpu.memory_space<vmem>>) dst(%dma_wait3A_63 : memref<8x128xf32, #tpu.memory_space<hbm>>)
    %dma_wait3A_68 = arith.constant 0 : i32
    %dma_wait3A_69 = arith.constant 198 : i32
    %dma_wait3A_70 = arith.constant 2 : i32
    %dma_wait3A_71 = arith.constant 16 : i32
    %dma_wait3A_72 = arith.constant 0 : i32
    %dma_wait3A_73 = tpu.memref_slice %arg7[%dma_wait3A_68, %dma_wait3A_71, %dma_wait3A_72] : memref<2x64x129xf32, #tpu.memory_space<vmem>> -> memref<1x8x128xf32, #tpu.memory_space<vmem>>
    %dma_wait3A_74 = tpu.memref_squeeze %dma_wait3A_73 : memref<1x8x128xf32, #tpu.memory_space<vmem>> -> memref<8x128xf32, #tpu.memory_space<vmem>>
    %dma_wait3A_75 = arith.constant 0 : i32
    %dma_wait3A_76 = arith.constant 0 : i32
    %dma_wait3A_77 = tpu.memref_slice %arg4[%dma_wait3A_69, %dma_wait3A_70, %add3A, %dma_wait3A_75, %dma_wait3A_76] : memref<200x8x32x8x128xf32, #tpu.memory_space<hbm>> -> memref<1x1x1x8x128xf32, #tpu.memory_space<hbm>>
    %dma_wait3A_78 = tpu.memref_squeeze %dma_wait3A_77 : memref<1x1x1x8x128xf32, #tpu.memory_space<hbm>> -> memref<8x128xf32, #tpu.memory_space<hbm>>
    %dma_wait3A_79 = arith.constant 0 : i32
    %dma_wait3A_80 = arith.constant 0 : i32
    %dma_wait3A_81 = tpu.memref_slice %arg4[%dma_wait3A_69, %dma_wait3A_70, %add3A, %dma_wait3A_79, %dma_wait3A_80] : memref<200x8x32x8x128xf32, #tpu.memory_space<hbm>> -> memref<1x1x1x8x128xf32, #tpu.memory_space<hbm>>
    %dma_wait3A_82 = tpu.memref_squeeze %dma_wait3A_81 : memref<1x1x1x8x128xf32, #tpu.memory_space<hbm>> -> memref<8x128xf32, #tpu.memory_space<hbm>>
    %dma_wait3A_83 = arith.constant 16 : i32
    %dma_wait3A_84 = arith.constant 0 : i32
    %dma_wait3A_85 = tpu.memref_slice %arg7[%dma_wait3A_68, %dma_wait3A_83, %dma_wait3A_84] : memref<2x64x129xf32, #tpu.memory_space<vmem>> -> memref<1x8x128xf32, #tpu.memory_space<vmem>>
    %dma_wait3A_86 = tpu.memref_squeeze %dma_wait3A_85 : memref<1x8x128xf32, #tpu.memory_space<vmem>> -> memref<8x128xf32, #tpu.memory_space<vmem>>
    tpu.wait_dma2 semaphore(%arg12 : memref<!tpu.dma_semaphore, #tpu.memory_space<semaphore_mem>>) src(%dma_wait3A_86 : memref<8x128xf32, #tpu.memory_space<vmem>>) dst(%dma_wait3A_82 : memref<8x128xf32, #tpu.memory_space<hbm>>)
    %dma_wait3A_87 = arith.constant 0 : i32
    %dma_wait3A_88 = arith.constant 198 : i32
    %dma_wait3A_89 = arith.constant 3 : i32
    %dma_wait3A_90 = arith.constant 24 : i32
    %dma_wait3A_91 = arith.constant 0 : i32
    %dma_wait3A_92 = tpu.memref_slice %arg7[%dma_wait3A_87, %dma_wait3A_90, %dma_wait3A_91] : memref<2x64x129xf32, #tpu.memory_space<vmem>> -> memref<1x8x128xf32, #tpu.memory_space<vmem>>
    %dma_wait3A_93 = tpu.memref_squeeze %dma_wait3A_92 : memref<1x8x128xf32, #tpu.memory_space<vmem>> -> memref<8x128xf32, #tpu.memory_space<vmem>>
    %dma_wait3A_94 = arith.constant 0 : i32
    %dma_wait3A_95 = arith.constant 0 : i32
    %dma_wait3A_96 = tpu.memref_slice %arg4[%dma_wait3A_88, %dma_wait3A_89, %add3A, %dma_wait3A_94, %dma_wait3A_95] : memref<200x8x32x8x128xf32, #tpu.memory_space<hbm>> -> memref<1x1x1x8x128xf32, #tpu.memory_space<hbm>>
    %dma_wait3A_97 = tpu.memref_squeeze %dma_wait3A_96 : memref<1x1x1x8x128xf32, #tpu.memory_space<hbm>> -> memref<8x128xf32, #tpu.memory_space<hbm>>
    %dma_wait3A_98 = arith.constant 0 : i32
    %dma_wait3A_99 = arith.constant 0 : i32
    %dma_wait3A_100 = tpu.memref_slice %arg4[%dma_wait3A_88, %dma_wait3A_89, %add3A, %dma_wait3A_98, %dma_wait3A_99] : memref<200x8x32x8x128xf32, #tpu.memory_space<hbm>> -> memref<1x1x1x8x128xf32, #tpu.memory_space<hbm>>
    %dma_wait3A_101 = tpu.memref_squeeze %dma_wait3A_100 : memref<1x1x1x8x128xf32, #tpu.memory_space<hbm>> -> memref<8x128xf32, #tpu.memory_space<hbm>>
    %dma_wait3A_102 = arith.constant 24 : i32
    %dma_wait3A_103 = arith.constant 0 : i32
    %dma_wait3A_104 = tpu.memref_slice %arg7[%dma_wait3A_87, %dma_wait3A_102, %dma_wait3A_103] : memref<2x64x129xf32, #tpu.memory_space<vmem>> -> memref<1x8x128xf32, #tpu.memory_space<vmem>>
    %dma_wait3A_105 = tpu.memref_squeeze %dma_wait3A_104 : memref<1x8x128xf32, #tpu.memory_space<vmem>> -> memref<8x128xf32, #tpu.memory_space<vmem>>
    tpu.wait_dma2 semaphore(%arg12 : memref<!tpu.dma_semaphore, #tpu.memory_space<semaphore_mem>>) src(%dma_wait3A_105 : memref<8x128xf32, #tpu.memory_space<vmem>>) dst(%dma_wait3A_101 : memref<8x128xf32, #tpu.memory_space<hbm>>)
    %dma_wait3A_106 = arith.constant 0 : i32
    %dma_wait3A_107 = arith.constant 198 : i32
    %dma_wait3A_108 = arith.constant 4 : i32
    %dma_wait3A_109 = arith.constant 32 : i32
    %dma_wait3A_110 = arith.constant 0 : i32
    %dma_wait3A_111 = tpu.memref_slice %arg7[%dma_wait3A_106, %dma_wait3A_109, %dma_wait3A_110] : memref<2x64x129xf32, #tpu.memory_space<vmem>> -> memref<1x8x128xf32, #tpu.memory_space<vmem>>
    %dma_wait3A_112 = tpu.memref_squeeze %dma_wait3A_111 : memref<1x8x128xf32, #tpu.memory_space<vmem>> -> memref<8x128xf32, #tpu.memory_space<vmem>>
    %dma_wait3A_113 = arith.constant 0 : i32
    %dma_wait3A_114 = arith.constant 0 : i32
    %dma_wait3A_115 = tpu.memref_slice %arg4[%dma_wait3A_107, %dma_wait3A_108, %add3A, %dma_wait3A_113, %dma_wait3A_114] : memref<200x8x32x8x128xf32, #tpu.memory_space<hbm>> -> memref<1x1x1x8x128xf32, #tpu.memory_space<hbm>>
    %dma_wait3A_116 = tpu.memref_squeeze %dma_wait3A_115 : memref<1x1x1x8x128xf32, #tpu.memory_space<hbm>> -> memref<8x128xf32, #tpu.memory_space<hbm>>
    %dma_wait3A_117 = arith.constant 0 : i32
    %dma_wait3A_118 = arith.constant 0 : i32
    %dma_wait3A_119 = tpu.memref_slice %arg4[%dma_wait3A_107, %dma_wait3A_108, %add3A, %dma_wait3A_117, %dma_wait3A_118] : memref<200x8x32x8x128xf32, #tpu.memory_space<hbm>> -> memref<1x1x1x8x128xf32, #tpu.memory_space<hbm>>
    %dma_wait3A_120 = tpu.memref_squeeze %dma_wait3A_119 : memref<1x1x1x8x128xf32, #tpu.memory_space<hbm>> -> memref<8x128xf32, #tpu.memory_space<hbm>>
    %dma_wait3A_121 = arith.constant 32 : i32
    %dma_wait3A_122 = arith.constant 0 : i32
    %dma_wait3A_123 = tpu.memref_slice %arg7[%dma_wait3A_106, %dma_wait3A_121, %dma_wait3A_122] : memref<2x64x129xf32, #tpu.memory_space<vmem>> -> memref<1x8x128xf32, #tpu.memory_space<vmem>>
    %dma_wait3A_124 = tpu.memref_squeeze %dma_wait3A_123 : memref<1x8x128xf32, #tpu.memory_space<vmem>> -> memref<8x128xf32, #tpu.memory_space<vmem>>
    tpu.wait_dma2 semaphore(%arg12 : memref<!tpu.dma_semaphore, #tpu.memory_space<semaphore_mem>>) src(%dma_wait3A_124 : memref<8x128xf32, #tpu.memory_space<vmem>>) dst(%dma_wait3A_120 : memref<8x128xf32, #tpu.memory_space<hbm>>)
    %dma_wait3A_125 = arith.constant 0 : i32
    %dma_wait3A_126 = arith.constant 198 : i32
    %dma_wait3A_127 = arith.constant 5 : i32
    %dma_wait3A_128 = arith.constant 40 : i32
    %dma_wait3A_129 = arith.constant 0 : i32
    %dma_wait3A_130 = tpu.memref_slice %arg7[%dma_wait3A_125, %dma_wait3A_128, %dma_wait3A_129] : memref<2x64x129xf32, #tpu.memory_space<vmem>> -> memref<1x8x128xf32, #tpu.memory_space<vmem>>
    %dma_wait3A_131 = tpu.memref_squeeze %dma_wait3A_130 : memref<1x8x128xf32, #tpu.memory_space<vmem>> -> memref<8x128xf32, #tpu.memory_space<vmem>>
    %dma_wait3A_132 = arith.constant 0 : i32
    %dma_wait3A_133 = arith.constant 0 : i32
    %dma_wait3A_134 = tpu.memref_slice %arg4[%dma_wait3A_126, %dma_wait3A_127, %add3A, %dma_wait3A_132, %dma_wait3A_133] : memref<200x8x32x8x128xf32, #tpu.memory_space<hbm>> -> memref<1x1x1x8x128xf32, #tpu.memory_space<hbm>>
    %dma_wait3A_135 = tpu.memref_squeeze %dma_wait3A_134 : memref<1x1x1x8x128xf32, #tpu.memory_space<hbm>> -> memref<8x128xf32, #tpu.memory_space<hbm>>
    %dma_wait3A_136 = arith.constant 0 : i32
    %dma_wait3A_137 = arith.constant 0 : i32
    %dma_wait3A_138 = tpu.memref_slice %arg4[%dma_wait3A_126, %dma_wait3A_127, %add3A, %dma_wait3A_136, %dma_wait3A_137] : memref<200x8x32x8x128xf32, #tpu.memory_space<hbm>> -> memref<1x1x1x8x128xf32, #tpu.memory_space<hbm>>
    %dma_wait3A_139 = tpu.memref_squeeze %dma_wait3A_138 : memref<1x1x1x8x128xf32, #tpu.memory_space<hbm>> -> memref<8x128xf32, #tpu.memory_space<hbm>>
    %dma_wait3A_140 = arith.constant 40 : i32
    %dma_wait3A_141 = arith.constant 0 : i32
    %dma_wait3A_142 = tpu.memref_slice %arg7[%dma_wait3A_125, %dma_wait3A_140, %dma_wait3A_141] : memref<2x64x129xf32, #tpu.memory_space<vmem>> -> memref<1x8x128xf32, #tpu.memory_space<vmem>>
    %dma_wait3A_143 = tpu.memref_squeeze %dma_wait3A_142 : memref<1x8x128xf32, #tpu.memory_space<vmem>> -> memref<8x128xf32, #tpu.memory_space<vmem>>
    tpu.wait_dma2 semaphore(%arg12 : memref<!tpu.dma_semaphore, #tpu.memory_space<semaphore_mem>>) src(%dma_wait3A_143 : memref<8x128xf32, #tpu.memory_space<vmem>>) dst(%dma_wait3A_139 : memref<8x128xf32, #tpu.memory_space<hbm>>)
    %dma_wait3A_144 = arith.constant 0 : i32
    %dma_wait3A_145 = arith.constant 198 : i32
    %dma_wait3A_146 = arith.constant 6 : i32
    %dma_wait3A_147 = arith.constant 48 : i32
    %dma_wait3A_148 = arith.constant 0 : i32
    %dma_wait3A_149 = tpu.memref_slice %arg7[%dma_wait3A_144, %dma_wait3A_147, %dma_wait3A_148] : memref<2x64x129xf32, #tpu.memory_space<vmem>> -> memref<1x8x128xf32, #tpu.memory_space<vmem>>
    %dma_wait3A_150 = tpu.memref_squeeze %dma_wait3A_149 : memref<1x8x128xf32, #tpu.memory_space<vmem>> -> memref<8x128xf32, #tpu.memory_space<vmem>>
    %dma_wait3A_151 = arith.constant 0 : i32
    %dma_wait3A_152 = arith.constant 0 : i32
    %dma_wait3A_153 = tpu.memref_slice %arg4[%dma_wait3A_145, %dma_wait3A_146, %add3A, %dma_wait3A_151, %dma_wait3A_152] : memref<200x8x32x8x128xf32, #tpu.memory_space<hbm>> -> memref<1x1x1x8x128xf32, #tpu.memory_space<hbm>>
    %dma_wait3A_154 = tpu.memref_squeeze %dma_wait3A_153 : memref<1x1x1x8x128xf32, #tpu.memory_space<hbm>> -> memref<8x128xf32, #tpu.memory_space<hbm>>
    %dma_wait3A_155 = arith.constant 0 : i32
    %dma_wait3A_156 = arith.constant 0 : i32
    %dma_wait3A_157 = tpu.memref_slice %arg4[%dma_wait3A_145, %dma_wait3A_146, %add3A, %dma_wait3A_155, %dma_wait3A_156] : memref<200x8x32x8x128xf32, #tpu.memory_space<hbm>> -> memref<1x1x1x8x128xf32, #tpu.memory_space<hbm>>
    %dma_wait3A_158 = tpu.memref_squeeze %dma_wait3A_157 : memref<1x1x1x8x128xf32, #tpu.memory_space<hbm>> -> memref<8x128xf32, #tpu.memory_space<hbm>>
    %dma_wait3A_159 = arith.constant 48 : i32
    %dma_wait3A_160 = arith.constant 0 : i32
    %dma_wait3A_161 = tpu.memref_slice %arg7[%dma_wait3A_144, %dma_wait3A_159, %dma_wait3A_160] : memref<2x64x129xf32, #tpu.memory_space<vmem>> -> memref<1x8x128xf32, #tpu.memory_space<vmem>>
    %dma_wait3A_162 = tpu.memref_squeeze %dma_wait3A_161 : memref<1x8x128xf32, #tpu.memory_space<vmem>> -> memref<8x128xf32, #tpu.memory_space<vmem>>
    tpu.wait_dma2 semaphore(%arg12 : memref<!tpu.dma_semaphore, #tpu.memory_space<semaphore_mem>>) src(%dma_wait3A_162 : memref<8x128xf32, #tpu.memory_space<vmem>>) dst(%dma_wait3A_158 : memref<8x128xf32, #tpu.memory_space<hbm>>)
    %dma_wait3A_163 = arith.constant 0 : i32
    %dma_wait3A_164 = arith.constant 198 : i32
    %dma_wait3A_165 = arith.constant 7 : i32
    %dma_wait3A_166 = arith.constant 56 : i32
    %dma_wait3A_167 = arith.constant 0 : i32
    %dma_wait3A_168 = tpu.memref_slice %arg7[%dma_wait3A_163, %dma_wait3A_166, %dma_wait3A_167] : memref<2x64x129xf32, #tpu.memory_space<vmem>> -> memref<1x8x128xf32, #tpu.memory_space<vmem>>
    %dma_wait3A_169 = tpu.memref_squeeze %dma_wait3A_168 : memref<1x8x128xf32, #tpu.memory_space<vmem>> -> memref<8x128xf32, #tpu.memory_space<vmem>>
    %dma_wait3A_170 = arith.constant 0 : i32
    %dma_wait3A_171 = arith.constant 0 : i32
    %dma_wait3A_172 = tpu.memref_slice %arg4[%dma_wait3A_164, %dma_wait3A_165, %add3A, %dma_wait3A_170, %dma_wait3A_171] : memref<200x8x32x8x128xf32, #tpu.memory_space<hbm>> -> memref<1x1x1x8x128xf32, #tpu.memory_space<hbm>>
    %dma_wait3A_173 = tpu.memref_squeeze %dma_wait3A_172 : memref<1x1x1x8x128xf32, #tpu.memory_space<hbm>> -> memref<8x128xf32, #tpu.memory_space<hbm>>
    %dma_wait3A_174 = arith.constant 0 : i32
    %dma_wait3A_175 = arith.constant 0 : i32
    %dma_wait3A_176 = tpu.memref_slice %arg4[%dma_wait3A_164, %dma_wait3A_165, %add3A, %dma_wait3A_174, %dma_wait3A_175] : memref<200x8x32x8x128xf32, #tpu.memory_space<hbm>> -> memref<1x1x1x8x128xf32, #tpu.memory_space<hbm>>
    %dma_wait3A_177 = tpu.memref_squeeze %dma_wait3A_176 : memref<1x1x1x8x128xf32, #tpu.memory_space<hbm>> -> memref<8x128xf32, #tpu.memory_space<hbm>>
    %dma_wait3A_178 = arith.constant 56 : i32
    %dma_wait3A_179 = arith.constant 0 : i32
    %dma_wait3A_180 = tpu.memref_slice %arg7[%dma_wait3A_163, %dma_wait3A_178, %dma_wait3A_179] : memref<2x64x129xf32, #tpu.memory_space<vmem>> -> memref<1x8x128xf32, #tpu.memory_space<vmem>>
    %dma_wait3A_181 = tpu.memref_squeeze %dma_wait3A_180 : memref<1x8x128xf32, #tpu.memory_space<vmem>> -> memref<8x128xf32, #tpu.memory_space<vmem>>
    tpu.wait_dma2 semaphore(%arg12 : memref<!tpu.dma_semaphore, #tpu.memory_space<semaphore_mem>>) src(%dma_wait3A_181 : memref<8x128xf32, #tpu.memory_space<vmem>>) dst(%dma_wait3A_177 : memref<8x128xf32, #tpu.memory_space<hbm>>)
    %dma_wait3A_182 = arith.constant 1 : i32
    %dma_wait3A_183 = arith.constant 199 : i32
    %dma_wait3A_184 = arith.constant 0 : i32
    %dma_wait3A_185 = arith.constant 0 : i32
    %dma_wait3A_186 = arith.constant 0 : i32
    %dma_wait3A_187 = tpu.memref_slice %arg7[%dma_wait3A_182, %dma_wait3A_185, %dma_wait3A_186] : memref<2x64x129xf32, #tpu.memory_space<vmem>> -> memref<1x8x128xf32, #tpu.memory_space<vmem>>
    %dma_wait3A_188 = tpu.memref_squeeze %dma_wait3A_187 : memref<1x8x128xf32, #tpu.memory_space<vmem>> -> memref<8x128xf32, #tpu.memory_space<vmem>>
    %dma_wait3A_189 = arith.constant 0 : i32
    %dma_wait3A_190 = arith.constant 0 : i32
    %dma_wait3A_191 = tpu.memref_slice %arg4[%dma_wait3A_183, %dma_wait3A_184, %add3A, %dma_wait3A_189, %dma_wait3A_190] : memref<200x8x32x8x128xf32, #tpu.memory_space<hbm>> -> memref<1x1x1x8x128xf32, #tpu.memory_space<hbm>>
    %dma_wait3A_192 = tpu.memref_squeeze %dma_wait3A_191 : memref<1x1x1x8x128xf32, #tpu.memory_space<hbm>> -> memref<8x128xf32, #tpu.memory_space<hbm>>
    %dma_wait3A_193 = arith.constant 0 : i32
    %dma_wait3A_194 = arith.constant 0 : i32
    %dma_wait3A_195 = tpu.memref_slice %arg4[%dma_wait3A_183, %dma_wait3A_184, %add3A, %dma_wait3A_193, %dma_wait3A_194] : memref<200x8x32x8x128xf32, #tpu.memory_space<hbm>> -> memref<1x1x1x8x128xf32, #tpu.memory_space<hbm>>
    %dma_wait3A_196 = tpu.memref_squeeze %dma_wait3A_195 : memref<1x1x1x8x128xf32, #tpu.memory_space<hbm>> -> memref<8x128xf32, #tpu.memory_space<hbm>>
    %dma_wait3A_197 = arith.constant 0 : i32
    %dma_wait3A_198 = arith.constant 0 : i32
    %dma_wait3A_199 = tpu.memref_slice %arg7[%dma_wait3A_182, %dma_wait3A_197, %dma_wait3A_198] : memref<2x64x129xf32, #tpu.memory_space<vmem>> -> memref<1x8x128xf32, #tpu.memory_space<vmem>>
    %dma_wait3A_200 = tpu.memref_squeeze %dma_wait3A_199 : memref<1x8x128xf32, #tpu.memory_space<vmem>> -> memref<8x128xf32, #tpu.memory_space<vmem>>
    tpu.wait_dma2 semaphore(%arg13 : memref<!tpu.dma_semaphore, #tpu.memory_space<semaphore_mem>>) src(%dma_wait3A_200 : memref<8x128xf32, #tpu.memory_space<vmem>>) dst(%dma_wait3A_196 : memref<8x128xf32, #tpu.memory_space<hbm>>)
    %dma_wait3A_201 = arith.constant 1 : i32
    %dma_wait3A_202 = arith.constant 199 : i32
    %dma_wait3A_203 = arith.constant 1 : i32
    %dma_wait3A_204 = arith.constant 8 : i32
    %dma_wait3A_205 = arith.constant 0 : i32
    %dma_wait3A_206 = tpu.memref_slice %arg7[%dma_wait3A_201, %dma_wait3A_204, %dma_wait3A_205] : memref<2x64x129xf32, #tpu.memory_space<vmem>> -> memref<1x8x128xf32, #tpu.memory_space<vmem>>
    %dma_wait3A_207 = tpu.memref_squeeze %dma_wait3A_206 : memref<1x8x128xf32, #tpu.memory_space<vmem>> -> memref<8x128xf32, #tpu.memory_space<vmem>>
    %dma_wait3A_208 = arith.constant 0 : i32
    %dma_wait3A_209 = arith.constant 0 : i32
    %dma_wait3A_210 = tpu.memref_slice %arg4[%dma_wait3A_202, %dma_wait3A_203, %add3A, %dma_wait3A_208, %dma_wait3A_209] : memref<200x8x32x8x128xf32, #tpu.memory_space<hbm>> -> memref<1x1x1x8x128xf32, #tpu.memory_space<hbm>>
    %dma_wait3A_211 = tpu.memref_squeeze %dma_wait3A_210 : memref<1x1x1x8x128xf32, #tpu.memory_space<hbm>> -> memref<8x128xf32, #tpu.memory_space<hbm>>
    %dma_wait3A_212 = arith.constant 0 : i32
    %dma_wait3A_213 = arith.constant 0 : i32
    %dma_wait3A_214 = tpu.memref_slice %arg4[%dma_wait3A_202, %dma_wait3A_203, %add3A, %dma_wait3A_212, %dma_wait3A_213] : memref<200x8x32x8x128xf32, #tpu.memory_space<hbm>> -> memref<1x1x1x8x128xf32, #tpu.memory_space<hbm>>
    %dma_wait3A_215 = tpu.memref_squeeze %dma_wait3A_214 : memref<1x1x1x8x128xf32, #tpu.memory_space<hbm>> -> memref<8x128xf32, #tpu.memory_space<hbm>>
    %dma_wait3A_216 = arith.constant 8 : i32
    %dma_wait3A_217 = arith.constant 0 : i32
    %dma_wait3A_218 = tpu.memref_slice %arg7[%dma_wait3A_201, %dma_wait3A_216, %dma_wait3A_217] : memref<2x64x129xf32, #tpu.memory_space<vmem>> -> memref<1x8x128xf32, #tpu.memory_space<vmem>>
    %dma_wait3A_219 = tpu.memref_squeeze %dma_wait3A_218 : memref<1x8x128xf32, #tpu.memory_space<vmem>> -> memref<8x128xf32, #tpu.memory_space<vmem>>
    tpu.wait_dma2 semaphore(%arg13 : memref<!tpu.dma_semaphore, #tpu.memory_space<semaphore_mem>>) src(%dma_wait3A_219 : memref<8x128xf32, #tpu.memory_space<vmem>>) dst(%dma_wait3A_215 : memref<8x128xf32, #tpu.memory_space<hbm>>)
    %dma_wait3A_220 = arith.constant 1 : i32
    %dma_wait3A_221 = arith.constant 199 : i32
    %dma_wait3A_222 = arith.constant 2 : i32
    %dma_wait3A_223 = arith.constant 16 : i32
    %dma_wait3A_224 = arith.constant 0 : i32
    %dma_wait3A_225 = tpu.memref_slice %arg7[%dma_wait3A_220, %dma_wait3A_223, %dma_wait3A_224] : memref<2x64x129xf32, #tpu.memory_space<vmem>> -> memref<1x8x128xf32, #tpu.memory_space<vmem>>
    %dma_wait3A_226 = tpu.memref_squeeze %dma_wait3A_225 : memref<1x8x128xf32, #tpu.memory_space<vmem>> -> memref<8x128xf32, #tpu.memory_space<vmem>>
    %dma_wait3A_227 = arith.constant 0 : i32
    %dma_wait3A_228 = arith.constant 0 : i32
    %dma_wait3A_229 = tpu.memref_slice %arg4[%dma_wait3A_221, %dma_wait3A_222, %add3A, %dma_wait3A_227, %dma_wait3A_228] : memref<200x8x32x8x128xf32, #tpu.memory_space<hbm>> -> memref<1x1x1x8x128xf32, #tpu.memory_space<hbm>>
    %dma_wait3A_230 = tpu.memref_squeeze %dma_wait3A_229 : memref<1x1x1x8x128xf32, #tpu.memory_space<hbm>> -> memref<8x128xf32, #tpu.memory_space<hbm>>
    %dma_wait3A_231 = arith.constant 0 : i32
    %dma_wait3A_232 = arith.constant 0 : i32
    %dma_wait3A_233 = tpu.memref_slice %arg4[%dma_wait3A_221, %dma_wait3A_222, %add3A, %dma_wait3A_231, %dma_wait3A_232] : memref<200x8x32x8x128xf32, #tpu.memory_space<hbm>> -> memref<1x1x1x8x128xf32, #tpu.memory_space<hbm>>
    %dma_wait3A_234 = tpu.memref_squeeze %dma_wait3A_233 : memref<1x1x1x8x128xf32, #tpu.memory_space<hbm>> -> memref<8x128xf32, #tpu.memory_space<hbm>>
    %dma_wait3A_235 = arith.constant 16 : i32
    %dma_wait3A_236 = arith.constant 0 : i32
    %dma_wait3A_237 = tpu.memref_slice %arg7[%dma_wait3A_220, %dma_wait3A_235, %dma_wait3A_236] : memref<2x64x129xf32, #tpu.memory_space<vmem>> -> memref<1x8x128xf32, #tpu.memory_space<vmem>>
    %dma_wait3A_238 = tpu.memref_squeeze %dma_wait3A_237 : memref<1x8x128xf32, #tpu.memory_space<vmem>> -> memref<8x128xf32, #tpu.memory_space<vmem>>
    tpu.wait_dma2 semaphore(%arg13 : memref<!tpu.dma_semaphore, #tpu.memory_space<semaphore_mem>>) src(%dma_wait3A_238 : memref<8x128xf32, #tpu.memory_space<vmem>>) dst(%dma_wait3A_234 : memref<8x128xf32, #tpu.memory_space<hbm>>)
    %dma_wait3A_239 = arith.constant 1 : i32
    %dma_wait3A_240 = arith.constant 199 : i32
    %dma_wait3A_241 = arith.constant 3 : i32
    %dma_wait3A_242 = arith.constant 24 : i32
    %dma_wait3A_243 = arith.constant 0 : i32
    %dma_wait3A_244 = tpu.memref_slice %arg7[%dma_wait3A_239, %dma_wait3A_242, %dma_wait3A_243] : memref<2x64x129xf32, #tpu.memory_space<vmem>> -> memref<1x8x128xf32, #tpu.memory_space<vmem>>
    %dma_wait3A_245 = tpu.memref_squeeze %dma_wait3A_244 : memref<1x8x128xf32, #tpu.memory_space<vmem>> -> memref<8x128xf32, #tpu.memory_space<vmem>>
    %dma_wait3A_246 = arith.constant 0 : i32
    %dma_wait3A_247 = arith.constant 0 : i32
    %dma_wait3A_248 = tpu.memref_slice %arg4[%dma_wait3A_240, %dma_wait3A_241, %add3A, %dma_wait3A_246, %dma_wait3A_247] : memref<200x8x32x8x128xf32, #tpu.memory_space<hbm>> -> memref<1x1x1x8x128xf32, #tpu.memory_space<hbm>>
    %dma_wait3A_249 = tpu.memref_squeeze %dma_wait3A_248 : memref<1x1x1x8x128xf32, #tpu.memory_space<hbm>> -> memref<8x128xf32, #tpu.memory_space<hbm>>
    %dma_wait3A_250 = arith.constant 0 : i32
    %dma_wait3A_251 = arith.constant 0 : i32
    %dma_wait3A_252 = tpu.memref_slice %arg4[%dma_wait3A_240, %dma_wait3A_241, %add3A, %dma_wait3A_250, %dma_wait3A_251] : memref<200x8x32x8x128xf32, #tpu.memory_space<hbm>> -> memref<1x1x1x8x128xf32, #tpu.memory_space<hbm>>
    %dma_wait3A_253 = tpu.memref_squeeze %dma_wait3A_252 : memref<1x1x1x8x128xf32, #tpu.memory_space<hbm>> -> memref<8x128xf32, #tpu.memory_space<hbm>>
    %dma_wait3A_254 = arith.constant 24 : i32
    %dma_wait3A_255 = arith.constant 0 : i32
    %dma_wait3A_256 = tpu.memref_slice %arg7[%dma_wait3A_239, %dma_wait3A_254, %dma_wait3A_255] : memref<2x64x129xf32, #tpu.memory_space<vmem>> -> memref<1x8x128xf32, #tpu.memory_space<vmem>>
    %dma_wait3A_257 = tpu.memref_squeeze %dma_wait3A_256 : memref<1x8x128xf32, #tpu.memory_space<vmem>> -> memref<8x128xf32, #tpu.memory_space<vmem>>
    tpu.wait_dma2 semaphore(%arg13 : memref<!tpu.dma_semaphore, #tpu.memory_space<semaphore_mem>>) src(%dma_wait3A_257 : memref<8x128xf32, #tpu.memory_space<vmem>>) dst(%dma_wait3A_253 : memref<8x128xf32, #tpu.memory_space<hbm>>)
    %dma_wait3A_258 = arith.constant 1 : i32
    %dma_wait3A_259 = arith.constant 199 : i32
    %dma_wait3A_260 = arith.constant 4 : i32
    %dma_wait3A_261 = arith.constant 32 : i32
    %dma_wait3A_262 = arith.constant 0 : i32
    %dma_wait3A_263 = tpu.memref_slice %arg7[%dma_wait3A_258, %dma_wait3A_261, %dma_wait3A_262] : memref<2x64x129xf32, #tpu.memory_space<vmem>> -> memref<1x8x128xf32, #tpu.memory_space<vmem>>
    %dma_wait3A_264 = tpu.memref_squeeze %dma_wait3A_263 : memref<1x8x128xf32, #tpu.memory_space<vmem>> -> memref<8x128xf32, #tpu.memory_space<vmem>>
    %dma_wait3A_265 = arith.constant 0 : i32
    %dma_wait3A_266 = arith.constant 0 : i32
    %dma_wait3A_267 = tpu.memref_slice %arg4[%dma_wait3A_259, %dma_wait3A_260, %add3A, %dma_wait3A_265, %dma_wait3A_266] : memref<200x8x32x8x128xf32, #tpu.memory_space<hbm>> -> memref<1x1x1x8x128xf32, #tpu.memory_space<hbm>>
    %dma_wait3A_268 = tpu.memref_squeeze %dma_wait3A_267 : memref<1x1x1x8x128xf32, #tpu.memory_space<hbm>> -> memref<8x128xf32, #tpu.memory_space<hbm>>
    %dma_wait3A_269 = arith.constant 0 : i32
    %dma_wait3A_270 = arith.constant 0 : i32
    %dma_wait3A_271 = tpu.memref_slice %arg4[%dma_wait3A_259, %dma_wait3A_260, %add3A, %dma_wait3A_269, %dma_wait3A_270] : memref<200x8x32x8x128xf32, #tpu.memory_space<hbm>> -> memref<1x1x1x8x128xf32, #tpu.memory_space<hbm>>
    %dma_wait3A_272 = tpu.memref_squeeze %dma_wait3A_271 : memref<1x1x1x8x128xf32, #tpu.memory_space<hbm>> -> memref<8x128xf32, #tpu.memory_space<hbm>>
    %dma_wait3A_273 = arith.constant 32 : i32
    %dma_wait3A_274 = arith.constant 0 : i32
    %dma_wait3A_275 = tpu.memref_slice %arg7[%dma_wait3A_258, %dma_wait3A_273, %dma_wait3A_274] : memref<2x64x129xf32, #tpu.memory_space<vmem>> -> memref<1x8x128xf32, #tpu.memory_space<vmem>>
    %dma_wait3A_276 = tpu.memref_squeeze %dma_wait3A_275 : memref<1x8x128xf32, #tpu.memory_space<vmem>> -> memref<8x128xf32, #tpu.memory_space<vmem>>
    tpu.wait_dma2 semaphore(%arg13 : memref<!tpu.dma_semaphore, #tpu.memory_space<semaphore_mem>>) src(%dma_wait3A_276 : memref<8x128xf32, #tpu.memory_space<vmem>>) dst(%dma_wait3A_272 : memref<8x128xf32, #tpu.memory_space<hbm>>)
    %dma_wait3A_277 = arith.constant 1 : i32
    %dma_wait3A_278 = arith.constant 199 : i32
    %dma_wait3A_279 = arith.constant 5 : i32
    %dma_wait3A_280 = arith.constant 40 : i32
    %dma_wait3A_281 = arith.constant 0 : i32
    %dma_wait3A_282 = tpu.memref_slice %arg7[%dma_wait3A_277, %dma_wait3A_280, %dma_wait3A_281] : memref<2x64x129xf32, #tpu.memory_space<vmem>> -> memref<1x8x128xf32, #tpu.memory_space<vmem>>
    %dma_wait3A_283 = tpu.memref_squeeze %dma_wait3A_282 : memref<1x8x128xf32, #tpu.memory_space<vmem>> -> memref<8x128xf32, #tpu.memory_space<vmem>>
    %dma_wait3A_284 = arith.constant 0 : i32
    %dma_wait3A_285 = arith.constant 0 : i32
    %dma_wait3A_286 = tpu.memref_slice %arg4[%dma_wait3A_278, %dma_wait3A_279, %add3A, %dma_wait3A_284, %dma_wait3A_285] : memref<200x8x32x8x128xf32, #tpu.memory_space<hbm>> -> memref<1x1x1x8x128xf32, #tpu.memory_space<hbm>>
    %dma_wait3A_287 = tpu.memref_squeeze %dma_wait3A_286 : memref<1x1x1x8x128xf32, #tpu.memory_space<hbm>> -> memref<8x128xf32, #tpu.memory_space<hbm>>
    %dma_wait3A_288 = arith.constant 0 : i32
    %dma_wait3A_289 = arith.constant 0 : i32
    %dma_wait3A_290 = tpu.memref_slice %arg4[%dma_wait3A_278, %dma_wait3A_279, %add3A, %dma_wait3A_288, %dma_wait3A_289] : memref<200x8x32x8x128xf32, #tpu.memory_space<hbm>> -> memref<1x1x1x8x128xf32, #tpu.memory_space<hbm>>
    %dma_wait3A_291 = tpu.memref_squeeze %dma_wait3A_290 : memref<1x1x1x8x128xf32, #tpu.memory_space<hbm>> -> memref<8x128xf32, #tpu.memory_space<hbm>>
    %dma_wait3A_292 = arith.constant 40 : i32
    %dma_wait3A_293 = arith.constant 0 : i32
    %dma_wait3A_294 = tpu.memref_slice %arg7[%dma_wait3A_277, %dma_wait3A_292, %dma_wait3A_293] : memref<2x64x129xf32, #tpu.memory_space<vmem>> -> memref<1x8x128xf32, #tpu.memory_space<vmem>>
    %dma_wait3A_295 = tpu.memref_squeeze %dma_wait3A_294 : memref<1x8x128xf32, #tpu.memory_space<vmem>> -> memref<8x128xf32, #tpu.memory_space<vmem>>
    tpu.wait_dma2 semaphore(%arg13 : memref<!tpu.dma_semaphore, #tpu.memory_space<semaphore_mem>>) src(%dma_wait3A_295 : memref<8x128xf32, #tpu.memory_space<vmem>>) dst(%dma_wait3A_291 : memref<8x128xf32, #tpu.memory_space<hbm>>)
    %dma_wait3A_296 = arith.constant 1 : i32
    %dma_wait3A_297 = arith.constant 199 : i32
    %dma_wait3A_298 = arith.constant 6 : i32
    %dma_wait3A_299 = arith.constant 48 : i32
    %dma_wait3A_300 = arith.constant 0 : i32
    %dma_wait3A_301 = tpu.memref_slice %arg7[%dma_wait3A_296, %dma_wait3A_299, %dma_wait3A_300] : memref<2x64x129xf32, #tpu.memory_space<vmem>> -> memref<1x8x128xf32, #tpu.memory_space<vmem>>
    %dma_wait3A_302 = tpu.memref_squeeze %dma_wait3A_301 : memref<1x8x128xf32, #tpu.memory_space<vmem>> -> memref<8x128xf32, #tpu.memory_space<vmem>>
    %dma_wait3A_303 = arith.constant 0 : i32
    %dma_wait3A_304 = arith.constant 0 : i32
    %dma_wait3A_305 = tpu.memref_slice %arg4[%dma_wait3A_297, %dma_wait3A_298, %add3A, %dma_wait3A_303, %dma_wait3A_304] : memref<200x8x32x8x128xf32, #tpu.memory_space<hbm>> -> memref<1x1x1x8x128xf32, #tpu.memory_space<hbm>>
    %dma_wait3A_306 = tpu.memref_squeeze %dma_wait3A_305 : memref<1x1x1x8x128xf32, #tpu.memory_space<hbm>> -> memref<8x128xf32, #tpu.memory_space<hbm>>
    %dma_wait3A_307 = arith.constant 0 : i32
    %dma_wait3A_308 = arith.constant 0 : i32
    %dma_wait3A_309 = tpu.memref_slice %arg4[%dma_wait3A_297, %dma_wait3A_298, %add3A, %dma_wait3A_307, %dma_wait3A_308] : memref<200x8x32x8x128xf32, #tpu.memory_space<hbm>> -> memref<1x1x1x8x128xf32, #tpu.memory_space<hbm>>
    %dma_wait3A_310 = tpu.memref_squeeze %dma_wait3A_309 : memref<1x1x1x8x128xf32, #tpu.memory_space<hbm>> -> memref<8x128xf32, #tpu.memory_space<hbm>>
    %dma_wait3A_311 = arith.constant 48 : i32
    %dma_wait3A_312 = arith.constant 0 : i32
    %dma_wait3A_313 = tpu.memref_slice %arg7[%dma_wait3A_296, %dma_wait3A_311, %dma_wait3A_312] : memref<2x64x129xf32, #tpu.memory_space<vmem>> -> memref<1x8x128xf32, #tpu.memory_space<vmem>>
    %dma_wait3A_314 = tpu.memref_squeeze %dma_wait3A_313 : memref<1x8x128xf32, #tpu.memory_space<vmem>> -> memref<8x128xf32, #tpu.memory_space<vmem>>
    tpu.wait_dma2 semaphore(%arg13 : memref<!tpu.dma_semaphore, #tpu.memory_space<semaphore_mem>>) src(%dma_wait3A_314 : memref<8x128xf32, #tpu.memory_space<vmem>>) dst(%dma_wait3A_310 : memref<8x128xf32, #tpu.memory_space<hbm>>)
    %dma_wait3A_315 = arith.constant 1 : i32
    %dma_wait3A_316 = arith.constant 199 : i32
    %dma_wait3A_317 = arith.constant 7 : i32
    %dma_wait3A_318 = arith.constant 56 : i32
    %dma_wait3A_319 = arith.constant 0 : i32
    %dma_wait3A_320 = tpu.memref_slice %arg7[%dma_wait3A_315, %dma_wait3A_318, %dma_wait3A_319] : memref<2x64x129xf32, #tpu.memory_space<vmem>> -> memref<1x8x128xf32, #tpu.memory_space<vmem>>
    %dma_wait3A_321 = tpu.memref_squeeze %dma_wait3A_320 : memref<1x8x128xf32, #tpu.memory_space<vmem>> -> memref<8x128xf32, #tpu.memory_space<vmem>>
    %dma_wait3A_322 = arith.constant 0 : i32
    %dma_wait3A_323 = arith.constant 0 : i32
    %dma_wait3A_324 = tpu.memref_slice %arg4[%dma_wait3A_316, %dma_wait3A_317, %add3A, %dma_wait3A_322, %dma_wait3A_323] : memref<200x8x32x8x128xf32, #tpu.memory_space<hbm>> -> memref<1x1x1x8x128xf32, #tpu.memory_space<hbm>>
    %dma_wait3A_325 = tpu.memref_squeeze %dma_wait3A_324 : memref<1x1x1x8x128xf32, #tpu.memory_space<hbm>> -> memref<8x128xf32, #tpu.memory_space<hbm>>
    %dma_wait3A_326 = arith.constant 0 : i32
    %dma_wait3A_327 = arith.constant 0 : i32
    %dma_wait3A_328 = tpu.memref_slice %arg4[%dma_wait3A_316, %dma_wait3A_317, %add3A, %dma_wait3A_326, %dma_wait3A_327] : memref<200x8x32x8x128xf32, #tpu.memory_space<hbm>> -> memref<1x1x1x8x128xf32, #tpu.memory_space<hbm>>
    %dma_wait3A_329 = tpu.memref_squeeze %dma_wait3A_328 : memref<1x1x1x8x128xf32, #tpu.memory_space<hbm>> -> memref<8x128xf32, #tpu.memory_space<hbm>>
    %dma_wait3A_330 = arith.constant 56 : i32
    %dma_wait3A_331 = arith.constant 0 : i32
    %dma_wait3A_332 = tpu.memref_slice %arg7[%dma_wait3A_315, %dma_wait3A_330, %dma_wait3A_331] : memref<2x64x129xf32, #tpu.memory_space<vmem>> -> memref<1x8x128xf32, #tpu.memory_space<vmem>>
    %dma_wait3A_333 = tpu.memref_squeeze %dma_wait3A_332 : memref<1x8x128xf32, #tpu.memory_space<vmem>> -> memref<8x128xf32, #tpu.memory_space<vmem>>
    tpu.wait_dma2 semaphore(%arg13 : memref<!tpu.dma_semaphore, #tpu.memory_space<semaphore_mem>>) src(%dma_wait3A_333 : memref<8x128xf32, #tpu.memory_space<vmem>>) dst(%dma_wait3A_329 : memref<8x128xf32, #tpu.memory_space<hbm>>)
    return
  }
}

</mosaic_0001>

<sc_bundles>
// kernel: _lookup.3.cloned.1.call-start
scs
__scs_entry_jumppad:
0x0: {  	(pc) =	sbr.rel $0x88, $3  }
0x1: {  	(tag) =	ssettag $0x0;
	lr =	simm.s32 $0x1  }
0x2: {  	[smem:$0x3F9F] =	sst lr;
	_ =	strace $0xD0000000  }
0x3: {  	_ = 	snop  }
0x4: {  	_ = 	snop  }
0x5: {  	_ = 	snop  }
0x6: {  	_ = 	snop  }
0x7: {  	_ = 	snop  }
__scs_overlays_trampoline_lowered:
0x8: {  	[smem:$0x3FAE] =	sst s0  }
0x9: {  	[smem:$0x3FAF] =	sst s1  }
0xa: {  	[smem:$0x3FB0] =	sst s2  }
0xb: {  	[smem:$0x3FB1] =	sst s3  }
0xc: {  	[smem:$0x3FB2] =	sst s4  }
0xd: {  	[smem:$0x3FB3] =	sst s5  }
0xe: {  	[smem:$0x3FB4] =	sst s6  }
0xf: {  	[smem:$0x3FB5] =	sst s7  }
0x10: {  	[smem:$0x3FB6] =	sst s8  }
0x11: {  	[smem:$0x3FB7] =	sst s9;
	s0 =	simm.s32 @!p0 $0x0  }
0x12: {  	s1 =	sld [smem:$0x3F9D];
	s0 =	simm.s32 @p0 $0x1  }
0x13: {  	[smem:$0x3FB8] =	sst s0;
	s0 =	simm.s32 @!p1 $0x0  }
0x14: {  	s2 =	sld [smem:$0x3F9C];
	s0 =	simm.s32 @p1 $0x1  }
0x15: {  	[smem:$0x3FB9] =	sst s0;
	s0 =	simm.s32 @!p2 $0x0  }
0x16: {  	s3 =	sld [smem:$0x3FDB];
	s0 =	simm.s32 @p2 $0x1  }
0x17: {  	s4 =	simm.s32 $0x1BF5;
	[smem:$0x3FBB] =	sst s0  }
0x18: {  	s0 =	sld [smem:$0x3F9E];
	_ =	swait.ge [sflag:s4], $0x0  }
0x19: {  	s7 =	sld [smem:$0x3F9F]  }
0x1a: {  	s8 =	sadd.s32 $0xFFFFE003, lr  }
0x1b: {  	s9 =	sadd.s32 $0xFFFFFEF7, lr;
	s5 =	simm.s32 $0xFFFFFFFF;
	p2 =	slt.u32 s8, $0xFFFFF086  }
0x1c: {  	p1 =	slt.u32 s9, $0xF7A;
	s5 =	simm.s32 @!p2 $0x0  }
0x1d: {  	s5 =	simm.s32 @p1 $0x1;
	p0 =	seq.s32 s7, s2  }
0x1e: {  	s7 =	smul.u32 @!p0 $0xF7A, s2;
	p2 =	seq.s32 @!p0 s5, $0x0  }
0x1f: {  	s9 =	smul.u32 $0xF7A, s1;
	s8 =	simm.s32 @!p0 $0x1BF5;
	p2 =	por !p2, p0  }
0x20: {  	[sflag:s8] =	ssyncset.s32 @!p0 $0xFFFFF086;
	s6 =	sadd.s32 @!p0 s3, s7;
	s7 =	simm.s32 @!p0 $0x108  }
0x21: {  	s3 =	sadd.s32 s3, s9;
	s6 =	sadd.s32 @!p0 $0x88, s6;
	s7 =	simm.s32 @p2 $0x1082  }
0x22: {  	[simem:s7], [sflag:s8] =	dma.local @!p0 [hbm:s6], $0xF7A  }
0x23: {  	s9 =	sor.u32 $0xD0000000, s2;
	s6 =	simm.s32 $0x108;
	_ =	swait.ge @!p0 [sflag:s8], $0x0  }
0x24: {  	s3 =	sadd.s32 $0x88, s3;
	s6 =	simm.s32 @!p1 $0x1082;
	[sflag:s4] =	ssyncset.s32 $0xFFFFF086  }
0x25: {  	[simem:s6], [sflag:s4] =	dma.local [hbm:s3], $0xF7A  }
0x26: {  	[smem:$0x3F9F] =	sst s1;
	(tag) =	ssettag s2;
	_ =	strace s9  }
0x27: {  	s1 =	sld [smem:$0x3FAF]  }
0x28: {  	s2 =	sld [smem:$0x3FB0]  }
0x29: {  	s4 =	sld [smem:$0x3FB2]  }
0x2a: {  	p0 =	seq.s32 s5, $0x0;
	s5 =	sld [smem:$0x3FB3]  }
0x2b: {  	s6 =	sld [smem:$0x3FB4]  }
0x2c: {  	s7 =	sld [smem:$0x3FB5]  }
0x2d: {  	s3 =	simm.s32 $0x108;
	s8 =	sld [smem:$0x3FB6]  }
0x2e: {  	s3 =	simm.s32 @!p0 $0x1082;
	s9 =	sld [smem:$0x3FB7]  }
0x2f: {  	lr =	sadd.s32 s0, s3;
	s0 =	sld [smem:$0x3FAE]  }
0x30: {  	s3 =	sld [smem:$0x3FB1]  }
0x31: {  	[smem:$0x3FBA] =	sst s10  }
0x32: {  	s10 =	sld [smem:$0x3FB8];
	_ =	sdelay $0x3  }
0x33: {  	p0 =	seq.s32 s10, $0x1;
	s10 =	sld [smem:$0x3FBA];
	_ =	sdelay $0x3  }
0x34: {  	[smem:$0x3FBA] =	sst s10  }
0x35: {  	s10 =	sld [smem:$0x3FB9];
	_ =	sdelay $0x3  }
0x36: {  	p1 =	seq.s32 s10, $0x1;
	s10 =	sld [smem:$0x3FBA];
	_ =	sdelay $0x3  }
0x37: {  	[smem:$0x3FBA] =	sst s10  }
0x38: {  	s10 =	sld [smem:$0x3FBB]  }
0x39: {  	_ = 	snop;
	(pc) =	sbr.ind lr, $3  }
0x3a: {  	_ = 	snop  }
0x3b: {  	_ = 	snop  }
0x3c: {  	p2 =	seq.s32 s10, $0x1;
	s10 =	sld [smem:$0x3FBA]  }
0x3d: {  	_ =	shalt  }
0x3e: {  	_ =	shalt  }
0x3f: {  	_ =	shalt  }
0x40: {  	_ =	shalt  }
0x41: {  	_ =	shalt  }
0x42: {  	_ =	shalt  }
0x43: {  	_ =	shalt  }
0x44: {  	_ =	shalt  }
0x45: {  	_ =	shalt  }
0x46: {  	_ =	shalt  }
0x47: {  	_ =	shalt  }
0x48: {  	_ =	shalt  }
0x49: {  	_ =	shalt  }
0x4a: {  	_ =	shalt  }
0x4b: {  	_ =	shalt  }
0x4c: {  	_ =	shalt  }
0x4d: {  	_ =	shalt  }
0x4e: {  	_ =	shalt  }
0x4f: {  	_ =	shalt  }
0x50: {  	_ =	shalt  }
0x51: {  	_ =	shalt  }
0x52: {  	_ =	shalt  }
0x53: {  	_ =	shalt  }
0x54: {  	_ =	shalt  }
0x55: {  	_ =	shalt  }
0x56: {  	_ =	shalt  }
0x57: {  	_ =	shalt  }
0x58: {  	_ =	shalt  }
0x59: {  	_ =	shalt  }
0x5a: {  	_ =	shalt  }
0x5b: {  	_ =	shalt  }
0x5c: {  	_ =	shalt  }
0x5d: {  	_ =	shalt  }
0x5e: {  	_ =	shalt  }
0x5f: {  	_ =	shalt  }
0x60: {  	_ =	shalt  }
0x61: {  	_ =	shalt  }
0x62: {  	_ =	shalt  }
0x63: {  	_ =	shalt  }
0x64: {  	_ =	shalt  }
0x65: {  	_ =	shalt  }
0x66: {  	_ =	shalt  }
0x67: {  	_ =	shalt  }
0x68: {  	_ =	shalt  }
0x69: {  	_ =	shalt  }
0x6a: {  	_ =	shalt  }
0x6b: {  	_ =	shalt  }
0x6c: {  	_ =	shalt  }
0x6d: {  	_ =	shalt  }
0x6e: {  	_ =	shalt  }
0x6f: {  	_ =	shalt  }
0x70: {  	_ =	shalt  }
0x71: {  	_ =	shalt  }
0x72: {  	_ =	shalt  }
0x73: {  	_ =	shalt  }
0x74: {  	_ =	shalt  }
0x75: {  	_ =	shalt  }
0x76: {  	_ =	shalt  }
0x77: {  	_ =	shalt  }
0x78: {  	_ =	shalt  }
0x79: {  	_ =	shalt  }
0x7a: {  	_ =	shalt  }
0x7b: {  	_ =	shalt  }
0x7c: {  	_ =	shalt  }
0x7d: {  	_ =	shalt  }
0x7e: {  	_ =	shalt  }
0x7f: {  	_ =	shalt  }
0x80: {  	_ =	shalt  }
0x81: {  	_ =	shalt  }
0x82: {  	_ =	shalt  }
0x83: {  	_ =	shalt  }
0x84: {  	_ =	shalt  }
0x85: {  	_ =	shalt  }
0x86: {  	_ =	shalt  }
0x87: {  	_ =	shalt  }
.Lfunc_end0:
.L_simem_size_0:
called_computation_lowered:
.L_overlay_start_0:
0x88: {  	s2 =	sld [smem:$0x3FD9]  }
0x89: {  	s3 =	sld [smem:$0x3FFE];
	_ =	sdelay $0x1  }
0x8a: {  	s1 =	srdreg.scid  }
0x8b: {  	s0 =	sand.u32 $0x1, s1  }
0x8c: {  	s17 =	sshll.u32 s0, $0xA;
	s2 =	sadd.s32 s3, s2  }
0x8d: {  	s2 =	sadd.s32 s2, s17  }
0x8e: {  	[smem:$0x3FC6] =	sst s2  }
0x8f: {  	_ = 	snop  }
0x90: {  	s2 =	sld [smem:$0x3FD0];
	(tm) =	ssettm $0x1  }
0x91: {  	s18 =	sld [smem:$0x3FFB];
	_ =	sdelay $0x3  }
0x92: {  	_ =	strace s18  }
0x93: {  	s3 =	sld [smem:$0x3FFC];
	_ =	sdelay $0x3  }
0x94: {  	_ =	strace s3  }
0x95: {  	s3 =	sld [smem:$0x3FFD];
	_ =	sdelay $0x3  }
0x96: {  	_ =	strace s3  }
0x97: {  	_ =	strace $0x8FFFFFFF  }
0x98: {  	s19 =	sld [smem:$0x3FDB];
	_ =	sdelay $0x1  }
0x99: {  	s4 =	simm.s32 $_scs_section_size  }
0x9a: {  	s5 =	simm.s32 $_size__tile_overlayer_lowered;
	s6 =	simm.s32 $_tile_overlayer_lowered  }
0x9b: {  	s22 =	simm.s32 $0x1BFF;
	s21 =	sshll.u32 s6, $0x1;
	s3 =	sadd.s32 s4, s19  }
0x9c: {  	s7 =	simm.s32 $0x0;
	s20 =	sshll.u32 s5, $0x1;
	s5 =	sadd.s32 s21, s3  }
0x9d: {  	[timem:s7], [sflag:s22] =	dma.local [hbm:s5], s20  }
0x9e: {  	_ =	swait.ge [sflag:s22], s20  }
0x9f: {  	s4 =	ssub.s32 $0x0, s20;
	[sflag:s22] =	ssyncset.done $0x0  }
0xa0: {  	[sflag:s22] =	ssyncadd.s32 s4;
	_ =	sdelay $0x1  }
0xa1: {  	s23 =	simm.s32 $0x1B8B  }
0xa2: {  	_ =	swait.ge [sflag:s23], $0x1  }
0xa3: {  	[sflag:s23] =	ssyncset.done $0x0  }
0xa4: {  	s25 =	simm.s32 $0x1B8E;
	s24 =	sld [smem:$0x3FFE];
	[sflag:s23] =	ssyncadd.s32 $0xFFFFFFFF  }
0xa5: {  	s26 =	simm.s32 $execute0_lowered;
	[smem:$0x3FD2] =	sst s25  }
0xa6: {  	s5 =	sshll.u32 s26, $0x1;
	_ =	strace $0x80000046;
	[dreg:$0x1] =	wrdreg $0xFFFFFFFF  }
0xa7: {  	s28 =	simm.s32 $_size_execute0_lowered;
	s3 =	sadd.s32 s3, s5;
	[dreg:$0x0] =	wrdreg $0x0  }
0xa8: {  	s5 =	sshll.u32 s28, $0x1;
	[dreg:$0x2] =	wrdreg s3  }
0xa9: {  	[dreg:$0x3] =	wrdreg s5  }
0xaa: {  	[dreg:$0x4] =	wrdreg $0xC0  }
0xab: {  	_ =	task [dreg:s7], $0x5FFFF  }
0xac: {  	[dreg:$0x1] =	wrdreg $0xFFFFFFFF  }
0xad: {  	[dreg:$0x0] =	wrdreg $0x60  }
0xae: {  	[dreg:$0x2] =	wrdreg s24  }
0xaf: {  	[dreg:$0x3] =	wrdreg s2  }
0xb0: {  	[dreg:$0x4] =	wrdreg $0x9  }
0xb1: {  	_ =	task.clear_ibuf [dreg:s7], $0x5FFFF;
	_ =	strace $0x90000046  }
0xb2: {  	s29 =	simm.s32 $0x9;
	_ =	strace $0x80000048  }
0xb3: {  	_ =	swait.ge [sflag:s29], $0x1  }
0xb4: {  	[sflag:s29] =	ssyncadd.s32 $0xFFFFFFFF  }
0xb5: {  	_ =	strace $0x90000048  }
0xb6: {  	_ =	sfence  }
0xb7: {  	s30 =	sld [smem:$0x0];
	_ =	sdelay $0x2  }
0xb8: {  	s31 =	sshll.u32 s1, $0xD;
	s1 =	sshrl.u32 s1, $0x2  }
0xb9: {  	s3 =	sand.u32 $0x4000, s31;
	s1 =	sadd.s32 s1, s30  }
0xba: {  	s0 =	sor.u32 s3, s0;
	s1 =	sshll.u32 s1, $0x11  }
0xbb: {  	s0 =	sor.u32 s1, s0  }
0xbc: {  	s0 =	sadd.s32 $0x8F2B, s0  }
0xbd: {  	[sflag:s0] =	ssyncadd.remote.s32 $0x1  }
0xbe: {  	_ =	sfence.sel $0xFFFF  }
0xbf: {  	[dreg:$0x0] =	wrdreg $0xFFFFFFFF;
	(pc) =	sbr.abs _section_cstart, $3  }
0xc0: {  	[dreg:$0x1] =	wrdreg $0xFFFFFFFF  }
0xc1: {  	_ =	task.clear_ibuf [dreg:s7], $0x2FFFF;
	_ =	strace $0x9FFFFFFF  }
0xc2: {  	(tm) =	ssettm $0x7FFFFFFF  }
0xc3: {  	_ =	shalt  }
tec
execute0_lowered:
.L_overlay_start_1:
0x0: {  	(tag) =	ssettag $0x1  }
0x1: {  	s0 =	rddreg [dreg:$0x0];
	s1 =	srdreg.scid  }
0x2: {  	s3 =	stileid.u32;
	s2 =	rddreg [dreg:$0x1]  }
0x3: {  	s14 =	simm.s32 $0x80;
	s30 =	simm.s32 $0x1;
	s31 =	simm.s32 $0xE400  }
0x4: {  	s17 =	simm.s32 $0x2;
	s18 =	simm.s32 $0x10600;
	s15 =	simm.s32 $0x125E0  }
0x5: {  	s16 =	simm.s32 $0x12668;
	s1 =	sand.u32 $0x1, s1;
	s4 =	sshll.u32 s3, $0x1  }
0x6: {  	s3 =	simm.s32 $0x0;
	s8 =	sadd.s32 $0x2000, s2;
	s9 =	sadd.s32 $0x3000, s2  }
0x7: {  	v0 =	vlaneseq.u32;
	s10 =	sadd.s32 $0x4000, s2;
	s21 =	sadd.s32 $0x8000, s2;
	[smem:$0x7FF] =	sst s3  }
0x8: {  	s22 =	sadd.s32 $0x9000, s2;
	v0 =	vmul.u32 $0x88, v0;
	_ =	strace $0x80000047;
	[dreg:$0x4] =	wrdreg s21  }
0x9: {  	v1 =	vimm.s32 $0x0;
	vm0 =	vcmask $0x300;
	s11 =	sadd.s32 $0x5000, s2;
	s23 =	sadd.s32 $0xA000, s2;
	[dreg:$0x5] =	wrdreg s22  }
0xa: {  	s12 =	sadd.s32 $0x6000, s2;
	s24 =	sadd.s32 $0xB000, s2;
	v1 =	vsel vm0, $0x3, v1;
	[dreg:$0x6] =	wrdreg s23;
	v2 =	vadd.s32 $0x880, v0  }
0xb: {  	s13 =	sadd.s32 $0x7000, s2;
	s25 =	sadd.s32 $0xC000, s2;
	[dreg:$0x7] =	wrdreg s24;
	v3 =	vadd.s32 $0x1100, v0;
	v4 =	vadd.s32 $0x1980, v0;
	v5 =	vor.u32 $0x1, v0  }
0xc: {  	s26 =	sadd.s32 $0xD000, s2;
	s28 =	sadd.s32 $0xE000, s2;
	[dreg:$0x8] =	wrdreg s25;
	v6 =	vadd.s32 $0x881, v0;
	v7 =	vadd.s32 $0x1101, v0;
	v8 =	vadd.s32 $0x1981, v0  }
0xd: {  	s29 =	sadd.s32 $0xF000, s2;
	s5 =	sor.u32 s1, s4;
	[dreg:$0x9] =	wrdreg s26;
	v9 =	vor.u32 $0x2, v0;
	v10 =	vadd.s32 $0x882, v0;
	v11 =	vadd.s32 $0x1102, v0  }
0xe: {  	s1 =	ssub.s32 $0x2, s1;
	s4 =	sshll.u32 s5, $0x4;
	[dreg:$0xa] =	wrdreg s28;
	v12 =	vadd.s32 $0x1982, v0;
	v13 =	vor.u32 $0x3, v0;
	v14 =	vadd.s32 $0x883, v0  }
0xf: {  	s7 =	sshrl.u32 s1, $0x1;
	[dreg:$0xb] =	wrdreg s29;
	v15 =	vadd.s32 $0x1103, v0;
	v16 =	vadd.s32 $0x1983, v0;
	v17 =	vor.u32 $0x4, v0;
	s21 =	simm.s32 $0x5  }
0x10: {  	v18 =	vadd.s32 $0x884, v0;
	v19 =	vadd.s32 $0x1104, v0;
	v20 =	vadd.s32 $0x1984, v0;
	s24 =	simm.s32 $0x4;
	s22 =	simm.s32 $0x0;
	s6 =	sadd.s32 s4, s0  }
0x11: {  	v21 =	vor.u32 $0x5, v0;
	v22 =	vadd.s32 $0x885, v0;
	v23 =	vadd.s32 $0x1105, v0;
	s4 =	sadd.s32 $0xF42A00, s0;
	s19 =	ssub.s32 s1, s7;
	s7 =	sadd.s32 $0x1000, s2  }
0x12: {  	v24 =	vadd.s32 $0x1985, v0;
	v25 =	vor.u32 $0x6, v0;
	v26 =	vadd.s32 $0x886, v0;
	s1 =	simm.s32 $0x3;
	s20 =	sadd.s32 $0x600, s6;
	s6 =	sshll.u32 s5, $0xA  }
0x13: {  	v27 =	vadd.s32 $0x1106, v0;
	v28 =	vadd.s32 $0x1986, v0;
	v29 =	vor.u32 $0x7, v0;
	s0 =	smax.u32 s19, $0x1;
	s19 =	simm.s32 $0x126F0;
	[dreg:$0x3] =	wrdreg s20  }
0x14: {  	v30 =	vadd.s32 $0x887, v0;
	v31 =	vadd.s32 $0x1107, v0;
	v32 =	vadd.s32 $0x1987, v0;
	[dreg:$0xc] =	wrdreg s0;
	s20 =	simm.s32 $0x12778;
	s0 =	simm.s32 $0x6  }
.LBB2_1:
0x15: {  	[dreg:$0xd] =	wrdreg s22  }
0x16: {  	s5 =	rddreg [dreg:$0x3];
	s25 =	simm.s32 $0x1000;
	s26 =	simm.s32 $0x7  }
0x17: {  	[tilespmem:s3], [sflag:$0x7] =	stream.strided.gather [hbm4b:s5+s14], $0x6400, s25, s14, $0x38;
	[tilespmem:$0x12800] =	vst v63  }
0x18: {  	_ =	swait.ge [sflag:s26], $0x6400  }
0x19: {  	[sflag:s26] =	ssyncset.done $0x0  }
0x1a: {  	s28 =	simm.s32 $0x6400;
	[sflag:s26] =	ssyncadd.s32 $0xFFFF9C00  }
0x1b: {  	[tilespmem:s28], [sflag:$0x1] =	stream.indirect.gather [hbm4b:s4+s14], $0x40, s3, s14, $0xb8;
	[tilespmem:$0x12800] =	vst v63  }
0x1c: {  	s29 =	simm.s32 $0x8400;
	s26 =	simm.s32 $0x0  }
0x1d: {  	[tilespmem:s29], [sflag:$0x2] =	stream.indirect.gather [hbm4b:s4+s14], $0x40, s14, s14, $0xb8;
	[tilespmem:$0x12800] =	vst v63  }
.LBB2_2:
0x1e: {  	s5 =	sshll.u32 s26, $0x2  }
0x1f: {  	s28 =	sor.u32 $0x2, s5  }
0x20: {  	s22 =	sshll.u32 s28, $0x7  }
0x21: {  	s23 =	simm.s32 $0xA400;
	p0 =	seq.s32 s26, $0x0;
	s22 =	sand.u32 $0x3FFFFF00, s22  }
0x22: {  	[tilespmem:s23], [sflag:$0x3] =	stream.indirect.gather [hbm4b:s4+s14], $0x40, s22, s14, $0xb8;
	[tilespmem:$0x12800] =	vst v63  }
0x23: {  	s22 =	simm.s32 @!p0 $0x5  }
0x24: {  	_ =	swait.ge @!p0 [sflag:s22], $0x400  }
0x25: {  	[sflag:s22] =	ssyncset.done @!p0 $0x0  }
0x26: {  	[sflag:s22] =	ssyncadd.s32 @!p0 $0xFFFFFC00  }
0x27: {  	_ =	swait.ge @!p0 [sflag:s22], $0x400  }
0x28: {  	[sflag:s22] =	ssyncset.done @!p0 $0x0  }
0x29: {  	[sflag:s22] =	ssyncadd.s32 @!p0 $0xFFFFFC00  }
0x2a: {  	_ =	swait.ge @!p0 [sflag:s22], $0x400  }
0x2b: {  	[sflag:s22] =	ssyncset.done @!p0 $0x0  }
0x2c: {  	[sflag:s22] =	ssyncadd.s32 @!p0 $0xFFFFFC00  }
0x2d: {  	_ =	swait.ge @!p0 [sflag:s22], $0x400  }
0x2e: {  	[sflag:s22] =	ssyncset.done @!p0 $0x0  }
0x2f: {  	[sflag:s22] =	ssyncadd.s32 @!p0 $0xFFFFFC00  }
0x30: {  	_ =	swait.ge @!p0 [sflag:s22], $0x400  }
0x31: {  	[sflag:s22] =	ssyncset.done @!p0 $0x0  }
0x32: {  	[sflag:s22] =	ssyncadd.s32 @!p0 $0xFFFFFC00  }
0x33: {  	_ =	swait.ge @!p0 [sflag:s22], $0x400  }
0x34: {  	[sflag:s22] =	ssyncset.done @!p0 $0x0  }
0x35: {  	[sflag:s22] =	ssyncadd.s32 @!p0 $0xFFFFFC00  }
0x36: {  	s25 =	simm.s32 $0x0;
	_ =	swait.ge @!p0 [sflag:s22], $0x400  }
0x37: {  	s29 =	simm.s32 $0x3;
	v33 =	vmov s25;
	s25 =	simm.s32 $0x2;
	[sflag:s22] =	ssyncset.done @!p0 $0x0  }
0x38: {  	v36 =	vmov s29;
	s29 =	simm.s32 $0x4;
	v35 =	vmov s25;
	[sflag:s22] =	ssyncadd.s32 @!p0 $0xFFFFFC00  }
0x39: {  	s25 =	simm.s32 $0x7;
	v33 =	vshrl.u32 v33, $0x3;
	v37 =	vmov s29;
	s29 =	simm.s32 $0x5;
	v36 =	vshrl.u32 v36, $0x3;
	_ =	swait.ge @!p0 [sflag:s22], $0x400  }
0x3a: {  	v38 =	vmov s25;
	v39 =	vmov s29;
	v33 =	vshll.u32 v33, v1;
	[sflag:s22] =	ssyncset.done @!p0 $0x0  }
0x3b: {  	v35 =	vshrl.u32 v35, $0x3;
	v37 =	vshrl.u32 v37, $0x3;
	s23 =	simm.s32 $0x1;
	v38 =	vshrl.u32 v38, $0x3;
	[sflag:s22] =	ssyncadd.s32 @!p0 $0xFFFFFC00  }
0x3c: {  	v53 =	vshll.u32 v36, v1;
	v34 =	vmov s23;
	v38 =	vshll.u32 v38, v1;
	_ =	swait.ge [sflag:s30], $0x2000  }
0x3d: {  	v33 =	vbroadcast v33, $0x0;
	s23 =	simm.s32 $0x6;
	v34 =	vshrl.u32 v34, $0x3;
	v38 =	vbroadcast v38, $0x0;
	[sflag:s30] =	ssyncset.done $0x0  }
0x3e: {  	v52 =	vshll.u32 v35, v1;
	v40 =	vmov s23;
	s23 =	simm.s32 $0x6500;
	v34 =	vshll.u32 v34, v1;
	[sflag:s30] =	ssyncadd.s32 $0xFFFFE000  }
0x3f: {  	v35 =	vbroadcast v53, $0x0;
	v45 =	vbroadcast v34, $0x0;
	v42 =	vadd.s32 v29, v38;
	v41 =	vld [tilespmem:s23+$0xC0]  }
0x40: {  	v55 =	vshrl.u32 v39, $0x3;
	v52 =	vbroadcast v52, $0x0;
	v44 =	vadd.s32 v0, v33;
	v43 =	vld [tilespmem:s23+$0xFFFFFF00]  }
0x41: {  	v54 =	vshll.u32 v37, v1;
	v36 =	vshll.u32 v55, v1;
	v47 =	vadd.s32 v5, v45;
	v46 =	vld [tilespmem:s23+$0xFFFFFF40]  }
0x42: {  	v49 =	vadd.s32 v9, v52;
	v40 =	vshrl.u32 v40, $0x3;
	v34 =	vbroadcast v54, $0x0;
	v48 =	vld [tilespmem:s23+$0xFFFFFF80]  }
0x43: {  	v50 =	vadd.s32 v13, v35;
	v37 =	vbroadcast v36, $0x0;
	v56 =	vshll.u32 v40, v1;
	v39 =	vld [tilespmem:s23+$0xFFFFFFC0]  }
0x44: {  	v36 =	vbroadcast v56, $0x0;
	v53 =	vadd.s32 v17, v34;
	v51 =	vld [tilespmem:s23+$0x0];
	[tilespmem:v42+s31+$0x0] =	vst.idx.msk $0xffff, v41  }
0x45: {  	v60 =	vadd.s32 v21, v37;
	v59 =	vld [tilespmem:s23+$0x40];
	[tilespmem:v44+s31+$0x0] =	vst.idx.msk $0xffff, v43  }
0x46: {  	v62 =	vadd.s32 v25, v36;
	v61 =	vld [tilespmem:s23+$0x80];
	[tilespmem:v47+s31+$0x0] =	vst.idx.msk $0xffff, v46  }
0x47: {  	v58 =	vadd.s32 v30, v38;
	[tilespmem:v49+s31+$0x0] =	vst.idx.msk $0xffff, v48;
	v57 =	vld [tilespmem:s23+$0xD0]  }
0x48: {  	v63 =	vadd.s32 v6, v45;
	[tilespmem:v50+s31+$0x0] =	vst.idx.msk $0xffff, v39;
	v47 =	vld [tilespmem:s23+$0xFFFFFF50]  }
0x49: {  	v55 =	vadd.s32 v10, v52;
	[tilespmem:v53+s31+$0x0] =	vst.idx.msk $0xffff, v51;
	v54 =	vld [tilespmem:s23+$0xFFFFFF90]  }
0x4a: {  	v56 =	vadd.s32 v14, v35;
	[tilespmem:v60+s31+$0x0] =	vst.idx.msk $0xffff, v59;
	v50 =	vld [tilespmem:s23+$0xFFFFFFD0]  }
0x4b: {  	[tilespmem:v62+s31+$0x0] =	vst.idx.msk $0xffff, v61;
	v46 =	vadd.s32 v22, v37;
	v44 =	vld [tilespmem:s23+$0x50]  }
0x4c: {  	v59 =	vadd.s32 v18, v34;
	[tilespmem:v58+s31+$0x0] =	vst.idx.msk $0xffff, v57;
	v58 =	vld [tilespmem:s23+$0x10]  }
0x4d: {  	v57 =	vadd.s32 v31, v38;
	[tilespmem:v63+s31+$0x0] =	vst.idx.msk $0xffff, v47;
	v40 =	vld [tilespmem:s23+$0xE0]  }
0x4e: {  	v62 =	vadd.s32 v2, v33;
	v61 =	vld [tilespmem:s23+$0xFFFFFF10];
	[tilespmem:v55+s31+$0x0] =	vst.idx.msk $0xffff, v54  }
0x4f: {  	v60 =	vadd.s32 v26, v36;
	v63 =	vld [tilespmem:s23+$0x90];
	[tilespmem:v56+s31+$0x0] =	vst.idx.msk $0xffff, v50  }
0x50: {  	v51 =	vadd.s32 v7, v45;
	[tilespmem:v46+s31+$0x0] =	vst.idx.msk $0xffff, v44;
	v50 =	vld [tilespmem:s23+$0xFFFFFF60]  }
0x51: {  	v56 =	vadd.s32 v11, v52;
	v55 =	vld [tilespmem:s23+$0xFFFFFFA0];
	[tilespmem:v59+s31+$0x0] =	vst.idx.msk $0xffff, v58  }
0x52: {  	v58 =	vadd.s32 v15, v35;
	[tilespmem:v57+s31+$0x0] =	vst.idx.msk $0xffff, v40;
	v57 =	vld [tilespmem:s23+$0xFFFFFFE0]  }
0x53: {  	v38 =	vadd.s32 v32, v38;
	[tilespmem:v62+s31+$0x0] =	vst.idx.msk $0xffff, v61;
	v54 =	vld [tilespmem:s23+$0xF0]  }
0x54: {  	s29 =	simm.s32 $0x9;
	[tilespmem:v60+s31+$0x0] =	vst.idx.msk $0xffff, v63;
	v60 =	vadd.s32 v19, v34;
	v59 =	vld [tilespmem:s23+$0x20]  }
0x55: {  	s25 =	simm.s32 $0x8;
	v41 =	vadd.s32 v23, v37;
	v53 =	vmov s29;
	[tilespmem:v51+s31+$0x0] =	vst.idx.msk $0xffff, v50;
	v40 =	vld [tilespmem:s23+$0x60]  }
0x56: {  	s29 =	simm.s32 $0xB;
	v43 =	vadd.s32 v27, v36;
	v48 =	vadd.s32 v3, v33;
	v63 =	vmov s25;
	v42 =	vld [tilespmem:s23+$0xA0];
	[tilespmem:v56+s31+$0x0] =	vst.idx.msk $0xffff, v55  }
0x57: {  	v44 =	vmov s29;
	s29 =	simm.s32 $0xD;
	v52 =	vadd.s32 v12, v52;
	v46 =	vld [tilespmem:s23+$0xFFFFFF20];
	s25 =	simm.s32 $0xA;
	v39 =	vshrl.u32 v63, $0x3;
	[tilespmem:v58+s31+$0x0] =	vst.idx.msk $0xffff, v57  }
0x58: {  	v51 =	vadd.s32 v8, v45;
	v49 =	vld [tilespmem:s23+$0xFFFFFF70];
	[tilespmem:v38+s31+$0x0] =	vst.idx.msk $0xffff, v54;
	v54 =	vmov s25;
	s25 =	simm.s32 $0xC;
	v38 =	vmov s29;
	s29 =	simm.s32 $0xE  }
0x59: {  	s22 =	simm.s32 $0x10;
	v45 =	vshll.u32 v39, v1;
	v50 =	vld [tilespmem:s23+$0xFFFFFFB0];
	[tilespmem:v60+s31+$0x0] =	vst.idx.msk $0xffff, v59;
	v47 =	vmov s25;
	v39 =	vmov s29;
	s25 =	simm.s32 $0xF  }
.LBB2_3:
0x5a: {  	p1 =	slt.u32 s22, $0x78;
	v53 =	vshrl.u32 v53, $0x3;
	v55 =	vmov s25;
	v56 =	vld [tilespmem:s23+$0xFFFFFFF0];
	v35 =	vadd.s32 v16, v35;
	[tilespmem:v41+s31+$0x0] =	vst.idx.msk $0xffff, v40  }
0x5b: {  	v40 =	vshrl.u32 v54, $0x3;
	v34 =	vadd.s32 v20, v34;
	v41 =	vshrl.u32 v55, $0x3;
	v54 =	vld [tilespmem:s23+$0x30];
	[tilespmem:v43+s31+$0x0] =	vst.idx.msk $0xffff, v42  }
0x5c: {  	v37 =	vadd.s32 v24, v37;
	v42 =	vshrl.u32 v44, $0x3;
	v41 =	vshll.u32 v41, v1;
	[tilespmem:v48+s31+$0x0] =	vst.idx.msk $0xffff, v46;
	v43 =	vld [tilespmem:s23+$0x70]  }
0x5d: {  	v36 =	vadd.s32 v28, v36;
	v44 =	vshrl.u32 v47, $0x3;
	v41 =	vbroadcast v41, $0x0;
	[tilespmem:v51+s31+$0x0] =	vst.idx.msk $0xffff, v49;
	v46 =	vld [tilespmem:s23+$0xB0]  }
0x5e: {  	v47 =	vshll.u32 v53, v1;
	v49 =	vadd.s32 v4, v33;
	v33 =	vbroadcast v45, $0x0;
	v48 =	vld [tilespmem:s23+$0xFFFFFF30];
	[tilespmem:v52+s31+$0x0] =	vst.idx.msk $0xffff, v50;
	s23 =	sadd.s32 $0x200, s23  }
0x5f: {  	v40 =	vshll.u32 v40, v1;
	v45 =	vbroadcast v47, $0x0;
	v47 =	vld [tilespmem:s23+$0xC0];
	v50 =	vadd.s32 v29, v41;
	[tilespmem:v35+s31+$0x0] =	vst.idx.msk $0xffff, v56  }
0x60: {  	v55 =	vbroadcast v40, $0x0;
	v52 =	vadd.s32 v0, v33;
	v35 =	vshll.u32 v42, v1;
	v51 =	vld [tilespmem:s23+$0xFFFFFF00];
	[tilespmem:v34+s31+$0x0] =	vst.idx.msk $0xffff, v54  }
0x61: {  	v42 =	vadd.s32 v5, v45;
	v35 =	vbroadcast v35, $0x0;
	v34 =	vshll.u32 v44, v1;
	v40 =	vld [tilespmem:s23+$0xFFFFFF40];
	[tilespmem:v37+s31+$0x0] =	vst.idx.msk $0xffff, v43  }
0x62: {  	v44 =	vadd.s32 v9, v55;
	v34 =	vbroadcast v34, $0x0;
	v37 =	vshrl.u32 v38, $0x3;
	v43 =	vld [tilespmem:s23+$0xFFFFFF80];
	[tilespmem:v36+s31+$0x0] =	vst.idx.msk $0xffff, v46  }
0x63: {  	v39 =	vshrl.u32 v39, $0x3;
	v46 =	vadd.s32 v13, v35;
	v36 =	vshll.u32 v37, v1;
	v38 =	vld [tilespmem:s23+$0xFFFFFFC0];
	[tilespmem:v49+s31+$0x0] =	vst.idx.msk $0xffff, v48  }
0x64: {  	v49 =	vadd.s32 v17, v34;
	v37 =	vbroadcast v36, $0x0;
	v36 =	vshll.u32 v39, v1;
	v48 =	vld [tilespmem:s23+$0x0];
	[tilespmem:v50+s31+$0x0] =	vst.idx.msk $0xffff, v47  }
0x65: {  	v36 =	vbroadcast v36, $0x0;
	v47 =	vadd.s32 v30, v41;
	[tilespmem:v52+s31+$0x0] =	vst.idx.msk $0xffff, v51;
	v39 =	vld [tilespmem:s23+$0xD0]  }
0x66: {  	[tilespmem:v42+s31+$0x0] =	vst.idx.msk $0xffff, v40;
	v40 =	vld [tilespmem:s23+$0x40];
	v42 =	vadd.s32 v21, v37  }
0x67: {  	[tilespmem:v44+s31+$0x0] =	vst.idx.msk $0xffff, v43;
	v43 =	vld [tilespmem:s23+$0x80];
	v44 =	vadd.s32 v25, v36  }
0x68: {  	v51 =	vadd.s32 v6, v45;
	v50 =	vld [tilespmem:s23+$0xFFFFFF50];
	[tilespmem:v46+s31+$0x0] =	vst.idx.msk $0xffff, v38  }
0x69: {  	v46 =	vadd.s32 v10, v55;
	v38 =	vld [tilespmem:s23+$0xFFFFFF90];
	[tilespmem:v49+s31+$0x0] =	vst.idx.msk $0xffff, v48  }
0x6a: {  	v49 =	vadd.s32 v14, v35;
	v48 =	vld [tilespmem:s23+$0xFFFFFFD0];
	[tilespmem:v47+s31+$0x0] =	vst.idx.msk $0xffff, v39  }
0x6b: {  	[tilespmem:v42+s31+$0x0] =	vst.idx.msk $0xffff, v40;
	v39 =	vld [tilespmem:s23+$0xE0];
	v40 =	vadd.s32 v31, v41  }
0x6c: {  	v47 =	vadd.s32 v18, v34;
	v42 =	vld [tilespmem:s23+$0x10];
	[tilespmem:v44+s31+$0x0] =	vst.idx.msk $0xffff, v43  }
0x6d: {  	v44 =	vadd.s32 v22, v37;
	[tilespmem:v51+s31+$0x0] =	vst.idx.msk $0xffff, v50;
	v43 =	vld [tilespmem:s23+$0x50]  }
0x6e: {  	[tilespmem:v46+s31+$0x0] =	vst.idx.msk $0xffff, v38;
	v38 =	vld [tilespmem:s23+$0x90];
	v46 =	vadd.s32 v26, v36  }
0x6f: {  	v51 =	vadd.s32 v2, v33;
	v50 =	vld [tilespmem:s23+$0xFFFFFF10];
	[tilespmem:v49+s31+$0x0] =	vst.idx.msk $0xffff, v48  }
0x70: {  	v49 =	vadd.s32 v7, v45;
	v48 =	vld [tilespmem:s23+$0xFFFFFF60];
	[tilespmem:v40+s31+$0x0] =	vst.idx.msk $0xffff, v39  }
0x71: {  	[tilespmem:v47+s31+$0x0] =	vst.idx.msk $0xffff, v42;
	v39 =	vld [tilespmem:s23+$0xF0];
	v47 =	vadd.s32 v32, v41  }
0x72: {  	v56 =	vadd.s32 v11, v55;
	v52 =	vld [tilespmem:s23+$0xFFFFFFA0];
	[tilespmem:v44+s31+$0x0] =	vst.idx.msk $0xffff, v43  }
0x73: {  	v58 =	vadd.s32 v15, v35;
	v57 =	vld [tilespmem:s23+$0xFFFFFFE0];
	[tilespmem:v46+s31+$0x0] =	vst.idx.msk $0xffff, v38  }
0x74: {  	v60 =	vadd.s32 v19, v34;
	[tilespmem:v51+s31+$0x0] =	vst.idx.msk $0xffff, v50;
	v59 =	vld [tilespmem:s23+$0x20]  }
.Ltmp0:
0x75: {  	s25 =	sadd.s32 $0x1, s22;
	v41 =	vadd.s32 v23, v37;
	v38 =	vmov s22;
	[tilespmem:v49+s31+$0x0] =	vst.idx.msk $0xffff, v48;
	v40 =	vld [tilespmem:s23+$0x60];
	(pc) =	sbr.rel @p1 .LBB2_3-.Ltmp0, $4  }
0x76: {  	s29 =	sadd.s32 $0x3, s22;
	v53 =	vmov s25;
	s25 =	sadd.s32 $0x2, s22;
	v43 =	vadd.s32 v27, v36;
	v50 =	vshrl.u32 v38, $0x3;
	v42 =	vld [tilespmem:s23+$0xA0];
	[tilespmem:v47+s31+$0x0] =	vst.idx.msk $0xffff, v39  }
0x77: {  	v54 =	vmov s25;
	s25 =	sadd.s32 $0x4, s22;
	v44 =	vmov s29;
	s29 =	sadd.s32 $0x5, s22;
	v48 =	vadd.s32 v3, v33;
	v46 =	vld [tilespmem:s23+$0xFFFFFF20];
	[tilespmem:v56+s31+$0x0] =	vst.idx.msk $0xffff, v52  }
0x78: {  	v38 =	vmov s29;
	v51 =	vadd.s32 v8, v45;
	v47 =	vmov s25;
	s25 =	sadd.s32 $0x6, s22;
	v49 =	vld [tilespmem:s23+$0xFFFFFF70];
	[tilespmem:v58+s31+$0x0] =	vst.idx.msk $0xffff, v57  }
0x79: {  	v45 =	vshll.u32 v50, v1;
	v39 =	vmov s25;
	s25 =	sadd.s32 $0x7, s22;
	s22 =	sadd.s32 $0x8, s22;
	v52 =	vadd.s32 v12, v55;
	v50 =	vld [tilespmem:s23+$0xFFFFFFB0];
	[tilespmem:v60+s31+$0x0] =	vst.idx.msk $0xffff, v59  }
0x7a: {  	_ =	sdelay $0x2  }
0x7b: {  	v53 =	vshrl.u32 v53, $0x3  }
0x7c: {  	v55 =	vmov s25;
	v56 =	vld [tilespmem:s23+$0xFFFFFFF0];
	v35 =	vadd.s32 v16, v35;
	[tilespmem:v41+s31+$0x0] =	vst.idx.msk $0xffff, v40;
	v34 =	vadd.s32 v20, v34  }
0x7d: {  	v61 =	vshrl.u32 v54, $0x3;
	v63 =	vld [tilespmem:s23+$0x30];
	v37 =	vadd.s32 v24, v37;
	v36 =	vadd.s32 v28, v36;
	[tilespmem:v43+s31+$0x0] =	vst.idx.msk $0xffff, v42  }
0x7e: {  	v45 =	vbroadcast v45, $0x0;
	v33 =	vadd.s32 v4, v33;
	v62 =	vshrl.u32 v55, $0x3;
	v43 =	vld [tilespmem:s23+$0x70];
	[tilespmem:v48+s31+$0x0] =	vst.idx.msk $0xffff, v46  }
0x7f: {  	s22 =	sadd.s32 $0x200, s23;
	v38 =	vshrl.u32 v38, $0x3;
	v55 =	vshrl.u32 v44, $0x3;
	v41 =	vshll.u32 v62, v1;
	v46 =	vld [tilespmem:s23+$0xB0];
	[tilespmem:v51+s31+$0x0] =	vst.idx.msk $0xffff, v49  }
0x80: {  	v40 =	vshll.u32 v61, v1;
	v60 =	vld [tilespmem:s22+$0xFFFFFF00];
	v61 =	vadd.s32 v0, v45;
	v41 =	vbroadcast v41, $0x0;
	[tilespmem:v52+s31+$0x0] =	vst.idx.msk $0xffff, v50  }
0x81: {  	v44 =	vshrl.u32 v47, $0x3;
	v57 =	vshll.u32 v53, v1;
	v40 =	vbroadcast v40, $0x0;
	v48 =	vld [tilespmem:s23+$0xFFFFFF30];
	[tilespmem:v35+s31+$0x0] =	vst.idx.msk $0xffff, v56  }
0x82: {  	v58 =	vld [tilespmem:s22+$0xC0];
	v47 =	vbroadcast v57, $0x0;
	v42 =	vshll.u32 v55, v1;
	v59 =	vadd.s32 v29, v41;
	[tilespmem:v34+s31+$0x0] =	vst.idx.msk $0xffff, v63  }
0x83: {  	v54 =	vld [tilespmem:s22+$0xFFFFFF80];
	v44 =	vshll.u32 v44, v1;
	v42 =	vbroadcast v42, $0x0;
	v55 =	vadd.s32 v9, v40;
	[tilespmem:v37+s31+$0x0] =	vst.idx.msk $0xffff, v43  }
0x84: {  	v38 =	vshll.u32 v38, v1;
	v62 =	vld [tilespmem:s22+$0xFFFFFF40];
	v44 =	vbroadcast v44, $0x0;
	v63 =	vadd.s32 v5, v47;
	[tilespmem:v36+s31+$0x0] =	vst.idx.msk $0xffff, v46  }
0x85: {  	v39 =	vshrl.u32 v39, $0x3;
	v38 =	vbroadcast v38, $0x0;
	v36 =	vld [tilespmem:s22+$0xFFFFFFC0];
	v46 =	vadd.s32 v13, v42;
	[tilespmem:v61+s31+$0x0] =	vst.idx.msk $0xffff, v60  }
0x86: {  	v39 =	vshll.u32 v39, v1;
	[tilespmem:v33+s31+$0x0] =	vst.idx.msk $0xffff, v48;
	v33 =	vld [tilespmem:s22+$0x0];
	v48 =	vadd.s32 v17, v44  }
0x87: {  	v35 =	vbroadcast v39, $0x0;
	[tilespmem:v59+s31+$0x0] =	vst.idx.msk $0xffff, v58;
	v58 =	vld [tilespmem:s22+$0x40];
	v59 =	vadd.s32 v21, v38  }
0x88: {  	v57 =	vadd.s32 v30, v41;
	[tilespmem:v55+s31+$0x0] =	vst.idx.msk $0xffff, v54;
	v56 =	vld [tilespmem:s22+$0xD0]  }
0x89: {  	v60 =	vld [tilespmem:s22+$0x80];
	v61 =	vadd.s32 v25, v35;
	[tilespmem:v63+s31+$0x0] =	vst.idx.msk $0xffff, v62  }
0x8a: {  	v55 =	vadd.s32 v10, v40;
	v54 =	vld [tilespmem:s22+$0xFFFFFF90];
	[tilespmem:v46+s31+$0x0] =	vst.idx.msk $0xffff, v36  }
0x8b: {  	v63 =	vadd.s32 v6, v47;
	v62 =	vld [tilespmem:s22+$0xFFFFFF50];
	[tilespmem:v48+s31+$0x0] =	vst.idx.msk $0xffff, v33  }
0x8c: {  	v33 =	vld [tilespmem:s22+$0xFFFFFFD0];
	v48 =	vadd.s32 v14, v42;
	[tilespmem:v59+s31+$0x0] =	vst.idx.msk $0xffff, v58  }
0x8d: {  	[tilespmem:v57+s31+$0x0] =	vst.idx.msk $0xffff, v56;
	v56 =	vld [tilespmem:s22+$0x10];
	v57 =	vadd.s32 v18, v44  }
0x8e: {  	[tilespmem:v61+s31+$0x0] =	vst.idx.msk $0xffff, v60;
	v59 =	vadd.s32 v22, v38;
	v58 =	vld [tilespmem:s22+$0x50]  }
0x8f: {  	v39 =	vadd.s32 v31, v41;
	[tilespmem:v55+s31+$0x0] =	vst.idx.msk $0xffff, v54;
	v34 =	vld [tilespmem:s22+$0xE0]  }
0x90: {  	v61 =	vadd.s32 v26, v35;
	v60 =	vld [tilespmem:s22+$0x90];
	[tilespmem:v63+s31+$0x0] =	vst.idx.msk $0xffff, v62  }
0x91: {  	v62 =	vld [tilespmem:s22+$0xFFFFFF10];
	v63 =	vadd.s32 v2, v45;
	[tilespmem:v48+s31+$0x0] =	vst.idx.msk $0xffff, v33  }
0x92: {  	v55 =	vadd.s32 v7, v47;
	v54 =	vld [tilespmem:s22+$0xFFFFFF60];
	[tilespmem:v57+s31+$0x0] =	vst.idx.msk $0xffff, v56  }
0x93: {  	v56 =	vadd.s32 v32, v41;
	v41 =	vld [tilespmem:s22+$0xFFFFFFA0];
	v57 =	vadd.s32 v11, v40;
	[tilespmem:v59+s31+$0x0] =	vst.idx.msk $0xffff, v58  }
0x94: {  	v37 =	vld [tilespmem:s22+$0xFFFFFFE0];
	v58 =	vadd.s32 v15, v42;
	[tilespmem:v39+s31+$0x0] =	vst.idx.msk $0xffff, v34  }
0x95: {  	[tilespmem:v61+s31+$0x0] =	vst.idx.msk $0xffff, v60;
	v34 =	vld [tilespmem:s22+$0xF0]  }
0x96: {  	v60 =	vadd.s32 v19, v44;
	[tilespmem:v63+s31+$0x0] =	vst.idx.msk $0xffff, v62;
	v59 =	vld [tilespmem:s22+$0x20]  }
0x97: {  	v62 =	vadd.s32 v23, v38;
	[tilespmem:v55+s31+$0x0] =	vst.idx.msk $0xffff, v54;
	v61 =	vld [tilespmem:s22+$0x60]  }
0x98: {  	v63 =	vld [tilespmem:s22+$0xA0];
	v54 =	vadd.s32 v27, v35;
	[tilespmem:v57+s31+$0x0] =	vst.idx.msk $0xffff, v41  }
0x99: {  	v47 =	vadd.s32 v8, v47;
	v57 =	vld [tilespmem:s22+$0xFFFFFF70];
	[tilespmem:v58+s31+$0x0] =	vst.idx.msk $0xffff, v37  }
0x9a: {  	v55 =	vld [tilespmem:s22+$0xFFFFFF20];
	[tilespmem:v56+s31+$0x0] =	vst.idx.msk $0xffff, v34;
	v56 =	vadd.s32 v3, v45  }
0x9b: {  	v40 =	vadd.s32 v12, v40;
	v58 =	vld [tilespmem:s22+$0xFFFFFFB0];
	[tilespmem:v60+s31+$0x0] =	vst.idx.msk $0xffff, v59  }
0x9c: {  	v42 =	vadd.s32 v16, v42;
	v59 =	vld [tilespmem:s22+$0xFFFFFFF0];
	[tilespmem:v62+s31+$0x0] =	vst.idx.msk $0xffff, v61  }
0x9d: {  	v61 =	vadd.s32 v20, v44;
	[tilespmem:v54+s31+$0x0] =	vst.idx.msk $0xffff, v63;
	v60 =	vld [tilespmem:s22+$0x30]  }
0x9e: {  	v38 =	vadd.s32 v24, v38;
	v62 =	vld [tilespmem:s22+$0x70];
	[tilespmem:v47+s31+$0x0] =	vst.idx.msk $0xffff, v57  }
0x9f: {  	v35 =	vadd.s32 v28, v35;
	v63 =	vld [tilespmem:s22+$0xB0];
	[tilespmem:v56+s31+$0x0] =	vst.idx.msk $0xffff, v55  }
0xa0: {  	v49 =	vadd.s32 v4, v45;
	[tilespmem:v40+s31+$0x0] =	vst.idx.msk $0xffff, v58;
	v48 =	vld [tilespmem:s22+$0xFFFFFF30]  }
0xa1: {  	[tilespmem:v42+s31+$0x0] =	vst.idx.msk $0xffff, v59  }
0xa2: {  	s23 =	sshll.u32 s26, $0x14;
	[tilespmem:v61+s31+$0x0] =	vst.idx.msk $0xffff, v60  }
0xa3: {  	[tilespmem:v38+s31+$0x0] =	vst.idx.msk $0xffff, v62;
	s22 =	sor.u32 s6, s23  }
0xa4: {  	[tilespmem:v35+s31+$0x0] =	vst.idx.msk $0xffff, v63;
	s23 =	sshrl.u32 s22, $0x3  }
0xa5: {  	s22 =	sadd.s32 s2, s23;
	[tilespmem:v49+s31+$0x0] =	vst.idx.msk $0xffff, v48  }
0xa6: {  	[hbm4b:s22+s3] =	stream.linear.scatter [tilespmem:s31], [sflag:$0x5], $0x80, $0x38;
	[tilespmem:$0x12800] =	vst v63  }
0xa7: {  	s29 =	simm.s32 $0xE488;
	s25 =	sadd.s32 $0x10, s22  }
0xa8: {  	[hbm4b:s25+s3] =	stream.linear.scatter [tilespmem:s29], [sflag:$0x5], $0x80, $0x38;
	[tilespmem:$0x12800] =	vst v63  }
0xa9: {  	s25 =	sadd.s32 $0x20, s22;
	s29 =	simm.s32 $0xE510  }
0xaa: {  	[hbm4b:s25+s3] =	stream.linear.scatter [tilespmem:s29], [sflag:$0x5], $0x80, $0x38;
	[tilespmem:$0x12800] =	vst v63  }
0xab: {  	s25 =	sadd.s32 $0x30, s22;
	s29 =	simm.s32 $0xE598  }
0xac: {  	[hbm4b:s25+s3] =	stream.linear.scatter [tilespmem:s29], [sflag:$0x5], $0x80, $0x38;
	[tilespmem:$0x12800] =	vst v63  }
0xad: {  	s25 =	sadd.s32 $0x40, s22;
	s29 =	simm.s32 $0xE620  }
0xae: {  	[hbm4b:s25+s3] =	stream.linear.scatter [tilespmem:s29], [sflag:$0x5], $0x80, $0x38;
	[tilespmem:$0x12800] =	vst v63  }
0xaf: {  	s25 =	sadd.s32 $0x50, s22;
	s29 =	simm.s32 $0xE6A8  }
0xb0: {  	[hbm4b:s25+s3] =	stream.linear.scatter [tilespmem:s29], [sflag:$0x5], $0x80, $0x38;
	[tilespmem:$0x12800] =	vst v63  }
0xb1: {  	s25 =	sadd.s32 $0x60, s22;
	s29 =	simm.s32 $0xE730  }
0xb2: {  	[hbm4b:s25+s3] =	stream.linear.scatter [tilespmem:s29], [sflag:$0x5], $0x80, $0x38;
	[tilespmem:$0x12800] =	vst v63  }
0xb3: {  	s22 =	sadd.s32 $0x70, s22;
	s25 =	simm.s32 $0xE7B8  }
0xb4: {  	[hbm4b:s22+s3] =	stream.linear.scatter [tilespmem:s25], [sflag:$0x5], $0x80, $0x38;
	[tilespmem:$0x12800] =	vst v63  }
0xb5: {  	s22 =	sadd.s32 s23, s7;
	s25 =	simm.s32 $0xE840  }
0xb6: {  	[hbm4b:s22+s3] =	stream.linear.scatter [tilespmem:s25], [sflag:$0x5], $0x80, $0x38;
	[tilespmem:$0x12800] =	vst v63  }
0xb7: {  	s29 =	simm.s32 $0xE8C8;
	s25 =	sadd.s32 $0x10, s22  }
0xb8: {  	[hbm4b:s25+s3] =	stream.linear.scatter [tilespmem:s29], [sflag:$0x5], $0x80, $0x38;
	[tilespmem:$0x12800] =	vst v63  }
0xb9: {  	s25 =	sadd.s32 $0x20, s22;
	s29 =	simm.s32 $0xE950  }
0xba: {  	[hbm4b:s25+s3] =	stream.linear.scatter [tilespmem:s29], [sflag:$0x5], $0x80, $0x38;
	[tilespmem:$0x12800] =	vst v63  }
0xbb: {  	s25 =	sadd.s32 $0x30, s22;
	s29 =	simm.s32 $0xE9D8  }
0xbc: {  	[hbm4b:s25+s3] =	stream.linear.scatter [tilespmem:s29], [sflag:$0x5], $0x80, $0x38;
	[tilespmem:$0x12800] =	vst v63  }
0xbd: {  	s25 =	sadd.s32 $0x40, s22;
	s29 =	simm.s32 $0xEA60  }
0xbe: {  	[hbm4b:s25+s3] =	stream.linear.scatter [tilespmem:s29], [sflag:$0x5], $0x80, $0x38;
	[tilespmem:$0x12800] =	vst v63  }
0xbf: {  	s25 =	sadd.s32 $0x50, s22;
	s29 =	simm.s32 $0xEAE8  }
0xc0: {  	[hbm4b:s25+s3] =	stream.linear.scatter [tilespmem:s29], [sflag:$0x5], $0x80, $0x38;
	[tilespmem:$0x12800] =	vst v63  }
0xc1: {  	s25 =	sadd.s32 $0x60, s22;
	s29 =	simm.s32 $0xEB70  }
0xc2: {  	[hbm4b:s25+s3] =	stream.linear.scatter [tilespmem:s29], [sflag:$0x5], $0x80, $0x38;
	[tilespmem:$0x12800] =	vst v63  }
0xc3: {  	s22 =	sadd.s32 $0x70, s22;
	s25 =	simm.s32 $0xEBF8  }
0xc4: {  	[hbm4b:s22+s3] =	stream.linear.scatter [tilespmem:s25], [sflag:$0x5], $0x80, $0x38;
	[tilespmem:$0x12800] =	vst v63  }
0xc5: {  	s22 =	sadd.s32 s23, s8;
	s25 =	simm.s32 $0xEC80  }
0xc6: {  	[hbm4b:s22+s3] =	stream.linear.scatter [tilespmem:s25], [sflag:$0x5], $0x80, $0x38;
	[tilespmem:$0x12800] =	vst v63  }
0xc7: {  	s29 =	simm.s32 $0xED08;
	s25 =	sadd.s32 $0x10, s22  }
0xc8: {  	[hbm4b:s25+s3] =	stream.linear.scatter [tilespmem:s29], [sflag:$0x5], $0x80, $0x38;
	[tilespmem:$0x12800] =	vst v63  }
0xc9: {  	s25 =	sadd.s32 $0x20, s22;
	s29 =	simm.s32 $0xED90  }
0xca: {  	[hbm4b:s25+s3] =	stream.linear.scatter [tilespmem:s29], [sflag:$0x5], $0x80, $0x38;
	[tilespmem:$0x12800] =	vst v63  }
0xcb: {  	s25 =	sadd.s32 $0x30, s22;
	s29 =	simm.s32 $0xEE18  }
0xcc: {  	[hbm4b:s25+s3] =	stream.linear.scatter [tilespmem:s29], [sflag:$0x5], $0x80, $0x38;
	[tilespmem:$0x12800] =	vst v63  }
0xcd: {  	s25 =	sadd.s32 $0x40, s22;
	s29 =	simm.s32 $0xEEA0  }
0xce: {  	[hbm4b:s25+s3] =	stream.linear.scatter [tilespmem:s29], [sflag:$0x5], $0x80, $0x38;
	[tilespmem:$0x12800] =	vst v63  }
0xcf: {  	s25 =	sadd.s32 $0x50, s22;
	s29 =	simm.s32 $0xEF28  }
0xd0: {  	[hbm4b:s25+s3] =	stream.linear.scatter [tilespmem:s29], [sflag:$0x5], $0x80, $0x38;
	[tilespmem:$0x12800] =	vst v63  }
0xd1: {  	s25 =	sadd.s32 $0x60, s22;
	s29 =	simm.s32 $0xEFB0  }
0xd2: {  	[hbm4b:s25+s3] =	stream.linear.scatter [tilespmem:s29], [sflag:$0x5], $0x80, $0x38;
	[tilespmem:$0x12800] =	vst v63  }
0xd3: {  	s22 =	sadd.s32 $0x70, s22;
	s25 =	simm.s32 $0xF038  }
0xd4: {  	[hbm4b:s22+s3] =	stream.linear.scatter [tilespmem:s25], [sflag:$0x5], $0x80, $0x38;
	[tilespmem:$0x12800] =	vst v63  }
0xd5: {  	s22 =	sadd.s32 s23, s9;
	s25 =	simm.s32 $0xF0C0  }
0xd6: {  	[hbm4b:s22+s3] =	stream.linear.scatter [tilespmem:s25], [sflag:$0x5], $0x80, $0x38;
	[tilespmem:$0x12800] =	vst v63  }
0xd7: {  	s29 =	simm.s32 $0xF148;
	s25 =	sadd.s32 $0x10, s22  }
0xd8: {  	[hbm4b:s25+s3] =	stream.linear.scatter [tilespmem:s29], [sflag:$0x5], $0x80, $0x38;
	[tilespmem:$0x12800] =	vst v63  }
0xd9: {  	s25 =	sadd.s32 $0x20, s22;
	s29 =	simm.s32 $0xF1D0  }
0xda: {  	[hbm4b:s25+s3] =	stream.linear.scatter [tilespmem:s29], [sflag:$0x5], $0x80, $0x38;
	[tilespmem:$0x12800] =	vst v63  }
0xdb: {  	s25 =	sadd.s32 $0x30, s22;
	s29 =	simm.s32 $0xF258  }
0xdc: {  	[hbm4b:s25+s3] =	stream.linear.scatter [tilespmem:s29], [sflag:$0x5], $0x80, $0x38;
	[tilespmem:$0x12800] =	vst v63  }
0xdd: {  	s25 =	sadd.s32 $0x40, s22;
	s29 =	simm.s32 $0xF2E0  }
0xde: {  	[hbm4b:s25+s3] =	stream.linear.scatter [tilespmem:s29], [sflag:$0x5], $0x80, $0x38;
	[tilespmem:$0x12800] =	vst v63  }
0xdf: {  	s25 =	sadd.s32 $0x50, s22;
	s29 =	simm.s32 $0xF368  }
0xe0: {  	[hbm4b:s25+s3] =	stream.linear.scatter [tilespmem:s29], [sflag:$0x5], $0x80, $0x38;
	[tilespmem:$0x12800] =	vst v63  }
0xe1: {  	s25 =	sadd.s32 $0x60, s22;
	s29 =	simm.s32 $0xF3F0  }
0xe2: {  	[hbm4b:s25+s3] =	stream.linear.scatter [tilespmem:s29], [sflag:$0x5], $0x80, $0x38;
	[tilespmem:$0x12800] =	vst v63  }
0xe3: {  	s22 =	sadd.s32 $0x70, s22;
	s25 =	simm.s32 $0xF478  }
0xe4: {  	[hbm4b:s22+s3] =	stream.linear.scatter [tilespmem:s25], [sflag:$0x5], $0x80, $0x38;
	[tilespmem:$0x12800] =	vst v63  }
0xe5: {  	s22 =	sadd.s32 s23, s10;
	s25 =	simm.s32 $0xF500  }
0xe6: {  	[hbm4b:s22+s3] =	stream.linear.scatter [tilespmem:s25], [sflag:$0x5], $0x80, $0x38;
	[tilespmem:$0x12800] =	vst v63  }
0xe7: {  	s29 =	simm.s32 $0xF588;
	s25 =	sadd.s32 $0x10, s22  }
0xe8: {  	[hbm4b:s25+s3] =	stream.linear.scatter [tilespmem:s29], [sflag:$0x5], $0x80, $0x38;
	[tilespmem:$0x12800] =	vst v63  }
0xe9: {  	s25 =	sadd.s32 $0x20, s22;
	s29 =	simm.s32 $0xF610  }
0xea: {  	[hbm4b:s25+s3] =	stream.linear.scatter [tilespmem:s29], [sflag:$0x5], $0x80, $0x38;
	[tilespmem:$0x12800] =	vst v63  }
0xeb: {  	s25 =	sadd.s32 $0x30, s22;
	s29 =	simm.s32 $0xF698  }
0xec: {  	[hbm4b:s25+s3] =	stream.linear.scatter [tilespmem:s29], [sflag:$0x5], $0x80, $0x38;
	[tilespmem:$0x12800] =	vst v63  }
0xed: {  	s25 =	sadd.s32 $0x40, s22;
	s29 =	simm.s32 $0xF720  }
0xee: {  	[hbm4b:s25+s3] =	stream.linear.scatter [tilespmem:s29], [sflag:$0x5], $0x80, $0x38;
	[tilespmem:$0x12800] =	vst v63  }
0xef: {  	s25 =	sadd.s32 $0x50, s22;
	s29 =	simm.s32 $0xF7A8  }
0xf0: {  	[hbm4b:s25+s3] =	stream.linear.scatter [tilespmem:s29], [sflag:$0x5], $0x80, $0x38;
	[tilespmem:$0x12800] =	vst v63  }
0xf1: {  	s25 =	sadd.s32 $0x60, s22;
	s29 =	simm.s32 $0xF830  }
0xf2: {  	[hbm4b:s25+s3] =	stream.linear.scatter [tilespmem:s29], [sflag:$0x5], $0x80, $0x38;
	[tilespmem:$0x12800] =	vst v63  }
0xf3: {  	s22 =	sadd.s32 $0x70, s22;
	s25 =	simm.s32 $0xF8B8  }
0xf4: {  	[hbm4b:s22+s3] =	stream.linear.scatter [tilespmem:s25], [sflag:$0x5], $0x80, $0x38;
	[tilespmem:$0x12800] =	vst v63  }
0xf5: {  	s22 =	sadd.s32 s23, s11;
	s25 =	simm.s32 $0xF940  }
0xf6: {  	[hbm4b:s22+s3] =	stream.linear.scatter [tilespmem:s25], [sflag:$0x5], $0x80, $0x38;
	[tilespmem:$0x12800] =	vst v63  }
0xf7: {  	s29 =	simm.s32 $0xF9C8;
	s25 =	sadd.s32 $0x10, s22  }
0xf8: {  	[hbm4b:s25+s3] =	stream.linear.scatter [tilespmem:s29], [sflag:$0x5], $0x80, $0x38;
	[tilespmem:$0x12800] =	vst v63  }
0xf9: {  	s25 =	sadd.s32 $0x20, s22;
	s29 =	simm.s32 $0xFA50  }
0xfa: {  	[hbm4b:s25+s3] =	stream.linear.scatter [tilespmem:s29], [sflag:$0x5], $0x80, $0x38;
	[tilespmem:$0x12800] =	vst v63  }
0xfb: {  	s25 =	sadd.s32 $0x30, s22;
	s29 =	simm.s32 $0xFAD8  }
0xfc: {  	[hbm4b:s25+s3] =	stream.linear.scatter [tilespmem:s29], [sflag:$0x5], $0x80, $0x38;
	[tilespmem:$0x12800] =	vst v63  }
0xfd: {  	s25 =	sadd.s32 $0x40, s22;
	s29 =	simm.s32 $0xFB60  }
0xfe: {  	[hbm4b:s25+s3] =	stream.linear.scatter [tilespmem:s29], [sflag:$0x5], $0x80, $0x38;
	[tilespmem:$0x12800] =	vst v63  }
0xff: {  	s25 =	sadd.s32 $0x50, s22;
	s29 =	simm.s32 $0xFBE8  }
0x100: {  	[hbm4b:s25+s3] =	stream.linear.scatter [tilespmem:s29], [sflag:$0x5], $0x80, $0x38;
	[tilespmem:$0x12800] =	vst v63  }
0x101: {  	s25 =	sadd.s32 $0x60, s22;
	s29 =	simm.s32 $0xFC70  }
0x102: {  	[hbm4b:s25+s3] =	stream.linear.scatter [tilespmem:s29], [sflag:$0x5], $0x80, $0x38;
	[tilespmem:$0x12800] =	vst v63  }
0x103: {  	s22 =	sadd.s32 $0x70, s22;
	s25 =	simm.s32 $0xFCF8  }
0x104: {  	[hbm4b:s22+s3] =	stream.linear.scatter [tilespmem:s25], [sflag:$0x5], $0x80, $0x38;
	[tilespmem:$0x12800] =	vst v63  }
0x105: {  	s22 =	sadd.s32 s23, s12;
	s25 =	simm.s32 $0xFD80  }
0x106: {  	[hbm4b:s22+s3] =	stream.linear.scatter [tilespmem:s25], [sflag:$0x5], $0x80, $0x38;
	[tilespmem:$0x12800] =	vst v63  }
0x107: {  	s29 =	simm.s32 $0xFE08;
	s25 =	sadd.s32 $0x10, s22  }
0x108: {  	[hbm4b:s25+s3] =	stream.linear.scatter [tilespmem:s29], [sflag:$0x5], $0x80, $0x38;
	[tilespmem:$0x12800] =	vst v63  }
0x109: {  	s25 =	sadd.s32 $0x20, s22;
	s29 =	simm.s32 $0xFE90  }
0x10a: {  	[hbm4b:s25+s3] =	stream.linear.scatter [tilespmem:s29], [sflag:$0x5], $0x80, $0x38;
	[tilespmem:$0x12800] =	vst v63  }
0x10b: {  	s25 =	sadd.s32 $0x30, s22;
	s29 =	simm.s32 $0xFF18  }
0x10c: {  	[hbm4b:s25+s3] =	stream.linear.scatter [tilespmem:s29], [sflag:$0x5], $0x80, $0x38;
	[tilespmem:$0x12800] =	vst v63  }
0x10d: {  	s25 =	sadd.s32 $0x40, s22;
	s29 =	simm.s32 $0xFFA0  }
0x10e: {  	[hbm4b:s25+s3] =	stream.linear.scatter [tilespmem:s29], [sflag:$0x5], $0x80, $0x38;
	[tilespmem:$0x12800] =	vst v63  }
0x10f: {  	s25 =	sadd.s32 $0x50, s22;
	s29 =	simm.s32 $0x10028  }
0x110: {  	[hbm4b:s25+s3] =	stream.linear.scatter [tilespmem:s29], [sflag:$0x5], $0x80, $0x38;
	[tilespmem:$0x12800] =	vst v63  }
0x111: {  	s25 =	sadd.s32 $0x60, s22;
	s29 =	simm.s32 $0x100B0  }
0x112: {  	[hbm4b:s25+s3] =	stream.linear.scatter [tilespmem:s29], [sflag:$0x5], $0x80, $0x38;
	[tilespmem:$0x12800] =	vst v63  }
0x113: {  	s22 =	sadd.s32 $0x70, s22;
	s25 =	simm.s32 $0x10138  }
0x114: {  	[hbm4b:s22+s3] =	stream.linear.scatter [tilespmem:s25], [sflag:$0x5], $0x80, $0x38;
	[tilespmem:$0x12800] =	vst v63  }
0x115: {  	s22 =	sadd.s32 s23, s13;
	s25 =	simm.s32 $0x101C0  }
0x116: {  	[hbm4b:s22+s3] =	stream.linear.scatter [tilespmem:s25], [sflag:$0x5], $0x80, $0x38;
	[tilespmem:$0x12800] =	vst v63  }
0x117: {  	s29 =	simm.s32 $0x10248;
	s25 =	sadd.s32 $0x10, s22  }
0x118: {  	[hbm4b:s25+s3] =	stream.linear.scatter [tilespmem:s29], [sflag:$0x5], $0x80, $0x38;
	[tilespmem:$0x12800] =	vst v63  }
0x119: {  	s25 =	sadd.s32 $0x20, s22;
	s29 =	simm.s32 $0x102D0  }
0x11a: {  	[hbm4b:s25+s3] =	stream.linear.scatter [tilespmem:s29], [sflag:$0x5], $0x80, $0x38;
	[tilespmem:$0x12800] =	vst v63  }
0x11b: {  	s25 =	sadd.s32 $0x30, s22;
	s29 =	simm.s32 $0x10358  }
0x11c: {  	[hbm4b:s25+s3] =	stream.linear.scatter [tilespmem:s29], [sflag:$0x5], $0x80, $0x38;
	[tilespmem:$0x12800] =	vst v63  }
0x11d: {  	s25 =	sadd.s32 $0x40, s22;
	s29 =	simm.s32 $0x103E0  }
0x11e: {  	[hbm4b:s25+s3] =	stream.linear.scatter [tilespmem:s29], [sflag:$0x5], $0x80, $0x38;
	[tilespmem:$0x12800] =	vst v63  }
0x11f: {  	s25 =	sadd.s32 $0x50, s22;
	s29 =	simm.s32 $0x10468  }
0x120: {  	[hbm4b:s25+s3] =	stream.linear.scatter [tilespmem:s29], [sflag:$0x5], $0x80, $0x38;
	[tilespmem:$0x12800] =	vst v63  }
0x121: {  	s25 =	sadd.s32 $0x60, s22;
	s29 =	simm.s32 $0x104F0  }
0x122: {  	[hbm4b:s25+s3] =	stream.linear.scatter [tilespmem:s29], [sflag:$0x5], $0x80, $0x38;
	[tilespmem:$0x12800] =	vst v63  }
0x123: {  	s5 =	sor.u32 $0x3, s5;
	s22 =	sadd.s32 $0x70, s22;
	s25 =	simm.s32 $0x10578  }
0x124: {  	[hbm4b:s22+s3] =	stream.linear.scatter [tilespmem:s25], [sflag:$0x5], $0x80, $0x38;
	[tilespmem:$0x12800] =	vst v63  }
0x125: {  	s25 =	sshll.u32 s5, $0x7  }
0x126: {  	s22 =	sand.u32 $0x3FFFFF80, s25;
	s25 =	simm.s32 $0xC400  }
0x127: {  	[tilespmem:s25], [sflag:$0x4] =	stream.indirect.gather [hbm4b:s4+s14], $0x40, s22, s14, $0xb8;
	[tilespmem:$0x12800] =	vst v63  }
0x128: {  	s22 =	simm.s32 @!p0 $0x6  }
0x129: {  	_ =	swait.ge @!p0 [sflag:s22], $0x400  }
0x12a: {  	[sflag:s22] =	ssyncset.done @!p0 $0x0  }
0x12b: {  	[sflag:s22] =	ssyncadd.s32 @!p0 $0xFFFFFC00  }
0x12c: {  	_ =	swait.ge @!p0 [sflag:s22], $0x400  }
0x12d: {  	[sflag:s22] =	ssyncset.done @!p0 $0x0  }
0x12e: {  	[sflag:s22] =	ssyncadd.s32 @!p0 $0xFFFFFC00  }
0x12f: {  	_ =	swait.ge @!p0 [sflag:s22], $0x400  }
0x130: {  	[sflag:s22] =	ssyncset.done @!p0 $0x0  }
0x131: {  	[sflag:s22] =	ssyncadd.s32 @!p0 $0xFFFFFC00  }
0x132: {  	_ =	swait.ge @!p0 [sflag:s22], $0x400  }
0x133: {  	[sflag:s22] =	ssyncset.done @!p0 $0x0  }
0x134: {  	[sflag:s22] =	ssyncadd.s32 @!p0 $0xFFFFFC00  }
0x135: {  	_ =	swait.ge @!p0 [sflag:s22], $0x400  }
0x136: {  	[sflag:s22] =	ssyncset.done @!p0 $0x0  }
0x137: {  	[sflag:s22] =	ssyncadd.s32 @!p0 $0xFFFFFC00  }
0x138: {  	_ =	swait.ge @!p0 [sflag:s22], $0x400  }
0x139: {  	[sflag:s22] =	ssyncset.done @!p0 $0x0  }
0x13a: {  	s29 =	simm.s32 $0x2;
	[sflag:s22] =	ssyncadd.s32 @!p0 $0xFFFFFC00  }
0x13b: {  	v52 =	vmov s29;
	_ =	swait.ge @!p0 [sflag:s22], $0x400  }
0x13c: {  	v35 =	vshrl.u32 v52, $0x3;
	[sflag:s22] =	ssyncset.done @!p0 $0x0  }
0x13d: {  	v56 =	vshll.u32 v35, v1;
	s14 =	simm.s32 $0x0;
	s25 =	simm.s32 $0x1;
	[sflag:s22] =	ssyncadd.s32 @!p0 $0xFFFFFC00  }
0x13e: {  	v52 =	vbroadcast v56, $0x0;
	v50 =	vmov s14;
	s14 =	simm.s32 $0x3;
	v51 =	vmov s25;
	s25 =	simm.s32 $0x7;
	_ =	swait.ge @!p0 [sflag:s22], $0x400  }
0x13f: {  	v53 =	vmov s14;
	v33 =	vshrl.u32 v50, $0x3;
	v55 =	vmov s25;
	[sflag:s22] =	ssyncset.done @!p0 $0x0  }
0x140: {  	s14 =	simm.s32 $0x4;
	v34 =	vshrl.u32 v51, $0x3;
	v63 =	vadd.s32 v9, v52;
	v38 =	vshrl.u32 v55, $0x3;
	[sflag:s22] =	ssyncadd.s32 @!p0 $0xFFFFFC00  }
0x141: {  	v54 =	vmov s14;
	v33 =	vshll.u32 v33, v1;
	v38 =	vshll.u32 v38, v1;
	_ =	swait.ge [sflag:s17], $0x2000  }
0x142: {  	s14 =	simm.s32 $0x5;
	v36 =	vshrl.u32 v53, $0x3;
	v34 =	vshll.u32 v34, v1;
	v38 =	vbroadcast v38, $0x0;
	s22 =	simm.s32 $0x6;
	[sflag:s17] =	ssyncset.done $0x0  }
0x143: {  	v39 =	vmov s14;
	v45 =	vbroadcast v34, $0x0;
	v40 =	vmov s22;
	s22 =	simm.s32 $0x85F0;
	[sflag:s17] =	ssyncadd.s32 $0xFFFFE000  }
0x144: {  	v33 =	vbroadcast v33, $0x0;
	v58 =	vshll.u32 v36, v1;
	v42 =	vadd.s32 v29, v38;
	v41 =	vld [tilespmem:s22+$0xFFFFFFD0]  }
0x145: {  	v37 =	vshrl.u32 v54, $0x3;
	v35 =	vbroadcast v58, $0x0;
	v60 =	vadd.s32 v5, v45;
	v59 =	vld [tilespmem:s22+$0xFFFFFE50]  }
0x146: {  	v61 =	vshll.u32 v37, v1;
	v55 =	vshrl.u32 v39, $0x3;
	v57 =	vadd.s32 v0, v33;
	v62 =	vld [tilespmem:s22+$0xFFFFFE90]  }
0x147: {  	v34 =	vbroadcast v61, $0x0;
	v36 =	vshll.u32 v55, v1;
	v40 =	vshrl.u32 v40, $0x3;
	v43 =	vld [tilespmem:s22+$0xFFFFFE10]  }
0x148: {  	v50 =	vadd.s32 v13, v35;
	v37 =	vbroadcast v36, $0x0;
	v56 =	vshll.u32 v40, v1;
	v39 =	vld [tilespmem:s22+$0xFFFFFED0]  }
0x149: {  	v53 =	vadd.s32 v17, v34;
	v51 =	vld [tilespmem:s22+$0xFFFFFF10];
	v36 =	vbroadcast v56, $0x0;
	[tilespmem:v42+s18+$0x0] =	vst.idx.msk $0xffff, v41  }
0x14a: {  	[tilespmem:v60+s18+$0x0] =	vst.idx.msk $0xffff, v59;
	v59 =	vld [tilespmem:s22+$0xFFFFFF50];
	v60 =	vadd.s32 v21, v37  }
0x14b: {  	v61 =	vld [tilespmem:s22+$0xFFFFFF90];
	[tilespmem:v63+s18+$0x0] =	vst.idx.msk $0xffff, v62;
	v62 =	vadd.s32 v25, v36  }
0x14c: {  	v58 =	vadd.s32 v30, v38;
	[tilespmem:v57+s18+$0x0] =	vst.idx.msk $0xffff, v43;
	v57 =	vld [tilespmem:s22+$0xFFFFFFE0]  }
0x14d: {  	v63 =	vadd.s32 v6, v45;
	[tilespmem:v50+s18+$0x0] =	vst.idx.msk $0xffff, v39;
	v47 =	vld [tilespmem:s22+$0xFFFFFE60]  }
0x14e: {  	v55 =	vadd.s32 v10, v52;
	[tilespmem:v53+s18+$0x0] =	vst.idx.msk $0xffff, v51;
	v54 =	vld [tilespmem:s22+$0xFFFFFEA0]  }
0x14f: {  	v56 =	vadd.s32 v14, v35;
	v50 =	vld [tilespmem:s22+$0xFFFFFEE0];
	[tilespmem:v60+s18+$0x0] =	vst.idx.msk $0xffff, v59  }
0x150: {  	[tilespmem:v62+s18+$0x0] =	vst.idx.msk $0xffff, v61;
	v61 =	vld [tilespmem:s22+$0xFFFFFE20];
	v62 =	vadd.s32 v2, v33  }
0x151: {  	v59 =	vadd.s32 v18, v34;
	[tilespmem:v58+s18+$0x0] =	vst.idx.msk $0xffff, v57;
	v58 =	vld [tilespmem:s22+$0xFFFFFF20]  }
0x152: {  	v57 =	vadd.s32 v31, v38;
	[tilespmem:v63+s18+$0x0] =	vst.idx.msk $0xffff, v47;
	v40 =	vld [tilespmem:s22+$0xFFFFFFF0]  }
0x153: {  	v46 =	vadd.s32 v22, v37;
	v44 =	vld [tilespmem:s22+$0xFFFFFF60];
	[tilespmem:v55+s18+$0x0] =	vst.idx.msk $0xffff, v54  }
0x154: {  	v60 =	vadd.s32 v26, v36;
	v63 =	vld [tilespmem:s22+$0xFFFFFFA0];
	[tilespmem:v56+s18+$0x0] =	vst.idx.msk $0xffff, v50  }
0x155: {  	v51 =	vadd.s32 v7, v45;
	v50 =	vld [tilespmem:s22+$0xFFFFFE70];
	[tilespmem:v62+s18+$0x0] =	vst.idx.msk $0xffff, v61  }
0x156: {  	v56 =	vadd.s32 v11, v52;
	v55 =	vld [tilespmem:s22+$0xFFFFFEB0];
	[tilespmem:v59+s18+$0x0] =	vst.idx.msk $0xffff, v58  }
0x157: {  	v58 =	vadd.s32 v15, v35;
	[tilespmem:v57+s18+$0x0] =	vst.idx.msk $0xffff, v40;
	v57 =	vld [tilespmem:s22+$0xFFFFFEF0]  }
0x158: {  	v38 =	vadd.s32 v32, v38;
	[tilespmem:v46+s18+$0x0] =	vst.idx.msk $0xffff, v44;
	v54 =	vld [tilespmem:s22+$0x0]  }
0x159: {  	s25 =	simm.s32 $0x8;
	[tilespmem:v60+s18+$0x0] =	vst.idx.msk $0xffff, v63;
	v60 =	vadd.s32 v19, v34;
	v59 =	vld [tilespmem:s22+$0xFFFFFF30]  }
0x15a: {  	v41 =	vadd.s32 v23, v37;
	v63 =	vmov s25;
	s25 =	simm.s32 $0x9;
	[tilespmem:v51+s18+$0x0] =	vst.idx.msk $0xffff, v50;
	v40 =	vld [tilespmem:s22+$0xFFFFFF70]  }
0x15b: {  	v48 =	vadd.s32 v3, v33;
	v43 =	vadd.s32 v27, v36;
	v53 =	vmov s25;
	s25 =	simm.s32 $0xB;
	v42 =	vld [tilespmem:s22+$0xFFFFFFB0];
	[tilespmem:v56+s18+$0x0] =	vst.idx.msk $0xffff, v55  }
0x15c: {  	s14 =	simm.s32 $0xA;
	v52 =	vadd.s32 v12, v52;
	v46 =	vld [tilespmem:s22+$0xFFFFFE30];
	v39 =	vshrl.u32 v63, $0x3;
	v44 =	vmov s25;
	s25 =	simm.s32 $0xD;
	[tilespmem:v58+s18+$0x0] =	vst.idx.msk $0xffff, v57  }
0x15d: {  	v51 =	vadd.s32 v8, v45;
	v49 =	vld [tilespmem:s22+$0xFFFFFE80];
	[tilespmem:v38+s18+$0x0] =	vst.idx.msk $0xffff, v54;
	v54 =	vmov s14;
	s14 =	simm.s32 $0xC;
	v38 =	vmov s25;
	s25 =	simm.s32 $0xE  }
0x15e: {  	s29 =	simm.s32 $0xF;
	v45 =	vshll.u32 v39, v1;
	v50 =	vld [tilespmem:s22+$0xFFFFFEC0];
	[tilespmem:v60+s18+$0x0] =	vst.idx.msk $0xffff, v59;
	v47 =	vmov s14;
	v39 =	vmov s25;
	s25 =	simm.s32 $0x10  }
.LBB2_5:
0x15f: {  	p0 =	slt.u32 s25, $0x78;
	v53 =	vshrl.u32 v53, $0x3;
	v55 =	vmov s29;
	v56 =	vld [tilespmem:s22+$0xFFFFFF00];
	v35 =	vadd.s32 v16, v35;
	[tilespmem:v41+s18+$0x0] =	vst.idx.msk $0xffff, v40  }
0x160: {  	v40 =	vshrl.u32 v54, $0x3;
	v34 =	vadd.s32 v20, v34;
	v41 =	vshrl.u32 v55, $0x3;
	v54 =	vld [tilespmem:s22+$0xFFFFFF40];
	[tilespmem:v43+s18+$0x0] =	vst.idx.msk $0xffff, v42  }
0x161: {  	v37 =	vadd.s32 v24, v37;
	v42 =	vshrl.u32 v44, $0x3;
	v41 =	vshll.u32 v41, v1;
	[tilespmem:v48+s18+$0x0] =	vst.idx.msk $0xffff, v46;
	v43 =	vld [tilespmem:s22+$0xFFFFFF80]  }
0x162: {  	v36 =	vadd.s32 v28, v36;
	v44 =	vshrl.u32 v47, $0x3;
	v41 =	vbroadcast v41, $0x0;
	[tilespmem:v51+s18+$0x0] =	vst.idx.msk $0xffff, v49;
	v46 =	vld [tilespmem:s22+$0xFFFFFFC0]  }
0x163: {  	v47 =	vshll.u32 v53, v1;
	v49 =	vadd.s32 v4, v33;
	v33 =	vbroadcast v45, $0x0;
	v48 =	vld [tilespmem:s22+$0xFFFFFE40];
	[tilespmem:v52+s18+$0x0] =	vst.idx.msk $0xffff, v50;
	s22 =	sadd.s32 $0x200, s22  }
0x164: {  	v40 =	vshll.u32 v40, v1;
	v45 =	vbroadcast v47, $0x0;
	v47 =	vld [tilespmem:s22+$0xFFFFFFD0];
	v50 =	vadd.s32 v29, v41;
	[tilespmem:v35+s18+$0x0] =	vst.idx.msk $0xffff, v56  }
0x165: {  	v55 =	vbroadcast v40, $0x0;
	v52 =	vadd.s32 v0, v33;
	v35 =	vshll.u32 v42, v1;
	v51 =	vld [tilespmem:s22+$0xFFFFFE10];
	[tilespmem:v34+s18+$0x0] =	vst.idx.msk $0xffff, v54  }
0x166: {  	v42 =	vadd.s32 v5, v45;
	v35 =	vbroadcast v35, $0x0;
	v34 =	vshll.u32 v44, v1;
	v40 =	vld [tilespmem:s22+$0xFFFFFE50];
	[tilespmem:v37+s18+$0x0] =	vst.idx.msk $0xffff, v43  }
0x167: {  	v44 =	vadd.s32 v9, v55;
	v34 =	vbroadcast v34, $0x0;
	v37 =	vshrl.u32 v38, $0x3;
	v43 =	vld [tilespmem:s22+$0xFFFFFE90];
	[tilespmem:v36+s18+$0x0] =	vst.idx.msk $0xffff, v46  }
0x168: {  	v39 =	vshrl.u32 v39, $0x3;
	v46 =	vadd.s32 v13, v35;
	v36 =	vshll.u32 v37, v1;
	v38 =	vld [tilespmem:s22+$0xFFFFFED0];
	[tilespmem:v49+s18+$0x0] =	vst.idx.msk $0xffff, v48  }
0x169: {  	v49 =	vadd.s32 v17, v34;
	v37 =	vbroadcast v36, $0x0;
	v36 =	vshll.u32 v39, v1;
	v48 =	vld [tilespmem:s22+$0xFFFFFF10];
	[tilespmem:v50+s18+$0x0] =	vst.idx.msk $0xffff, v47  }
0x16a: {  	v36 =	vbroadcast v36, $0x0;
	v47 =	vadd.s32 v30, v41;
	[tilespmem:v52+s18+$0x0] =	vst.idx.msk $0xffff, v51;
	v39 =	vld [tilespmem:s22+$0xFFFFFFE0]  }
0x16b: {  	[tilespmem:v42+s18+$0x0] =	vst.idx.msk $0xffff, v40;
	v40 =	vld [tilespmem:s22+$0xFFFFFF50];
	v42 =	vadd.s32 v21, v37  }
0x16c: {  	[tilespmem:v44+s18+$0x0] =	vst.idx.msk $0xffff, v43;
	v43 =	vld [tilespmem:s22+$0xFFFFFF90];
	v44 =	vadd.s32 v25, v36  }
0x16d: {  	v51 =	vadd.s32 v6, v45;
	v50 =	vld [tilespmem:s22+$0xFFFFFE60];
	[tilespmem:v46+s18+$0x0] =	vst.idx.msk $0xffff, v38  }
0x16e: {  	v46 =	vadd.s32 v10, v55;
	v38 =	vld [tilespmem:s22+$0xFFFFFEA0];
	[tilespmem:v49+s18+$0x0] =	vst.idx.msk $0xffff, v48  }
0x16f: {  	v49 =	vadd.s32 v14, v35;
	v48 =	vld [tilespmem:s22+$0xFFFFFEE0];
	[tilespmem:v47+s18+$0x0] =	vst.idx.msk $0xffff, v39  }
0x170: {  	[tilespmem:v42+s18+$0x0] =	vst.idx.msk $0xffff, v40;
	v39 =	vld [tilespmem:s22+$0xFFFFFFF0];
	v40 =	vadd.s32 v31, v41  }
0x171: {  	v47 =	vadd.s32 v18, v34;
	v42 =	vld [tilespmem:s22+$0xFFFFFF20];
	[tilespmem:v44+s18+$0x0] =	vst.idx.msk $0xffff, v43  }
0x172: {  	v44 =	vadd.s32 v22, v37;
	[tilespmem:v51+s18+$0x0] =	vst.idx.msk $0xffff, v50;
	v43 =	vld [tilespmem:s22+$0xFFFFFF60]  }
0x173: {  	[tilespmem:v46+s18+$0x0] =	vst.idx.msk $0xffff, v38;
	v38 =	vld [tilespmem:s22+$0xFFFFFFA0];
	v46 =	vadd.s32 v26, v36  }
0x174: {  	v51 =	vadd.s32 v2, v33;
	v50 =	vld [tilespmem:s22+$0xFFFFFE20];
	[tilespmem:v49+s18+$0x0] =	vst.idx.msk $0xffff, v48  }
0x175: {  	v49 =	vadd.s32 v7, v45;
	v48 =	vld [tilespmem:s22+$0xFFFFFE70];
	[tilespmem:v40+s18+$0x0] =	vst.idx.msk $0xffff, v39  }
0x176: {  	[tilespmem:v47+s18+$0x0] =	vst.idx.msk $0xffff, v42;
	v39 =	vld [tilespmem:s22+$0x0];
	v47 =	vadd.s32 v32, v41  }
0x177: {  	v56 =	vadd.s32 v11, v55;
	v52 =	vld [tilespmem:s22+$0xFFFFFEB0];
	[tilespmem:v44+s18+$0x0] =	vst.idx.msk $0xffff, v43  }
0x178: {  	v58 =	vadd.s32 v15, v35;
	v57 =	vld [tilespmem:s22+$0xFFFFFEF0];
	[tilespmem:v46+s18+$0x0] =	vst.idx.msk $0xffff, v38  }
0x179: {  	v60 =	vadd.s32 v19, v34;
	[tilespmem:v51+s18+$0x0] =	vst.idx.msk $0xffff, v50;
	v59 =	vld [tilespmem:s22+$0xFFFFFF30]  }
.Ltmp1:
0x17a: {  	s14 =	sadd.s32 $0x1, s25;
	v41 =	vadd.s32 v23, v37;
	v38 =	vmov s25;
	[tilespmem:v49+s18+$0x0] =	vst.idx.msk $0xffff, v48;
	v40 =	vld [tilespmem:s22+$0xFFFFFF70];
	(pc) =	sbr.rel @p0 .LBB2_5-.Ltmp1, $4  }
0x17b: {  	s29 =	sadd.s32 $0x3, s25;
	v53 =	vmov s14;
	s14 =	sadd.s32 $0x2, s25;
	v43 =	vadd.s32 v27, v36;
	v50 =	vshrl.u32 v38, $0x3;
	v42 =	vld [tilespmem:s22+$0xFFFFFFB0];
	[tilespmem:v47+s18+$0x0] =	vst.idx.msk $0xffff, v39  }
0x17c: {  	v54 =	vmov s14;
	s14 =	sadd.s32 $0x4, s25;
	v44 =	vmov s29;
	s29 =	sadd.s32 $0x5, s25;
	v48 =	vadd.s32 v3, v33;
	v46 =	vld [tilespmem:s22+$0xFFFFFE30];
	[tilespmem:v56+s18+$0x0] =	vst.idx.msk $0xffff, v52  }
0x17d: {  	v38 =	vmov s29;
	v51 =	vadd.s32 v8, v45;
	v47 =	vmov s14;
	s14 =	sadd.s32 $0x6, s25;
	v49 =	vld [tilespmem:s22+$0xFFFFFE80];
	[tilespmem:v58+s18+$0x0] =	vst.idx.msk $0xffff, v57  }
0x17e: {  	s29 =	sadd.s32 $0x7, s25;
	v45 =	vshll.u32 v50, v1;
	s25 =	sadd.s32 $0x8, s25;
	v39 =	vmov s14;
	v52 =	vadd.s32 v12, v55;
	v50 =	vld [tilespmem:s22+$0xFFFFFEC0];
	[tilespmem:v60+s18+$0x0] =	vst.idx.msk $0xffff, v59  }
0x17f: {  	_ =	sdelay $0x2  }
0x180: {  	v53 =	vshrl.u32 v53, $0x3  }
0x181: {  	v55 =	vmov s29;
	v56 =	vld [tilespmem:s22+$0xFFFFFF00];
	v35 =	vadd.s32 v16, v35;
	[tilespmem:v41+s18+$0x0] =	vst.idx.msk $0xffff, v40;
	v34 =	vadd.s32 v20, v34  }
0x182: {  	v61 =	vshrl.u32 v54, $0x3;
	v63 =	vld [tilespmem:s22+$0xFFFFFF40];
	v37 =	vadd.s32 v24, v37;
	v36 =	vadd.s32 v28, v36;
	[tilespmem:v43+s18+$0x0] =	vst.idx.msk $0xffff, v42  }
0x183: {  	v45 =	vbroadcast v45, $0x0;
	v33 =	vadd.s32 v4, v33;
	v62 =	vshrl.u32 v55, $0x3;
	v43 =	vld [tilespmem:s22+$0xFFFFFF80];
	[tilespmem:v48+s18+$0x0] =	vst.idx.msk $0xffff, v46  }
0x184: {  	s14 =	sadd.s32 $0x200, s22;
	v38 =	vshrl.u32 v38, $0x3;
	v55 =	vshrl.u32 v44, $0x3;
	v41 =	vshll.u32 v62, v1;
	v46 =	vld [tilespmem:s22+$0xFFFFFFC0];
	[tilespmem:v51+s18+$0x0] =	vst.idx.msk $0xffff, v49  }
0x185: {  	v40 =	vshll.u32 v61, v1;
	v60 =	vld [tilespmem:s14+$0xFFFFFE10];
	v61 =	vadd.s32 v0, v45;
	v41 =	vbroadcast v41, $0x0;
	[tilespmem:v52+s18+$0x0] =	vst.idx.msk $0xffff, v50  }
0x186: {  	v44 =	vshrl.u32 v47, $0x3;
	v57 =	vshll.u32 v53, v1;
	v40 =	vbroadcast v40, $0x0;
	v48 =	vld [tilespmem:s22+$0xFFFFFE40];
	[tilespmem:v35+s18+$0x0] =	vst.idx.msk $0xffff, v56  }
0x187: {  	v58 =	vld [tilespmem:s14+$0xFFFFFFD0];
	v47 =	vbroadcast v57, $0x0;
	v42 =	vshll.u32 v55, v1;
	v59 =	vadd.s32 v29, v41;
	[tilespmem:v34+s18+$0x0] =	vst.idx.msk $0xffff, v63  }
0x188: {  	v54 =	vld [tilespmem:s14+$0xFFFFFE90];
	v44 =	vshll.u32 v44, v1;
	v42 =	vbroadcast v42, $0x0;
	v55 =	vadd.s32 v9, v40;
	[tilespmem:v37+s18+$0x0] =	vst.idx.msk $0xffff, v43  }
0x189: {  	v38 =	vshll.u32 v38, v1;
	v62 =	vld [tilespmem:s14+$0xFFFFFE50];
	v44 =	vbroadcast v44, $0x0;
	v63 =	vadd.s32 v5, v47;
	[tilespmem:v36+s18+$0x0] =	vst.idx.msk $0xffff, v46  }
0x18a: {  	v39 =	vshrl.u32 v39, $0x3;
	v38 =	vbroadcast v38, $0x0;
	v36 =	vld [tilespmem:s14+$0xFFFFFED0];
	v46 =	vadd.s32 v13, v42;
	[tilespmem:v61+s18+$0x0] =	vst.idx.msk $0xffff, v60  }
0x18b: {  	v39 =	vshll.u32 v39, v1;
	[tilespmem:v33+s18+$0x0] =	vst.idx.msk $0xffff, v48;
	v33 =	vld [tilespmem:s14+$0xFFFFFF10];
	v48 =	vadd.s32 v17, v44  }
0x18c: {  	v35 =	vbroadcast v39, $0x0;
	[tilespmem:v59+s18+$0x0] =	vst.idx.msk $0xffff, v58;
	v58 =	vld [tilespmem:s14+$0xFFFFFF50];
	v59 =	vadd.s32 v21, v38  }
0x18d: {  	v57 =	vadd.s32 v30, v41;
	[tilespmem:v55+s18+$0x0] =	vst.idx.msk $0xffff, v54;
	v56 =	vld [tilespmem:s14+$0xFFFFFFE0]  }
0x18e: {  	v60 =	vld [tilespmem:s14+$0xFFFFFF90];
	v61 =	vadd.s32 v25, v35;
	[tilespmem:v63+s18+$0x0] =	vst.idx.msk $0xffff, v62  }
0x18f: {  	v55 =	vadd.s32 v10, v40;
	v54 =	vld [tilespmem:s14+$0xFFFFFEA0];
	[tilespmem:v46+s18+$0x0] =	vst.idx.msk $0xffff, v36  }
0x190: {  	v63 =	vadd.s32 v6, v47;
	v62 =	vld [tilespmem:s14+$0xFFFFFE60];
	[tilespmem:v48+s18+$0x0] =	vst.idx.msk $0xffff, v33  }
0x191: {  	v33 =	vld [tilespmem:s14+$0xFFFFFEE0];
	v48 =	vadd.s32 v14, v42;
	[tilespmem:v59+s18+$0x0] =	vst.idx.msk $0xffff, v58  }
0x192: {  	[tilespmem:v57+s18+$0x0] =	vst.idx.msk $0xffff, v56;
	v56 =	vld [tilespmem:s14+$0xFFFFFF20];
	v57 =	vadd.s32 v18, v44  }
0x193: {  	[tilespmem:v61+s18+$0x0] =	vst.idx.msk $0xffff, v60;
	v59 =	vadd.s32 v22, v38;
	v58 =	vld [tilespmem:s14+$0xFFFFFF60]  }
0x194: {  	v39 =	vadd.s32 v31, v41;
	[tilespmem:v55+s18+$0x0] =	vst.idx.msk $0xffff, v54;
	v34 =	vld [tilespmem:s14+$0xFFFFFFF0]  }
0x195: {  	v61 =	vadd.s32 v26, v35;
	v60 =	vld [tilespmem:s14+$0xFFFFFFA0];
	[tilespmem:v63+s18+$0x0] =	vst.idx.msk $0xffff, v62  }
0x196: {  	v62 =	vld [tilespmem:s14+$0xFFFFFE20];
	v63 =	vadd.s32 v2, v45;
	[tilespmem:v48+s18+$0x0] =	vst.idx.msk $0xffff, v33  }
0x197: {  	v55 =	vadd.s32 v7, v47;
	v54 =	vld [tilespmem:s14+$0xFFFFFE70];
	[tilespmem:v57+s18+$0x0] =	vst.idx.msk $0xffff, v56  }
0x198: {  	v56 =	vadd.s32 v32, v41;
	v41 =	vld [tilespmem:s14+$0xFFFFFEB0];
	v57 =	vadd.s32 v11, v40;
	[tilespmem:v59+s18+$0x0] =	vst.idx.msk $0xffff, v58  }
0x199: {  	v37 =	vld [tilespmem:s14+$0xFFFFFEF0];
	v58 =	vadd.s32 v15, v42;
	[tilespmem:v39+s18+$0x0] =	vst.idx.msk $0xffff, v34  }
0x19a: {  	[tilespmem:v61+s18+$0x0] =	vst.idx.msk $0xffff, v60;
	v34 =	vld [tilespmem:s14+$0x0]  }
0x19b: {  	v60 =	vadd.s32 v19, v44;
	[tilespmem:v63+s18+$0x0] =	vst.idx.msk $0xffff, v62;
	v59 =	vld [tilespmem:s14+$0xFFFFFF30]  }
0x19c: {  	v62 =	vadd.s32 v23, v38;
	[tilespmem:v55+s18+$0x0] =	vst.idx.msk $0xffff, v54;
	v61 =	vld [tilespmem:s14+$0xFFFFFF70]  }
0x19d: {  	v63 =	vld [tilespmem:s14+$0xFFFFFFB0];
	v54 =	vadd.s32 v27, v35;
	[tilespmem:v57+s18+$0x0] =	vst.idx.msk $0xffff, v41  }
0x19e: {  	v47 =	vadd.s32 v8, v47;
	v57 =	vld [tilespmem:s14+$0xFFFFFE80];
	[tilespmem:v58+s18+$0x0] =	vst.idx.msk $0xffff, v37  }
0x19f: {  	v55 =	vld [tilespmem:s14+$0xFFFFFE30];
	[tilespmem:v56+s18+$0x0] =	vst.idx.msk $0xffff, v34;
	v56 =	vadd.s32 v3, v45  }
0x1a0: {  	v40 =	vadd.s32 v12, v40;
	v58 =	vld [tilespmem:s14+$0xFFFFFEC0];
	[tilespmem:v60+s18+$0x0] =	vst.idx.msk $0xffff, v59  }
0x1a1: {  	v42 =	vadd.s32 v16, v42;
	v59 =	vld [tilespmem:s14+$0xFFFFFF00];
	[tilespmem:v62+s18+$0x0] =	vst.idx.msk $0xffff, v61  }
0x1a2: {  	v61 =	vadd.s32 v20, v44;
	[tilespmem:v54+s18+$0x0] =	vst.idx.msk $0xffff, v63;
	v60 =	vld [tilespmem:s14+$0xFFFFFF40]  }
0x1a3: {  	v38 =	vadd.s32 v24, v38;
	v62 =	vld [tilespmem:s14+$0xFFFFFF80];
	[tilespmem:v47+s18+$0x0] =	vst.idx.msk $0xffff, v57  }
0x1a4: {  	v35 =	vadd.s32 v28, v35;
	v63 =	vld [tilespmem:s14+$0xFFFFFFC0];
	[tilespmem:v56+s18+$0x0] =	vst.idx.msk $0xffff, v55  }
0x1a5: {  	v49 =	vadd.s32 v4, v45;
	[tilespmem:v40+s18+$0x0] =	vst.idx.msk $0xffff, v58;
	v48 =	vld [tilespmem:s14+$0xFFFFFE40]  }
0x1a6: {  	[tilespmem:v42+s18+$0x0] =	vst.idx.msk $0xffff, v59  }
0x1a7: {  	[tilespmem:v61+s18+$0x0] =	vst.idx.msk $0xffff, v60  }
0x1a8: {  	[tilespmem:v38+s18+$0x0] =	vst.idx.msk $0xffff, v62  }
0x1a9: {  	[tilespmem:v35+s18+$0x0] =	vst.idx.msk $0xffff, v63  }
0x1aa: {  	[tilespmem:v49+s18+$0x0] =	vst.idx.msk $0xffff, v48  }
0x1ab: {  	s14 =	rddreg [dreg:$0x4]  }
0x1ac: {  	s14 =	sadd.s32 s23, s14  }
0x1ad: {  	[hbm4b:s14+s3] =	stream.linear.scatter [tilespmem:s18], [sflag:$0x6], $0x80, $0x38;
	[tilespmem:$0x12800] =	vst v63  }
0x1ae: {  	s25 =	simm.s32 $0x10688;
	s22 =	sadd.s32 $0x10, s14  }
0x1af: {  	[hbm4b:s22+s3] =	stream.linear.scatter [tilespmem:s25], [sflag:$0x6], $0x80, $0x38;
	[tilespmem:$0x12800] =	vst v63  }
0x1b0: {  	s22 =	sadd.s32 $0x20, s14;
	s25 =	simm.s32 $0x10710  }
0x1b1: {  	[hbm4b:s22+s3] =	stream.linear.scatter [tilespmem:s25], [sflag:$0x6], $0x80, $0x38;
	[tilespmem:$0x12800] =	vst v63  }
0x1b2: {  	s22 =	sadd.s32 $0x30, s14;
	s25 =	simm.s32 $0x10798  }
0x1b3: {  	[hbm4b:s22+s3] =	stream.linear.scatter [tilespmem:s25], [sflag:$0x6], $0x80, $0x38;
	[tilespmem:$0x12800] =	vst v63  }
0x1b4: {  	s22 =	sadd.s32 $0x40, s14;
	s25 =	simm.s32 $0x10820  }
0x1b5: {  	[hbm4b:s22+s3] =	stream.linear.scatter [tilespmem:s25], [sflag:$0x6], $0x80, $0x38;
	[tilespmem:$0x12800] =	vst v63  }
0x1b6: {  	s22 =	sadd.s32 $0x50, s14;
	s25 =	simm.s32 $0x108A8  }
0x1b7: {  	[hbm4b:s22+s3] =	stream.linear.scatter [tilespmem:s25], [sflag:$0x6], $0x80, $0x38;
	[tilespmem:$0x12800] =	vst v63  }
0x1b8: {  	s22 =	sadd.s32 $0x60, s14;
	s25 =	simm.s32 $0x10930  }
0x1b9: {  	[hbm4b:s22+s3] =	stream.linear.scatter [tilespmem:s25], [sflag:$0x6], $0x80, $0x38;
	[tilespmem:$0x12800] =	vst v63  }
0x1ba: {  	s14 =	sadd.s32 $0x70, s14;
	s25 =	simm.s32 $0x109B8;
	s22 =	rddreg [dreg:$0x5]  }
0x1bb: {  	[hbm4b:s14+s3] =	stream.linear.scatter [tilespmem:s25], [sflag:$0x6], $0x80, $0x38;
	[tilespmem:$0x12800] =	vst v63  }
0x1bc: {  	s14 =	sadd.s32 s23, s22;
	s25 =	simm.s32 $0x10A40  }
0x1bd: {  	[hbm4b:s14+s3] =	stream.linear.scatter [tilespmem:s25], [sflag:$0x6], $0x80, $0x38;
	[tilespmem:$0x12800] =	vst v63  }
0x1be: {  	s22 =	sadd.s32 $0x10, s14;
	s25 =	simm.s32 $0x10AC8  }
0x1bf: {  	[hbm4b:s22+s3] =	stream.linear.scatter [tilespmem:s25], [sflag:$0x6], $0x80, $0x38;
	[tilespmem:$0x12800] =	vst v63  }
0x1c0: {  	s22 =	sadd.s32 $0x20, s14;
	s25 =	simm.s32 $0x10B50  }
0x1c1: {  	[hbm4b:s22+s3] =	stream.linear.scatter [tilespmem:s25], [sflag:$0x6], $0x80, $0x38;
	[tilespmem:$0x12800] =	vst v63  }
0x1c2: {  	s22 =	sadd.s32 $0x30, s14;
	s25 =	simm.s32 $0x10BD8  }
0x1c3: {  	[hbm4b:s22+s3] =	stream.linear.scatter [tilespmem:s25], [sflag:$0x6], $0x80, $0x38;
	[tilespmem:$0x12800] =	vst v63  }
0x1c4: {  	s22 =	sadd.s32 $0x40, s14;
	s25 =	simm.s32 $0x10C60  }
0x1c5: {  	[hbm4b:s22+s3] =	stream.linear.scatter [tilespmem:s25], [sflag:$0x6], $0x80, $0x38;
	[tilespmem:$0x12800] =	vst v63  }
0x1c6: {  	s22 =	sadd.s32 $0x50, s14;
	s25 =	simm.s32 $0x10CE8  }
0x1c7: {  	[hbm4b:s22+s3] =	stream.linear.scatter [tilespmem:s25], [sflag:$0x6], $0x80, $0x38;
	[tilespmem:$0x12800] =	vst v63  }
0x1c8: {  	s22 =	sadd.s32 $0x60, s14;
	s25 =	simm.s32 $0x10D70  }
0x1c9: {  	[hbm4b:s22+s3] =	stream.linear.scatter [tilespmem:s25], [sflag:$0x6], $0x80, $0x38;
	[tilespmem:$0x12800] =	vst v63  }
0x1ca: {  	s14 =	sadd.s32 $0x70, s14;
	s25 =	simm.s32 $0x10DF8;
	s22 =	rddreg [dreg:$0x6]  }
0x1cb: {  	[hbm4b:s14+s3] =	stream.linear.scatter [tilespmem:s25], [sflag:$0x6], $0x80, $0x38;
	[tilespmem:$0x12800] =	vst v63  }
0x1cc: {  	s14 =	sadd.s32 s23, s22;
	s25 =	simm.s32 $0x10E80  }
0x1cd: {  	[hbm4b:s14+s3] =	stream.linear.scatter [tilespmem:s25], [sflag:$0x6], $0x80, $0x38;
	[tilespmem:$0x12800] =	vst v63  }
0x1ce: {  	s22 =	sadd.s32 $0x10, s14;
	s25 =	simm.s32 $0x10F08  }
0x1cf: {  	[hbm4b:s22+s3] =	stream.linear.scatter [tilespmem:s25], [sflag:$0x6], $0x80, $0x38;
	[tilespmem:$0x12800] =	vst v63  }
0x1d0: {  	s22 =	sadd.s32 $0x20, s14;
	s25 =	simm.s32 $0x10F90  }
0x1d1: {  	[hbm4b:s22+s3] =	stream.linear.scatter [tilespmem:s25], [sflag:$0x6], $0x80, $0x38;
	[tilespmem:$0x12800] =	vst v63  }
0x1d2: {  	s22 =	sadd.s32 $0x30, s14;
	s25 =	simm.s32 $0x11018  }
0x1d3: {  	[hbm4b:s22+s3] =	stream.linear.scatter [tilespmem:s25], [sflag:$0x6], $0x80, $0x38;
	[tilespmem:$0x12800] =	vst v63  }
0x1d4: {  	s22 =	sadd.s32 $0x40, s14;
	s25 =	simm.s32 $0x110A0  }
0x1d5: {  	[hbm4b:s22+s3] =	stream.linear.scatter [tilespmem:s25], [sflag:$0x6], $0x80, $0x38;
	[tilespmem:$0x12800] =	vst v63  }
0x1d6: {  	s22 =	sadd.s32 $0x50, s14;
	s25 =	simm.s32 $0x11128  }
0x1d7: {  	[hbm4b:s22+s3] =	stream.linear.scatter [tilespmem:s25], [sflag:$0x6], $0x80, $0x38;
	[tilespmem:$0x12800] =	vst v63  }
0x1d8: {  	s22 =	sadd.s32 $0x60, s14;
	s25 =	simm.s32 $0x111B0  }
0x1d9: {  	[hbm4b:s22+s3] =	stream.linear.scatter [tilespmem:s25], [sflag:$0x6], $0x80, $0x38;
	[tilespmem:$0x12800] =	vst v63  }
0x1da: {  	s14 =	sadd.s32 $0x70, s14;
	s25 =	simm.s32 $0x11238;
	s22 =	rddreg [dreg:$0x7]  }
0x1db: {  	[hbm4b:s14+s3] =	stream.linear.scatter [tilespmem:s25], [sflag:$0x6], $0x80, $0x38;
	[tilespmem:$0x12800] =	vst v63  }
0x1dc: {  	s14 =	sadd.s32 s23, s22;
	s25 =	simm.s32 $0x112C0  }
0x1dd: {  	[hbm4b:s14+s3] =	stream.linear.scatter [tilespmem:s25], [sflag:$0x6], $0x80, $0x38;
	[tilespmem:$0x12800] =	vst v63  }
0x1de: {  	s22 =	sadd.s32 $0x10, s14;
	s25 =	simm.s32 $0x11348  }
0x1df: {  	[hbm4b:s22+s3] =	stream.linear.scatter [tilespmem:s25], [sflag:$0x6], $0x80, $0x38;
	[tilespmem:$0x12800] =	vst v63  }
0x1e0: {  	s22 =	sadd.s32 $0x20, s14;
	s25 =	simm.s32 $0x113D0  }
0x1e1: {  	[hbm4b:s22+s3] =	stream.linear.scatter [tilespmem:s25], [sflag:$0x6], $0x80, $0x38;
	[tilespmem:$0x12800] =	vst v63  }
0x1e2: {  	s22 =	sadd.s32 $0x30, s14;
	s25 =	simm.s32 $0x11458  }
0x1e3: {  	[hbm4b:s22+s3] =	stream.linear.scatter [tilespmem:s25], [sflag:$0x6], $0x80, $0x38;
	[tilespmem:$0x12800] =	vst v63  }
0x1e4: {  	s22 =	sadd.s32 $0x40, s14;
	s25 =	simm.s32 $0x114E0  }
0x1e5: {  	[hbm4b:s22+s3] =	stream.linear.scatter [tilespmem:s25], [sflag:$0x6], $0x80, $0x38;
	[tilespmem:$0x12800] =	vst v63  }
0x1e6: {  	s22 =	sadd.s32 $0x50, s14;
	s25 =	simm.s32 $0x11568  }
0x1e7: {  	[hbm4b:s22+s3] =	stream.linear.scatter [tilespmem:s25], [sflag:$0x6], $0x80, $0x38;
	[tilespmem:$0x12800] =	vst v63  }
0x1e8: {  	s22 =	sadd.s32 $0x60, s14;
	s25 =	simm.s32 $0x115F0  }
0x1e9: {  	[hbm4b:s22+s3] =	stream.linear.scatter [tilespmem:s25], [sflag:$0x6], $0x80, $0x38;
	[tilespmem:$0x12800] =	vst v63  }
0x1ea: {  	s14 =	sadd.s32 $0x70, s14;
	s25 =	simm.s32 $0x11678;
	s22 =	rddreg [dreg:$0x8]  }
0x1eb: {  	[hbm4b:s14+s3] =	stream.linear.scatter [tilespmem:s25], [sflag:$0x6], $0x80, $0x38;
	[tilespmem:$0x12800] =	vst v63  }
0x1ec: {  	s14 =	sadd.s32 s23, s22;
	s25 =	simm.s32 $0x11700  }
0x1ed: {  	[hbm4b:s14+s3] =	stream.linear.scatter [tilespmem:s25], [sflag:$0x6], $0x80, $0x38;
	[tilespmem:$0x12800] =	vst v63  }
0x1ee: {  	s22 =	sadd.s32 $0x10, s14;
	s25 =	simm.s32 $0x11788  }
0x1ef: {  	[hbm4b:s22+s3] =	stream.linear.scatter [tilespmem:s25], [sflag:$0x6], $0x80, $0x38;
	[tilespmem:$0x12800] =	vst v63  }
0x1f0: {  	s22 =	sadd.s32 $0x20, s14;
	s25 =	simm.s32 $0x11810  }
0x1f1: {  	[hbm4b:s22+s3] =	stream.linear.scatter [tilespmem:s25], [sflag:$0x6], $0x80, $0x38;
	[tilespmem:$0x12800] =	vst v63  }
0x1f2: {  	s22 =	sadd.s32 $0x30, s14;
	s25 =	simm.s32 $0x11898  }
0x1f3: {  	[hbm4b:s22+s3] =	stream.linear.scatter [tilespmem:s25], [sflag:$0x6], $0x80, $0x38;
	[tilespmem:$0x12800] =	vst v63  }
0x1f4: {  	s22 =	sadd.s32 $0x40, s14;
	s25 =	simm.s32 $0x11920  }
0x1f5: {  	[hbm4b:s22+s3] =	stream.linear.scatter [tilespmem:s25], [sflag:$0x6], $0x80, $0x38;
	[tilespmem:$0x12800] =	vst v63  }
0x1f6: {  	s22 =	sadd.s32 $0x50, s14;
	s25 =	simm.s32 $0x119A8  }
0x1f7: {  	[hbm4b:s22+s3] =	stream.linear.scatter [tilespmem:s25], [sflag:$0x6], $0x80, $0x38;
	[tilespmem:$0x12800] =	vst v63  }
0x1f8: {  	s22 =	sadd.s32 $0x60, s14;
	s25 =	simm.s32 $0x11A30  }
0x1f9: {  	[hbm4b:s22+s3] =	stream.linear.scatter [tilespmem:s25], [sflag:$0x6], $0x80, $0x38;
	[tilespmem:$0x12800] =	vst v63  }
0x1fa: {  	s14 =	sadd.s32 $0x70, s14;
	s25 =	simm.s32 $0x11AB8;
	s22 =	rddreg [dreg:$0x9]  }
0x1fb: {  	[hbm4b:s14+s3] =	stream.linear.scatter [tilespmem:s25], [sflag:$0x6], $0x80, $0x38;
	[tilespmem:$0x12800] =	vst v63  }
0x1fc: {  	s14 =	sadd.s32 s23, s22;
	s25 =	simm.s32 $0x11B40  }
0x1fd: {  	[hbm4b:s14+s3] =	stream.linear.scatter [tilespmem:s25], [sflag:$0x6], $0x80, $0x38;
	[tilespmem:$0x12800] =	vst v63  }
0x1fe: {  	s22 =	sadd.s32 $0x10, s14;
	s25 =	simm.s32 $0x11BC8  }
0x1ff: {  	[hbm4b:s22+s3] =	stream.linear.scatter [tilespmem:s25], [sflag:$0x6], $0x80, $0x38;
	[tilespmem:$0x12800] =	vst v63  }
0x200: {  	s22 =	sadd.s32 $0x20, s14;
	s25 =	simm.s32 $0x11C50  }
0x201: {  	[hbm4b:s22+s3] =	stream.linear.scatter [tilespmem:s25], [sflag:$0x6], $0x80, $0x38;
	[tilespmem:$0x12800] =	vst v63  }
0x202: {  	s22 =	sadd.s32 $0x30, s14;
	s25 =	simm.s32 $0x11CD8  }
0x203: {  	[hbm4b:s22+s3] =	stream.linear.scatter [tilespmem:s25], [sflag:$0x6], $0x80, $0x38;
	[tilespmem:$0x12800] =	vst v63  }
0x204: {  	s22 =	sadd.s32 $0x40, s14;
	s25 =	simm.s32 $0x11D60  }
0x205: {  	[hbm4b:s22+s3] =	stream.linear.scatter [tilespmem:s25], [sflag:$0x6], $0x80, $0x38;
	[tilespmem:$0x12800] =	vst v63  }
0x206: {  	s22 =	sadd.s32 $0x50, s14;
	s25 =	simm.s32 $0x11DE8  }
0x207: {  	[hbm4b:s22+s3] =	stream.linear.scatter [tilespmem:s25], [sflag:$0x6], $0x80, $0x38;
	[tilespmem:$0x12800] =	vst v63  }
0x208: {  	s22 =	sadd.s32 $0x60, s14;
	s25 =	simm.s32 $0x11E70  }
0x209: {  	[hbm4b:s22+s3] =	stream.linear.scatter [tilespmem:s25], [sflag:$0x6], $0x80, $0x38;
	[tilespmem:$0x12800] =	vst v63  }
0x20a: {  	s14 =	sadd.s32 $0x70, s14;
	s25 =	simm.s32 $0x11EF8;
	s22 =	rddreg [dreg:$0xa]  }
0x20b: {  	[hbm4b:s14+s3] =	stream.linear.scatter [tilespmem:s25], [sflag:$0x6], $0x80, $0x38;
	[tilespmem:$0x12800] =	vst v63  }
0x20c: {  	s14 =	sadd.s32 s23, s22;
	s25 =	simm.s32 $0x11F80  }
0x20d: {  	[hbm4b:s14+s3] =	stream.linear.scatter [tilespmem:s25], [sflag:$0x6], $0x80, $0x38;
	[tilespmem:$0x12800] =	vst v63  }
0x20e: {  	s22 =	sadd.s32 $0x10, s14;
	s25 =	simm.s32 $0x12008  }
0x20f: {  	[hbm4b:s22+s3] =	stream.linear.scatter [tilespmem:s25], [sflag:$0x6], $0x80, $0x38;
	[tilespmem:$0x12800] =	vst v63  }
0x210: {  	s22 =	sadd.s32 $0x20, s14;
	s25 =	simm.s32 $0x12090  }
0x211: {  	[hbm4b:s22+s3] =	stream.linear.scatter [tilespmem:s25], [sflag:$0x6], $0x80, $0x38;
	[tilespmem:$0x12800] =	vst v63  }
0x212: {  	s22 =	sadd.s32 $0x30, s14;
	s25 =	simm.s32 $0x12118  }
0x213: {  	[hbm4b:s22+s3] =	stream.linear.scatter [tilespmem:s25], [sflag:$0x6], $0x80, $0x38;
	[tilespmem:$0x12800] =	vst v63  }
0x214: {  	s22 =	sadd.s32 $0x40, s14;
	s25 =	simm.s32 $0x121A0  }
0x215: {  	[hbm4b:s22+s3] =	stream.linear.scatter [tilespmem:s25], [sflag:$0x6], $0x80, $0x38;
	[tilespmem:$0x12800] =	vst v63  }
0x216: {  	s22 =	sadd.s32 $0x50, s14;
	s25 =	simm.s32 $0x12228  }
0x217: {  	[hbm4b:s22+s3] =	stream.linear.scatter [tilespmem:s25], [sflag:$0x6], $0x80, $0x38;
	[tilespmem:$0x12800] =	vst v63  }
0x218: {  	s22 =	sadd.s32 $0x60, s14;
	s25 =	simm.s32 $0x122B0  }
0x219: {  	[hbm4b:s22+s3] =	stream.linear.scatter [tilespmem:s25], [sflag:$0x6], $0x80, $0x38;
	[tilespmem:$0x12800] =	vst v63  }
0x21a: {  	s14 =	sadd.s32 $0x70, s14;
	s25 =	simm.s32 $0x12338;
	s22 =	rddreg [dreg:$0xb]  }
0x21b: {  	[hbm4b:s14+s3] =	stream.linear.scatter [tilespmem:s25], [sflag:$0x6], $0x80, $0x38;
	[tilespmem:$0x12800] =	vst v63  }
0x21c: {  	s14 =	sadd.s32 s23, s22;
	s25 =	simm.s32 $0x123C0  }
0x21d: {  	[hbm4b:s14+s3] =	stream.linear.scatter [tilespmem:s25], [sflag:$0x6], $0x80, $0x38;
	[tilespmem:$0x12800] =	vst v63  }
0x21e: {  	s23 =	sadd.s32 $0x10, s14;
	s25 =	simm.s32 $0x12448  }
0x21f: {  	[hbm4b:s23+s3] =	stream.linear.scatter [tilespmem:s25], [sflag:$0x6], $0x80, $0x38;
	[tilespmem:$0x12800] =	vst v63  }
0x220: {  	s23 =	sadd.s32 $0x20, s14;
	s25 =	simm.s32 $0x124D0  }
0x221: {  	[hbm4b:s23+s3] =	stream.linear.scatter [tilespmem:s25], [sflag:$0x6], $0x80, $0x38;
	[tilespmem:$0x12800] =	vst v63  }
0x222: {  	s23 =	sadd.s32 $0x30, s14;
	s25 =	simm.s32 $0x12558  }
0x223: {  	[hbm4b:s23+s3] =	stream.linear.scatter [tilespmem:s25], [sflag:$0x6], $0x80, $0x38;
	[tilespmem:$0x12800] =	vst v63  }
0x224: {  	s23 =	sadd.s32 $0x40, s14  }
0x225: {  	[hbm4b:s23+s3] =	stream.linear.scatter [tilespmem:s15], [sflag:$0x6], $0x80, $0x38;
	[tilespmem:$0x12800] =	vst v63  }
0x226: {  	s25 =	sadd.s32 $0x50, s14  }
0x227: {  	[hbm4b:s25+s3] =	stream.linear.scatter [tilespmem:s16], [sflag:$0x6], $0x80, $0x38;
	[tilespmem:$0x12800] =	vst v63  }
0x228: {  	s23 =	sadd.s32 $0x60, s14  }
0x229: {  	[hbm4b:s23+s3] =	stream.linear.scatter [tilespmem:s19], [sflag:$0x6], $0x80, $0x38;
	[tilespmem:$0x12800] =	vst v63  }
0x22a: {  	p0 =	seq.s32 s26, $0x31;
	s14 =	sadd.s32 $0x70, s14  }
0x22b: {  	[hbm4b:s14+s3] =	stream.linear.scatter [tilespmem:s20], [sflag:$0x6], $0x80, $0x38;
	[tilespmem:$0x12800] =	vst v63  }
0x22c: {  	s14 =	sshll.u32 @!p0 s26, $0x9  }
0x22d: {  	s23 =	sand.u32 @!p0 $0x3FFFFE00, s14  }
0x22e: {  	s22 =	simm.s32 @!p0 $0x80;
	s25 =	simm.s32 @!p0 $0x6400;
	s14 =	sadd.s32 @!p0 $0x200, s23  }
0x22f: {  	[tilespmem:s25], [sflag:$0x1] =	stream.indirect.gather @!p0 [hbm4b:s4+s22], $0x40, s14, s22, $0xb8;
	[tilespmem:$0x12800] =	vst v63  }
0x230: {  	_ =	swait.ge [sflag:s21], $0x400  }
0x231: {  	[sflag:s21] =	ssyncset.done $0x0  }
0x232: {  	[sflag:s21] =	ssyncadd.s32 $0xFFFFFC00  }
0x233: {  	_ =	swait.ge [sflag:s21], $0x400  }
0x234: {  	[sflag:s21] =	ssyncset.done $0x0  }
0x235: {  	[sflag:s21] =	ssyncadd.s32 $0xFFFFFC00  }
0x236: {  	_ =	swait.ge [sflag:s21], $0x400  }
0x237: {  	[sflag:s21] =	ssyncset.done $0x0  }
0x238: {  	[sflag:s21] =	ssyncadd.s32 $0xFFFFFC00  }
0x239: {  	_ =	swait.ge [sflag:s21], $0x400  }
0x23a: {  	[sflag:s21] =	ssyncset.done $0x0  }
0x23b: {  	[sflag:s21] =	ssyncadd.s32 $0xFFFFFC00  }
0x23c: {  	_ =	swait.ge [sflag:s21], $0x400  }
0x23d: {  	[sflag:s21] =	ssyncset.done $0x0  }
0x23e: {  	[sflag:s21] =	ssyncadd.s32 $0xFFFFFC00  }
0x23f: {  	_ =	swait.ge [sflag:s21], $0x400  }
0x240: {  	[sflag:s21] =	ssyncset.done $0x0  }
0x241: {  	[sflag:s21] =	ssyncadd.s32 $0xFFFFFC00  }
0x242: {  	s25 =	simm.s32 $0x0;
	_ =	swait.ge [sflag:s21], $0x400  }
0x243: {  	s22 =	simm.s32 $0x1;
	s14 =	simm.s32 $0x3;
	[sflag:s21] =	ssyncset.done $0x0  }
0x244: {  	v50 =	vmov s25;
	s25 =	simm.s32 $0x2;
	v51 =	vmov s22;
	s22 =	simm.s32 $0x4;
	v53 =	vmov s14;
	[sflag:s21] =	ssyncadd.s32 $0xFFFFFC00  }
0x245: {  	s14 =	simm.s32 $0x5;
	v33 =	vshrl.u32 v50, $0x3;
	v52 =	vmov s25;
	s25 =	simm.s32 $0x7;
	v54 =	vmov s22;
	_ =	swait.ge [sflag:s21], $0x400  }
0x246: {  	v39 =	vmov s14;
	v34 =	vshrl.u32 v51, $0x3;
	v55 =	vmov s25;
	[sflag:s21] =	ssyncset.done $0x0  }
0x247: {  	s22 =	simm.s32 $0x6;
	v36 =	vshrl.u32 v53, $0x3;
	v33 =	vshll.u32 v33, v1;
	v38 =	vshrl.u32 v55, $0x3;
	[sflag:s21] =	ssyncadd.s32 $0xFFFFFC00  }
0x248: {  	v40 =	vmov s22;
	v35 =	vshrl.u32 v52, $0x3;
	v38 =	vshll.u32 v38, v1;
	_ =	swait.ge [sflag:s1], $0x2000  }
0x249: {  	v37 =	vshrl.u32 v54, $0x3;
	v34 =	vshll.u32 v34, v1;
	v38 =	vbroadcast v38, $0x0;
	[sflag:s1] =	ssyncset.done $0x0  }
0x24a: {  	s22 =	simm.s32 $0xA5F0;
	v58 =	vshll.u32 v36, v1;
	v45 =	vbroadcast v34, $0x0;
	v56 =	vshll.u32 v35, v1;
	[sflag:s1] =	ssyncadd.s32 $0xFFFFE000  }
0x24b: {  	v33 =	vbroadcast v33, $0x0;
	v52 =	vbroadcast v56, $0x0;
	v42 =	vadd.s32 v29, v38;
	v41 =	vld [tilespmem:s22+$0xFFFFFFD0]  }
0x24c: {  	v35 =	vbroadcast v58, $0x0;
	v61 =	vshll.u32 v37, v1;
	v60 =	vadd.s32 v5, v45;
	v59 =	vld [tilespmem:s22+$0xFFFFFE50]  }
0x24d: {  	v55 =	vshrl.u32 v39, $0x3;
	v40 =	vshrl.u32 v40, $0x3;
	v63 =	vadd.s32 v9, v52;
	v62 =	vld [tilespmem:s22+$0xFFFFFE90]  }
0x24e: {  	v34 =	vbroadcast v61, $0x0;
	v36 =	vshll.u32 v55, v1;
	v57 =	vadd.s32 v0, v33;
	v43 =	vld [tilespmem:s22+$0xFFFFFE10]  }
0x24f: {  	v56 =	vshll.u32 v40, v1;
	v50 =	vadd.s32 v13, v35;
	v37 =	vbroadcast v36, $0x0;
	v39 =	vld [tilespmem:s22+$0xFFFFFED0]  }
0x250: {  	v36 =	vbroadcast v56, $0x0;
	v53 =	vadd.s32 v17, v34;
	v51 =	vld [tilespmem:s22+$0xFFFFFF10];
	[tilespmem:v42+s31+$0x0] =	vst.idx.msk $0xffff, v41  }
0x251: {  	[tilespmem:v60+s31+$0x0] =	vst.idx.msk $0xffff, v59;
	v59 =	vld [tilespmem:s22+$0xFFFFFF50];
	v60 =	vadd.s32 v21, v37  }
0x252: {  	v61 =	vld [tilespmem:s22+$0xFFFFFF90];
	[tilespmem:v63+s31+$0x0] =	vst.idx.msk $0xffff, v62;
	v62 =	vadd.s32 v25, v36  }
0x253: {  	v58 =	vadd.s32 v30, v38;
	[tilespmem:v57+s31+$0x0] =	vst.idx.msk $0xffff, v43;
	v57 =	vld [tilespmem:s22+$0xFFFFFFE0]  }
0x254: {  	v63 =	vadd.s32 v6, v45;
	[tilespmem:v50+s31+$0x0] =	vst.idx.msk $0xffff, v39;
	v47 =	vld [tilespmem:s22+$0xFFFFFE60]  }
0x255: {  	v55 =	vadd.s32 v10, v52;
	[tilespmem:v53+s31+$0x0] =	vst.idx.msk $0xffff, v51;
	v54 =	vld [tilespmem:s22+$0xFFFFFEA0]  }
0x256: {  	v56 =	vadd.s32 v14, v35;
	v50 =	vld [tilespmem:s22+$0xFFFFFEE0];
	[tilespmem:v60+s31+$0x0] =	vst.idx.msk $0xffff, v59  }
0x257: {  	[tilespmem:v62+s31+$0x0] =	vst.idx.msk $0xffff, v61;
	v61 =	vld [tilespmem:s22+$0xFFFFFE20];
	v62 =	vadd.s32 v2, v33  }
0x258: {  	v59 =	vadd.s32 v18, v34;
	[tilespmem:v58+s31+$0x0] =	vst.idx.msk $0xffff, v57;
	v58 =	vld [tilespmem:s22+$0xFFFFFF20]  }
0x259: {  	v57 =	vadd.s32 v31, v38;
	[tilespmem:v63+s31+$0x0] =	vst.idx.msk $0xffff, v47;
	v40 =	vld [tilespmem:s22+$0xFFFFFFF0]  }
0x25a: {  	v46 =	vadd.s32 v22, v37;
	v44 =	vld [tilespmem:s22+$0xFFFFFF60];
	[tilespmem:v55+s31+$0x0] =	vst.idx.msk $0xffff, v54  }
0x25b: {  	v60 =	vadd.s32 v26, v36;
	v63 =	vld [tilespmem:s22+$0xFFFFFFA0];
	[tilespmem:v56+s31+$0x0] =	vst.idx.msk $0xffff, v50  }
0x25c: {  	v51 =	vadd.s32 v7, v45;
	v50 =	vld [tilespmem:s22+$0xFFFFFE70];
	[tilespmem:v62+s31+$0x0] =	vst.idx.msk $0xffff, v61  }
0x25d: {  	v56 =	vadd.s32 v11, v52;
	v55 =	vld [tilespmem:s22+$0xFFFFFEB0];
	[tilespmem:v59+s31+$0x0] =	vst.idx.msk $0xffff, v58  }
0x25e: {  	v58 =	vadd.s32 v15, v35;
	[tilespmem:v57+s31+$0x0] =	vst.idx.msk $0xffff, v40;
	v57 =	vld [tilespmem:s22+$0xFFFFFEF0]  }
0x25f: {  	v38 =	vadd.s32 v32, v38;
	[tilespmem:v46+s31+$0x0] =	vst.idx.msk $0xffff, v44;
	v54 =	vld [tilespmem:s22+$0x0]  }
0x260: {  	s25 =	simm.s32 $0x8;
	[tilespmem:v60+s31+$0x0] =	vst.idx.msk $0xffff, v63;
	v60 =	vadd.s32 v19, v34;
	v59 =	vld [tilespmem:s22+$0xFFFFFF30]  }
0x261: {  	v41 =	vadd.s32 v23, v37;
	v63 =	vmov s25;
	s25 =	simm.s32 $0x9;
	[tilespmem:v51+s31+$0x0] =	vst.idx.msk $0xffff, v50;
	v40 =	vld [tilespmem:s22+$0xFFFFFF70]  }
0x262: {  	v48 =	vadd.s32 v3, v33;
	v43 =	vadd.s32 v27, v36;
	v53 =	vmov s25;
	s25 =	simm.s32 $0xB;
	v42 =	vld [tilespmem:s22+$0xFFFFFFB0];
	[tilespmem:v56+s31+$0x0] =	vst.idx.msk $0xffff, v55  }
0x263: {  	s14 =	simm.s32 $0xA;
	v52 =	vadd.s32 v12, v52;
	v46 =	vld [tilespmem:s22+$0xFFFFFE30];
	v39 =	vshrl.u32 v63, $0x3;
	v44 =	vmov s25;
	s25 =	simm.s32 $0xD;
	[tilespmem:v58+s31+$0x0] =	vst.idx.msk $0xffff, v57  }
0x264: {  	v51 =	vadd.s32 v8, v45;
	v49 =	vld [tilespmem:s22+$0xFFFFFE80];
	[tilespmem:v38+s31+$0x0] =	vst.idx.msk $0xffff, v54;
	v54 =	vmov s14;
	s14 =	simm.s32 $0xC;
	v38 =	vmov s25;
	s25 =	simm.s32 $0xE  }
0x265: {  	s29 =	simm.s32 $0xF;
	v45 =	vshll.u32 v39, v1;
	v50 =	vld [tilespmem:s22+$0xFFFFFEC0];
	[tilespmem:v60+s31+$0x0] =	vst.idx.msk $0xffff, v59;
	v47 =	vmov s14;
	v39 =	vmov s25;
	s25 =	simm.s32 $0x10  }
.LBB2_7:
0x266: {  	p1 =	slt.u32 s25, $0x78;
	v53 =	vshrl.u32 v53, $0x3;
	v55 =	vmov s29;
	v56 =	vld [tilespmem:s22+$0xFFFFFF00];
	v35 =	vadd.s32 v16, v35;
	[tilespmem:v41+s31+$0x0] =	vst.idx.msk $0xffff, v40  }
0x267: {  	v40 =	vshrl.u32 v54, $0x3;
	v34 =	vadd.s32 v20, v34;
	v41 =	vshrl.u32 v55, $0x3;
	v54 =	vld [tilespmem:s22+$0xFFFFFF40];
	[tilespmem:v43+s31+$0x0] =	vst.idx.msk $0xffff, v42  }
0x268: {  	v37 =	vadd.s32 v24, v37;
	v42 =	vshrl.u32 v44, $0x3;
	v41 =	vshll.u32 v41, v1;
	[tilespmem:v48+s31+$0x0] =	vst.idx.msk $0xffff, v46;
	v43 =	vld [tilespmem:s22+$0xFFFFFF80]  }
0x269: {  	v36 =	vadd.s32 v28, v36;
	v44 =	vshrl.u32 v47, $0x3;
	v41 =	vbroadcast v41, $0x0;
	[tilespmem:v51+s31+$0x0] =	vst.idx.msk $0xffff, v49;
	v46 =	vld [tilespmem:s22+$0xFFFFFFC0]  }
0x26a: {  	v47 =	vshll.u32 v53, v1;
	v49 =	vadd.s32 v4, v33;
	v33 =	vbroadcast v45, $0x0;
	v48 =	vld [tilespmem:s22+$0xFFFFFE40];
	[tilespmem:v52+s31+$0x0] =	vst.idx.msk $0xffff, v50;
	s22 =	sadd.s32 $0x200, s22  }
0x26b: {  	v40 =	vshll.u32 v40, v1;
	v45 =	vbroadcast v47, $0x0;
	v47 =	vld [tilespmem:s22+$0xFFFFFFD0];
	v50 =	vadd.s32 v29, v41;
	[tilespmem:v35+s31+$0x0] =	vst.idx.msk $0xffff, v56  }
0x26c: {  	v55 =	vbroadcast v40, $0x0;
	v52 =	vadd.s32 v0, v33;
	v35 =	vshll.u32 v42, v1;
	v51 =	vld [tilespmem:s22+$0xFFFFFE10];
	[tilespmem:v34+s31+$0x0] =	vst.idx.msk $0xffff, v54  }
0x26d: {  	v42 =	vadd.s32 v5, v45;
	v35 =	vbroadcast v35, $0x0;
	v34 =	vshll.u32 v44, v1;
	v40 =	vld [tilespmem:s22+$0xFFFFFE50];
	[tilespmem:v37+s31+$0x0] =	vst.idx.msk $0xffff, v43  }
0x26e: {  	v44 =	vadd.s32 v9, v55;
	v34 =	vbroadcast v34, $0x0;
	v37 =	vshrl.u32 v38, $0x3;
	v43 =	vld [tilespmem:s22+$0xFFFFFE90];
	[tilespmem:v36+s31+$0x0] =	vst.idx.msk $0xffff, v46  }
0x26f: {  	v39 =	vshrl.u32 v39, $0x3;
	v46 =	vadd.s32 v13, v35;
	v36 =	vshll.u32 v37, v1;
	v38 =	vld [tilespmem:s22+$0xFFFFFED0];
	[tilespmem:v49+s31+$0x0] =	vst.idx.msk $0xffff, v48  }
0x270: {  	v49 =	vadd.s32 v17, v34;
	v37 =	vbroadcast v36, $0x0;
	v36 =	vshll.u32 v39, v1;
	v48 =	vld [tilespmem:s22+$0xFFFFFF10];
	[tilespmem:v50+s31+$0x0] =	vst.idx.msk $0xffff, v47  }
0x271: {  	v36 =	vbroadcast v36, $0x0;
	v47 =	vadd.s32 v30, v41;
	[tilespmem:v52+s31+$0x0] =	vst.idx.msk $0xffff, v51;
	v39 =	vld [tilespmem:s22+$0xFFFFFFE0]  }
0x272: {  	[tilespmem:v42+s31+$0x0] =	vst.idx.msk $0xffff, v40;
	v40 =	vld [tilespmem:s22+$0xFFFFFF50];
	v42 =	vadd.s32 v21, v37  }
0x273: {  	[tilespmem:v44+s31+$0x0] =	vst.idx.msk $0xffff, v43;
	v43 =	vld [tilespmem:s22+$0xFFFFFF90];
	v44 =	vadd.s32 v25, v36  }
0x274: {  	v51 =	vadd.s32 v6, v45;
	v50 =	vld [tilespmem:s22+$0xFFFFFE60];
	[tilespmem:v46+s31+$0x0] =	vst.idx.msk $0xffff, v38  }
0x275: {  	v46 =	vadd.s32 v10, v55;
	v38 =	vld [tilespmem:s22+$0xFFFFFEA0];
	[tilespmem:v49+s31+$0x0] =	vst.idx.msk $0xffff, v48  }
0x276: {  	v49 =	vadd.s32 v14, v35;
	v48 =	vld [tilespmem:s22+$0xFFFFFEE0];
	[tilespmem:v47+s31+$0x0] =	vst.idx.msk $0xffff, v39  }
0x277: {  	[tilespmem:v42+s31+$0x0] =	vst.idx.msk $0xffff, v40;
	v39 =	vld [tilespmem:s22+$0xFFFFFFF0];
	v40 =	vadd.s32 v31, v41  }
0x278: {  	v47 =	vadd.s32 v18, v34;
	v42 =	vld [tilespmem:s22+$0xFFFFFF20];
	[tilespmem:v44+s31+$0x0] =	vst.idx.msk $0xffff, v43  }
0x279: {  	v44 =	vadd.s32 v22, v37;
	[tilespmem:v51+s31+$0x0] =	vst.idx.msk $0xffff, v50;
	v43 =	vld [tilespmem:s22+$0xFFFFFF60]  }
0x27a: {  	[tilespmem:v46+s31+$0x0] =	vst.idx.msk $0xffff, v38;
	v38 =	vld [tilespmem:s22+$0xFFFFFFA0];
	v46 =	vadd.s32 v26, v36  }
0x27b: {  	v51 =	vadd.s32 v2, v33;
	v50 =	vld [tilespmem:s22+$0xFFFFFE20];
	[tilespmem:v49+s31+$0x0] =	vst.idx.msk $0xffff, v48  }
0x27c: {  	v49 =	vadd.s32 v7, v45;
	v48 =	vld [tilespmem:s22+$0xFFFFFE70];
	[tilespmem:v40+s31+$0x0] =	vst.idx.msk $0xffff, v39  }
0x27d: {  	[tilespmem:v47+s31+$0x0] =	vst.idx.msk $0xffff, v42;
	v39 =	vld [tilespmem:s22+$0x0];
	v47 =	vadd.s32 v32, v41  }
0x27e: {  	v56 =	vadd.s32 v11, v55;
	v52 =	vld [tilespmem:s22+$0xFFFFFEB0];
	[tilespmem:v44+s31+$0x0] =	vst.idx.msk $0xffff, v43  }
0x27f: {  	v58 =	vadd.s32 v15, v35;
	v57 =	vld [tilespmem:s22+$0xFFFFFEF0];
	[tilespmem:v46+s31+$0x0] =	vst.idx.msk $0xffff, v38  }
0x280: {  	v60 =	vadd.s32 v19, v34;
	[tilespmem:v51+s31+$0x0] =	vst.idx.msk $0xffff, v50;
	v59 =	vld [tilespmem:s22+$0xFFFFFF30]  }
.Ltmp2:
0x281: {  	s14 =	sadd.s32 $0x1, s25;
	v41 =	vadd.s32 v23, v37;
	v38 =	vmov s25;
	[tilespmem:v49+s31+$0x0] =	vst.idx.msk $0xffff, v48;
	v40 =	vld [tilespmem:s22+$0xFFFFFF70];
	(pc) =	sbr.rel @p1 .LBB2_7-.Ltmp2, $4  }
0x282: {  	s29 =	sadd.s32 $0x3, s25;
	v53 =	vmov s14;
	s14 =	sadd.s32 $0x2, s25;
	v43 =	vadd.s32 v27, v36;
	v50 =	vshrl.u32 v38, $0x3;
	v42 =	vld [tilespmem:s22+$0xFFFFFFB0];
	[tilespmem:v47+s31+$0x0] =	vst.idx.msk $0xffff, v39  }
0x283: {  	v54 =	vmov s14;
	s14 =	sadd.s32 $0x4, s25;
	v44 =	vmov s29;
	s29 =	sadd.s32 $0x5, s25;
	v48 =	vadd.s32 v3, v33;
	v46 =	vld [tilespmem:s22+$0xFFFFFE30];
	[tilespmem:v56+s31+$0x0] =	vst.idx.msk $0xffff, v52  }
0x284: {  	v38 =	vmov s29;
	v51 =	vadd.s32 v8, v45;
	v47 =	vmov s14;
	s14 =	sadd.s32 $0x6, s25;
	v49 =	vld [tilespmem:s22+$0xFFFFFE80];
	[tilespmem:v58+s31+$0x0] =	vst.idx.msk $0xffff, v57  }
0x285: {  	s29 =	sadd.s32 $0x7, s25;
	v45 =	vshll.u32 v50, v1;
	s25 =	sadd.s32 $0x8, s25;
	v39 =	vmov s14;
	v52 =	vadd.s32 v12, v55;
	v50 =	vld [tilespmem:s22+$0xFFFFFEC0];
	[tilespmem:v60+s31+$0x0] =	vst.idx.msk $0xffff, v59  }
0x286: {  	_ =	sdelay $0x2  }
0x287: {  	v53 =	vshrl.u32 v53, $0x3  }
0x288: {  	v55 =	vmov s29;
	v56 =	vld [tilespmem:s22+$0xFFFFFF00];
	v35 =	vadd.s32 v16, v35;
	[tilespmem:v41+s31+$0x0] =	vst.idx.msk $0xffff, v40;
	v34 =	vadd.s32 v20, v34  }
0x289: {  	v61 =	vshrl.u32 v54, $0x3;
	v63 =	vld [tilespmem:s22+$0xFFFFFF40];
	v37 =	vadd.s32 v24, v37;
	v36 =	vadd.s32 v28, v36;
	[tilespmem:v43+s31+$0x0] =	vst.idx.msk $0xffff, v42  }
0x28a: {  	v45 =	vbroadcast v45, $0x0;
	v33 =	vadd.s32 v4, v33;
	v62 =	vshrl.u32 v55, $0x3;
	v43 =	vld [tilespmem:s22+$0xFFFFFF80];
	[tilespmem:v48+s31+$0x0] =	vst.idx.msk $0xffff, v46  }
0x28b: {  	s25 =	sadd.s32 $0x200, s22;
	v38 =	vshrl.u32 v38, $0x3;
	v55 =	vshrl.u32 v44, $0x3;
	v41 =	vshll.u32 v62, v1;
	v46 =	vld [tilespmem:s22+$0xFFFFFFC0];
	[tilespmem:v51+s31+$0x0] =	vst.idx.msk $0xffff, v49  }
0x28c: {  	v40 =	vshll.u32 v61, v1;
	v60 =	vld [tilespmem:s25+$0xFFFFFE10];
	v61 =	vadd.s32 v0, v45;
	v41 =	vbroadcast v41, $0x0;
	[tilespmem:v52+s31+$0x0] =	vst.idx.msk $0xffff, v50  }
0x28d: {  	v44 =	vshrl.u32 v47, $0x3;
	v57 =	vshll.u32 v53, v1;
	v40 =	vbroadcast v40, $0x0;
	v48 =	vld [tilespmem:s22+$0xFFFFFE40];
	[tilespmem:v35+s31+$0x0] =	vst.idx.msk $0xffff, v56  }
0x28e: {  	v58 =	vld [tilespmem:s25+$0xFFFFFFD0];
	v47 =	vbroadcast v57, $0x0;
	v42 =	vshll.u32 v55, v1;
	v59 =	vadd.s32 v29, v41;
	[tilespmem:v34+s31+$0x0] =	vst.idx.msk $0xffff, v63  }
0x28f: {  	v54 =	vld [tilespmem:s25+$0xFFFFFE90];
	v44 =	vshll.u32 v44, v1;
	v42 =	vbroadcast v42, $0x0;
	v55 =	vadd.s32 v9, v40;
	[tilespmem:v37+s31+$0x0] =	vst.idx.msk $0xffff, v43  }
0x290: {  	v38 =	vshll.u32 v38, v1;
	v62 =	vld [tilespmem:s25+$0xFFFFFE50];
	v44 =	vbroadcast v44, $0x0;
	v63 =	vadd.s32 v5, v47;
	[tilespmem:v36+s31+$0x0] =	vst.idx.msk $0xffff, v46  }
0x291: {  	v39 =	vshrl.u32 v39, $0x3;
	v38 =	vbroadcast v38, $0x0;
	v36 =	vld [tilespmem:s25+$0xFFFFFED0];
	v46 =	vadd.s32 v13, v42;
	[tilespmem:v61+s31+$0x0] =	vst.idx.msk $0xffff, v60  }
0x292: {  	v39 =	vshll.u32 v39, v1;
	[tilespmem:v33+s31+$0x0] =	vst.idx.msk $0xffff, v48;
	v33 =	vld [tilespmem:s25+$0xFFFFFF10];
	v48 =	vadd.s32 v17, v44  }
0x293: {  	v35 =	vbroadcast v39, $0x0;
	[tilespmem:v59+s31+$0x0] =	vst.idx.msk $0xffff, v58;
	v58 =	vld [tilespmem:s25+$0xFFFFFF50];
	v59 =	vadd.s32 v21, v38  }
0x294: {  	v57 =	vadd.s32 v30, v41;
	[tilespmem:v55+s31+$0x0] =	vst.idx.msk $0xffff, v54;
	v56 =	vld [tilespmem:s25+$0xFFFFFFE0]  }
0x295: {  	v60 =	vld [tilespmem:s25+$0xFFFFFF90];
	v61 =	vadd.s32 v25, v35;
	[tilespmem:v63+s31+$0x0] =	vst.idx.msk $0xffff, v62  }
0x296: {  	v55 =	vadd.s32 v10, v40;
	v54 =	vld [tilespmem:s25+$0xFFFFFEA0];
	[tilespmem:v46+s31+$0x0] =	vst.idx.msk $0xffff, v36  }
0x297: {  	v63 =	vadd.s32 v6, v47;
	v62 =	vld [tilespmem:s25+$0xFFFFFE60];
	[tilespmem:v48+s31+$0x0] =	vst.idx.msk $0xffff, v33  }
0x298: {  	v33 =	vld [tilespmem:s25+$0xFFFFFEE0];
	v48 =	vadd.s32 v14, v42;
	[tilespmem:v59+s31+$0x0] =	vst.idx.msk $0xffff, v58  }
0x299: {  	[tilespmem:v57+s31+$0x0] =	vst.idx.msk $0xffff, v56;
	v56 =	vld [tilespmem:s25+$0xFFFFFF20];
	v57 =	vadd.s32 v18, v44  }
0x29a: {  	[tilespmem:v61+s31+$0x0] =	vst.idx.msk $0xffff, v60;
	v59 =	vadd.s32 v22, v38;
	v58 =	vld [tilespmem:s25+$0xFFFFFF60]  }
0x29b: {  	v39 =	vadd.s32 v31, v41;
	[tilespmem:v55+s31+$0x0] =	vst.idx.msk $0xffff, v54;
	v34 =	vld [tilespmem:s25+$0xFFFFFFF0]  }
0x29c: {  	v61 =	vadd.s32 v26, v35;
	v60 =	vld [tilespmem:s25+$0xFFFFFFA0];
	[tilespmem:v63+s31+$0x0] =	vst.idx.msk $0xffff, v62  }
0x29d: {  	v62 =	vld [tilespmem:s25+$0xFFFFFE20];
	v63 =	vadd.s32 v2, v45;
	[tilespmem:v48+s31+$0x0] =	vst.idx.msk $0xffff, v33  }
0x29e: {  	v55 =	vadd.s32 v7, v47;
	v54 =	vld [tilespmem:s25+$0xFFFFFE70];
	[tilespmem:v57+s31+$0x0] =	vst.idx.msk $0xffff, v56  }
0x29f: {  	v56 =	vadd.s32 v32, v41;
	v41 =	vld [tilespmem:s25+$0xFFFFFEB0];
	v57 =	vadd.s32 v11, v40;
	[tilespmem:v59+s31+$0x0] =	vst.idx.msk $0xffff, v58  }
0x2a0: {  	v37 =	vld [tilespmem:s25+$0xFFFFFEF0];
	v58 =	vadd.s32 v15, v42;
	[tilespmem:v39+s31+$0x0] =	vst.idx.msk $0xffff, v34  }
0x2a1: {  	[tilespmem:v61+s31+$0x0] =	vst.idx.msk $0xffff, v60;
	v34 =	vld [tilespmem:s25+$0x0]  }
0x2a2: {  	v60 =	vadd.s32 v19, v44;
	[tilespmem:v63+s31+$0x0] =	vst.idx.msk $0xffff, v62;
	v59 =	vld [tilespmem:s25+$0xFFFFFF30]  }
0x2a3: {  	v62 =	vadd.s32 v23, v38;
	[tilespmem:v55+s31+$0x0] =	vst.idx.msk $0xffff, v54;
	v61 =	vld [tilespmem:s25+$0xFFFFFF70]  }
0x2a4: {  	v63 =	vld [tilespmem:s25+$0xFFFFFFB0];
	v54 =	vadd.s32 v27, v35;
	[tilespmem:v57+s31+$0x0] =	vst.idx.msk $0xffff, v41  }
0x2a5: {  	v47 =	vadd.s32 v8, v47;
	v57 =	vld [tilespmem:s25+$0xFFFFFE80];
	[tilespmem:v58+s31+$0x0] =	vst.idx.msk $0xffff, v37  }
0x2a6: {  	v55 =	vld [tilespmem:s25+$0xFFFFFE30];
	[tilespmem:v56+s31+$0x0] =	vst.idx.msk $0xffff, v34;
	v56 =	vadd.s32 v3, v45  }
0x2a7: {  	v40 =	vadd.s32 v12, v40;
	v58 =	vld [tilespmem:s25+$0xFFFFFEC0];
	[tilespmem:v60+s31+$0x0] =	vst.idx.msk $0xffff, v59  }
0x2a8: {  	v42 =	vadd.s32 v16, v42;
	v59 =	vld [tilespmem:s25+$0xFFFFFF00];
	[tilespmem:v62+s31+$0x0] =	vst.idx.msk $0xffff, v61  }
0x2a9: {  	v61 =	vadd.s32 v20, v44;
	[tilespmem:v54+s31+$0x0] =	vst.idx.msk $0xffff, v63;
	v60 =	vld [tilespmem:s25+$0xFFFFFF40]  }
0x2aa: {  	v38 =	vadd.s32 v24, v38;
	v62 =	vld [tilespmem:s25+$0xFFFFFF80];
	[tilespmem:v47+s31+$0x0] =	vst.idx.msk $0xffff, v57  }
0x2ab: {  	v35 =	vadd.s32 v28, v35;
	v63 =	vld [tilespmem:s25+$0xFFFFFFC0];
	[tilespmem:v56+s31+$0x0] =	vst.idx.msk $0xffff, v55  }
0x2ac: {  	v49 =	vadd.s32 v4, v45;
	[tilespmem:v40+s31+$0x0] =	vst.idx.msk $0xffff, v58;
	v48 =	vld [tilespmem:s25+$0xFFFFFE40]  }
0x2ad: {  	[tilespmem:v42+s31+$0x0] =	vst.idx.msk $0xffff, v59  }
0x2ae: {  	s14 =	sshll.u32 s28, $0x12;
	[tilespmem:v61+s31+$0x0] =	vst.idx.msk $0xffff, v60  }
0x2af: {  	s14 =	sor.u32 s6, s14;
	[tilespmem:v38+s31+$0x0] =	vst.idx.msk $0xffff, v62  }
0x2b0: {  	s22 =	sshrl.u32 s14, $0x3;
	[tilespmem:v35+s31+$0x0] =	vst.idx.msk $0xffff, v63  }
0x2b1: {  	s14 =	sadd.s32 s2, s22;
	[tilespmem:v49+s31+$0x0] =	vst.idx.msk $0xffff, v48  }
0x2b2: {  	[hbm4b:s14+s3] =	stream.linear.scatter [tilespmem:s31], [sflag:$0x5], $0x80, $0x38;
	[tilespmem:$0x12800] =	vst v63  }
0x2b3: {  	s29 =	simm.s32 $0xE488;
	s25 =	sadd.s32 $0x10, s14  }
0x2b4: {  	[hbm4b:s25+s3] =	stream.linear.scatter [tilespmem:s29], [sflag:$0x5], $0x80, $0x38;
	[tilespmem:$0x12800] =	vst v63  }
0x2b5: {  	s25 =	sadd.s32 $0x20, s14;
	s29 =	simm.s32 $0xE510  }
0x2b6: {  	[hbm4b:s25+s3] =	stream.linear.scatter [tilespmem:s29], [sflag:$0x5], $0x80, $0x38;
	[tilespmem:$0x12800] =	vst v63  }
0x2b7: {  	s25 =	sadd.s32 $0x30, s14;
	s29 =	simm.s32 $0xE598  }
0x2b8: {  	[hbm4b:s25+s3] =	stream.linear.scatter [tilespmem:s29], [sflag:$0x5], $0x80, $0x38;
	[tilespmem:$0x12800] =	vst v63  }
0x2b9: {  	s25 =	sadd.s32 $0x40, s14;
	s29 =	simm.s32 $0xE620  }
0x2ba: {  	[hbm4b:s25+s3] =	stream.linear.scatter [tilespmem:s29], [sflag:$0x5], $0x80, $0x38;
	[tilespmem:$0x12800] =	vst v63  }
0x2bb: {  	s25 =	sadd.s32 $0x50, s14;
	s29 =	simm.s32 $0xE6A8  }
0x2bc: {  	[hbm4b:s25+s3] =	stream.linear.scatter [tilespmem:s29], [sflag:$0x5], $0x80, $0x38;
	[tilespmem:$0x12800] =	vst v63  }
0x2bd: {  	s25 =	sadd.s32 $0x60, s14;
	s29 =	simm.s32 $0xE730  }
0x2be: {  	[hbm4b:s25+s3] =	stream.linear.scatter [tilespmem:s29], [sflag:$0x5], $0x80, $0x38;
	[tilespmem:$0x12800] =	vst v63  }
0x2bf: {  	s14 =	sadd.s32 $0x70, s14;
	s29 =	simm.s32 $0xE7B8  }
0x2c0: {  	[hbm4b:s14+s3] =	stream.linear.scatter [tilespmem:s29], [sflag:$0x5], $0x80, $0x38;
	[tilespmem:$0x12800] =	vst v63  }
0x2c1: {  	s28 =	simm.s32 $0xE840;
	s14 =	sadd.s32 s22, s7  }
0x2c2: {  	[hbm4b:s14+s3] =	stream.linear.scatter [tilespmem:s28], [sflag:$0x5], $0x80, $0x38;
	[tilespmem:$0x12800] =	vst v63  }
0x2c3: {  	s29 =	simm.s32 $0xE8C8;
	s25 =	sadd.s32 $0x10, s14  }
0x2c4: {  	[hbm4b:s25+s3] =	stream.linear.scatter [tilespmem:s29], [sflag:$0x5], $0x80, $0x38;
	[tilespmem:$0x12800] =	vst v63  }
0x2c5: {  	s25 =	sadd.s32 $0x20, s14;
	s29 =	simm.s32 $0xE950  }
0x2c6: {  	[hbm4b:s25+s3] =	stream.linear.scatter [tilespmem:s29], [sflag:$0x5], $0x80, $0x38;
	[tilespmem:$0x12800] =	vst v63  }
0x2c7: {  	s25 =	sadd.s32 $0x30, s14;
	s29 =	simm.s32 $0xE9D8  }
0x2c8: {  	[hbm4b:s25+s3] =	stream.linear.scatter [tilespmem:s29], [sflag:$0x5], $0x80, $0x38;
	[tilespmem:$0x12800] =	vst v63  }
0x2c9: {  	s25 =	sadd.s32 $0x40, s14;
	s29 =	simm.s32 $0xEA60  }
0x2ca: {  	[hbm4b:s25+s3] =	stream.linear.scatter [tilespmem:s29], [sflag:$0x5], $0x80, $0x38;
	[tilespmem:$0x12800] =	vst v63  }
0x2cb: {  	s25 =	sadd.s32 $0x50, s14;
	s29 =	simm.s32 $0xEAE8  }
0x2cc: {  	[hbm4b:s25+s3] =	stream.linear.scatter [tilespmem:s29], [sflag:$0x5], $0x80, $0x38;
	[tilespmem:$0x12800] =	vst v63  }
0x2cd: {  	s25 =	sadd.s32 $0x60, s14;
	s29 =	simm.s32 $0xEB70  }
0x2ce: {  	[hbm4b:s25+s3] =	stream.linear.scatter [tilespmem:s29], [sflag:$0x5], $0x80, $0x38;
	[tilespmem:$0x12800] =	vst v63  }
0x2cf: {  	s14 =	sadd.s32 $0x70, s14;
	s29 =	simm.s32 $0xEBF8  }
0x2d0: {  	[hbm4b:s14+s3] =	stream.linear.scatter [tilespmem:s29], [sflag:$0x5], $0x80, $0x38;
	[tilespmem:$0x12800] =	vst v63  }
0x2d1: {  	s28 =	simm.s32 $0xEC80;
	s14 =	sadd.s32 s22, s8  }
0x2d2: {  	[hbm4b:s14+s3] =	stream.linear.scatter [tilespmem:s28], [sflag:$0x5], $0x80, $0x38;
	[tilespmem:$0x12800] =	vst v63  }
0x2d3: {  	s29 =	simm.s32 $0xED08;
	s25 =	sadd.s32 $0x10, s14  }
0x2d4: {  	[hbm4b:s25+s3] =	stream.linear.scatter [tilespmem:s29], [sflag:$0x5], $0x80, $0x38;
	[tilespmem:$0x12800] =	vst v63  }
0x2d5: {  	s25 =	sadd.s32 $0x20, s14;
	s29 =	simm.s32 $0xED90  }
0x2d6: {  	[hbm4b:s25+s3] =	stream.linear.scatter [tilespmem:s29], [sflag:$0x5], $0x80, $0x38;
	[tilespmem:$0x12800] =	vst v63  }
0x2d7: {  	s25 =	sadd.s32 $0x30, s14;
	s29 =	simm.s32 $0xEE18  }
0x2d8: {  	[hbm4b:s25+s3] =	stream.linear.scatter [tilespmem:s29], [sflag:$0x5], $0x80, $0x38;
	[tilespmem:$0x12800] =	vst v63  }
0x2d9: {  	s25 =	sadd.s32 $0x40, s14;
	s29 =	simm.s32 $0xEEA0  }
0x2da: {  	[hbm4b:s25+s3] =	stream.linear.scatter [tilespmem:s29], [sflag:$0x5], $0x80, $0x38;
	[tilespmem:$0x12800] =	vst v63  }
0x2db: {  	s25 =	sadd.s32 $0x50, s14;
	s29 =	simm.s32 $0xEF28  }
0x2dc: {  	[hbm4b:s25+s3] =	stream.linear.scatter [tilespmem:s29], [sflag:$0x5], $0x80, $0x38;
	[tilespmem:$0x12800] =	vst v63  }
0x2dd: {  	s25 =	sadd.s32 $0x60, s14;
	s29 =	simm.s32 $0xEFB0  }
0x2de: {  	[hbm4b:s25+s3] =	stream.linear.scatter [tilespmem:s29], [sflag:$0x5], $0x80, $0x38;
	[tilespmem:$0x12800] =	vst v63  }
0x2df: {  	s14 =	sadd.s32 $0x70, s14;
	s29 =	simm.s32 $0xF038  }
0x2e0: {  	[hbm4b:s14+s3] =	stream.linear.scatter [tilespmem:s29], [sflag:$0x5], $0x80, $0x38;
	[tilespmem:$0x12800] =	vst v63  }
0x2e1: {  	s28 =	simm.s32 $0xF0C0;
	s14 =	sadd.s32 s22, s9  }
0x2e2: {  	[hbm4b:s14+s3] =	stream.linear.scatter [tilespmem:s28], [sflag:$0x5], $0x80, $0x38;
	[tilespmem:$0x12800] =	vst v63  }
0x2e3: {  	s29 =	simm.s32 $0xF148;
	s25 =	sadd.s32 $0x10, s14  }
0x2e4: {  	[hbm4b:s25+s3] =	stream.linear.scatter [tilespmem:s29], [sflag:$0x5], $0x80, $0x38;
	[tilespmem:$0x12800] =	vst v63  }
0x2e5: {  	s25 =	sadd.s32 $0x20, s14;
	s29 =	simm.s32 $0xF1D0  }
0x2e6: {  	[hbm4b:s25+s3] =	stream.linear.scatter [tilespmem:s29], [sflag:$0x5], $0x80, $0x38;
	[tilespmem:$0x12800] =	vst v63  }
0x2e7: {  	s25 =	sadd.s32 $0x30, s14;
	s29 =	simm.s32 $0xF258  }
0x2e8: {  	[hbm4b:s25+s3] =	stream.linear.scatter [tilespmem:s29], [sflag:$0x5], $0x80, $0x38;
	[tilespmem:$0x12800] =	vst v63  }
0x2e9: {  	s25 =	sadd.s32 $0x40, s14;
	s29 =	simm.s32 $0xF2E0  }
0x2ea: {  	[hbm4b:s25+s3] =	stream.linear.scatter [tilespmem:s29], [sflag:$0x5], $0x80, $0x38;
	[tilespmem:$0x12800] =	vst v63  }
0x2eb: {  	s25 =	sadd.s32 $0x50, s14;
	s29 =	simm.s32 $0xF368  }
0x2ec: {  	[hbm4b:s25+s3] =	stream.linear.scatter [tilespmem:s29], [sflag:$0x5], $0x80, $0x38;
	[tilespmem:$0x12800] =	vst v63  }
0x2ed: {  	s25 =	sadd.s32 $0x60, s14;
	s29 =	simm.s32 $0xF3F0  }
0x2ee: {  	[hbm4b:s25+s3] =	stream.linear.scatter [tilespmem:s29], [sflag:$0x5], $0x80, $0x38;
	[tilespmem:$0x12800] =	vst v63  }
0x2ef: {  	s14 =	sadd.s32 $0x70, s14;
	s29 =	simm.s32 $0xF478  }
0x2f0: {  	[hbm4b:s14+s3] =	stream.linear.scatter [tilespmem:s29], [sflag:$0x5], $0x80, $0x38;
	[tilespmem:$0x12800] =	vst v63  }
0x2f1: {  	s28 =	simm.s32 $0xF500;
	s14 =	sadd.s32 s22, s10  }
0x2f2: {  	[hbm4b:s14+s3] =	stream.linear.scatter [tilespmem:s28], [sflag:$0x5], $0x80, $0x38;
	[tilespmem:$0x12800] =	vst v63  }
0x2f3: {  	s29 =	simm.s32 $0xF588;
	s25 =	sadd.s32 $0x10, s14  }
0x2f4: {  	[hbm4b:s25+s3] =	stream.linear.scatter [tilespmem:s29], [sflag:$0x5], $0x80, $0x38;
	[tilespmem:$0x12800] =	vst v63  }
0x2f5: {  	s25 =	sadd.s32 $0x20, s14;
	s29 =	simm.s32 $0xF610  }
0x2f6: {  	[hbm4b:s25+s3] =	stream.linear.scatter [tilespmem:s29], [sflag:$0x5], $0x80, $0x38;
	[tilespmem:$0x12800] =	vst v63  }
0x2f7: {  	s25 =	sadd.s32 $0x30, s14;
	s29 =	simm.s32 $0xF698  }
0x2f8: {  	[hbm4b:s25+s3] =	stream.linear.scatter [tilespmem:s29], [sflag:$0x5], $0x80, $0x38;
	[tilespmem:$0x12800] =	vst v63  }
0x2f9: {  	s25 =	sadd.s32 $0x40, s14;
	s29 =	simm.s32 $0xF720  }
0x2fa: {  	[hbm4b:s25+s3] =	stream.linear.scatter [tilespmem:s29], [sflag:$0x5], $0x80, $0x38;
	[tilespmem:$0x12800] =	vst v63  }
0x2fb: {  	s25 =	sadd.s32 $0x50, s14;
	s29 =	simm.s32 $0xF7A8  }
0x2fc: {  	[hbm4b:s25+s3] =	stream.linear.scatter [tilespmem:s29], [sflag:$0x5], $0x80, $0x38;
	[tilespmem:$0x12800] =	vst v63  }
0x2fd: {  	s25 =	sadd.s32 $0x60, s14;
	s29 =	simm.s32 $0xF830  }
0x2fe: {  	[hbm4b:s25+s3] =	stream.linear.scatter [tilespmem:s29], [sflag:$0x5], $0x80, $0x38;
	[tilespmem:$0x12800] =	vst v63  }
0x2ff: {  	s14 =	sadd.s32 $0x70, s14;
	s29 =	simm.s32 $0xF8B8  }
0x300: {  	[hbm4b:s14+s3] =	stream.linear.scatter [tilespmem:s29], [sflag:$0x5], $0x80, $0x38;
	[tilespmem:$0x12800] =	vst v63  }
0x301: {  	s28 =	simm.s32 $0xF940;
	s14 =	sadd.s32 s22, s11  }
0x302: {  	[hbm4b:s14+s3] =	stream.linear.scatter [tilespmem:s28], [sflag:$0x5], $0x80, $0x38;
	[tilespmem:$0x12800] =	vst v63  }
0x303: {  	s29 =	simm.s32 $0xF9C8;
	s25 =	sadd.s32 $0x10, s14  }
0x304: {  	[hbm4b:s25+s3] =	stream.linear.scatter [tilespmem:s29], [sflag:$0x5], $0x80, $0x38;
	[tilespmem:$0x12800] =	vst v63  }
0x305: {  	s25 =	sadd.s32 $0x20, s14;
	s29 =	simm.s32 $0xFA50  }
0x306: {  	[hbm4b:s25+s3] =	stream.linear.scatter [tilespmem:s29], [sflag:$0x5], $0x80, $0x38;
	[tilespmem:$0x12800] =	vst v63  }
0x307: {  	s25 =	sadd.s32 $0x30, s14;
	s29 =	simm.s32 $0xFAD8  }
0x308: {  	[hbm4b:s25+s3] =	stream.linear.scatter [tilespmem:s29], [sflag:$0x5], $0x80, $0x38;
	[tilespmem:$0x12800] =	vst v63  }
0x309: {  	s25 =	sadd.s32 $0x40, s14;
	s29 =	simm.s32 $0xFB60  }
0x30a: {  	[hbm4b:s25+s3] =	stream.linear.scatter [tilespmem:s29], [sflag:$0x5], $0x80, $0x38;
	[tilespmem:$0x12800] =	vst v63  }
0x30b: {  	s25 =	sadd.s32 $0x50, s14;
	s29 =	simm.s32 $0xFBE8  }
0x30c: {  	[hbm4b:s25+s3] =	stream.linear.scatter [tilespmem:s29], [sflag:$0x5], $0x80, $0x38;
	[tilespmem:$0x12800] =	vst v63  }
0x30d: {  	s25 =	sadd.s32 $0x60, s14;
	s29 =	simm.s32 $0xFC70  }
0x30e: {  	[hbm4b:s25+s3] =	stream.linear.scatter [tilespmem:s29], [sflag:$0x5], $0x80, $0x38;
	[tilespmem:$0x12800] =	vst v63  }
0x30f: {  	s14 =	sadd.s32 $0x70, s14;
	s29 =	simm.s32 $0xFCF8  }
0x310: {  	[hbm4b:s14+s3] =	stream.linear.scatter [tilespmem:s29], [sflag:$0x5], $0x80, $0x38;
	[tilespmem:$0x12800] =	vst v63  }
0x311: {  	s28 =	simm.s32 $0xFD80;
	s14 =	sadd.s32 s22, s12  }
0x312: {  	[hbm4b:s14+s3] =	stream.linear.scatter [tilespmem:s28], [sflag:$0x5], $0x80, $0x38;
	[tilespmem:$0x12800] =	vst v63  }
0x313: {  	s29 =	simm.s32 $0xFE08;
	s25 =	sadd.s32 $0x10, s14  }
0x314: {  	[hbm4b:s25+s3] =	stream.linear.scatter [tilespmem:s29], [sflag:$0x5], $0x80, $0x38;
	[tilespmem:$0x12800] =	vst v63  }
0x315: {  	s25 =	sadd.s32 $0x20, s14;
	s29 =	simm.s32 $0xFE90  }
0x316: {  	[hbm4b:s25+s3] =	stream.linear.scatter [tilespmem:s29], [sflag:$0x5], $0x80, $0x38;
	[tilespmem:$0x12800] =	vst v63  }
0x317: {  	s25 =	sadd.s32 $0x30, s14;
	s29 =	simm.s32 $0xFF18  }
0x318: {  	[hbm4b:s25+s3] =	stream.linear.scatter [tilespmem:s29], [sflag:$0x5], $0x80, $0x38;
	[tilespmem:$0x12800] =	vst v63  }
0x319: {  	s25 =	sadd.s32 $0x40, s14;
	s29 =	simm.s32 $0xFFA0  }
0x31a: {  	[hbm4b:s25+s3] =	stream.linear.scatter [tilespmem:s29], [sflag:$0x5], $0x80, $0x38;
	[tilespmem:$0x12800] =	vst v63  }
0x31b: {  	s25 =	sadd.s32 $0x50, s14;
	s29 =	simm.s32 $0x10028  }
0x31c: {  	[hbm4b:s25+s3] =	stream.linear.scatter [tilespmem:s29], [sflag:$0x5], $0x80, $0x38;
	[tilespmem:$0x12800] =	vst v63  }
0x31d: {  	s25 =	sadd.s32 $0x60, s14;
	s29 =	simm.s32 $0x100B0  }
0x31e: {  	[hbm4b:s25+s3] =	stream.linear.scatter [tilespmem:s29], [sflag:$0x5], $0x80, $0x38;
	[tilespmem:$0x12800] =	vst v63  }
0x31f: {  	s14 =	sadd.s32 $0x70, s14;
	s29 =	simm.s32 $0x10138  }
0x320: {  	[hbm4b:s14+s3] =	stream.linear.scatter [tilespmem:s29], [sflag:$0x5], $0x80, $0x38;
	[tilespmem:$0x12800] =	vst v63  }
0x321: {  	s25 =	simm.s32 $0x101C0;
	s14 =	sadd.s32 s22, s13  }
0x322: {  	[hbm4b:s14+s3] =	stream.linear.scatter [tilespmem:s25], [sflag:$0x5], $0x80, $0x38;
	[tilespmem:$0x12800] =	vst v63  }
0x323: {  	s29 =	simm.s32 $0x10248;
	s28 =	sadd.s32 $0x10, s14  }
0x324: {  	[hbm4b:s28+s3] =	stream.linear.scatter [tilespmem:s29], [sflag:$0x5], $0x80, $0x38;
	[tilespmem:$0x12800] =	vst v63  }
0x325: {  	s28 =	sadd.s32 $0x20, s14;
	s29 =	simm.s32 $0x102D0  }
0x326: {  	[hbm4b:s28+s3] =	stream.linear.scatter [tilespmem:s29], [sflag:$0x5], $0x80, $0x38;
	[tilespmem:$0x12800] =	vst v63  }
0x327: {  	s28 =	sadd.s32 $0x30, s14;
	s29 =	simm.s32 $0x10358  }
0x328: {  	[hbm4b:s28+s3] =	stream.linear.scatter [tilespmem:s29], [sflag:$0x5], $0x80, $0x38;
	[tilespmem:$0x12800] =	vst v63  }
0x329: {  	s28 =	sadd.s32 $0x40, s14;
	s29 =	simm.s32 $0x103E0  }
0x32a: {  	[hbm4b:s28+s3] =	stream.linear.scatter [tilespmem:s29], [sflag:$0x5], $0x80, $0x38;
	[tilespmem:$0x12800] =	vst v63  }
0x32b: {  	s28 =	sadd.s32 $0x50, s14;
	s29 =	simm.s32 $0x10468  }
0x32c: {  	[hbm4b:s28+s3] =	stream.linear.scatter [tilespmem:s29], [sflag:$0x5], $0x80, $0x38;
	[tilespmem:$0x12800] =	vst v63  }
0x32d: {  	s25 =	sadd.s32 $0x60, s14;
	s28 =	simm.s32 $0x104F0  }
0x32e: {  	[hbm4b:s25+s3] =	stream.linear.scatter [tilespmem:s28], [sflag:$0x5], $0x80, $0x38;
	[tilespmem:$0x12800] =	vst v63  }
0x32f: {  	s14 =	sadd.s32 $0x70, s14;
	s29 =	simm.s32 $0x10578  }
0x330: {  	[hbm4b:s14+s3] =	stream.linear.scatter [tilespmem:s29], [sflag:$0x5], $0x80, $0x38;
	[tilespmem:$0x12800] =	vst v63  }
0x331: {  	s22 =	simm.s32 @!p0 $0x80;
	s14 =	sadd.s32 @!p0 $0x280, s23;
	s23 =	simm.s32 @!p0 $0x8400  }
0x332: {  	[tilespmem:s23], [sflag:$0x2] =	stream.indirect.gather @!p0 [hbm4b:s4+s22], $0x40, s14, s22, $0xb8;
	[tilespmem:$0x12800] =	vst v63  }
0x333: {  	_ =	swait.ge [sflag:s0], $0x400  }
0x334: {  	[sflag:s0] =	ssyncset.done $0x0  }
0x335: {  	[sflag:s0] =	ssyncadd.s32 $0xFFFFFC00  }
0x336: {  	_ =	swait.ge [sflag:s0], $0x400  }
0x337: {  	[sflag:s0] =	ssyncset.done $0x0  }
0x338: {  	[sflag:s0] =	ssyncadd.s32 $0xFFFFFC00  }
0x339: {  	_ =	swait.ge [sflag:s0], $0x400  }
0x33a: {  	[sflag:s0] =	ssyncset.done $0x0  }
0x33b: {  	[sflag:s0] =	ssyncadd.s32 $0xFFFFFC00  }
0x33c: {  	_ =	swait.ge [sflag:s0], $0x400  }
0x33d: {  	[sflag:s0] =	ssyncset.done $0x0  }
0x33e: {  	[sflag:s0] =	ssyncadd.s32 $0xFFFFFC00  }
0x33f: {  	_ =	swait.ge [sflag:s0], $0x400  }
0x340: {  	[sflag:s0] =	ssyncset.done $0x0  }
0x341: {  	[sflag:s0] =	ssyncadd.s32 $0xFFFFFC00  }
0x342: {  	_ =	swait.ge [sflag:s0], $0x400  }
0x343: {  	[sflag:s0] =	ssyncset.done $0x0  }
0x344: {  	[sflag:s0] =	ssyncadd.s32 $0xFFFFFC00  }
0x345: {  	s25 =	simm.s32 $0x0;
	_ =	swait.ge [sflag:s0], $0x400  }
0x346: {  	s28 =	simm.s32 $0x1;
	v50 =	vmov s25;
	[sflag:s0] =	ssyncset.done $0x0  }
0x347: {  	v51 =	vmov s28;
	s25 =	simm.s32 $0x4;
	s28 =	simm.s32 $0x7;
	v33 =	vshrl.u32 v50, $0x3;
	[sflag:s0] =	ssyncadd.s32 $0xFFFFFC00  }
0x348: {  	s29 =	simm.s32 $0x2;
	v54 =	vmov s25;
	v55 =	vmov s28;
	v34 =	vshrl.u32 v51, $0x3;
	_ =	swait.ge [sflag:s0], $0x400  }
0x349: {  	v52 =	vmov s29;
	s29 =	simm.s32 $0x5;
	v33 =	vshll.u32 v33, v1;
	v38 =	vshrl.u32 v55, $0x3;
	[sflag:s0] =	ssyncset.done $0x0  }
0x34a: {  	v37 =	vshrl.u32 v54, $0x3;
	v34 =	vshll.u32 v34, v1;
	v39 =	vmov s29;
	[sflag:s0] =	ssyncadd.s32 $0xFFFFFC00  }
0x34b: {  	v38 =	vshll.u32 v38, v1;
	v35 =	vshrl.u32 v52, $0x3;
	v33 =	vbroadcast v33, $0x0;
	_ =	swait.ge [sflag:s24], $0x2000  }
0x34c: {  	s23 =	simm.s32 $0x3;
	s22 =	simm.s32 $0x6;
	v45 =	vbroadcast v34, $0x0;
	v61 =	vshll.u32 v37, v1;
	v38 =	vbroadcast v38, $0x0;
	[sflag:s24] =	ssyncset.done $0x0  }
0x34d: {  	v53 =	vmov s23;
	v40 =	vmov s22;
	s22 =	simm.s32 $0xC5F0;
	v56 =	vshll.u32 v35, v1;
	[sflag:s24] =	ssyncadd.s32 $0xFFFFE000  }
0x34e: {  	v36 =	vshrl.u32 v53, $0x3;
	v52 =	vbroadcast v56, $0x0;
	v42 =	vadd.s32 v29, v38;
	v41 =	vld [tilespmem:s22+$0xFFFFFFD0]  }
0x34f: {  	v34 =	vbroadcast v61, $0x0;
	v60 =	vadd.s32 v5, v45;
	v58 =	vshll.u32 v36, v1;
	v59 =	vld [tilespmem:s22+$0xFFFFFE50]  }
0x350: {  	v55 =	vshrl.u32 v39, $0x3;
	v35 =	vbroadcast v58, $0x0;
	v63 =	vadd.s32 v9, v52;
	v62 =	vld [tilespmem:s22+$0xFFFFFE90]  }
0x351: {  	v57 =	vadd.s32 v0, v33;
	v40 =	vshrl.u32 v40, $0x3;
	v36 =	vshll.u32 v55, v1;
	v43 =	vld [tilespmem:s22+$0xFFFFFE10]  }
0x352: {  	v56 =	vshll.u32 v40, v1;
	v37 =	vbroadcast v36, $0x0;
	v50 =	vadd.s32 v13, v35;
	v39 =	vld [tilespmem:s22+$0xFFFFFED0]  }
0x353: {  	v53 =	vadd.s32 v17, v34;
	v36 =	vbroadcast v56, $0x0;
	v51 =	vld [tilespmem:s22+$0xFFFFFF10];
	[tilespmem:v42+s18+$0x0] =	vst.idx.msk $0xffff, v41  }
0x354: {  	[tilespmem:v60+s18+$0x0] =	vst.idx.msk $0xffff, v59;
	v59 =	vld [tilespmem:s22+$0xFFFFFF50];
	v60 =	vadd.s32 v21, v37  }
0x355: {  	v61 =	vld [tilespmem:s22+$0xFFFFFF90];
	[tilespmem:v63+s18+$0x0] =	vst.idx.msk $0xffff, v62;
	v62 =	vadd.s32 v25, v36  }
0x356: {  	v58 =	vadd.s32 v30, v38;
	[tilespmem:v57+s18+$0x0] =	vst.idx.msk $0xffff, v43;
	v57 =	vld [tilespmem:s22+$0xFFFFFFE0]  }
0x357: {  	v63 =	vadd.s32 v6, v45;
	[tilespmem:v50+s18+$0x0] =	vst.idx.msk $0xffff, v39;
	v47 =	vld [tilespmem:s22+$0xFFFFFE60]  }
0x358: {  	v55 =	vadd.s32 v10, v52;
	[tilespmem:v53+s18+$0x0] =	vst.idx.msk $0xffff, v51;
	v54 =	vld [tilespmem:s22+$0xFFFFFEA0]  }
0x359: {  	v56 =	vadd.s32 v14, v35;
	v50 =	vld [tilespmem:s22+$0xFFFFFEE0];
	[tilespmem:v60+s18+$0x0] =	vst.idx.msk $0xffff, v59  }
0x35a: {  	[tilespmem:v62+s18+$0x0] =	vst.idx.msk $0xffff, v61;
	v61 =	vld [tilespmem:s22+$0xFFFFFE20];
	v62 =	vadd.s32 v2, v33  }
0x35b: {  	v59 =	vadd.s32 v18, v34;
	[tilespmem:v58+s18+$0x0] =	vst.idx.msk $0xffff, v57;
	v58 =	vld [tilespmem:s22+$0xFFFFFF20]  }
0x35c: {  	v57 =	vadd.s32 v31, v38;
	[tilespmem:v63+s18+$0x0] =	vst.idx.msk $0xffff, v47;
	v40 =	vld [tilespmem:s22+$0xFFFFFFF0]  }
0x35d: {  	v46 =	vadd.s32 v22, v37;
	v44 =	vld [tilespmem:s22+$0xFFFFFF60];
	[tilespmem:v55+s18+$0x0] =	vst.idx.msk $0xffff, v54  }
0x35e: {  	v60 =	vadd.s32 v26, v36;
	v63 =	vld [tilespmem:s22+$0xFFFFFFA0];
	[tilespmem:v56+s18+$0x0] =	vst.idx.msk $0xffff, v50  }
0x35f: {  	v51 =	vadd.s32 v7, v45;
	v50 =	vld [tilespmem:s22+$0xFFFFFE70];
	[tilespmem:v62+s18+$0x0] =	vst.idx.msk $0xffff, v61  }
0x360: {  	v56 =	vadd.s32 v11, v52;
	v55 =	vld [tilespmem:s22+$0xFFFFFEB0];
	[tilespmem:v59+s18+$0x0] =	vst.idx.msk $0xffff, v58  }
0x361: {  	v58 =	vadd.s32 v15, v35;
	[tilespmem:v57+s18+$0x0] =	vst.idx.msk $0xffff, v40;
	v57 =	vld [tilespmem:s22+$0xFFFFFEF0]  }
0x362: {  	v38 =	vadd.s32 v32, v38;
	[tilespmem:v46+s18+$0x0] =	vst.idx.msk $0xffff, v44;
	v54 =	vld [tilespmem:s22+$0x0]  }
0x363: {  	s25 =	simm.s32 $0x9;
	[tilespmem:v60+s18+$0x0] =	vst.idx.msk $0xffff, v63;
	v60 =	vadd.s32 v19, v34;
	v59 =	vld [tilespmem:s22+$0xFFFFFF30]  }
0x364: {  	v41 =	vadd.s32 v23, v37;
	v53 =	vmov s25;
	s25 =	simm.s32 $0xC;
	[tilespmem:v51+s18+$0x0] =	vst.idx.msk $0xffff, v50;
	v40 =	vld [tilespmem:s22+$0xFFFFFF70]  }
0x365: {  	s29 =	simm.s32 $0xB;
	s23 =	simm.s32 $0x8;
	v48 =	vadd.s32 v3, v33;
	v43 =	vadd.s32 v27, v36;
	v47 =	vmov s25;
	v42 =	vld [tilespmem:s22+$0xFFFFFFB0];
	[tilespmem:v56+s18+$0x0] =	vst.idx.msk $0xffff, v55  }
0x366: {  	s28 =	simm.s32 $0xA;
	v52 =	vadd.s32 v12, v52;
	v63 =	vmov s23;
	v44 =	vmov s29;
	v46 =	vld [tilespmem:s22+$0xFFFFFE30];
	[tilespmem:v58+s18+$0x0] =	vst.idx.msk $0xffff, v57  }
0x367: {  	s29 =	simm.s32 $0xE;
	v39 =	vshrl.u32 v63, $0x3;
	v51 =	vadd.s32 v8, v45;
	v49 =	vld [tilespmem:s22+$0xFFFFFE80];
	[tilespmem:v38+s18+$0x0] =	vst.idx.msk $0xffff, v54;
	v54 =	vmov s28;
	s28 =	simm.s32 $0xD  }
0x368: {  	s25 =	simm.s32 $0xF;
	s23 =	simm.s32 $0x10;
	v45 =	vshll.u32 v39, v1;
	v39 =	vmov s29;
	v50 =	vld [tilespmem:s22+$0xFFFFFEC0];
	[tilespmem:v60+s18+$0x0] =	vst.idx.msk $0xffff, v59;
	v38 =	vmov s28  }
.LBB2_9:
0x369: {  	p0 =	slt.u32 s23, $0x78;
	v53 =	vshrl.u32 v53, $0x3;
	v55 =	vmov s25;
	v56 =	vld [tilespmem:s22+$0xFFFFFF00];
	v35 =	vadd.s32 v16, v35;
	[tilespmem:v41+s18+$0x0] =	vst.idx.msk $0xffff, v40  }
0x36a: {  	v40 =	vshrl.u32 v54, $0x3;
	v34 =	vadd.s32 v20, v34;
	v41 =	vshrl.u32 v55, $0x3;
	v54 =	vld [tilespmem:s22+$0xFFFFFF40];
	[tilespmem:v43+s18+$0x0] =	vst.idx.msk $0xffff, v42  }
0x36b: {  	v37 =	vadd.s32 v24, v37;
	v42 =	vshrl.u32 v44, $0x3;
	v41 =	vshll.u32 v41, v1;
	[tilespmem:v48+s18+$0x0] =	vst.idx.msk $0xffff, v46;
	v43 =	vld [tilespmem:s22+$0xFFFFFF80]  }
0x36c: {  	v36 =	vadd.s32 v28, v36;
	v44 =	vshrl.u32 v47, $0x3;
	v41 =	vbroadcast v41, $0x0;
	[tilespmem:v51+s18+$0x0] =	vst.idx.msk $0xffff, v49;
	v46 =	vld [tilespmem:s22+$0xFFFFFFC0]  }
0x36d: {  	v47 =	vshll.u32 v53, v1;
	v49 =	vadd.s32 v4, v33;
	v33 =	vbroadcast v45, $0x0;
	v48 =	vld [tilespmem:s22+$0xFFFFFE40];
	[tilespmem:v52+s18+$0x0] =	vst.idx.msk $0xffff, v50;
	s22 =	sadd.s32 $0x200, s22  }
0x36e: {  	v40 =	vshll.u32 v40, v1;
	v45 =	vbroadcast v47, $0x0;
	v47 =	vld [tilespmem:s22+$0xFFFFFFD0];
	v50 =	vadd.s32 v29, v41;
	[tilespmem:v35+s18+$0x0] =	vst.idx.msk $0xffff, v56  }
0x36f: {  	v55 =	vbroadcast v40, $0x0;
	v52 =	vadd.s32 v0, v33;
	v35 =	vshll.u32 v42, v1;
	v51 =	vld [tilespmem:s22+$0xFFFFFE10];
	[tilespmem:v34+s18+$0x0] =	vst.idx.msk $0xffff, v54  }
0x370: {  	v42 =	vadd.s32 v5, v45;
	v35 =	vbroadcast v35, $0x0;
	v34 =	vshll.u32 v44, v1;
	v40 =	vld [tilespmem:s22+$0xFFFFFE50];
	[tilespmem:v37+s18+$0x0] =	vst.idx.msk $0xffff, v43  }
0x371: {  	v44 =	vadd.s32 v9, v55;
	v34 =	vbroadcast v34, $0x0;
	v37 =	vshrl.u32 v38, $0x3;
	v43 =	vld [tilespmem:s22+$0xFFFFFE90];
	[tilespmem:v36+s18+$0x0] =	vst.idx.msk $0xffff, v46  }
0x372: {  	v39 =	vshrl.u32 v39, $0x3;
	v46 =	vadd.s32 v13, v35;
	v36 =	vshll.u32 v37, v1;
	v38 =	vld [tilespmem:s22+$0xFFFFFED0];
	[tilespmem:v49+s18+$0x0] =	vst.idx.msk $0xffff, v48  }
0x373: {  	v49 =	vadd.s32 v17, v34;
	v37 =	vbroadcast v36, $0x0;
	v36 =	vshll.u32 v39, v1;
	v48 =	vld [tilespmem:s22+$0xFFFFFF10];
	[tilespmem:v50+s18+$0x0] =	vst.idx.msk $0xffff, v47  }
0x374: {  	v36 =	vbroadcast v36, $0x0;
	v47 =	vadd.s32 v30, v41;
	[tilespmem:v52+s18+$0x0] =	vst.idx.msk $0xffff, v51;
	v39 =	vld [tilespmem:s22+$0xFFFFFFE0]  }
0x375: {  	[tilespmem:v42+s18+$0x0] =	vst.idx.msk $0xffff, v40;
	v40 =	vld [tilespmem:s22+$0xFFFFFF50];
	v42 =	vadd.s32 v21, v37  }
0x376: {  	[tilespmem:v44+s18+$0x0] =	vst.idx.msk $0xffff, v43;
	v43 =	vld [tilespmem:s22+$0xFFFFFF90];
	v44 =	vadd.s32 v25, v36  }
0x377: {  	v51 =	vadd.s32 v6, v45;
	v50 =	vld [tilespmem:s22+$0xFFFFFE60];
	[tilespmem:v46+s18+$0x0] =	vst.idx.msk $0xffff, v38  }
0x378: {  	v46 =	vadd.s32 v10, v55;
	v38 =	vld [tilespmem:s22+$0xFFFFFEA0];
	[tilespmem:v49+s18+$0x0] =	vst.idx.msk $0xffff, v48  }
0x379: {  	v49 =	vadd.s32 v14, v35;
	v48 =	vld [tilespmem:s22+$0xFFFFFEE0];
	[tilespmem:v47+s18+$0x0] =	vst.idx.msk $0xffff, v39  }
0x37a: {  	[tilespmem:v42+s18+$0x0] =	vst.idx.msk $0xffff, v40;
	v39 =	vld [tilespmem:s22+$0xFFFFFFF0];
	v40 =	vadd.s32 v31, v41  }
0x37b: {  	v47 =	vadd.s32 v18, v34;
	v42 =	vld [tilespmem:s22+$0xFFFFFF20];
	[tilespmem:v44+s18+$0x0] =	vst.idx.msk $0xffff, v43  }
0x37c: {  	v44 =	vadd.s32 v22, v37;
	[tilespmem:v51+s18+$0x0] =	vst.idx.msk $0xffff, v50;
	v43 =	vld [tilespmem:s22+$0xFFFFFF60]  }
0x37d: {  	[tilespmem:v46+s18+$0x0] =	vst.idx.msk $0xffff, v38;
	v38 =	vld [tilespmem:s22+$0xFFFFFFA0];
	v46 =	vadd.s32 v26, v36  }
0x37e: {  	v51 =	vadd.s32 v2, v33;
	v50 =	vld [tilespmem:s22+$0xFFFFFE20];
	[tilespmem:v49+s18+$0x0] =	vst.idx.msk $0xffff, v48  }
0x37f: {  	v49 =	vadd.s32 v7, v45;
	v48 =	vld [tilespmem:s22+$0xFFFFFE70];
	[tilespmem:v40+s18+$0x0] =	vst.idx.msk $0xffff, v39  }
0x380: {  	[tilespmem:v47+s18+$0x0] =	vst.idx.msk $0xffff, v42;
	v39 =	vld [tilespmem:s22+$0x0];
	v47 =	vadd.s32 v32, v41  }
0x381: {  	v56 =	vadd.s32 v11, v55;
	v52 =	vld [tilespmem:s22+$0xFFFFFEB0];
	[tilespmem:v44+s18+$0x0] =	vst.idx.msk $0xffff, v43  }
0x382: {  	v58 =	vadd.s32 v15, v35;
	v57 =	vld [tilespmem:s22+$0xFFFFFEF0];
	[tilespmem:v46+s18+$0x0] =	vst.idx.msk $0xffff, v38  }
0x383: {  	v60 =	vadd.s32 v19, v34;
	[tilespmem:v51+s18+$0x0] =	vst.idx.msk $0xffff, v50;
	v59 =	vld [tilespmem:s22+$0xFFFFFF30]  }
.Ltmp3:
0x384: {  	s14 =	sadd.s32 $0x1, s23;
	v41 =	vadd.s32 v23, v37;
	v38 =	vmov s23;
	[tilespmem:v49+s18+$0x0] =	vst.idx.msk $0xffff, v48;
	v40 =	vld [tilespmem:s22+$0xFFFFFF70];
	(pc) =	sbr.rel @p0 .LBB2_9-.Ltmp3, $4  }
0x385: {  	s25 =	sadd.s32 $0x3, s23;
	v53 =	vmov s14;
	s14 =	sadd.s32 $0x2, s23;
	v43 =	vadd.s32 v27, v36;
	v50 =	vshrl.u32 v38, $0x3;
	v42 =	vld [tilespmem:s22+$0xFFFFFFB0];
	[tilespmem:v47+s18+$0x0] =	vst.idx.msk $0xffff, v39  }
0x386: {  	v54 =	vmov s14;
	s14 =	sadd.s32 $0x4, s23;
	v44 =	vmov s25;
	s25 =	sadd.s32 $0x5, s23;
	v48 =	vadd.s32 v3, v33;
	v46 =	vld [tilespmem:s22+$0xFFFFFE30];
	[tilespmem:v56+s18+$0x0] =	vst.idx.msk $0xffff, v52  }
0x387: {  	v38 =	vmov s25;
	v51 =	vadd.s32 v8, v45;
	v47 =	vmov s14;
	s14 =	sadd.s32 $0x6, s23;
	v49 =	vld [tilespmem:s22+$0xFFFFFE80];
	[tilespmem:v58+s18+$0x0] =	vst.idx.msk $0xffff, v57  }
0x388: {  	s25 =	sadd.s32 $0x7, s23;
	v45 =	vshll.u32 v50, v1;
	s23 =	sadd.s32 $0x8, s23;
	v39 =	vmov s14;
	v52 =	vadd.s32 v12, v55;
	v50 =	vld [tilespmem:s22+$0xFFFFFEC0];
	[tilespmem:v60+s18+$0x0] =	vst.idx.msk $0xffff, v59  }
0x389: {  	_ =	sdelay $0x2  }
0x38a: {  	v53 =	vshrl.u32 v53, $0x3  }
0x38b: {  	v55 =	vmov s25;
	v56 =	vld [tilespmem:s22+$0xFFFFFF00];
	v35 =	vadd.s32 v16, v35;
	[tilespmem:v41+s18+$0x0] =	vst.idx.msk $0xffff, v40;
	v57 =	vshrl.u32 v54, $0x3  }
0x38c: {  	v59 =	vld [tilespmem:s22+$0xFFFFFF40];
	v34 =	vadd.s32 v20, v34;
	v60 =	vshrl.u32 v44, $0x3;
	v58 =	vshrl.u32 v55, $0x3;
	[tilespmem:v43+s18+$0x0] =	vst.idx.msk $0xffff, v42  }
0x38d: {  	v37 =	vadd.s32 v24, v37;
	v62 =	vshrl.u32 v47, $0x3;
	v61 =	vld [tilespmem:s22+$0xFFFFFF80];
	v41 =	vshll.u32 v58, v1;
	[tilespmem:v48+s18+$0x0] =	vst.idx.msk $0xffff, v46  }
0x38e: {  	v36 =	vadd.s32 v28, v36;
	v45 =	vbroadcast v45, $0x0;
	v63 =	vld [tilespmem:s22+$0xFFFFFFC0];
	v41 =	vbroadcast v41, $0x0;
	[tilespmem:v51+s18+$0x0] =	vst.idx.msk $0xffff, v49  }
0x38f: {  	v33 =	vadd.s32 v4, v33;
	s28 =	sadd.s32 $0x200, s22;
	v38 =	vshrl.u32 v38, $0x3;
	v55 =	vshll.u32 v53, v1;
	v48 =	vld [tilespmem:s22+$0xFFFFFE40];
	[tilespmem:v52+s18+$0x0] =	vst.idx.msk $0xffff, v50  }
0x390: {  	v40 =	vshll.u32 v57, v1;
	v47 =	vbroadcast v55, $0x0;
	v49 =	vld [tilespmem:s28+$0xFFFFFFD0];
	v50 =	vadd.s32 v29, v41;
	[tilespmem:v35+s18+$0x0] =	vst.idx.msk $0xffff, v56  }
0x391: {  	v42 =	vshll.u32 v60, v1;
	v40 =	vbroadcast v40, $0x0;
	v35 =	vld [tilespmem:s28+$0xFFFFFE10];
	v56 =	vadd.s32 v0, v45;
	[tilespmem:v34+s18+$0x0] =	vst.idx.msk $0xffff, v59  }
0x392: {  	v57 =	vld [tilespmem:s28+$0xFFFFFE50];
	v44 =	vshll.u32 v62, v1;
	v42 =	vbroadcast v42, $0x0;
	v58 =	vadd.s32 v5, v47;
	[tilespmem:v37+s18+$0x0] =	vst.idx.msk $0xffff, v61  }
0x393: {  	v38 =	vshll.u32 v38, v1;
	v44 =	vbroadcast v44, $0x0;
	v60 =	vadd.s32 v9, v40;
	v59 =	vld [tilespmem:s28+$0xFFFFFE90];
	[tilespmem:v36+s18+$0x0] =	vst.idx.msk $0xffff, v63  }
0x394: {  	v38 =	vbroadcast v38, $0x0;
	v62 =	vadd.s32 v13, v42;
	v61 =	vld [tilespmem:s28+$0xFFFFFED0];
	[tilespmem:v33+s18+$0x0] =	vst.idx.msk $0xffff, v48  }
0x395: {  	v39 =	vshrl.u32 v39, $0x3;
	v63 =	vadd.s32 v17, v44;
	v33 =	vld [tilespmem:s28+$0xFFFFFF10];
	[tilespmem:v50+s18+$0x0] =	vst.idx.msk $0xffff, v49  }
0x396: {  	v39 =	vshll.u32 v39, v1;
	v34 =	vld [tilespmem:s28+$0xFFFFFF50];
	[tilespmem:v56+s18+$0x0] =	vst.idx.msk $0xffff, v35;
	v56 =	vadd.s32 v21, v38  }
0x397: {  	[tilespmem:v58+s18+$0x0] =	vst.idx.msk $0xffff, v57;
	v35 =	vbroadcast v39, $0x0;
	v49 =	vadd.s32 v30, v41;
	v39 =	vld [tilespmem:s28+$0xFFFFFFE0]  }
0x398: {  	[tilespmem:v60+s18+$0x0] =	vst.idx.msk $0xffff, v59;
	v59 =	vld [tilespmem:s28+$0xFFFFFE60];
	v60 =	vadd.s32 v6, v47  }
0x399: {  	v57 =	vld [tilespmem:s28+$0xFFFFFF90];
	[tilespmem:v62+s18+$0x0] =	vst.idx.msk $0xffff, v61;
	v58 =	vadd.s32 v25, v35  }
0x39a: {  	v61 =	vld [tilespmem:s28+$0xFFFFFEA0];
	v62 =	vadd.s32 v10, v40;
	[tilespmem:v63+s18+$0x0] =	vst.idx.msk $0xffff, v33  }
0x39b: {  	v33 =	vld [tilespmem:s28+$0xFFFFFEE0];
	v63 =	vadd.s32 v14, v42;
	[tilespmem:v56+s18+$0x0] =	vst.idx.msk $0xffff, v34  }
0x39c: {  	v56 =	vadd.s32 v18, v44;
	[tilespmem:v49+s18+$0x0] =	vst.idx.msk $0xffff, v39;
	v49 =	vld [tilespmem:s28+$0xFFFFFF20]  }
0x39d: {  	[tilespmem:v60+s18+$0x0] =	vst.idx.msk $0xffff, v59;
	v39 =	vadd.s32 v31, v41;
	v34 =	vld [tilespmem:s28+$0xFFFFFFF0]  }
0x39e: {  	[tilespmem:v58+s18+$0x0] =	vst.idx.msk $0xffff, v57;
	v57 =	vld [tilespmem:s28+$0xFFFFFF60];
	v58 =	vadd.s32 v22, v38  }
0x39f: {  	[tilespmem:v62+s18+$0x0] =	vst.idx.msk $0xffff, v61;
	v61 =	vld [tilespmem:s28+$0xFFFFFE20];
	v62 =	vadd.s32 v2, v45  }
0x3a0: {  	v60 =	vadd.s32 v26, v35;
	v59 =	vld [tilespmem:s28+$0xFFFFFFA0];
	[tilespmem:v63+s18+$0x0] =	vst.idx.msk $0xffff, v33  }
0x3a1: {  	v55 =	vadd.s32 v11, v40;
	v54 =	vadd.s32 v32, v41;
	v41 =	vld [tilespmem:s28+$0xFFFFFEB0];
	[tilespmem:v56+s18+$0x0] =	vst.idx.msk $0xffff, v49  }
0x3a2: {  	v53 =	vadd.s32 v7, v47;
	v63 =	vld [tilespmem:s28+$0xFFFFFE70];
	[tilespmem:v39+s18+$0x0] =	vst.idx.msk $0xffff, v34  }
0x3a3: {  	v56 =	vld [tilespmem:s28+$0xFFFFFEF0];
	[tilespmem:v58+s18+$0x0] =	vst.idx.msk $0xffff, v57;
	v57 =	vadd.s32 v15, v42  }
0x3a4: {  	[tilespmem:v62+s18+$0x0] =	vst.idx.msk $0xffff, v61;
	v34 =	vld [tilespmem:s28+$0x0]  }
0x3a5: {  	v58 =	vld [tilespmem:s28+$0xFFFFFF30];
	[tilespmem:v60+s18+$0x0] =	vst.idx.msk $0xffff, v59;
	v59 =	vadd.s32 v19, v44  }
0x3a6: {  	v61 =	vadd.s32 v23, v38;
	[tilespmem:v55+s18+$0x0] =	vst.idx.msk $0xffff, v41;
	v60 =	vld [tilespmem:s28+$0xFFFFFF70]  }
0x3a7: {  	[tilespmem:v53+s18+$0x0] =	vst.idx.msk $0xffff, v63;
	v63 =	vadd.s32 v27, v35;
	v62 =	vld [tilespmem:s28+$0xFFFFFFB0]  }
0x3a8: {  	v47 =	vadd.s32 v8, v47;
	v55 =	vld [tilespmem:s28+$0xFFFFFE80];
	[tilespmem:v57+s18+$0x0] =	vst.idx.msk $0xffff, v56  }
0x3a9: {  	v53 =	vld [tilespmem:s28+$0xFFFFFE30];
	[tilespmem:v54+s18+$0x0] =	vst.idx.msk $0xffff, v34;
	v54 =	vadd.s32 v3, v45  }
0x3aa: {  	v40 =	vadd.s32 v12, v40;
	v56 =	vld [tilespmem:s28+$0xFFFFFEC0];
	[tilespmem:v59+s18+$0x0] =	vst.idx.msk $0xffff, v58  }
0x3ab: {  	v42 =	vadd.s32 v16, v42;
	v57 =	vld [tilespmem:s28+$0xFFFFFF00];
	[tilespmem:v61+s18+$0x0] =	vst.idx.msk $0xffff, v60  }
0x3ac: {  	v59 =	vadd.s32 v20, v44;
	v58 =	vld [tilespmem:s28+$0xFFFFFF40];
	[tilespmem:v63+s18+$0x0] =	vst.idx.msk $0xffff, v62  }
0x3ad: {  	v38 =	vadd.s32 v24, v38;
	v60 =	vld [tilespmem:s28+$0xFFFFFF80];
	[tilespmem:v47+s18+$0x0] =	vst.idx.msk $0xffff, v55  }
0x3ae: {  	v35 =	vadd.s32 v28, v35;
	v61 =	vld [tilespmem:s28+$0xFFFFFFC0];
	[tilespmem:v54+s18+$0x0] =	vst.idx.msk $0xffff, v53  }
0x3af: {  	v63 =	vadd.s32 v4, v45;
	[tilespmem:v40+s18+$0x0] =	vst.idx.msk $0xffff, v56;
	v62 =	vld [tilespmem:s28+$0xFFFFFE40]  }
0x3b0: {  	[tilespmem:v42+s18+$0x0] =	vst.idx.msk $0xffff, v57  }
0x3b1: {  	s5 =	sshll.u32 s5, $0x12;
	[tilespmem:v59+s18+$0x0] =	vst.idx.msk $0xffff, v58  }
0x3b2: {  	s5 =	sor.u32 s6, s5;
	[tilespmem:v38+s18+$0x0] =	vst.idx.msk $0xffff, v60  }
0x3b3: {  	s5 =	sshrl.u32 s5, $0x3;
	[tilespmem:v35+s18+$0x0] =	vst.idx.msk $0xffff, v61  }
0x3b4: {  	s14 =	sadd.s32 s2, s5;
	[tilespmem:v63+s18+$0x0] =	vst.idx.msk $0xffff, v62  }
0x3b5: {  	[hbm4b:s14+s3] =	stream.linear.scatter [tilespmem:s18], [sflag:$0x6], $0x80, $0x38;
	[tilespmem:$0x12800] =	vst v63  }
0x3b6: {  	s23 =	simm.s32 $0x10688;
	s29 =	sadd.s32 $0x10, s14  }
0x3b7: {  	[hbm4b:s29+s3] =	stream.linear.scatter [tilespmem:s23], [sflag:$0x6], $0x80, $0x38;
	[tilespmem:$0x12800] =	vst v63  }
0x3b8: {  	s25 =	simm.s32 $0x10710;
	s23 =	sadd.s32 $0x20, s14  }
0x3b9: {  	[hbm4b:s23+s3] =	stream.linear.scatter [tilespmem:s25], [sflag:$0x6], $0x80, $0x38;
	[tilespmem:$0x12800] =	vst v63  }
0x3ba: {  	s28 =	sadd.s32 $0x30, s14;
	s29 =	simm.s32 $0x10798  }
0x3bb: {  	[hbm4b:s28+s3] =	stream.linear.scatter [tilespmem:s29], [sflag:$0x6], $0x80, $0x38;
	[tilespmem:$0x12800] =	vst v63  }
0x3bc: {  	s23 =	sadd.s32 $0x40, s14;
	s25 =	simm.s32 $0x10820  }
0x3bd: {  	[hbm4b:s23+s3] =	stream.linear.scatter [tilespmem:s25], [sflag:$0x6], $0x80, $0x38;
	[tilespmem:$0x12800] =	vst v63  }
0x3be: {  	s28 =	sadd.s32 $0x50, s14;
	s29 =	simm.s32 $0x108A8  }
0x3bf: {  	[hbm4b:s28+s3] =	stream.linear.scatter [tilespmem:s29], [sflag:$0x6], $0x80, $0x38;
	[tilespmem:$0x12800] =	vst v63  }
0x3c0: {  	s23 =	sadd.s32 $0x60, s14;
	s25 =	simm.s32 $0x10930  }
0x3c1: {  	[hbm4b:s23+s3] =	stream.linear.scatter [tilespmem:s25], [sflag:$0x6], $0x80, $0x38;
	[tilespmem:$0x12800] =	vst v63  }
0x3c2: {  	s14 =	sadd.s32 $0x70, s14;
	s28 =	simm.s32 $0x109B8  }
0x3c3: {  	[hbm4b:s14+s3] =	stream.linear.scatter [tilespmem:s28], [sflag:$0x6], $0x80, $0x38;
	[tilespmem:$0x12800] =	vst v63  }
0x3c4: {  	s29 =	simm.s32 $0x10A40;
	s14 =	sadd.s32 s5, s7  }
0x3c5: {  	[hbm4b:s14+s3] =	stream.linear.scatter [tilespmem:s29], [sflag:$0x6], $0x80, $0x38;
	[tilespmem:$0x12800] =	vst v63  }
0x3c6: {  	s25 =	simm.s32 $0x10AC8;
	s23 =	sadd.s32 $0x10, s14  }
0x3c7: {  	[hbm4b:s23+s3] =	stream.linear.scatter [tilespmem:s25], [sflag:$0x6], $0x80, $0x38;
	[tilespmem:$0x12800] =	vst v63  }
0x3c8: {  	s28 =	sadd.s32 $0x20, s14;
	s29 =	simm.s32 $0x10B50  }
0x3c9: {  	[hbm4b:s28+s3] =	stream.linear.scatter [tilespmem:s29], [sflag:$0x6], $0x80, $0x38;
	[tilespmem:$0x12800] =	vst v63  }
0x3ca: {  	s23 =	sadd.s32 $0x30, s14;
	s25 =	simm.s32 $0x10BD8  }
0x3cb: {  	[hbm4b:s23+s3] =	stream.linear.scatter [tilespmem:s25], [sflag:$0x6], $0x80, $0x38;
	[tilespmem:$0x12800] =	vst v63  }
0x3cc: {  	s28 =	sadd.s32 $0x40, s14;
	s29 =	simm.s32 $0x10C60  }
0x3cd: {  	[hbm4b:s28+s3] =	stream.linear.scatter [tilespmem:s29], [sflag:$0x6], $0x80, $0x38;
	[tilespmem:$0x12800] =	vst v63  }
0x3ce: {  	s23 =	sadd.s32 $0x50, s14;
	s25 =	simm.s32 $0x10CE8  }
0x3cf: {  	[hbm4b:s23+s3] =	stream.linear.scatter [tilespmem:s25], [sflag:$0x6], $0x80, $0x38;
	[tilespmem:$0x12800] =	vst v63  }
0x3d0: {  	s28 =	sadd.s32 $0x60, s14;
	s29 =	simm.s32 $0x10D70  }
0x3d1: {  	[hbm4b:s28+s3] =	stream.linear.scatter [tilespmem:s29], [sflag:$0x6], $0x80, $0x38;
	[tilespmem:$0x12800] =	vst v63  }
0x3d2: {  	s14 =	sadd.s32 $0x70, s14;
	s23 =	simm.s32 $0x10DF8  }
0x3d3: {  	[hbm4b:s14+s3] =	stream.linear.scatter [tilespmem:s23], [sflag:$0x6], $0x80, $0x38;
	[tilespmem:$0x12800] =	vst v63  }
0x3d4: {  	s25 =	simm.s32 $0x10E80;
	s14 =	sadd.s32 s5, s8  }
0x3d5: {  	[hbm4b:s14+s3] =	stream.linear.scatter [tilespmem:s25], [sflag:$0x6], $0x80, $0x38;
	[tilespmem:$0x12800] =	vst v63  }
0x3d6: {  	s29 =	simm.s32 $0x10F08;
	s28 =	sadd.s32 $0x10, s14  }
0x3d7: {  	[hbm4b:s28+s3] =	stream.linear.scatter [tilespmem:s29], [sflag:$0x6], $0x80, $0x38;
	[tilespmem:$0x12800] =	vst v63  }
0x3d8: {  	s23 =	sadd.s32 $0x20, s14;
	s25 =	simm.s32 $0x10F90  }
0x3d9: {  	[hbm4b:s23+s3] =	stream.linear.scatter [tilespmem:s25], [sflag:$0x6], $0x80, $0x38;
	[tilespmem:$0x12800] =	vst v63  }
0x3da: {  	s28 =	sadd.s32 $0x30, s14;
	s29 =	simm.s32 $0x11018  }
0x3db: {  	[hbm4b:s28+s3] =	stream.linear.scatter [tilespmem:s29], [sflag:$0x6], $0x80, $0x38;
	[tilespmem:$0x12800] =	vst v63  }
0x3dc: {  	s23 =	sadd.s32 $0x40, s14;
	s25 =	simm.s32 $0x110A0  }
0x3dd: {  	[hbm4b:s23+s3] =	stream.linear.scatter [tilespmem:s25], [sflag:$0x6], $0x80, $0x38;
	[tilespmem:$0x12800] =	vst v63  }
0x3de: {  	s28 =	sadd.s32 $0x50, s14;
	s29 =	simm.s32 $0x11128  }
0x3df: {  	[hbm4b:s28+s3] =	stream.linear.scatter [tilespmem:s29], [sflag:$0x6], $0x80, $0x38;
	[tilespmem:$0x12800] =	vst v63  }
0x3e0: {  	s23 =	sadd.s32 $0x60, s14;
	s25 =	simm.s32 $0x111B0  }
0x3e1: {  	[hbm4b:s23+s3] =	stream.linear.scatter [tilespmem:s25], [sflag:$0x6], $0x80, $0x38;
	[tilespmem:$0x12800] =	vst v63  }
0x3e2: {  	s14 =	sadd.s32 $0x70, s14;
	s28 =	simm.s32 $0x11238  }
0x3e3: {  	[hbm4b:s14+s3] =	stream.linear.scatter [tilespmem:s28], [sflag:$0x6], $0x80, $0x38;
	[tilespmem:$0x12800] =	vst v63  }
0x3e4: {  	s29 =	simm.s32 $0x112C0;
	s14 =	sadd.s32 s5, s9  }
0x3e5: {  	[hbm4b:s14+s3] =	stream.linear.scatter [tilespmem:s29], [sflag:$0x6], $0x80, $0x38;
	[tilespmem:$0x12800] =	vst v63  }
0x3e6: {  	s25 =	simm.s32 $0x11348;
	s23 =	sadd.s32 $0x10, s14  }
0x3e7: {  	[hbm4b:s23+s3] =	stream.linear.scatter [tilespmem:s25], [sflag:$0x6], $0x80, $0x38;
	[tilespmem:$0x12800] =	vst v63  }
0x3e8: {  	s28 =	sadd.s32 $0x20, s14;
	s29 =	simm.s32 $0x113D0  }
0x3e9: {  	[hbm4b:s28+s3] =	stream.linear.scatter [tilespmem:s29], [sflag:$0x6], $0x80, $0x38;
	[tilespmem:$0x12800] =	vst v63  }
0x3ea: {  	s23 =	sadd.s32 $0x30, s14;
	s25 =	simm.s32 $0x11458  }
0x3eb: {  	[hbm4b:s23+s3] =	stream.linear.scatter [tilespmem:s25], [sflag:$0x6], $0x80, $0x38;
	[tilespmem:$0x12800] =	vst v63  }
0x3ec: {  	s28 =	sadd.s32 $0x40, s14;
	s29 =	simm.s32 $0x114E0  }
0x3ed: {  	[hbm4b:s28+s3] =	stream.linear.scatter [tilespmem:s29], [sflag:$0x6], $0x80, $0x38;
	[tilespmem:$0x12800] =	vst v63  }
0x3ee: {  	s23 =	sadd.s32 $0x50, s14;
	s25 =	simm.s32 $0x11568  }
0x3ef: {  	[hbm4b:s23+s3] =	stream.linear.scatter [tilespmem:s25], [sflag:$0x6], $0x80, $0x38;
	[tilespmem:$0x12800] =	vst v63  }
0x3f0: {  	s28 =	sadd.s32 $0x60, s14;
	s29 =	simm.s32 $0x115F0  }
0x3f1: {  	[hbm4b:s28+s3] =	stream.linear.scatter [tilespmem:s29], [sflag:$0x6], $0x80, $0x38;
	[tilespmem:$0x12800] =	vst v63  }
0x3f2: {  	s14 =	sadd.s32 $0x70, s14;
	s23 =	simm.s32 $0x11678  }
0x3f3: {  	[hbm4b:s14+s3] =	stream.linear.scatter [tilespmem:s23], [sflag:$0x6], $0x80, $0x38;
	[tilespmem:$0x12800] =	vst v63  }
0x3f4: {  	s25 =	simm.s32 $0x11700;
	s14 =	sadd.s32 s5, s10  }
0x3f5: {  	[hbm4b:s14+s3] =	stream.linear.scatter [tilespmem:s25], [sflag:$0x6], $0x80, $0x38;
	[tilespmem:$0x12800] =	vst v63  }
0x3f6: {  	s29 =	simm.s32 $0x11788;
	s28 =	sadd.s32 $0x10, s14  }
0x3f7: {  	[hbm4b:s28+s3] =	stream.linear.scatter [tilespmem:s29], [sflag:$0x6], $0x80, $0x38;
	[tilespmem:$0x12800] =	vst v63  }
0x3f8: {  	s23 =	sadd.s32 $0x20, s14;
	s25 =	simm.s32 $0x11810  }
0x3f9: {  	[hbm4b:s23+s3] =	stream.linear.scatter [tilespmem:s25], [sflag:$0x6], $0x80, $0x38;
	[tilespmem:$0x12800] =	vst v63  }
0x3fa: {  	s28 =	sadd.s32 $0x30, s14;
	s29 =	simm.s32 $0x11898  }
0x3fb: {  	[hbm4b:s28+s3] =	stream.linear.scatter [tilespmem:s29], [sflag:$0x6], $0x80, $0x38;
	[tilespmem:$0x12800] =	vst v63  }
0x3fc: {  	s23 =	sadd.s32 $0x40, s14;
	s25 =	simm.s32 $0x11920  }
0x3fd: {  	[hbm4b:s23+s3] =	stream.linear.scatter [tilespmem:s25], [sflag:$0x6], $0x80, $0x38;
	[tilespmem:$0x12800] =	vst v63  }
0x3fe: {  	s28 =	sadd.s32 $0x50, s14;
	s29 =	simm.s32 $0x119A8  }
0x3ff: {  	[hbm4b:s28+s3] =	stream.linear.scatter [tilespmem:s29], [sflag:$0x6], $0x80, $0x38;
	[tilespmem:$0x12800] =	vst v63  }
0x400: {  	s23 =	sadd.s32 $0x60, s14;
	s25 =	simm.s32 $0x11A30  }
0x401: {  	[hbm4b:s23+s3] =	stream.linear.scatter [tilespmem:s25], [sflag:$0x6], $0x80, $0x38;
	[tilespmem:$0x12800] =	vst v63  }
0x402: {  	s14 =	sadd.s32 $0x70, s14;
	s28 =	simm.s32 $0x11AB8  }
0x403: {  	[hbm4b:s14+s3] =	stream.linear.scatter [tilespmem:s28], [sflag:$0x6], $0x80, $0x38;
	[tilespmem:$0x12800] =	vst v63  }
0x404: {  	s29 =	simm.s32 $0x11B40;
	s14 =	sadd.s32 s5, s11  }
0x405: {  	[hbm4b:s14+s3] =	stream.linear.scatter [tilespmem:s29], [sflag:$0x6], $0x80, $0x38;
	[tilespmem:$0x12800] =	vst v63  }
0x406: {  	s25 =	simm.s32 $0x11BC8;
	s23 =	sadd.s32 $0x10, s14  }
0x407: {  	[hbm4b:s23+s3] =	stream.linear.scatter [tilespmem:s25], [sflag:$0x6], $0x80, $0x38;
	[tilespmem:$0x12800] =	vst v63  }
0x408: {  	s28 =	sadd.s32 $0x20, s14;
	s29 =	simm.s32 $0x11C50  }
0x409: {  	[hbm4b:s28+s3] =	stream.linear.scatter [tilespmem:s29], [sflag:$0x6], $0x80, $0x38;
	[tilespmem:$0x12800] =	vst v63  }
0x40a: {  	s23 =	sadd.s32 $0x30, s14;
	s25 =	simm.s32 $0x11CD8  }
0x40b: {  	[hbm4b:s23+s3] =	stream.linear.scatter [tilespmem:s25], [sflag:$0x6], $0x80, $0x38;
	[tilespmem:$0x12800] =	vst v63  }
0x40c: {  	s28 =	sadd.s32 $0x40, s14;
	s29 =	simm.s32 $0x11D60  }
0x40d: {  	[hbm4b:s28+s3] =	stream.linear.scatter [tilespmem:s29], [sflag:$0x6], $0x80, $0x38;
	[tilespmem:$0x12800] =	vst v63  }
0x40e: {  	s23 =	sadd.s32 $0x50, s14;
	s25 =	simm.s32 $0x11DE8  }
0x40f: {  	[hbm4b:s23+s3] =	stream.linear.scatter [tilespmem:s25], [sflag:$0x6], $0x80, $0x38;
	[tilespmem:$0x12800] =	vst v63  }
0x410: {  	s28 =	sadd.s32 $0x60, s14;
	s29 =	simm.s32 $0x11E70  }
0x411: {  	[hbm4b:s28+s3] =	stream.linear.scatter [tilespmem:s29], [sflag:$0x6], $0x80, $0x38;
	[tilespmem:$0x12800] =	vst v63  }
0x412: {  	s14 =	sadd.s32 $0x70, s14;
	s23 =	simm.s32 $0x11EF8  }
0x413: {  	[hbm4b:s14+s3] =	stream.linear.scatter [tilespmem:s23], [sflag:$0x6], $0x80, $0x38;
	[tilespmem:$0x12800] =	vst v63  }
0x414: {  	s25 =	simm.s32 $0x11F80;
	s14 =	sadd.s32 s5, s12  }
0x415: {  	[hbm4b:s14+s3] =	stream.linear.scatter [tilespmem:s25], [sflag:$0x6], $0x80, $0x38;
	[tilespmem:$0x12800] =	vst v63  }
0x416: {  	s29 =	simm.s32 $0x12008;
	s28 =	sadd.s32 $0x10, s14  }
0x417: {  	[hbm4b:s28+s3] =	stream.linear.scatter [tilespmem:s29], [sflag:$0x6], $0x80, $0x38;
	[tilespmem:$0x12800] =	vst v63  }
0x418: {  	s23 =	sadd.s32 $0x20, s14;
	s25 =	simm.s32 $0x12090  }
0x419: {  	[hbm4b:s23+s3] =	stream.linear.scatter [tilespmem:s25], [sflag:$0x6], $0x80, $0x38;
	[tilespmem:$0x12800] =	vst v63  }
0x41a: {  	s28 =	sadd.s32 $0x30, s14;
	s29 =	simm.s32 $0x12118  }
0x41b: {  	[hbm4b:s28+s3] =	stream.linear.scatter [tilespmem:s29], [sflag:$0x6], $0x80, $0x38;
	[tilespmem:$0x12800] =	vst v63  }
0x41c: {  	s23 =	sadd.s32 $0x40, s14;
	s25 =	simm.s32 $0x121A0  }
0x41d: {  	[hbm4b:s23+s3] =	stream.linear.scatter [tilespmem:s25], [sflag:$0x6], $0x80, $0x38;
	[tilespmem:$0x12800] =	vst v63  }
0x41e: {  	s28 =	sadd.s32 $0x50, s14;
	s29 =	simm.s32 $0x12228  }
0x41f: {  	[hbm4b:s28+s3] =	stream.linear.scatter [tilespmem:s29], [sflag:$0x6], $0x80, $0x38;
	[tilespmem:$0x12800] =	vst v63  }
0x420: {  	s25 =	sadd.s32 $0x60, s14;
	s28 =	simm.s32 $0x122B0  }
0x421: {  	[hbm4b:s25+s3] =	stream.linear.scatter [tilespmem:s28], [sflag:$0x6], $0x80, $0x38;
	[tilespmem:$0x12800] =	vst v63  }
0x422: {  	s14 =	sadd.s32 $0x70, s14;
	s29 =	simm.s32 $0x12338  }
0x423: {  	[hbm4b:s14+s3] =	stream.linear.scatter [tilespmem:s29], [sflag:$0x6], $0x80, $0x38;
	[tilespmem:$0x12800] =	vst v63  }
0x424: {  	s22 =	simm.s32 $0x123C0;
	s5 =	sadd.s32 s5, s13  }
0x425: {  	[hbm4b:s5+s3] =	stream.linear.scatter [tilespmem:s22], [sflag:$0x6], $0x80, $0x38;
	[tilespmem:$0x12800] =	vst v63  }
0x426: {  	s23 =	sadd.s32 $0x10, s5;
	s25 =	simm.s32 $0x12448  }
0x427: {  	[hbm4b:s23+s3] =	stream.linear.scatter [tilespmem:s25], [sflag:$0x6], $0x80, $0x38;
	[tilespmem:$0x12800] =	vst v63  }
0x428: {  	s28 =	sadd.s32 $0x20, s5;
	s29 =	simm.s32 $0x124D0  }
0x429: {  	[hbm4b:s28+s3] =	stream.linear.scatter [tilespmem:s29], [sflag:$0x6], $0x80, $0x38;
	[tilespmem:$0x12800] =	vst v63  }
0x42a: {  	s22 =	sadd.s32 $0x30, s5;
	s23 =	simm.s32 $0x12558  }
0x42b: {  	[hbm4b:s22+s3] =	stream.linear.scatter [tilespmem:s23], [sflag:$0x6], $0x80, $0x38;
	[tilespmem:$0x12800] =	vst v63  }
0x42c: {  	s26 =	sadd.s32 $0x1, s26;
	s25 =	sadd.s32 $0x40, s5  }
0x42d: {  	[hbm4b:s25+s3] =	stream.linear.scatter [tilespmem:s15], [sflag:$0x6], $0x80, $0x38;
	[tilespmem:$0x12800] =	vst v63  }
0x42e: {  	p0 =	sne.s32 s26, $0x32;
	s28 =	sadd.s32 $0x50, s5  }
0x42f: {  	[hbm4b:s28+s3] =	stream.linear.scatter [tilespmem:s16], [sflag:$0x6], $0x80, $0x38;
	[tilespmem:$0x12800] =	vst v63  }
.Ltmp4:
0x430: {  	_ = 	snop;
	(pc) =	sbr.rel @p0 .LBB2_2-.Ltmp4, $4  }
0x431: {  	s29 =	sadd.s32 $0x60, s5  }
0x432: {  	[hbm4b:s29+s3] =	stream.linear.scatter [tilespmem:s19], [sflag:$0x6], $0x80, $0x38;
	[tilespmem:$0x12800] =	vst v63  }
0x433: {  	s14 =	simm.s32 $0x80;
	s5 =	sadd.s32 $0x70, s5  }
0x434: {  	[hbm4b:s5+s3] =	stream.linear.scatter [tilespmem:s20], [sflag:$0x6], $0x80, $0x38;
	[tilespmem:$0x12800] =	vst v63  }
0x435: {  	_ =	swait.ge [sflag:s21], $0x400  }
0x436: {  	[sflag:s21] =	ssyncset.done $0x0  }
0x437: {  	[sflag:s21] =	ssyncadd.s32 $0xFFFFFC00  }
0x438: {  	_ =	swait.ge [sflag:s21], $0x400  }
0x439: {  	[sflag:s21] =	ssyncset.done $0x0  }
0x43a: {  	[sflag:s21] =	ssyncadd.s32 $0xFFFFFC00  }
0x43b: {  	_ =	swait.ge [sflag:s21], $0x400  }
0x43c: {  	[sflag:s21] =	ssyncset.done $0x0  }
0x43d: {  	[sflag:s21] =	ssyncadd.s32 $0xFFFFFC00  }
0x43e: {  	_ =	swait.ge [sflag:s21], $0x400  }
0x43f: {  	[sflag:s21] =	ssyncset.done $0x0  }
0x440: {  	[sflag:s21] =	ssyncadd.s32 $0xFFFFFC00  }
0x441: {  	_ =	swait.ge [sflag:s21], $0x400  }
0x442: {  	[sflag:s21] =	ssyncset.done $0x0  }
0x443: {  	[sflag:s21] =	ssyncadd.s32 $0xFFFFFC00  }
0x444: {  	_ =	swait.ge [sflag:s21], $0x400  }
0x445: {  	[sflag:s21] =	ssyncset.done $0x0  }
0x446: {  	[sflag:s21] =	ssyncadd.s32 $0xFFFFFC00  }
0x447: {  	_ =	swait.ge [sflag:s21], $0x400  }
0x448: {  	[sflag:s21] =	ssyncset.done $0x0  }
0x449: {  	[sflag:s21] =	ssyncadd.s32 $0xFFFFFC00  }
0x44a: {  	_ =	swait.ge [sflag:s21], $0x400  }
0x44b: {  	[sflag:s21] =	ssyncset.done $0x0  }
0x44c: {  	[sflag:s21] =	ssyncadd.s32 $0xFFFFFC00  }
0x44d: {  	_ =	swait.ge [sflag:s0], $0x400  }
0x44e: {  	[sflag:s0] =	ssyncset.done $0x0  }
0x44f: {  	[sflag:s0] =	ssyncadd.s32 $0xFFFFFC00  }
0x450: {  	_ =	swait.ge [sflag:s0], $0x400  }
0x451: {  	[sflag:s0] =	ssyncset.done $0x0  }
0x452: {  	[sflag:s0] =	ssyncadd.s32 $0xFFFFFC00  }
0x453: {  	_ =	swait.ge [sflag:s0], $0x400  }
0x454: {  	[sflag:s0] =	ssyncset.done $0x0  }
0x455: {  	[sflag:s0] =	ssyncadd.s32 $0xFFFFFC00  }
0x456: {  	_ =	swait.ge [sflag:s0], $0x400  }
0x457: {  	[sflag:s0] =	ssyncset.done $0x0  }
0x458: {  	[sflag:s0] =	ssyncadd.s32 $0xFFFFFC00  }
0x459: {  	_ =	swait.ge [sflag:s0], $0x400  }
0x45a: {  	[sflag:s0] =	ssyncset.done $0x0  }
0x45b: {  	[sflag:s0] =	ssyncadd.s32 $0xFFFFFC00  }
0x45c: {  	_ =	swait.ge [sflag:s0], $0x400  }
0x45d: {  	[sflag:s0] =	ssyncset.done $0x0  }
0x45e: {  	[sflag:s0] =	ssyncadd.s32 $0xFFFFFC00  }
0x45f: {  	_ =	swait.ge [sflag:s0], $0x400  }
0x460: {  	[sflag:s0] =	ssyncset.done $0x0  }
0x461: {  	[sflag:s0] =	ssyncadd.s32 $0xFFFFFC00  }
0x462: {  	_ =	swait.ge [sflag:s0], $0x400  }
0x463: {  	s22 =	rddreg [dreg:$0xd]  }
0x464: {  	s5 =	rddreg [dreg:$0xc];
	s22 =	sadd.s32 $0x1, s22  }
0x465: {  	p0 =	sne.s32 s22, s5  }
.Ltmp5:
0x466: {  	_ = 	snop;
	(pc) =	sbr.rel @p0 .LBB2_1-.Ltmp5, $3  }
0x467: {  	_ =	sdelay $0x1  }
0x468: {  	[sflag:s0] =	ssyncset.done $0x0  }
0x469: {  	[sflag:s0] =	ssyncadd.s32 $0xFFFFFC00  }
0x46a: {  	_ =	sfence.sel $0x180000  }
0x46b: {  	[bflag:$0x0] =	sbarrier.arrive $0xFFFF  }
0x46c: {  	_ =	strace $0x90000047  }
0x46d: {  	s0 =	stileid.u32;
	[bflag:$0x2] =	sbarrier.arrive $0xFFFF  }
0x46e: {  	p0 =	sne.s32 s0, $0x0;
	s0 =	rddreg [dreg:$0x2]  }
0x46f: {  	s0 =	sadd.s32 @!p0 $0x100000, s0  }
0x470: {  	[sflag:s0] =	ssyncadd.tile.s32 @!p0 $0x1;
	_ =	shalt  }
.Lfunc_end2:
_tile_overlayer_lowered:
.L_overlay_start_2:
0x471: {  	(tag) =	ssettag $0x2  }
0x472: {  	s0 =	rddreg [dreg:$0x0];
	s2 =	stileid.u32  }
0x473: {  	s1 =	rddreg [dreg:$0x1];
	p0 =	sne.s32 s2, $0x0  }
0x474: {  	s3 =	rddreg [dreg:$0x2];
	[bflag:$0x3] =	sbarrier.arrive $0xFFFF;
	s2 =	simm.s32 @!p0 $0x1C07  }
0x475: {  	[timem:s3], [sflag:s2] =	dma.local @!p0 [hbm:s0], s1  }
0x476: {  	s0 =	simm.s32 @!p0 $0x7  }
0x477: {  	_ =	swait.ge @!p0 [sflag:s0], s1  }
0x478: {  	s1 =	ssub.s32 @!p0 $0x0, s1;
	[sflag:s0] =	ssyncset.done @!p0 $0x0  }
0x479: {  	[sflag:s0] =	ssyncadd.s32 @!p0 s1  }
0x47a: {  	[bflag:$0x3] =	sbarrier.arrive $0xFFFF  }
0x47b: {  	_ =	shalt  }

</sc_bundles>
